<compile_context>
chip_gen: v7x
topology: tpu7x:2x2x1
jax: 0.10.2.dev20260603
libtpu: 0.0.44.dev20260713+nightly
codegen_flags: <defaults>
</compile_context>

<pallas_src>
import jax
import jax.numpy as jnp
from jax import lax
from jax.experimental import pallas as pl
from jax.experimental.pallas import tpu as pltpu
from jax.experimental.pallas import tpu_sc as plsc

N = 10000
E = 320000
D = 128

NC = 2
NS = 16
NW = NC * NS
L = 16

CHUNK = 128
CPW = 80
E_PAD = NW * CPW * CHUNK
G_TOTAL = NW * CPW
ROWS_PER_TILE = 640
N_PAD = NS * ROWS_PER_TILE
VECS = D // L


def _scale_rows(rows, wbuf):

    @pl.loop(0, CHUNK // L)
    def _scale(jg):
        wvec = wbuf[pl.ds(jg * L, L)]
        for jj in range(L):
            j = jg * L + jj
            wj = wvec[jj]
            for k in range(VECS):
                sl = pl.ds(k * L, L)
                rows[j, sl] = rows[j, sl] * wj




def _sc_body(x_hbm, idx_hbm, w_hbm, out_hbm,
             acc, ibuf0, ibuf1, wbuf0, wbuf1, rows0, rows1, gsem, isem, wsem):
    cid = lax.axis_index("c")
    sid = lax.axis_index("s")
    wid = sid * NC + cid
    wbase = wid * CPW

    ibufs = (ibuf0, ibuf1)
    wbufs = (wbuf0, wbuf1)
    rowss = (rows0, rows1)

    zero16 = jnp.zeros((L,), jnp.float32)

    @pl.loop(0, CHUNK)
    def _zero_rows(i):
        for k in range(VECS):
            rows0[i, pl.ds(k * L, L)] = zero16

    for c in range(ROWS_PER_TILE // CHUNK):
        pltpu.sync_copy(rows0, acc.at[pl.ds(sid * ROWS_PER_TILE + c * CHUNK, CHUNK)])
    plsc.subcore_barrier()

    pltpu.sync_copy(idx_hbm.at[wbase], ibuf0)
    pltpu.sync_copy(w_hbm.at[wbase], wbuf0)
    pltpu.async_copy(x_hbm.at[ibuf0.at[0]], rows0, gsem.at[0])
    pltpu.async_copy(idx_hbm.at[wbase + 1], ibuf1, isem.at[1])
    pltpu.async_copy(w_hbm.at[wbase + 1], wbuf1, wsem.at[1])

    @pl.loop(0, CPW, step=2)
    def _chunk(g0):
        for par in range(2):
            g = g0 + par
            p, q = par, 1 - par
            pltpu.make_async_copy(x_hbm.at[ibufs[p].at[0]], rowss[p],
                                  gsem.at[p]).wait()

            @pl.when(g + 1 < CPW)
            def _next_gather():
                pltpu.make_async_copy(idx_hbm.at[wbase + g + 1], ibufs[q],
                                      isem.at[q]).wait()
                pltpu.async_copy(x_hbm.at[ibufs[q].at[0]], rowss[q], gsem.at[q])

            @pl.when(g > 0)
            def _wait_w():
                pltpu.make_async_copy(w_hbm.at[wbase + g], wbufs[p],
                                      wsem.at[p]).wait()

            _scale_rows(rowss[p], wbufs[p])
            for r in range(4):
                @pl.when(sid % 4 == r)
                def _add():
                    pltpu.sync_copy(rowss[p], acc.at[ibufs[p].at[1]], add=True)

                plsc.subcore_barrier()

            @pl.when(g + 2 < CPW)
            def _next_idx():
                pltpu.async_copy(idx_hbm.at[wbase + g + 2], ibufs[p], isem.at[p])
                pltpu.async_copy(w_hbm.at[wbase + g + 2], wbufs[p], wsem.at[p])

    plsc.subcore_barrier()
    out_base = cid * N_PAD + sid * ROWS_PER_TILE
    for c in range(ROWS_PER_TILE // CHUNK):
        pltpu.sync_copy(acc.at[pl.ds(sid * ROWS_PER_TILE + c * CHUNK, CHUNK)],
                        out_hbm.at[pl.ds(out_base + c * CHUNK, CHUNK)])


_sc_scatter = pl.kernel(
    _sc_body,
    out_type=jax.ShapeDtypeStruct((NC * N_PAD, D), jnp.float32),
    mesh=plsc.VectorSubcoreMesh(core_axis_name="c", subcore_axis_name="s",
                                num_cores=NC, num_subcores=NS),
    scratch_types=[
        pltpu.VMEM_SHARED((N_PAD, D), jnp.float32),
        pltpu.VMEM((2, CHUNK), jnp.int32),
        pltpu.VMEM((2, CHUNK), jnp.int32),
        pltpu.VMEM((CHUNK,), jnp.float32),
        pltpu.VMEM((CHUNK,), jnp.float32),
        pltpu.VMEM((CHUNK, D), jnp.float32),
        pltpu.VMEM((CHUNK, D), jnp.float32),
        pltpu.SemaphoreType.DMA((2,)),
        pltpu.SemaphoreType.DMA((2,)),
        pltpu.SemaphoreType.DMA((2,)),
    ],
)


def _combine_body(p_ref, o_ref):
    s = p_ref[0] + p_ref[1]
    o_ref[...] = jnp.clip(s, -1000000.0, 1000000.0)


_BLK = 1024
_combine = pl.pallas_call(
    _combine_body,
    grid=(N_PAD // _BLK,),
    in_specs=[pl.BlockSpec((2, _BLK, D), lambda i: (0, i, 0))],
    out_specs=pl.BlockSpec((_BLK, D), lambda i: (i, 0)),
    out_shape=jax.ShapeDtypeStruct((N_PAD, D), jnp.float32),
)


def kernel(t, x, edge_index, edge_weight):
    del t
    pad = E_PAD - E
    col = jnp.concatenate([edge_index[1], jnp.zeros((pad,), jnp.int32)])
    dst = jnp.concatenate([edge_index[0], jnp.zeros((pad,), jnp.int32)])
    w = jnp.concatenate([edge_weight, jnp.zeros((pad,), jnp.float32)])
    packed = jnp.stack([col, dst]).reshape(2, G_TOTAL, CHUNK)
    packed = packed.transpose(1, 0, 2)
    partials = _sc_scatter(x, packed, w.reshape(G_TOTAL, CHUNK))
    out = _combine(partials.reshape(NC, N_PAD, D))
    return out[:N]

# --- scband reference (transcript-rebuilt; emitter-appended) ---
"""Pipeline reference for scband-odefunction-45423574122740 (READ-ONLY COPY).

The authoritative reference and input builder live on the scoring server;
editing this copy changes nothing except your own understanding.
"""

import jax, jax.numpy as jnp
import numpy as np

N = 10000
E = 320000
D = 128


def setup_inputs(seed: int = 0) -> dict:
    key = jax.random.key(seed)
    k1, k2, k3 = jax.random.split(key, 3)
    x = jax.random.normal(k1, (N, D), dtype=jnp.float32)
    # Sparse graph materialized as COO: edge_index[0]=row(dst), edge_index[1]=col(src)
    edge_index = jax.random.randint(k2, (2, E), 0, N, dtype=jnp.int32)
    edge_weight = jax.random.uniform(k3, (E,), dtype=jnp.float32) / 32.0
    t = jnp.zeros((), dtype=jnp.float32)
    return {"t": t, "x": x, "edge_index": edge_index, "edge_weight": edge_weight}


def reference(t, x, edge_index, edge_weight):
    # nan/inf sanitization (torch.nan_to_num equivalent)
    x = jnp.nan_to_num(x, nan=0.0, posinf=1000000.0, neginf=-1000000.0)
    row = edge_index[0]
    col = edge_index[1]
    # torch.sparse.mm(G, x): out[i] = sum_j G[i, j] * x[j]
    msgs = edge_weight[:, None] * jnp.take(x, col, axis=0)
    out = jax.ops.segment_sum(msgs, row, num_segments=N)
    out = jnp.clip(out, -1000000.0, 1000000.0)
    return out

if __name__ == "__main__":
    import jax
    _d = setup_inputs()
    print(jax.jit(kernel)(*tuple(_d.values())))

</pallas_src>

<mosaic_0001>
#map = affine_map<(d0, d1) -> (0, 0)>
#map1 = affine_map<(d0, d1) -> (0, 0, 0)>
module attributes {stable_mosaic.version = 14 : i64} {
  func.func @_sc_body(%arg0: i32, %arg1: i32, %arg2: memref<10000x128xf32, #tpu.memory_space<hbm>>, %arg3: memref<2560x2x128xi32, #tpu.memory_space<hbm>>, %arg4: memref<2560x128xf32, #tpu.memory_space<hbm>>, %arg5: memref<20480x128xf32, #tpu.memory_space<hbm>>, %arg6: memref<10240x128xf32, #tpu.memory_space<vmem_shared>>, %arg7: memref<2x128xi32, #tpu.memory_space<vmem>>, %arg8: memref<2x128xi32, #tpu.memory_space<vmem>>, %arg9: memref<128xf32, #tpu.memory_space<vmem>>, %arg10: memref<128xf32, #tpu.memory_space<vmem>>, %arg11: memref<128x128xf32, #tpu.memory_space<vmem>>, %arg12: memref<128x128xf32, #tpu.memory_space<vmem>>, %arg13: memref<2x!tpu.dma_semaphore, #tpu.memory_space<semaphore_mem>>, %arg14: memref<2x!tpu.dma_semaphore, #tpu.memory_space<semaphore_mem>>, %arg15: memref<2x!tpu.dma_semaphore, #tpu.memory_space<semaphore_mem>>) attributes {dimension_semantics = [#tpu.dimension_semantics<core_parallel>, #tpu.dimension_semantics<subcore_parallel>], iteration_bounds = array<i64: 2, 16>, scalar_prefetch = 0 : i64, scratch_operands = 10 : i64, tpu.core_type = #tpu.core_type<sc_vector_subcore>, window_params = [{transform_indices = #map}, {transform_indices = #map1}, {transform_indices = #map}, {transform_indices = #map}]} {
    %mul3A = arith.constant 2 : i32
    %mul3A_0 = arith.muli %arg1, %mul3A : i32
    %add3A = arith.addi %mul3A_0, %arg0 : i32
    %mul3A_1 = arith.constant 80 : i32
    %mul3A_2 = arith.muli %add3A, %mul3A_1 : i32
    %broadcast_in_dim3A = arith.constant 0.000000e+00 : f32
    %broadcast_in_dim3A_3 = vector.broadcast %broadcast_in_dim3A : f32 to vector<16xf32>
    %scan3A = arith.constant 0 : i32
    %scan3A_4 = arith.constant 128 : i32
    %scan3A_5 = arith.addi %scan3A, %scan3A_4 : i32
    %scan3A_6 = arith.constant 1 : i32
    scf.for %scan3A_102 = %scan3A to %scan3A_5 step %scan3A_6  : i32 {
      %mul3A_103 = arith.constant 1 : i32
      %mul3A_104 = arith.muli %scan3A_102, %mul3A_103 : i32
      %add3A_105 = arith.constant 0 : i32
      %add3A_106 = arith.addi %add3A_105, %mul3A_104 : i32
      %swap3A = arith.index_cast %add3A_106 : i32 to index
      %swap3A_107 = arith.constant 0 : index
      %swap3A_108 = tpu.vector_load %arg11[%swap3A, %swap3A_107] {strides = array<i32>} : memref<128x128xf32, #tpu.memory_space<vmem>>, vector<1x16xf32>,
      %swap3A_109 = vector.shape_cast %swap3A_108 : vector<1x16xf32> to vector<16xf32>
      %swap3A_110 = vector.shape_cast %broadcast_in_dim3A_3 : vector<16xf32> to vector<1x16xf32>
      tpu.vector_store %arg11[%swap3A, %swap3A_107], %swap3A_110 {strides = array<i32>} : memref<128x128xf32, #tpu.memory_space<vmem>>, vector<1x16xf32>,
      %swap3A_111 = arith.index_cast %add3A_106 : i32 to index
      %swap3A_112 = arith.constant 16 : index
      %swap3A_113 = tpu.vector_load %arg11[%swap3A_111, %swap3A_112] {strides = array<i32>} : memref<128x128xf32, #tpu.memory_space<vmem>>, vector<1x16xf32>,
      %swap3A_114 = vector.shape_cast %swap3A_113 : vector<1x16xf32> to vector<16xf32>
      %swap3A_115 = vector.shape_cast %broadcast_in_dim3A_3 : vector<16xf32> to vector<1x16xf32>
      tpu.vector_store %arg11[%swap3A_111, %swap3A_112], %swap3A_115 {strides = array<i32>} : memref<128x128xf32, #tpu.memory_space<vmem>>, vector<1x16xf32>,
      %swap3A_116 = arith.index_cast %add3A_106 : i32 to index
      %swap3A_117 = arith.constant 32 : index
      %swap3A_118 = tpu.vector_load %arg11[%swap3A_116, %swap3A_117] {strides = array<i32>} : memref<128x128xf32, #tpu.memory_space<vmem>>, vector<1x16xf32>,
      %swap3A_119 = vector.shape_cast %swap3A_118 : vector<1x16xf32> to vector<16xf32>
      %swap3A_120 = vector.shape_cast %broadcast_in_dim3A_3 : vector<16xf32> to vector<1x16xf32>
      tpu.vector_store %arg11[%swap3A_116, %swap3A_117], %swap3A_120 {strides = array<i32>} : memref<128x128xf32, #tpu.memory_space<vmem>>, vector<1x16xf32>,
      %swap3A_121 = arith.index_cast %add3A_106 : i32 to index
      %swap3A_122 = arith.constant 48 : index
      %swap3A_123 = tpu.vector_load %arg11[%swap3A_121, %swap3A_122] {strides = array<i32>} : memref<128x128xf32, #tpu.memory_space<vmem>>, vector<1x16xf32>,
      %swap3A_124 = vector.shape_cast %swap3A_123 : vector<1x16xf32> to vector<16xf32>
      %swap3A_125 = vector.shape_cast %broadcast_in_dim3A_3 : vector<16xf32> to vector<1x16xf32>
      tpu.vector_store %arg11[%swap3A_121, %swap3A_122], %swap3A_125 {strides = array<i32>} : memref<128x128xf32, #tpu.memory_space<vmem>>, vector<1x16xf32>,
      %swap3A_126 = arith.index_cast %add3A_106 : i32 to index
      %swap3A_127 = arith.constant 64 : index
      %swap3A_128 = tpu.vector_load %arg11[%swap3A_126, %swap3A_127] {strides = array<i32>} : memref<128x128xf32, #tpu.memory_space<vmem>>, vector<1x16xf32>,
      %swap3A_129 = vector.shape_cast %swap3A_128 : vector<1x16xf32> to vector<16xf32>
      %swap3A_130 = vector.shape_cast %broadcast_in_dim3A_3 : vector<16xf32> to vector<1x16xf32>
      tpu.vector_store %arg11[%swap3A_126, %swap3A_127], %swap3A_130 {strides = array<i32>} : memref<128x128xf32, #tpu.memory_space<vmem>>, vector<1x16xf32>,
      %swap3A_131 = arith.index_cast %add3A_106 : i32 to index
      %swap3A_132 = arith.constant 80 : index
      %swap3A_133 = tpu.vector_load %arg11[%swap3A_131, %swap3A_132] {strides = array<i32>} : memref<128x128xf32, #tpu.memory_space<vmem>>, vector<1x16xf32>,
      %swap3A_134 = vector.shape_cast %swap3A_133 : vector<1x16xf32> to vector<16xf32>
      %swap3A_135 = vector.shape_cast %broadcast_in_dim3A_3 : vector<16xf32> to vector<1x16xf32>
      tpu.vector_store %arg11[%swap3A_131, %swap3A_132], %swap3A_135 {strides = array<i32>} : memref<128x128xf32, #tpu.memory_space<vmem>>, vector<1x16xf32>,
      %swap3A_136 = arith.index_cast %add3A_106 : i32 to index
      %swap3A_137 = arith.constant 96 : index
      %swap3A_138 = tpu.vector_load %arg11[%swap3A_136, %swap3A_137] {strides = array<i32>} : memref<128x128xf32, #tpu.memory_space<vmem>>, vector<1x16xf32>,
      %swap3A_139 = vector.shape_cast %swap3A_138 : vector<1x16xf32> to vector<16xf32>
      %swap3A_140 = vector.shape_cast %broadcast_in_dim3A_3 : vector<16xf32> to vector<1x16xf32>
      tpu.vector_store %arg11[%swap3A_136, %swap3A_137], %swap3A_140 {strides = array<i32>} : memref<128x128xf32, #tpu.memory_space<vmem>>, vector<1x16xf32>,
      %swap3A_141 = arith.index_cast %add3A_106 : i32 to index
      %swap3A_142 = arith.constant 112 : index
      %swap3A_143 = tpu.vector_load %arg11[%swap3A_141, %swap3A_142] {strides = array<i32>} : memref<128x128xf32, #tpu.memory_space<vmem>>, vector<1x16xf32>,
      %swap3A_144 = vector.shape_cast %swap3A_143 : vector<1x16xf32> to vector<16xf32>
      %swap3A_145 = vector.shape_cast %broadcast_in_dim3A_3 : vector<16xf32> to vector<1x16xf32>
      tpu.vector_store %arg11[%swap3A_141, %swap3A_142], %swap3A_145 {strides = array<i32>} : memref<128x128xf32, #tpu.memory_space<vmem>>, vector<1x16xf32>,
    }
    %scan3A_7 = arith.constant 128 : i32
    %mul3A_8 = arith.constant 640 : i32
    %mul3A_9 = arith.muli %arg1, %mul3A_8 : i32
    %add3A_10 = arith.constant 0 : i32
    %add3A_11 = arith.addi %mul3A_9, %add3A_10 : i32
    "tpu.region"() ({
      %run_scoped3A = tpu.sem_alloc : memref<!tpu.dma_semaphore, #tpu.memory_space<semaphore_mem>>
      %dma_start3A_102 = arith.constant 0 : i32
      %dma_start3A_103 = tpu.memref_slice %arg6[%add3A_11, %dma_start3A_102] : memref<10240x128xf32, #tpu.memory_space<vmem_shared>> -> memref<128x128xf32, #tpu.memory_space<vmem_shared>>
      %dma_start3A_104 = arith.constant 0 : i32
      %dma_start3A_105 = tpu.memref_slice %arg6[%add3A_11, %dma_start3A_104] : memref<10240x128xf32, #tpu.memory_space<vmem_shared>> -> memref<128x128xf32, #tpu.memory_space<vmem_shared>>
      tpu.enqueue_dma source(%arg11 : memref<128x128xf32, #tpu.memory_space<vmem>>) target(%dma_start3A_105 : memref<128x128xf32, #tpu.memory_space<vmem_shared>>) target_semaphore(%run_scoped3A : memref<!tpu.dma_semaphore, #tpu.memory_space<semaphore_mem>>)
      %dma_wait3A = arith.constant 0 : i32
      %dma_wait3A_106 = tpu.memref_slice %arg6[%add3A_11, %dma_wait3A] : memref<10240x128xf32, #tpu.memory_space<vmem_shared>> -> memref<128x128xf32, #tpu.memory_space<vmem_shared>>
      %dma_wait3A_107 = arith.constant 0 : i32
      %dma_wait3A_108 = tpu.memref_slice %arg6[%add3A_11, %dma_wait3A_107] : memref<10240x128xf32, #tpu.memory_space<vmem_shared>> -> memref<128x128xf32, #tpu.memory_space<vmem_shared>>
      tpu.wait_dma2 semaphore(%run_scoped3A : memref<!tpu.dma_semaphore, #tpu.memory_space<semaphore_mem>>) src(%arg11 : memref<128x128xf32, #tpu.memory_space<vmem>>) dst(%dma_wait3A_108 : memref<128x128xf32, #tpu.memory_space<vmem_shared>>)
      tpu.yield
    }) : () -> ()
    %mul3A_12 = arith.constant 640 : i32
    %mul3A_13 = arith.muli %arg1, %mul3A_12 : i32
    %add3A_14 = arith.constant 128 : i32
    %add3A_15 = arith.addi %mul3A_13, %add3A_14 : i32
    "tpu.region"() ({
      %run_scoped3A = tpu.sem_alloc : memref<!tpu.dma_semaphore, #tpu.memory_space<semaphore_mem>>
      %dma_start3A_102 = arith.constant 0 : i32
      %dma_start3A_103 = tpu.memref_slice %arg6[%add3A_15, %dma_start3A_102] : memref<10240x128xf32, #tpu.memory_space<vmem_shared>> -> memref<128x128xf32, #tpu.memory_space<vmem_shared>>
      %dma_start3A_104 = arith.constant 0 : i32
      %dma_start3A_105 = tpu.memref_slice %arg6[%add3A_15, %dma_start3A_104] : memref<10240x128xf32, #tpu.memory_space<vmem_shared>> -> memref<128x128xf32, #tpu.memory_space<vmem_shared>>
      tpu.enqueue_dma source(%arg11 : memref<128x128xf32, #tpu.memory_space<vmem>>) target(%dma_start3A_105 : memref<128x128xf32, #tpu.memory_space<vmem_shared>>) target_semaphore(%run_scoped3A : memref<!tpu.dma_semaphore, #tpu.memory_space<semaphore_mem>>)
      %dma_wait3A = arith.constant 0 : i32
      %dma_wait3A_106 = tpu.memref_slice %arg6[%add3A_15, %dma_wait3A] : memref<10240x128xf32, #tpu.memory_space<vmem_shared>> -> memref<128x128xf32, #tpu.memory_space<vmem_shared>>
      %dma_wait3A_107 = arith.constant 0 : i32
      %dma_wait3A_108 = tpu.memref_slice %arg6[%add3A_15, %dma_wait3A_107] : memref<10240x128xf32, #tpu.memory_space<vmem_shared>> -> memref<128x128xf32, #tpu.memory_space<vmem_shared>>
      tpu.wait_dma2 semaphore(%run_scoped3A : memref<!tpu.dma_semaphore, #tpu.memory_space<semaphore_mem>>) src(%arg11 : memref<128x128xf32, #tpu.memory_space<vmem>>) dst(%dma_wait3A_108 : memref<128x128xf32, #tpu.memory_space<vmem_shared>>)
      tpu.yield
    }) : () -> ()
    %mul3A_16 = arith.constant 640 : i32
    %mul3A_17 = arith.muli %arg1, %mul3A_16 : i32
    %add3A_18 = arith.constant 256 : i32
    %add3A_19 = arith.addi %mul3A_17, %add3A_18 : i32
    "tpu.region"() ({
      %run_scoped3A = tpu.sem_alloc : memref<!tpu.dma_semaphore, #tpu.memory_space<semaphore_mem>>
      %dma_start3A_102 = arith.constant 0 : i32
      %dma_start3A_103 = tpu.memref_slice %arg6[%add3A_19, %dma_start3A_102] : memref<10240x128xf32, #tpu.memory_space<vmem_shared>> -> memref<128x128xf32, #tpu.memory_space<vmem_shared>>
      %dma_start3A_104 = arith.constant 0 : i32
      %dma_start3A_105 = tpu.memref_slice %arg6[%add3A_19, %dma_start3A_104] : memref<10240x128xf32, #tpu.memory_space<vmem_shared>> -> memref<128x128xf32, #tpu.memory_space<vmem_shared>>
      tpu.enqueue_dma source(%arg11 : memref<128x128xf32, #tpu.memory_space<vmem>>) target(%dma_start3A_105 : memref<128x128xf32, #tpu.memory_space<vmem_shared>>) target_semaphore(%run_scoped3A : memref<!tpu.dma_semaphore, #tpu.memory_space<semaphore_mem>>)
      %dma_wait3A = arith.constant 0 : i32
      %dma_wait3A_106 = tpu.memref_slice %arg6[%add3A_19, %dma_wait3A] : memref<10240x128xf32, #tpu.memory_space<vmem_shared>> -> memref<128x128xf32, #tpu.memory_space<vmem_shared>>
      %dma_wait3A_107 = arith.constant 0 : i32
      %dma_wait3A_108 = tpu.memref_slice %arg6[%add3A_19, %dma_wait3A_107] : memref<10240x128xf32, #tpu.memory_space<vmem_shared>> -> memref<128x128xf32, #tpu.memory_space<vmem_shared>>
      tpu.wait_dma2 semaphore(%run_scoped3A : memref<!tpu.dma_semaphore, #tpu.memory_space<semaphore_mem>>) src(%arg11 : memref<128x128xf32, #tpu.memory_space<vmem>>) dst(%dma_wait3A_108 : memref<128x128xf32, #tpu.memory_space<vmem_shared>>)
      tpu.yield
    }) : () -> ()
    %mul3A_20 = arith.constant 640 : i32
    %mul3A_21 = arith.muli %arg1, %mul3A_20 : i32
    %add3A_22 = arith.constant 384 : i32
    %add3A_23 = arith.addi %mul3A_21, %add3A_22 : i32
    "tpu.region"() ({
      %run_scoped3A = tpu.sem_alloc : memref<!tpu.dma_semaphore, #tpu.memory_space<semaphore_mem>>
      %dma_start3A_102 = arith.constant 0 : i32
      %dma_start3A_103 = tpu.memref_slice %arg6[%add3A_23, %dma_start3A_102] : memref<10240x128xf32, #tpu.memory_space<vmem_shared>> -> memref<128x128xf32, #tpu.memory_space<vmem_shared>>
      %dma_start3A_104 = arith.constant 0 : i32
      %dma_start3A_105 = tpu.memref_slice %arg6[%add3A_23, %dma_start3A_104] : memref<10240x128xf32, #tpu.memory_space<vmem_shared>> -> memref<128x128xf32, #tpu.memory_space<vmem_shared>>
      tpu.enqueue_dma source(%arg11 : memref<128x128xf32, #tpu.memory_space<vmem>>) target(%dma_start3A_105 : memref<128x128xf32, #tpu.memory_space<vmem_shared>>) target_semaphore(%run_scoped3A : memref<!tpu.dma_semaphore, #tpu.memory_space<semaphore_mem>>)
      %dma_wait3A = arith.constant 0 : i32
      %dma_wait3A_106 = tpu.memref_slice %arg6[%add3A_23, %dma_wait3A] : memref<10240x128xf32, #tpu.memory_space<vmem_shared>> -> memref<128x128xf32, #tpu.memory_space<vmem_shared>>
      %dma_wait3A_107 = arith.constant 0 : i32
      %dma_wait3A_108 = tpu.memref_slice %arg6[%add3A_23, %dma_wait3A_107] : memref<10240x128xf32, #tpu.memory_space<vmem_shared>> -> memref<128x128xf32, #tpu.memory_space<vmem_shared>>
      tpu.wait_dma2 semaphore(%run_scoped3A : memref<!tpu.dma_semaphore, #tpu.memory_space<semaphore_mem>>) src(%arg11 : memref<128x128xf32, #tpu.memory_space<vmem>>) dst(%dma_wait3A_108 : memref<128x128xf32, #tpu.memory_space<vmem_shared>>)
      tpu.yield
    }) : () -> ()
    %mul3A_24 = arith.constant 640 : i32
    %mul3A_25 = arith.muli %arg1, %mul3A_24 : i32
    %add3A_26 = arith.constant 512 : i32
    %add3A_27 = arith.addi %mul3A_25, %add3A_26 : i32
    "tpu.region"() ({
      %run_scoped3A = tpu.sem_alloc : memref<!tpu.dma_semaphore, #tpu.memory_space<semaphore_mem>>
      %dma_start3A_102 = arith.constant 0 : i32
      %dma_start3A_103 = tpu.memref_slice %arg6[%add3A_27, %dma_start3A_102] : memref<10240x128xf32, #tpu.memory_space<vmem_shared>> -> memref<128x128xf32, #tpu.memory_space<vmem_shared>>
      %dma_start3A_104 = arith.constant 0 : i32
      %dma_start3A_105 = tpu.memref_slice %arg6[%add3A_27, %dma_start3A_104] : memref<10240x128xf32, #tpu.memory_space<vmem_shared>> -> memref<128x128xf32, #tpu.memory_space<vmem_shared>>
      tpu.enqueue_dma source(%arg11 : memref<128x128xf32, #tpu.memory_space<vmem>>) target(%dma_start3A_105 : memref<128x128xf32, #tpu.memory_space<vmem_shared>>) target_semaphore(%run_scoped3A : memref<!tpu.dma_semaphore, #tpu.memory_space<semaphore_mem>>)
      %dma_wait3A = arith.constant 0 : i32
      %dma_wait3A_106 = tpu.memref_slice %arg6[%add3A_27, %dma_wait3A] : memref<10240x128xf32, #tpu.memory_space<vmem_shared>> -> memref<128x128xf32, #tpu.memory_space<vmem_shared>>
      %dma_wait3A_107 = arith.constant 0 : i32
      %dma_wait3A_108 = tpu.memref_slice %arg6[%add3A_27, %dma_wait3A_107] : memref<10240x128xf32, #tpu.memory_space<vmem_shared>> -> memref<128x128xf32, #tpu.memory_space<vmem_shared>>
      tpu.wait_dma2 semaphore(%run_scoped3A : memref<!tpu.dma_semaphore, #tpu.memory_space<semaphore_mem>>) src(%arg11 : memref<128x128xf32, #tpu.memory_space<vmem>>) dst(%dma_wait3A_108 : memref<128x128xf32, #tpu.memory_space<vmem_shared>>)
      tpu.yield
    }) : () -> ()
    %barrier3A = arith.constant 0 : index
    tpu.barrier barrier_id(%barrier3A)
    "tpu.region"() ({
      %run_scoped3A = tpu.sem_alloc : memref<!tpu.dma_semaphore, #tpu.memory_space<semaphore_mem>>
      %dma_start3A_102 = arith.constant 0 : i32
      %dma_start3A_103 = arith.constant 0 : i32
      %dma_start3A_104 = tpu.memref_slice %arg3[%mul3A_2, %dma_start3A_102, %dma_start3A_103] : memref<2560x2x128xi32, #tpu.memory_space<hbm>> -> memref<1x2x128xi32, #tpu.memory_space<hbm>>
      %dma_start3A_105 = tpu.memref_squeeze %dma_start3A_104 : memref<1x2x128xi32, #tpu.memory_space<hbm>> -> memref<2x128xi32, #tpu.memory_space<hbm>>
      %dma_start3A_106 = arith.constant 0 : i32
      %dma_start3A_107 = arith.constant 0 : i32
      %dma_start3A_108 = tpu.memref_slice %arg3[%mul3A_2, %dma_start3A_106, %dma_start3A_107] : memref<2560x2x128xi32, #tpu.memory_space<hbm>> -> memref<1x2x128xi32, #tpu.memory_space<hbm>>
      %dma_start3A_109 = tpu.memref_squeeze %dma_start3A_108 : memref<1x2x128xi32, #tpu.memory_space<hbm>> -> memref<2x128xi32, #tpu.memory_space<hbm>>
      tpu.enqueue_dma source(%dma_start3A_109 : memref<2x128xi32, #tpu.memory_space<hbm>>) target(%arg7 : memref<2x128xi32, #tpu.memory_space<vmem>>) target_semaphore(%run_scoped3A : memref<!tpu.dma_semaphore, #tpu.memory_space<semaphore_mem>>)
      %dma_wait3A = arith.constant 0 : i32
      %dma_wait3A_110 = arith.constant 0 : i32
      %dma_wait3A_111 = tpu.memref_slice %arg3[%mul3A_2, %dma_wait3A, %dma_wait3A_110] : memref<2560x2x128xi32, #tpu.memory_space<hbm>> -> memref<1x2x128xi32, #tpu.memory_space<hbm>>
      %dma_wait3A_112 = tpu.memref_squeeze %dma_wait3A_111 : memref<1x2x128xi32, #tpu.memory_space<hbm>> -> memref<2x128xi32, #tpu.memory_space<hbm>>
      %dma_wait3A_113 = arith.constant 0 : i32
      %dma_wait3A_114 = arith.constant 0 : i32
      %dma_wait3A_115 = tpu.memref_slice %arg3[%mul3A_2, %dma_wait3A_113, %dma_wait3A_114] : memref<2560x2x128xi32, #tpu.memory_space<hbm>> -> memref<1x2x128xi32, #tpu.memory_space<hbm>>
      %dma_wait3A_116 = tpu.memref_squeeze %dma_wait3A_115 : memref<1x2x128xi32, #tpu.memory_space<hbm>> -> memref<2x128xi32, #tpu.memory_space<hbm>>
      tpu.wait_dma2 semaphore(%run_scoped3A : memref<!tpu.dma_semaphore, #tpu.memory_space<semaphore_mem>>) src(%dma_wait3A_116 : memref<2x128xi32, #tpu.memory_space<hbm>>) dst(%arg7 : memref<2x128xi32, #tpu.memory_space<vmem>>)
      tpu.yield
    }) : () -> ()
    "tpu.region"() ({
      %run_scoped3A = tpu.sem_alloc : memref<!tpu.dma_semaphore, #tpu.memory_space<semaphore_mem>>
      %dma_start3A_102 = arith.constant 0 : i32
      %dma_start3A_103 = tpu.memref_slice %arg4[%mul3A_2, %dma_start3A_102] : memref<2560x128xf32, #tpu.memory_space<hbm>> -> memref<1x128xf32, #tpu.memory_space<hbm>>
      %dma_start3A_104 = tpu.memref_squeeze %dma_start3A_103 : memref<1x128xf32, #tpu.memory_space<hbm>> -> memref<128xf32, #tpu.memory_space<hbm>>
      %dma_start3A_105 = arith.constant 0 : i32
      %dma_start3A_106 = tpu.memref_slice %arg4[%mul3A_2, %dma_start3A_105] : memref<2560x128xf32, #tpu.memory_space<hbm>> -> memref<1x128xf32, #tpu.memory_space<hbm>>
      %dma_start3A_107 = tpu.memref_squeeze %dma_start3A_106 : memref<1x128xf32, #tpu.memory_space<hbm>> -> memref<128xf32, #tpu.memory_space<hbm>>
      tpu.enqueue_dma source(%dma_start3A_107 : memref<128xf32, #tpu.memory_space<hbm>>) target(%arg9 : memref<128xf32, #tpu.memory_space<vmem>>) target_semaphore(%run_scoped3A : memref<!tpu.dma_semaphore, #tpu.memory_space<semaphore_mem>>)
      %dma_wait3A = arith.constant 0 : i32
      %dma_wait3A_108 = tpu.memref_slice %arg4[%mul3A_2, %dma_wait3A] : memref<2560x128xf32, #tpu.memory_space<hbm>> -> memref<1x128xf32, #tpu.memory_space<hbm>>
      %dma_wait3A_109 = tpu.memref_squeeze %dma_wait3A_108 : memref<1x128xf32, #tpu.memory_space<hbm>> -> memref<128xf32, #tpu.memory_space<hbm>>
      %dma_wait3A_110 = arith.constant 0 : i32
      %dma_wait3A_111 = tpu.memref_slice %arg4[%mul3A_2, %dma_wait3A_110] : memref<2560x128xf32, #tpu.memory_space<hbm>> -> memref<1x128xf32, #tpu.memory_space<hbm>>
      %dma_wait3A_112 = tpu.memref_squeeze %dma_wait3A_111 : memref<1x128xf32, #tpu.memory_space<hbm>> -> memref<128xf32, #tpu.memory_space<hbm>>
      tpu.wait_dma2 semaphore(%run_scoped3A : memref<!tpu.dma_semaphore, #tpu.memory_space<semaphore_mem>>) src(%dma_wait3A_112 : memref<128xf32, #tpu.memory_space<hbm>>) dst(%arg9 : memref<128xf32, #tpu.memory_space<vmem>>)
      tpu.yield
    }) : () -> ()
    %dma_start3A = arith.constant 0 : i32
    %dma_start3A_28 = arith.constant 0 : i32
    %dma_start3A_29 = arith.constant 0 : i32
    %dma_start3A_30 = tpu.memref_slice %arg7[%dma_start3A, %dma_start3A_29] : memref<2x128xi32, #tpu.memory_space<vmem>> -> memref<1x128xi32, #tpu.memory_space<vmem>>
    %dma_start3A_31 = tpu.memref_squeeze %dma_start3A_30 : memref<1x128xi32, #tpu.memory_space<vmem>> -> memref<128xi32, #tpu.memory_space<vmem>>
    %dma_start3A_32 = arith.constant 0 : i32
    %dma_start3A_33 = arith.constant 0 : i32
    %dma_start3A_34 = tpu.memref_slice %arg2[%dma_start3A_32, %dma_start3A_33] : memref<10000x128xf32, #tpu.memory_space<hbm>> -> memref<10000x128xf32, #tpu.memory_space<hbm>>
    %dma_start3A_35 = tpu.memref_slice %arg13[%dma_start3A_28] : memref<2x!tpu.dma_semaphore, #tpu.memory_space<semaphore_mem>> -> memref<1x!tpu.dma_semaphore, #tpu.memory_space<semaphore_mem>>
    %dma_start3A_36 = tpu.memref_squeeze %dma_start3A_35 : memref<1x!tpu.dma_semaphore, #tpu.memory_space<semaphore_mem>> -> memref<!tpu.dma_semaphore, #tpu.memory_space<semaphore_mem>>
    tpu.enqueue_indirect_dma source(%dma_start3A_34 : memref<10000x128xf32, #tpu.memory_space<hbm>>) target(%arg11 : memref<128x128xf32, #tpu.memory_space<vmem>>) offsets(%dma_start3A_31 : memref<128xi32, #tpu.memory_space<vmem>>) semaphore(%dma_start3A_36 : memref<!tpu.dma_semaphore, #tpu.memory_space<semaphore_mem>>)
    %add3A_37 = arith.constant 1 : i32
    %add3A_38 = arith.addi %mul3A_2, %add3A_37 : i32
    %dma_start3A_39 = arith.constant 1 : i32
    %dma_start3A_40 = arith.constant 0 : i32
    %dma_start3A_41 = arith.constant 0 : i32
    %dma_start3A_42 = tpu.memref_slice %arg3[%add3A_38, %dma_start3A_40, %dma_start3A_41] : memref<2560x2x128xi32, #tpu.memory_space<hbm>> -> memref<1x2x128xi32, #tpu.memory_space<hbm>>
    %dma_start3A_43 = tpu.memref_squeeze %dma_start3A_42 : memref<1x2x128xi32, #tpu.memory_space<hbm>> -> memref<2x128xi32, #tpu.memory_space<hbm>>
    %dma_start3A_44 = tpu.memref_slice %arg14[%dma_start3A_39] : memref<2x!tpu.dma_semaphore, #tpu.memory_space<semaphore_mem>> -> memref<1x!tpu.dma_semaphore, #tpu.memory_space<semaphore_mem>>
    %dma_start3A_45 = tpu.memref_squeeze %dma_start3A_44 : memref<1x!tpu.dma_semaphore, #tpu.memory_space<semaphore_mem>> -> memref<!tpu.dma_semaphore, #tpu.memory_space<semaphore_mem>>
    %dma_start3A_46 = arith.constant 0 : i32
    %dma_start3A_47 = arith.constant 0 : i32
    %dma_start3A_48 = tpu.memref_slice %arg3[%add3A_38, %dma_start3A_46, %dma_start3A_47] : memref<2560x2x128xi32, #tpu.memory_space<hbm>> -> memref<1x2x128xi32, #tpu.memory_space<hbm>>
    %dma_start3A_49 = tpu.memref_squeeze %dma_start3A_48 : memref<1x2x128xi32, #tpu.memory_space<hbm>> -> memref<2x128xi32, #tpu.memory_space<hbm>>
    tpu.enqueue_dma source(%dma_start3A_49 : memref<2x128xi32, #tpu.memory_space<hbm>>) target(%arg8 : memref<2x128xi32, #tpu.memory_space<vmem>>) target_semaphore(%dma_start3A_45 : memref<!tpu.dma_semaphore, #tpu.memory_space<semaphore_mem>>)
    %add3A_50 = arith.constant 1 : i32
    %add3A_51 = arith.addi %mul3A_2, %add3A_50 : i32
    %dma_start3A_52 = arith.constant 1 : i32
    %dma_start3A_53 = arith.constant 0 : i32
    %dma_start3A_54 = tpu.memref_slice %arg4[%add3A_51, %dma_start3A_53] : memref<2560x128xf32, #tpu.memory_space<hbm>> -> memref<1x128xf32, #tpu.memory_space<hbm>>
    %dma_start3A_55 = tpu.memref_squeeze %dma_start3A_54 : memref<1x128xf32, #tpu.memory_space<hbm>> -> memref<128xf32, #tpu.memory_space<hbm>>
    %dma_start3A_56 = tpu.memref_slice %arg15[%dma_start3A_52] : memref<2x!tpu.dma_semaphore, #tpu.memory_space<semaphore_mem>> -> memref<1x!tpu.dma_semaphore, #tpu.memory_space<semaphore_mem>>
    %dma_start3A_57 = tpu.memref_squeeze %dma_start3A_56 : memref<1x!tpu.dma_semaphore, #tpu.memory_space<semaphore_mem>> -> memref<!tpu.dma_semaphore, #tpu.memory_space<semaphore_mem>>
    %dma_start3A_58 = arith.constant 0 : i32
    %dma_start3A_59 = tpu.memref_slice %arg4[%add3A_51, %dma_start3A_58] : memref<2560x128xf32, #tpu.memory_space<hbm>> -> memref<1x128xf32, #tpu.memory_space<hbm>>
    %dma_start3A_60 = tpu.memref_squeeze %dma_start3A_59 : memref<1x128xf32, #tpu.memory_space<hbm>> -> memref<128xf32, #tpu.memory_space<hbm>>
    tpu.enqueue_dma source(%dma_start3A_60 : memref<128xf32, #tpu.memory_space<hbm>>) target(%arg10 : memref<128xf32, #tpu.memory_space<vmem>>) target_semaphore(%dma_start3A_57 : memref<!tpu.dma_semaphore, #tpu.memory_space<semaphore_mem>>)
    %scan3A_61 = arith.constant 0 : i32
    %scan3A_62 = arith.constant 40 : i32
    %scan3A_63 = arith.addi %scan3A_61, %scan3A_62 : i32
    %scan3A_64 = arith.constant 1 : i32
    scf.for %scan3A_102 = %scan3A_61 to %scan3A_63 step %scan3A_64  : i32 {
      %mul3A_103 = arith.constant 2 : i32
      %mul3A_104 = arith.muli %scan3A_102, %mul3A_103 : i32
      %add3A_105 = arith.constant 0 : i32
      %add3A_106 = arith.addi %add3A_105, %mul3A_104 : i32
      %add3A_107 = arith.constant 0 : i32
      %add3A_108 = arith.addi %add3A_106, %add3A_107 : i32
      %dma_wait3A = arith.constant 0 : i32
      %dma_wait3A_109 = arith.constant 0 : i32
      %dma_wait3A_110 = arith.constant 0 : i32
      %dma_wait3A_111 = tpu.memref_slice %arg7[%dma_wait3A, %dma_wait3A_110] : memref<2x128xi32, #tpu.memory_space<vmem>> -> memref<1x128xi32, #tpu.memory_space<vmem>>
      %dma_wait3A_112 = tpu.memref_squeeze %dma_wait3A_111 : memref<1x128xi32, #tpu.memory_space<vmem>> -> memref<128xi32, #tpu.memory_space<vmem>>
      %dma_wait3A_113 = arith.constant 0 : i32
      %dma_wait3A_114 = arith.constant 0 : i32
      %dma_wait3A_115 = tpu.memref_slice %arg2[%dma_wait3A_113, %dma_wait3A_114] : memref<10000x128xf32, #tpu.memory_space<hbm>> -> memref<10000x128xf32, #tpu.memory_space<hbm>>
      %dma_wait3A_116 = tpu.memref_slice %arg13[%dma_wait3A_109] : memref<2x!tpu.dma_semaphore, #tpu.memory_space<semaphore_mem>> -> memref<1x!tpu.dma_semaphore, #tpu.memory_space<semaphore_mem>>
      %dma_wait3A_117 = tpu.memref_squeeze %dma_wait3A_116 : memref<1x!tpu.dma_semaphore, #tpu.memory_space<semaphore_mem>> -> memref<!tpu.dma_semaphore, #tpu.memory_space<semaphore_mem>>
      tpu.wait_indirect_dma semaphore(%dma_wait3A_117 : memref<!tpu.dma_semaphore, #tpu.memory_space<semaphore_mem>>) src(%dma_wait3A_115 : memref<10000x128xf32, #tpu.memory_space<hbm>>) dst(%arg11 : memref<128x128xf32, #tpu.memory_space<vmem>>)
      %add3A_118 = arith.constant 1 : i32
      %add3A_119 = arith.addi %add3A_108, %add3A_118 : i32
      %lt3A = arith.constant 80 : i32
      %lt3A_120 = arith.cmpi slt, %add3A_119, %lt3A : i32
      %convert_element_type3A = arith.extui %lt3A_120 : i1 to i32
      %cond3A = arith.constant 0 : i32
      %cond3A_121 = arith.cmpi ne, %convert_element_type3A, %cond3A : i32
      scf.if %cond3A_121 {
        %add3A_344 = arith.addi %mul3A_2, %add3A_108 : i32
        %add3A_345 = arith.constant 1 : i32
        %add3A_346 = arith.addi %add3A_344, %add3A_345 : i32
        %dma_wait3A_347 = arith.constant 1 : i32
        %dma_wait3A_348 = arith.constant 0 : i32
        %dma_wait3A_349 = arith.constant 0 : i32
        %dma_wait3A_350 = tpu.memref_slice %arg3[%add3A_346, %dma_wait3A_348, %dma_wait3A_349] : memref<2560x2x128xi32, #tpu.memory_space<hbm>> -> memref<1x2x128xi32, #tpu.memory_space<hbm>>
        %dma_wait3A_351 = tpu.memref_squeeze %dma_wait3A_350 : memref<1x2x128xi32, #tpu.memory_space<hbm>> -> memref<2x128xi32, #tpu.memory_space<hbm>>
        %dma_wait3A_352 = tpu.memref_slice %arg14[%dma_wait3A_347] : memref<2x!tpu.dma_semaphore, #tpu.memory_space<semaphore_mem>> -> memref<1x!tpu.dma_semaphore, #tpu.memory_space<semaphore_mem>>
        %dma_wait3A_353 = tpu.memref_squeeze %dma_wait3A_352 : memref<1x!tpu.dma_semaphore, #tpu.memory_space<semaphore_mem>> -> memref<!tpu.dma_semaphore, #tpu.memory_space<semaphore_mem>>
        %dma_wait3A_354 = arith.constant 0 : i32
        %dma_wait3A_355 = arith.constant 0 : i32
        %dma_wait3A_356 = tpu.memref_slice %arg3[%add3A_346, %dma_wait3A_354, %dma_wait3A_355] : memref<2560x2x128xi32, #tpu.memory_space<hbm>> -> memref<1x2x128xi32, #tpu.memory_space<hbm>>
        %dma_wait3A_357 = tpu.memref_squeeze %dma_wait3A_356 : memref<1x2x128xi32, #tpu.memory_space<hbm>> -> memref<2x128xi32, #tpu.memory_space<hbm>>
        tpu.wait_dma2 semaphore(%dma_wait3A_353 : memref<!tpu.dma_semaphore, #tpu.memory_space<semaphore_mem>>) src(%dma_wait3A_357 : memref<2x128xi32, #tpu.memory_space<hbm>>) dst(%arg8 : memref<2x128xi32, #tpu.memory_space<vmem>>)
        %dma_start3A_358 = arith.constant 0 : i32
        %dma_start3A_359 = arith.constant 1 : i32
        %dma_start3A_360 = arith.constant 0 : i32
        %dma_start3A_361 = tpu.memref_slice %arg8[%dma_start3A_358, %dma_start3A_360] : memref<2x128xi32, #tpu.memory_space<vmem>> -> memref<1x128xi32, #tpu.memory_space<vmem>>
        %dma_start3A_362 = tpu.memref_squeeze %dma_start3A_361 : memref<1x128xi32, #tpu.memory_space<vmem>> -> memref<128xi32, #tpu.memory_space<vmem>>
        %dma_start3A_363 = arith.constant 0 : i32
        %dma_start3A_364 = arith.constant 0 : i32
        %dma_start3A_365 = tpu.memref_slice %arg2[%dma_start3A_363, %dma_start3A_364] : memref<10000x128xf32, #tpu.memory_space<hbm>> -> memref<10000x128xf32, #tpu.memory_space<hbm>>
        %dma_start3A_366 = tpu.memref_slice %arg13[%dma_start3A_359] : memref<2x!tpu.dma_semaphore, #tpu.memory_space<semaphore_mem>> -> memref<1x!tpu.dma_semaphore, #tpu.memory_space<semaphore_mem>>
        %dma_start3A_367 = tpu.memref_squeeze %dma_start3A_366 : memref<1x!tpu.dma_semaphore, #tpu.memory_space<semaphore_mem>> -> memref<!tpu.dma_semaphore, #tpu.memory_space<semaphore_mem>>
        tpu.enqueue_indirect_dma source(%dma_start3A_365 : memref<10000x128xf32, #tpu.memory_space<hbm>>) target(%arg12 : memref<128x128xf32, #tpu.memory_space<vmem>>) offsets(%dma_start3A_362 : memref<128xi32, #tpu.memory_space<vmem>>) semaphore(%dma_start3A_367 : memref<!tpu.dma_semaphore, #tpu.memory_space<semaphore_mem>>)
      } else {
      }
      %gt3A = arith.constant 0 : i32
      %gt3A_122 = arith.cmpi sgt, %add3A_108, %gt3A : i32
      %convert_element_type3A_123 = arith.extui %gt3A_122 : i1 to i32
      %cond3A_124 = arith.constant 0 : i32
      %cond3A_125 = arith.cmpi ne, %convert_element_type3A_123, %cond3A_124 : i32
      scf.if %cond3A_125 {
        %add3A_344 = arith.addi %mul3A_2, %add3A_108 : i32
        %dma_wait3A_345 = arith.constant 0 : i32
        %dma_wait3A_346 = arith.constant 0 : i32
        %dma_wait3A_347 = tpu.memref_slice %arg4[%add3A_344, %dma_wait3A_346] : memref<2560x128xf32, #tpu.memory_space<hbm>> -> memref<1x128xf32, #tpu.memory_space<hbm>>
        %dma_wait3A_348 = tpu.memref_squeeze %dma_wait3A_347 : memref<1x128xf32, #tpu.memory_space<hbm>> -> memref<128xf32, #tpu.memory_space<hbm>>
        %dma_wait3A_349 = tpu.memref_slice %arg15[%dma_wait3A_345] : memref<2x!tpu.dma_semaphore, #tpu.memory_space<semaphore_mem>> -> memref<1x!tpu.dma_semaphore, #tpu.memory_space<semaphore_mem>>
        %dma_wait3A_350 = tpu.memref_squeeze %dma_wait3A_349 : memref<1x!tpu.dma_semaphore, #tpu.memory_space<semaphore_mem>> -> memref<!tpu.dma_semaphore, #tpu.memory_space<semaphore_mem>>
        %dma_wait3A_351 = arith.constant 0 : i32
        %dma_wait3A_352 = tpu.memref_slice %arg4[%add3A_344, %dma_wait3A_351] : memref<2560x128xf32, #tpu.memory_space<hbm>> -> memref<1x128xf32, #tpu.memory_space<hbm>>
        %dma_wait3A_353 = tpu.memref_squeeze %dma_wait3A_352 : memref<1x128xf32, #tpu.memory_space<hbm>> -> memref<128xf32, #tpu.memory_space<hbm>>
        tpu.wait_dma2 semaphore(%dma_wait3A_350 : memref<!tpu.dma_semaphore, #tpu.memory_space<semaphore_mem>>) src(%dma_wait3A_353 : memref<128xf32, #tpu.memory_space<hbm>>) dst(%arg9 : memref<128xf32, #tpu.memory_space<vmem>>)
      } else {
      }
      %scan3A_126 = arith.constant 0 : i32
      %scan3A_127 = arith.constant 8 : i32
      %scan3A_128 = arith.addi %scan3A_126, %scan3A_127 : i32
      %scan3A_129 = arith.constant 1 : i32
      scf.for %scan3A_344 = %scan3A_126 to %scan3A_128 step %scan3A_129  : i32 {
        %mul3A_345 = arith.constant 1 : i32
        %mul3A_346 = arith.muli %scan3A_344, %mul3A_345 : i32
        %add3A_347 = arith.constant 0 : i32
        %add3A_348 = arith.addi %add3A_347, %mul3A_346 : i32
        %mul3A_349 = arith.constant 16 : i32
        %mul3A_350 = arith.muli %add3A_348, %mul3A_349 : i32
        %get3A = arith.index_cast %mul3A_350 : i32 to index
        %get3A_351 = tpu.vector_load %arg9[%get3A] {strides = array<i32>} : memref<128xf32, #tpu.memory_space<vmem>>, vector<16xf32>,
        %get3A_352 = vector.shape_cast %get3A_351 : vector<16xf32> to vector<16xf32>
        %mul3A_353 = arith.constant 16 : i32
        %mul3A_354 = arith.muli %add3A_348, %mul3A_353 : i32
        %add3A_355 = arith.constant 0 : i32
        %add3A_356 = arith.addi %mul3A_354, %add3A_355 : i32
        %slice3A = vector.extract_strided_slice %get3A_352 {offsets = [0], sizes = [1], strides = [1]} : vector<16xf32> to vector<1xf32>
        %squeeze3A = vector.extract %slice3A[0] : f32 from vector<1xf32>
        %get3A_357 = arith.index_cast %add3A_356 : i32 to index
        %get3A_358 = arith.constant 0 : index
        %get3A_359 = tpu.vector_load %arg11[%get3A_357, %get3A_358] {strides = array<i32>} : memref<128x128xf32, #tpu.memory_space<vmem>>, vector<1x16xf32>,
        %get3A_360 = vector.shape_cast %get3A_359 : vector<1x16xf32> to vector<16xf32>
        %mul3A_361 = vector.broadcast %squeeze3A : f32 to vector<16xf32>
        %mul3A_362 = arith.mulf %get3A_360, %mul3A_361 : vector<16xf32>
        %swap3A = arith.index_cast %add3A_356 : i32 to index
        %swap3A_363 = arith.constant 0 : index
        %swap3A_364 = tpu.vector_load %arg11[%swap3A, %swap3A_363] {strides = array<i32>} : memref<128x128xf32, #tpu.memory_space<vmem>>, vector<1x16xf32>,
        %swap3A_365 = vector.shape_cast %swap3A_364 : vector<1x16xf32> to vector<16xf32>
        %swap3A_366 = vector.shape_cast %mul3A_362 : vector<16xf32> to vector<1x16xf32>
        tpu.vector_store %arg11[%swap3A, %swap3A_363], %swap3A_366 {strides = array<i32>} : memref<128x128xf32, #tpu.memory_space<vmem>>, vector<1x16xf32>,
        %get3A_367 = arith.index_cast %add3A_356 : i32 to index
        %get3A_368 = arith.constant 16 : index
        %get3A_369 = tpu.vector_load %arg11[%get3A_367, %get3A_368] {strides = array<i32>} : memref<128x128xf32, #tpu.memory_space<vmem>>, vector<1x16xf32>,
        %get3A_370 = vector.shape_cast %get3A_369 : vector<1x16xf32> to vector<16xf32>
        %mul3A_371 = vector.broadcast %squeeze3A : f32 to vector<16xf32>
        %mul3A_372 = arith.mulf %get3A_370, %mul3A_371 : vector<16xf32>
        %swap3A_373 = arith.index_cast %add3A_356 : i32 to index
        %swap3A_374 = arith.constant 16 : index
        %swap3A_375 = tpu.vector_load %arg11[%swap3A_373, %swap3A_374] {strides = array<i32>} : memref<128x128xf32, #tpu.memory_space<vmem>>, vector<1x16xf32>,
        %swap3A_376 = vector.shape_cast %swap3A_375 : vector<1x16xf32> to vector<16xf32>
        %swap3A_377 = vector.shape_cast %mul3A_372 : vector<16xf32> to vector<1x16xf32>
        tpu.vector_store %arg11[%swap3A_373, %swap3A_374], %swap3A_377 {strides = array<i32>} : memref<128x128xf32, #tpu.memory_space<vmem>>, vector<1x16xf32>,
        %get3A_378 = arith.index_cast %add3A_356 : i32 to index
        %get3A_379 = arith.constant 32 : index
        %get3A_380 = tpu.vector_load %arg11[%get3A_378, %get3A_379] {strides = array<i32>} : memref<128x128xf32, #tpu.memory_space<vmem>>, vector<1x16xf32>,
        %get3A_381 = vector.shape_cast %get3A_380 : vector<1x16xf32> to vector<16xf32>
        %mul3A_382 = vector.broadcast %squeeze3A : f32 to vector<16xf32>
        %mul3A_383 = arith.mulf %get3A_381, %mul3A_382 : vector<16xf32>
        %swap3A_384 = arith.index_cast %add3A_356 : i32 to index
        %swap3A_385 = arith.constant 32 : index
        %swap3A_386 = tpu.vector_load %arg11[%swap3A_384, %swap3A_385] {strides = array<i32>} : memref<128x128xf32, #tpu.memory_space<vmem>>, vector<1x16xf32>,
        %swap3A_387 = vector.shape_cast %swap3A_386 : vector<1x16xf32> to vector<16xf32>
        %swap3A_388 = vector.shape_cast %mul3A_383 : vector<16xf32> to vector<1x16xf32>
        tpu.vector_store %arg11[%swap3A_384, %swap3A_385], %swap3A_388 {strides = array<i32>} : memref<128x128xf32, #tpu.memory_space<vmem>>, vector<1x16xf32>,
        %get3A_389 = arith.index_cast %add3A_356 : i32 to index
        %get3A_390 = arith.constant 48 : index
        %get3A_391 = tpu.vector_load %arg11[%get3A_389, %get3A_390] {strides = array<i32>} : memref<128x128xf32, #tpu.memory_space<vmem>>, vector<1x16xf32>,
        %get3A_392 = vector.shape_cast %get3A_391 : vector<1x16xf32> to vector<16xf32>
        %mul3A_393 = vector.broadcast %squeeze3A : f32 to vector<16xf32>
        %mul3A_394 = arith.mulf %get3A_392, %mul3A_393 : vector<16xf32>
        %swap3A_395 = arith.index_cast %add3A_356 : i32 to index
        %swap3A_396 = arith.constant 48 : index
        %swap3A_397 = tpu.vector_load %arg11[%swap3A_395, %swap3A_396] {strides = array<i32>} : memref<128x128xf32, #tpu.memory_space<vmem>>, vector<1x16xf32>,
        %swap3A_398 = vector.shape_cast %swap3A_397 : vector<1x16xf32> to vector<16xf32>
        %swap3A_399 = vector.shape_cast %mul3A_394 : vector<16xf32> to vector<1x16xf32>
        tpu.vector_store %arg11[%swap3A_395, %swap3A_396], %swap3A_399 {strides = array<i32>} : memref<128x128xf32, #tpu.memory_space<vmem>>, vector<1x16xf32>,
        %get3A_400 = arith.index_cast %add3A_356 : i32 to index
        %get3A_401 = arith.constant 64 : index
        %get3A_402 = tpu.vector_load %arg11[%get3A_400, %get3A_401] {strides = array<i32>} : memref<128x128xf32, #tpu.memory_space<vmem>>, vector<1x16xf32>,
        %get3A_403 = vector.shape_cast %get3A_402 : vector<1x16xf32> to vector<16xf32>
        %mul3A_404 = vector.broadcast %squeeze3A : f32 to vector<16xf32>
        %mul3A_405 = arith.mulf %get3A_403, %mul3A_404 : vector<16xf32>
        %swap3A_406 = arith.index_cast %add3A_356 : i32 to index
        %swap3A_407 = arith.constant 64 : index
        %swap3A_408 = tpu.vector_load %arg11[%swap3A_406, %swap3A_407] {strides = array<i32>} : memref<128x128xf32, #tpu.memory_space<vmem>>, vector<1x16xf32>,
        %swap3A_409 = vector.shape_cast %swap3A_408 : vector<1x16xf32> to vector<16xf32>
        %swap3A_410 = vector.shape_cast %mul3A_405 : vector<16xf32> to vector<1x16xf32>
        tpu.vector_store %arg11[%swap3A_406, %swap3A_407], %swap3A_410 {strides = array<i32>} : memref<128x128xf32, #tpu.memory_space<vmem>>, vector<1x16xf32>,
        %get3A_411 = arith.index_cast %add3A_356 : i32 to index
        %get3A_412 = arith.constant 80 : index
        %get3A_413 = tpu.vector_load %arg11[%get3A_411, %get3A_412] {strides = array<i32>} : memref<128x128xf32, #tpu.memory_space<vmem>>, vector<1x16xf32>,
        %get3A_414 = vector.shape_cast %get3A_413 : vector<1x16xf32> to vector<16xf32>
        %mul3A_415 = vector.broadcast %squeeze3A : f32 to vector<16xf32>
        %mul3A_416 = arith.mulf %get3A_414, %mul3A_415 : vector<16xf32>
        %swap3A_417 = arith.index_cast %add3A_356 : i32 to index
        %swap3A_418 = arith.constant 80 : index
        %swap3A_419 = tpu.vector_load %arg11[%swap3A_417, %swap3A_418] {strides = array<i32>} : memref<128x128xf32, #tpu.memory_space<vmem>>, vector<1x16xf32>,
        %swap3A_420 = vector.shape_cast %swap3A_419 : vector<1x16xf32> to vector<16xf32>
        %swap3A_421 = vector.shape_cast %mul3A_416 : vector<16xf32> to vector<1x16xf32>
        tpu.vector_store %arg11[%swap3A_417, %swap3A_418], %swap3A_421 {strides = array<i32>} : memref<128x128xf32, #tpu.memory_space<vmem>>, vector<1x16xf32>,
        %get3A_422 = arith.index_cast %add3A_356 : i32 to index
        %get3A_423 = arith.constant 96 : index
        %get3A_424 = tpu.vector_load %arg11[%get3A_422, %get3A_423] {strides = array<i32>} : memref<128x128xf32, #tpu.memory_space<vmem>>, vector<1x16xf32>,
        %get3A_425 = vector.shape_cast %get3A_424 : vector<1x16xf32> to vector<16xf32>
        %mul3A_426 = vector.broadcast %squeeze3A : f32 to vector<16xf32>
        %mul3A_427 = arith.mulf %get3A_425, %mul3A_426 : vector<16xf32>
        %swap3A_428 = arith.index_cast %add3A_356 : i32 to index
        %swap3A_429 = arith.constant 96 : index
        %swap3A_430 = tpu.vector_load %arg11[%swap3A_428, %swap3A_429] {strides = array<i32>} : memref<128x128xf32, #tpu.memory_space<vmem>>, vector<1x16xf32>,
        %swap3A_431 = vector.shape_cast %swap3A_430 : vector<1x16xf32> to vector<16xf32>
        %swap3A_432 = vector.shape_cast %mul3A_427 : vector<16xf32> to vector<1x16xf32>
        tpu.vector_store %arg11[%swap3A_428, %swap3A_429], %swap3A_432 {strides = array<i32>} : memref<128x128xf32, #tpu.memory_space<vmem>>, vector<1x16xf32>,
        %get3A_433 = arith.index_cast %add3A_356 : i32 to index
        %get3A_434 = arith.constant 112 : index
        %get3A_435 = tpu.vector_load %arg11[%get3A_433, %get3A_434] {strides = array<i32>} : memref<128x128xf32, #tpu.memory_space<vmem>>, vector<1x16xf32>,
        %get3A_436 = vector.shape_cast %get3A_435 : vector<1x16xf32> to vector<16xf32>
        %mul3A_437 = vector.broadcast %squeeze3A : f32 to vector<16xf32>
        %mul3A_438 = arith.mulf %get3A_436, %mul3A_437 : vector<16xf32>
        %swap3A_439 = arith.index_cast %add3A_356 : i32 to index
        %swap3A_440 = arith.constant 112 : index
        %swap3A_441 = tpu.vector_load %arg11[%swap3A_439, %swap3A_440] {strides = array<i32>} : memref<128x128xf32, #tpu.memory_space<vmem>>, vector<1x16xf32>,
        %swap3A_442 = vector.shape_cast %swap3A_441 : vector<1x16xf32> to vector<16xf32>
        %swap3A_443 = vector.shape_cast %mul3A_438 : vector<16xf32> to vector<1x16xf32>
        tpu.vector_store %arg11[%swap3A_439, %swap3A_440], %swap3A_443 {strides = array<i32>} : memref<128x128xf32, #tpu.memory_space<vmem>>, vector<1x16xf32>,
        %mul3A_444 = arith.constant 16 : i32
        %mul3A_445 = arith.muli %add3A_348, %mul3A_444 : i32
        %add3A_446 = arith.constant 1 : i32
        %add3A_447 = arith.addi %mul3A_445, %add3A_446 : i32
        %slice3A_448 = vector.extract_strided_slice %get3A_352 {offsets = [1], sizes = [1], strides = [1]} : vector<16xf32> to vector<1xf32>
        %squeeze3A_449 = vector.extract %slice3A_448[0] : f32 from vector<1xf32>
        %get3A_450 = arith.index_cast %add3A_447 : i32 to index
        %get3A_451 = arith.constant 0 : index
        %get3A_452 = tpu.vector_load %arg11[%get3A_450, %get3A_451] {strides = array<i32>} : memref<128x128xf32, #tpu.memory_space<vmem>>, vector<1x16xf32>,
        %get3A_453 = vector.shape_cast %get3A_452 : vector<1x16xf32> to vector<16xf32>
        %mul3A_454 = vector.broadcast %squeeze3A_449 : f32 to vector<16xf32>
        %mul3A_455 = arith.mulf %get3A_453, %mul3A_454 : vector<16xf32>
        %swap3A_456 = arith.index_cast %add3A_447 : i32 to index
        %swap3A_457 = arith.constant 0 : index
        %swap3A_458 = tpu.vector_load %arg11[%swap3A_456, %swap3A_457] {strides = array<i32>} : memref<128x128xf32, #tpu.memory_space<vmem>>, vector<1x16xf32>,
        %swap3A_459 = vector.shape_cast %swap3A_458 : vector<1x16xf32> to vector<16xf32>
        %swap3A_460 = vector.shape_cast %mul3A_455 : vector<16xf32> to vector<1x16xf32>
        tpu.vector_store %arg11[%swap3A_456, %swap3A_457], %swap3A_460 {strides = array<i32>} : memref<128x128xf32, #tpu.memory_space<vmem>>, vector<1x16xf32>,
        %get3A_461 = arith.index_cast %add3A_447 : i32 to index
        %get3A_462 = arith.constant 16 : index
        %get3A_463 = tpu.vector_load %arg11[%get3A_461, %get3A_462] {strides = array<i32>} : memref<128x128xf32, #tpu.memory_space<vmem>>, vector<1x16xf32>,
        %get3A_464 = vector.shape_cast %get3A_463 : vector<1x16xf32> to vector<16xf32>
        %mul3A_465 = vector.broadcast %squeeze3A_449 : f32 to vector<16xf32>
        %mul3A_466 = arith.mulf %get3A_464, %mul3A_465 : vector<16xf32>
        %swap3A_467 = arith.index_cast %add3A_447 : i32 to index
        %swap3A_468 = arith.constant 16 : index
        %swap3A_469 = tpu.vector_load %arg11[%swap3A_467, %swap3A_468] {strides = array<i32>} : memref<128x128xf32, #tpu.memory_space<vmem>>, vector<1x16xf32>,
        %swap3A_470 = vector.shape_cast %swap3A_469 : vector<1x16xf32> to vector<16xf32>
        %swap3A_471 = vector.shape_cast %mul3A_466 : vector<16xf32> to vector<1x16xf32>
        tpu.vector_store %arg11[%swap3A_467, %swap3A_468], %swap3A_471 {strides = array<i32>} : memref<128x128xf32, #tpu.memory_space<vmem>>, vector<1x16xf32>,
        %get3A_472 = arith.index_cast %add3A_447 : i32 to index
        %get3A_473 = arith.constant 32 : index
        %get3A_474 = tpu.vector_load %arg11[%get3A_472, %get3A_473] {strides = array<i32>} : memref<128x128xf32, #tpu.memory_space<vmem>>, vector<1x16xf32>,
        %get3A_475 = vector.shape_cast %get3A_474 : vector<1x16xf32> to vector<16xf32>
        %mul3A_476 = vector.broadcast %squeeze3A_449 : f32 to vector<16xf32>
        %mul3A_477 = arith.mulf %get3A_475, %mul3A_476 : vector<16xf32>
        %swap3A_478 = arith.index_cast %add3A_447 : i32 to index
        %swap3A_479 = arith.constant 32 : index
        %swap3A_480 = tpu.vector_load %arg11[%swap3A_478, %swap3A_479] {strides = array<i32>} : memref<128x128xf32, #tpu.memory_space<vmem>>, vector<1x16xf32>,
        %swap3A_481 = vector.shape_cast %swap3A_480 : vector<1x16xf32> to vector<16xf32>
        %swap3A_482 = vector.shape_cast %mul3A_477 : vector<16xf32> to vector<1x16xf32>
        tpu.vector_store %arg11[%swap3A_478, %swap3A_479], %swap3A_482 {strides = array<i32>} : memref<128x128xf32, #tpu.memory_space<vmem>>, vector<1x16xf32>,
        %get3A_483 = arith.index_cast %add3A_447 : i32 to index
        %get3A_484 = arith.constant 48 : index
        %get3A_485 = tpu.vector_load %arg11[%get3A_483, %get3A_484] {strides = array<i32>} : memref<128x128xf32, #tpu.memory_space<vmem>>, vector<1x16xf32>,
        %get3A_486 = vector.shape_cast %get3A_485 : vector<1x16xf32> to vector<16xf32>
        %mul3A_487 = vector.broadcast %squeeze3A_449 : f32 to vector<16xf32>
        %mul3A_488 = arith.mulf %get3A_486, %mul3A_487 : vector<16xf32>
        %swap3A_489 = arith.index_cast %add3A_447 : i32 to index
        %swap3A_490 = arith.constant 48 : index
        %swap3A_491 = tpu.vector_load %arg11[%swap3A_489, %swap3A_490] {strides = array<i32>} : memref<128x128xf32, #tpu.memory_space<vmem>>, vector<1x16xf32>,
        %swap3A_492 = vector.shape_cast %swap3A_491 : vector<1x16xf32> to vector<16xf32>
        %swap3A_493 = vector.shape_cast %mul3A_488 : vector<16xf32> to vector<1x16xf32>
        tpu.vector_store %arg11[%swap3A_489, %swap3A_490], %swap3A_493 {strides = array<i32>} : memref<128x128xf32, #tpu.memory_space<vmem>>, vector<1x16xf32>,
        %get3A_494 = arith.index_cast %add3A_447 : i32 to index
        %get3A_495 = arith.constant 64 : index
        %get3A_496 = tpu.vector_load %arg11[%get3A_494, %get3A_495] {strides = array<i32>} : memref<128x128xf32, #tpu.memory_space<vmem>>, vector<1x16xf32>,
        %get3A_497 = vector.shape_cast %get3A_496 : vector<1x16xf32> to vector<16xf32>
        %mul3A_498 = vector.broadcast %squeeze3A_449 : f32 to vector<16xf32>
        %mul3A_499 = arith.mulf %get3A_497, %mul3A_498 : vector<16xf32>
        %swap3A_500 = arith.index_cast %add3A_447 : i32 to index
        %swap3A_501 = arith.constant 64 : index
        %swap3A_502 = tpu.vector_load %arg11[%swap3A_500, %swap3A_501] {strides = array<i32>} : memref<128x128xf32, #tpu.memory_space<vmem>>, vector<1x16xf32>,
        %swap3A_503 = vector.shape_cast %swap3A_502 : vector<1x16xf32> to vector<16xf32>
        %swap3A_504 = vector.shape_cast %mul3A_499 : vector<16xf32> to vector<1x16xf32>
        tpu.vector_store %arg11[%swap3A_500, %swap3A_501], %swap3A_504 {strides = array<i32>} : memref<128x128xf32, #tpu.memory_space<vmem>>, vector<1x16xf32>,
        %get3A_505 = arith.index_cast %add3A_447 : i32 to index
        %get3A_506 = arith.constant 80 : index
        %get3A_507 = tpu.vector_load %arg11[%get3A_505, %get3A_506] {strides = array<i32>} : memref<128x128xf32, #tpu.memory_space<vmem>>, vector<1x16xf32>,
        %get3A_508 = vector.shape_cast %get3A_507 : vector<1x16xf32> to vector<16xf32>
        %mul3A_509 = vector.broadcast %squeeze3A_449 : f32 to vector<16xf32>
        %mul3A_510 = arith.mulf %get3A_508, %mul3A_509 : vector<16xf32>
        %swap3A_511 = arith.index_cast %add3A_447 : i32 to index
        %swap3A_512 = arith.constant 80 : index
        %swap3A_513 = tpu.vector_load %arg11[%swap3A_511, %swap3A_512] {strides = array<i32>} : memref<128x128xf32, #tpu.memory_space<vmem>>, vector<1x16xf32>,
        %swap3A_514 = vector.shape_cast %swap3A_513 : vector<1x16xf32> to vector<16xf32>
        %swap3A_515 = vector.shape_cast %mul3A_510 : vector<16xf32> to vector<1x16xf32>
        tpu.vector_store %arg11[%swap3A_511, %swap3A_512], %swap3A_515 {strides = array<i32>} : memref<128x128xf32, #tpu.memory_space<vmem>>, vector<1x16xf32>,
        %get3A_516 = arith.index_cast %add3A_447 : i32 to index
        %get3A_517 = arith.constant 96 : index
        %get3A_518 = tpu.vector_load %arg11[%get3A_516, %get3A_517] {strides = array<i32>} : memref<128x128xf32, #tpu.memory_space<vmem>>, vector<1x16xf32>,
        %get3A_519 = vector.shape_cast %get3A_518 : vector<1x16xf32> to vector<16xf32>
        %mul3A_520 = vector.broadcast %squeeze3A_449 : f32 to vector<16xf32>
        %mul3A_521 = arith.mulf %get3A_519, %mul3A_520 : vector<16xf32>
        %swap3A_522 = arith.index_cast %add3A_447 : i32 to index
        %swap3A_523 = arith.constant 96 : index
        %swap3A_524 = tpu.vector_load %arg11[%swap3A_522, %swap3A_523] {strides = array<i32>} : memref<128x128xf32, #tpu.memory_space<vmem>>, vector<1x16xf32>,
        %swap3A_525 = vector.shape_cast %swap3A_524 : vector<1x16xf32> to vector<16xf32>
        %swap3A_526 = vector.shape_cast %mul3A_521 : vector<16xf32> to vector<1x16xf32>
        tpu.vector_store %arg11[%swap3A_522, %swap3A_523], %swap3A_526 {strides = array<i32>} : memref<128x128xf32, #tpu.memory_space<vmem>>, vector<1x16xf32>,
        %get3A_527 = arith.index_cast %add3A_447 : i32 to index
        %get3A_528 = arith.constant 112 : index
        %get3A_529 = tpu.vector_load %arg11[%get3A_527, %get3A_528] {strides = array<i32>} : memref<128x128xf32, #tpu.memory_space<vmem>>, vector<1x16xf32>,
        %get3A_530 = vector.shape_cast %get3A_529 : vector<1x16xf32> to vector<16xf32>
        %mul3A_531 = vector.broadcast %squeeze3A_449 : f32 to vector<16xf32>
        %mul3A_532 = arith.mulf %get3A_530, %mul3A_531 : vector<16xf32>
        %swap3A_533 = arith.index_cast %add3A_447 : i32 to index
        %swap3A_534 = arith.constant 112 : index
        %swap3A_535 = tpu.vector_load %arg11[%swap3A_533, %swap3A_534] {strides = array<i32>} : memref<128x128xf32, #tpu.memory_space<vmem>>, vector<1x16xf32>,
        %swap3A_536 = vector.shape_cast %swap3A_535 : vector<1x16xf32> to vector<16xf32>
        %swap3A_537 = vector.shape_cast %mul3A_532 : vector<16xf32> to vector<1x16xf32>
        tpu.vector_store %arg11[%swap3A_533, %swap3A_534], %swap3A_537 {strides = array<i32>} : memref<128x128xf32, #tpu.memory_space<vmem>>, vector<1x16xf32>,
        %mul3A_538 = arith.constant 16 : i32
        %mul3A_539 = arith.muli %add3A_348, %mul3A_538 : i32
        %add3A_540 = arith.constant 2 : i32
        %add3A_541 = arith.addi %mul3A_539, %add3A_540 : i32
        %slice3A_542 = vector.extract_strided_slice %get3A_352 {offsets = [2], sizes = [1], strides = [1]} : vector<16xf32> to vector<1xf32>
        %squeeze3A_543 = vector.extract %slice3A_542[0] : f32 from vector<1xf32>
        %get3A_544 = arith.index_cast %add3A_541 : i32 to index
        %get3A_545 = arith.constant 0 : index
        %get3A_546 = tpu.vector_load %arg11[%get3A_544, %get3A_545] {strides = array<i32>} : memref<128x128xf32, #tpu.memory_space<vmem>>, vector<1x16xf32>,
        %get3A_547 = vector.shape_cast %get3A_546 : vector<1x16xf32> to vector<16xf32>
        %mul3A_548 = vector.broadcast %squeeze3A_543 : f32 to vector<16xf32>
        %mul3A_549 = arith.mulf %get3A_547, %mul3A_548 : vector<16xf32>
        %swap3A_550 = arith.index_cast %add3A_541 : i32 to index
        %swap3A_551 = arith.constant 0 : index
        %swap3A_552 = tpu.vector_load %arg11[%swap3A_550, %swap3A_551] {strides = array<i32>} : memref<128x128xf32, #tpu.memory_space<vmem>>, vector<1x16xf32>,
        %swap3A_553 = vector.shape_cast %swap3A_552 : vector<1x16xf32> to vector<16xf32>
        %swap3A_554 = vector.shape_cast %mul3A_549 : vector<16xf32> to vector<1x16xf32>
        tpu.vector_store %arg11[%swap3A_550, %swap3A_551], %swap3A_554 {strides = array<i32>} : memref<128x128xf32, #tpu.memory_space<vmem>>, vector<1x16xf32>,
        %get3A_555 = arith.index_cast %add3A_541 : i32 to index
        %get3A_556 = arith.constant 16 : index
        %get3A_557 = tpu.vector_load %arg11[%get3A_555, %get3A_556] {strides = array<i32>} : memref<128x128xf32, #tpu.memory_space<vmem>>, vector<1x16xf32>,
        %get3A_558 = vector.shape_cast %get3A_557 : vector<1x16xf32> to vector<16xf32>
        %mul3A_559 = vector.broadcast %squeeze3A_543 : f32 to vector<16xf32>
        %mul3A_560 = arith.mulf %get3A_558, %mul3A_559 : vector<16xf32>
        %swap3A_561 = arith.index_cast %add3A_541 : i32 to index
        %swap3A_562 = arith.constant 16 : index
        %swap3A_563 = tpu.vector_load %arg11[%swap3A_561, %swap3A_562] {strides = array<i32>} : memref<128x128xf32, #tpu.memory_space<vmem>>, vector<1x16xf32>,
        %swap3A_564 = vector.shape_cast %swap3A_563 : vector<1x16xf32> to vector<16xf32>
        %swap3A_565 = vector.shape_cast %mul3A_560 : vector<16xf32> to vector<1x16xf32>
        tpu.vector_store %arg11[%swap3A_561, %swap3A_562], %swap3A_565 {strides = array<i32>} : memref<128x128xf32, #tpu.memory_space<vmem>>, vector<1x16xf32>,
        %get3A_566 = arith.index_cast %add3A_541 : i32 to index
        %get3A_567 = arith.constant 32 : index
        %get3A_568 = tpu.vector_load %arg11[%get3A_566, %get3A_567] {strides = array<i32>} : memref<128x128xf32, #tpu.memory_space<vmem>>, vector<1x16xf32>,
        %get3A_569 = vector.shape_cast %get3A_568 : vector<1x16xf32> to vector<16xf32>
        %mul3A_570 = vector.broadcast %squeeze3A_543 : f32 to vector<16xf32>
        %mul3A_571 = arith.mulf %get3A_569, %mul3A_570 : vector<16xf32>
        %swap3A_572 = arith.index_cast %add3A_541 : i32 to index
        %swap3A_573 = arith.constant 32 : index
        %swap3A_574 = tpu.vector_load %arg11[%swap3A_572, %swap3A_573] {strides = array<i32>} : memref<128x128xf32, #tpu.memory_space<vmem>>, vector<1x16xf32>,
        %swap3A_575 = vector.shape_cast %swap3A_574 : vector<1x16xf32> to vector<16xf32>
        %swap3A_576 = vector.shape_cast %mul3A_571 : vector<16xf32> to vector<1x16xf32>
        tpu.vector_store %arg11[%swap3A_572, %swap3A_573], %swap3A_576 {strides = array<i32>} : memref<128x128xf32, #tpu.memory_space<vmem>>, vector<1x16xf32>,
        %get3A_577 = arith.index_cast %add3A_541 : i32 to index
        %get3A_578 = arith.constant 48 : index
        %get3A_579 = tpu.vector_load %arg11[%get3A_577, %get3A_578] {strides = array<i32>} : memref<128x128xf32, #tpu.memory_space<vmem>>, vector<1x16xf32>,
        %get3A_580 = vector.shape_cast %get3A_579 : vector<1x16xf32> to vector<16xf32>
        %mul3A_581 = vector.broadcast %squeeze3A_543 : f32 to vector<16xf32>
        %mul3A_582 = arith.mulf %get3A_580, %mul3A_581 : vector<16xf32>
        %swap3A_583 = arith.index_cast %add3A_541 : i32 to index
        %swap3A_584 = arith.constant 48 : index
        %swap3A_585 = tpu.vector_load %arg11[%swap3A_583, %swap3A_584] {strides = array<i32>} : memref<128x128xf32, #tpu.memory_space<vmem>>, vector<1x16xf32>,
        %swap3A_586 = vector.shape_cast %swap3A_585 : vector<1x16xf32> to vector<16xf32>
        %swap3A_587 = vector.shape_cast %mul3A_582 : vector<16xf32> to vector<1x16xf32>
        tpu.vector_store %arg11[%swap3A_583, %swap3A_584], %swap3A_587 {strides = array<i32>} : memref<128x128xf32, #tpu.memory_space<vmem>>, vector<1x16xf32>,
        %get3A_588 = arith.index_cast %add3A_541 : i32 to index
        %get3A_589 = arith.constant 64 : index
        %get3A_590 = tpu.vector_load %arg11[%get3A_588, %get3A_589] {strides = array<i32>} : memref<128x128xf32, #tpu.memory_space<vmem>>, vector<1x16xf32>,
        %get3A_591 = vector.shape_cast %get3A_590 : vector<1x16xf32> to vector<16xf32>
        %mul3A_592 = vector.broadcast %squeeze3A_543 : f32 to vector<16xf32>
        %mul3A_593 = arith.mulf %get3A_591, %mul3A_592 : vector<16xf32>
        %swap3A_594 = arith.index_cast %add3A_541 : i32 to index
        %swap3A_595 = arith.constant 64 : index
        %swap3A_596 = tpu.vector_load %arg11[%swap3A_594, %swap3A_595] {strides = array<i32>} : memref<128x128xf32, #tpu.memory_space<vmem>>, vector<1x16xf32>,
        %swap3A_597 = vector.shape_cast %swap3A_596 : vector<1x16xf32> to vector<16xf32>
        %swap3A_598 = vector.shape_cast %mul3A_593 : vector<16xf32> to vector<1x16xf32>
        tpu.vector_store %arg11[%swap3A_594, %swap3A_595], %swap3A_598 {strides = array<i32>} : memref<128x128xf32, #tpu.memory_space<vmem>>, vector<1x16xf32>,
        %get3A_599 = arith.index_cast %add3A_541 : i32 to index
        %get3A_600 = arith.constant 80 : index
        %get3A_601 = tpu.vector_load %arg11[%get3A_599, %get3A_600] {strides = array<i32>} : memref<128x128xf32, #tpu.memory_space<vmem>>, vector<1x16xf32>,
        %get3A_602 = vector.shape_cast %get3A_601 : vector<1x16xf32> to vector<16xf32>
        %mul3A_603 = vector.broadcast %squeeze3A_543 : f32 to vector<16xf32>
        %mul3A_604 = arith.mulf %get3A_602, %mul3A_603 : vector<16xf32>
        %swap3A_605 = arith.index_cast %add3A_541 : i32 to index
        %swap3A_606 = arith.constant 80 : index
        %swap3A_607 = tpu.vector_load %arg11[%swap3A_605, %swap3A_606] {strides = array<i32>} : memref<128x128xf32, #tpu.memory_space<vmem>>, vector<1x16xf32>,
        %swap3A_608 = vector.shape_cast %swap3A_607 : vector<1x16xf32> to vector<16xf32>
        %swap3A_609 = vector.shape_cast %mul3A_604 : vector<16xf32> to vector<1x16xf32>
        tpu.vector_store %arg11[%swap3A_605, %swap3A_606], %swap3A_609 {strides = array<i32>} : memref<128x128xf32, #tpu.memory_space<vmem>>, vector<1x16xf32>,
        %get3A_610 = arith.index_cast %add3A_541 : i32 to index
        %get3A_611 = arith.constant 96 : index
        %get3A_612 = tpu.vector_load %arg11[%get3A_610, %get3A_611] {strides = array<i32>} : memref<128x128xf32, #tpu.memory_space<vmem>>, vector<1x16xf32>,
        %get3A_613 = vector.shape_cast %get3A_612 : vector<1x16xf32> to vector<16xf32>
        %mul3A_614 = vector.broadcast %squeeze3A_543 : f32 to vector<16xf32>
        %mul3A_615 = arith.mulf %get3A_613, %mul3A_614 : vector<16xf32>
        %swap3A_616 = arith.index_cast %add3A_541 : i32 to index
        %swap3A_617 = arith.constant 96 : index
        %swap3A_618 = tpu.vector_load %arg11[%swap3A_616, %swap3A_617] {strides = array<i32>} : memref<128x128xf32, #tpu.memory_space<vmem>>, vector<1x16xf32>,
        %swap3A_619 = vector.shape_cast %swap3A_618 : vector<1x16xf32> to vector<16xf32>
        %swap3A_620 = vector.shape_cast %mul3A_615 : vector<16xf32> to vector<1x16xf32>
        tpu.vector_store %arg11[%swap3A_616, %swap3A_617], %swap3A_620 {strides = array<i32>} : memref<128x128xf32, #tpu.memory_space<vmem>>, vector<1x16xf32>,
        %get3A_621 = arith.index_cast %add3A_541 : i32 to index
        %get3A_622 = arith.constant 112 : index
        %get3A_623 = tpu.vector_load %arg11[%get3A_621, %get3A_622] {strides = array<i32>} : memref<128x128xf32, #tpu.memory_space<vmem>>, vector<1x16xf32>,
        %get3A_624 = vector.shape_cast %get3A_623 : vector<1x16xf32> to vector<16xf32>
        %mul3A_625 = vector.broadcast %squeeze3A_543 : f32 to vector<16xf32>
        %mul3A_626 = arith.mulf %get3A_624, %mul3A_625 : vector<16xf32>
        %swap3A_627 = arith.index_cast %add3A_541 : i32 to index
        %swap3A_628 = arith.constant 112 : index
        %swap3A_629 = tpu.vector_load %arg11[%swap3A_627, %swap3A_628] {strides = array<i32>} : memref<128x128xf32, #tpu.memory_space<vmem>>, vector<1x16xf32>,
        %swap3A_630 = vector.shape_cast %swap3A_629 : vector<1x16xf32> to vector<16xf32>
        %swap3A_631 = vector.shape_cast %mul3A_626 : vector<16xf32> to vector<1x16xf32>
        tpu.vector_store %arg11[%swap3A_627, %swap3A_628], %swap3A_631 {strides = array<i32>} : memref<128x128xf32, #tpu.memory_space<vmem>>, vector<1x16xf32>,
        %mul3A_632 = arith.constant 16 : i32
        %mul3A_633 = arith.muli %add3A_348, %mul3A_632 : i32
        %add3A_634 = arith.constant 3 : i32
        %add3A_635 = arith.addi %mul3A_633, %add3A_634 : i32
        %slice3A_636 = vector.extract_strided_slice %get3A_352 {offsets = [3], sizes = [1], strides = [1]} : vector<16xf32> to vector<1xf32>
        %squeeze3A_637 = vector.extract %slice3A_636[0] : f32 from vector<1xf32>
        %get3A_638 = arith.index_cast %add3A_635 : i32 to index
        %get3A_639 = arith.constant 0 : index
        %get3A_640 = tpu.vector_load %arg11[%get3A_638, %get3A_639] {strides = array<i32>} : memref<128x128xf32, #tpu.memory_space<vmem>>, vector<1x16xf32>,
        %get3A_641 = vector.shape_cast %get3A_640 : vector<1x16xf32> to vector<16xf32>
        %mul3A_642 = vector.broadcast %squeeze3A_637 : f32 to vector<16xf32>
        %mul3A_643 = arith.mulf %get3A_641, %mul3A_642 : vector<16xf32>
        %swap3A_644 = arith.index_cast %add3A_635 : i32 to index
        %swap3A_645 = arith.constant 0 : index
        %swap3A_646 = tpu.vector_load %arg11[%swap3A_644, %swap3A_645] {strides = array<i32>} : memref<128x128xf32, #tpu.memory_space<vmem>>, vector<1x16xf32>,
        %swap3A_647 = vector.shape_cast %swap3A_646 : vector<1x16xf32> to vector<16xf32>
        %swap3A_648 = vector.shape_cast %mul3A_643 : vector<16xf32> to vector<1x16xf32>
        tpu.vector_store %arg11[%swap3A_644, %swap3A_645], %swap3A_648 {strides = array<i32>} : memref<128x128xf32, #tpu.memory_space<vmem>>, vector<1x16xf32>,
        %get3A_649 = arith.index_cast %add3A_635 : i32 to index
        %get3A_650 = arith.constant 16 : index
        %get3A_651 = tpu.vector_load %arg11[%get3A_649, %get3A_650] {strides = array<i32>} : memref<128x128xf32, #tpu.memory_space<vmem>>, vector<1x16xf32>,
        %get3A_652 = vector.shape_cast %get3A_651 : vector<1x16xf32> to vector<16xf32>
        %mul3A_653 = vector.broadcast %squeeze3A_637 : f32 to vector<16xf32>
        %mul3A_654 = arith.mulf %get3A_652, %mul3A_653 : vector<16xf32>
        %swap3A_655 = arith.index_cast %add3A_635 : i32 to index
        %swap3A_656 = arith.constant 16 : index
        %swap3A_657 = tpu.vector_load %arg11[%swap3A_655, %swap3A_656] {strides = array<i32>} : memref<128x128xf32, #tpu.memory_space<vmem>>, vector<1x16xf32>,
        %swap3A_658 = vector.shape_cast %swap3A_657 : vector<1x16xf32> to vector<16xf32>
        %swap3A_659 = vector.shape_cast %mul3A_654 : vector<16xf32> to vector<1x16xf32>
        tpu.vector_store %arg11[%swap3A_655, %swap3A_656], %swap3A_659 {strides = array<i32>} : memref<128x128xf32, #tpu.memory_space<vmem>>, vector<1x16xf32>,
        %get3A_660 = arith.index_cast %add3A_635 : i32 to index
        %get3A_661 = arith.constant 32 : index
        %get3A_662 = tpu.vector_load %arg11[%get3A_660, %get3A_661] {strides = array<i32>} : memref<128x128xf32, #tpu.memory_space<vmem>>, vector<1x16xf32>,
        %get3A_663 = vector.shape_cast %get3A_662 : vector<1x16xf32> to vector<16xf32>
        %mul3A_664 = vector.broadcast %squeeze3A_637 : f32 to vector<16xf32>
        %mul3A_665 = arith.mulf %get3A_663, %mul3A_664 : vector<16xf32>
        %swap3A_666 = arith.index_cast %add3A_635 : i32 to index
        %swap3A_667 = arith.constant 32 : index
        %swap3A_668 = tpu.vector_load %arg11[%swap3A_666, %swap3A_667] {strides = array<i32>} : memref<128x128xf32, #tpu.memory_space<vmem>>, vector<1x16xf32>,
        %swap3A_669 = vector.shape_cast %swap3A_668 : vector<1x16xf32> to vector<16xf32>
        %swap3A_670 = vector.shape_cast %mul3A_665 : vector<16xf32> to vector<1x16xf32>
        tpu.vector_store %arg11[%swap3A_666, %swap3A_667], %swap3A_670 {strides = array<i32>} : memref<128x128xf32, #tpu.memory_space<vmem>>, vector<1x16xf32>,
        %get3A_671 = arith.index_cast %add3A_635 : i32 to index
        %get3A_672 = arith.constant 48 : index
        %get3A_673 = tpu.vector_load %arg11[%get3A_671, %get3A_672] {strides = array<i32>} : memref<128x128xf32, #tpu.memory_space<vmem>>, vector<1x16xf32>,
        %get3A_674 = vector.shape_cast %get3A_673 : vector<1x16xf32> to vector<16xf32>
        %mul3A_675 = vector.broadcast %squeeze3A_637 : f32 to vector<16xf32>
        %mul3A_676 = arith.mulf %get3A_674, %mul3A_675 : vector<16xf32>
        %swap3A_677 = arith.index_cast %add3A_635 : i32 to index
        %swap3A_678 = arith.constant 48 : index
        %swap3A_679 = tpu.vector_load %arg11[%swap3A_677, %swap3A_678] {strides = array<i32>} : memref<128x128xf32, #tpu.memory_space<vmem>>, vector<1x16xf32>,
        %swap3A_680 = vector.shape_cast %swap3A_679 : vector<1x16xf32> to vector<16xf32>
        %swap3A_681 = vector.shape_cast %mul3A_676 : vector<16xf32> to vector<1x16xf32>
        tpu.vector_store %arg11[%swap3A_677, %swap3A_678], %swap3A_681 {strides = array<i32>} : memref<128x128xf32, #tpu.memory_space<vmem>>, vector<1x16xf32>,
        %get3A_682 = arith.index_cast %add3A_635 : i32 to index
        %get3A_683 = arith.constant 64 : index
        %get3A_684 = tpu.vector_load %arg11[%get3A_682, %get3A_683] {strides = array<i32>} : memref<128x128xf32, #tpu.memory_space<vmem>>, vector<1x16xf32>,
        %get3A_685 = vector.shape_cast %get3A_684 : vector<1x16xf32> to vector<16xf32>
        %mul3A_686 = vector.broadcast %squeeze3A_637 : f32 to vector<16xf32>
        %mul3A_687 = arith.mulf %get3A_685, %mul3A_686 : vector<16xf32>
        %swap3A_688 = arith.index_cast %add3A_635 : i32 to index
        %swap3A_689 = arith.constant 64 : index
        %swap3A_690 = tpu.vector_load %arg11[%swap3A_688, %swap3A_689] {strides = array<i32>} : memref<128x128xf32, #tpu.memory_space<vmem>>, vector<1x16xf32>,
        %swap3A_691 = vector.shape_cast %swap3A_690 : vector<1x16xf32> to vector<16xf32>
        %swap3A_692 = vector.shape_cast %mul3A_687 : vector<16xf32> to vector<1x16xf32>
        tpu.vector_store %arg11[%swap3A_688, %swap3A_689], %swap3A_692 {strides = array<i32>} : memref<128x128xf32, #tpu.memory_space<vmem>>, vector<1x16xf32>,
        %get3A_693 = arith.index_cast %add3A_635 : i32 to index
        %get3A_694 = arith.constant 80 : index
        %get3A_695 = tpu.vector_load %arg11[%get3A_693, %get3A_694] {strides = array<i32>} : memref<128x128xf32, #tpu.memory_space<vmem>>, vector<1x16xf32>,
        %get3A_696 = vector.shape_cast %get3A_695 : vector<1x16xf32> to vector<16xf32>
        %mul3A_697 = vector.broadcast %squeeze3A_637 : f32 to vector<16xf32>
        %mul3A_698 = arith.mulf %get3A_696, %mul3A_697 : vector<16xf32>
        %swap3A_699 = arith.index_cast %add3A_635 : i32 to index
        %swap3A_700 = arith.constant 80 : index
        %swap3A_701 = tpu.vector_load %arg11[%swap3A_699, %swap3A_700] {strides = array<i32>} : memref<128x128xf32, #tpu.memory_space<vmem>>, vector<1x16xf32>,
        %swap3A_702 = vector.shape_cast %swap3A_701 : vector<1x16xf32> to vector<16xf32>
        %swap3A_703 = vector.shape_cast %mul3A_698 : vector<16xf32> to vector<1x16xf32>
        tpu.vector_store %arg11[%swap3A_699, %swap3A_700], %swap3A_703 {strides = array<i32>} : memref<128x128xf32, #tpu.memory_space<vmem>>, vector<1x16xf32>,
        %get3A_704 = arith.index_cast %add3A_635 : i32 to index
        %get3A_705 = arith.constant 96 : index
        %get3A_706 = tpu.vector_load %arg11[%get3A_704, %get3A_705] {strides = array<i32>} : memref<128x128xf32, #tpu.memory_space<vmem>>, vector<1x16xf32>,
        %get3A_707 = vector.shape_cast %get3A_706 : vector<1x16xf32> to vector<16xf32>
        %mul3A_708 = vector.broadcast %squeeze3A_637 : f32 to vector<16xf32>
        %mul3A_709 = arith.mulf %get3A_707, %mul3A_708 : vector<16xf32>
        %swap3A_710 = arith.index_cast %add3A_635 : i32 to index
        %swap3A_711 = arith.constant 96 : index
        %swap3A_712 = tpu.vector_load %arg11[%swap3A_710, %swap3A_711] {strides = array<i32>} : memref<128x128xf32, #tpu.memory_space<vmem>>, vector<1x16xf32>,
        %swap3A_713 = vector.shape_cast %swap3A_712 : vector<1x16xf32> to vector<16xf32>
        %swap3A_714 = vector.shape_cast %mul3A_709 : vector<16xf32> to vector<1x16xf32>
        tpu.vector_store %arg11[%swap3A_710, %swap3A_711], %swap3A_714 {strides = array<i32>} : memref<128x128xf32, #tpu.memory_space<vmem>>, vector<1x16xf32>,
        %get3A_715 = arith.index_cast %add3A_635 : i32 to index
        %get3A_716 = arith.constant 112 : index
        %get3A_717 = tpu.vector_load %arg11[%get3A_715, %get3A_716] {strides = array<i32>} : memref<128x128xf32, #tpu.memory_space<vmem>>, vector<1x16xf32>,
        %get3A_718 = vector.shape_cast %get3A_717 : vector<1x16xf32> to vector<16xf32>
        %mul3A_719 = vector.broadcast %squeeze3A_637 : f32 to vector<16xf32>
        %mul3A_720 = arith.mulf %get3A_718, %mul3A_719 : vector<16xf32>
        %swap3A_721 = arith.index_cast %add3A_635 : i32 to index
        %swap3A_722 = arith.constant 112 : index
        %swap3A_723 = tpu.vector_load %arg11[%swap3A_721, %swap3A_722] {strides = array<i32>} : memref<128x128xf32, #tpu.memory_space<vmem>>, vector<1x16xf32>,
        %swap3A_724 = vector.shape_cast %swap3A_723 : vector<1x16xf32> to vector<16xf32>
        %swap3A_725 = vector.shape_cast %mul3A_720 : vector<16xf32> to vector<1x16xf32>
        tpu.vector_store %arg11[%swap3A_721, %swap3A_722], %swap3A_725 {strides = array<i32>} : memref<128x128xf32, #tpu.memory_space<vmem>>, vector<1x16xf32>,
        %mul3A_726 = arith.constant 16 : i32
        %mul3A_727 = arith.muli %add3A_348, %mul3A_726 : i32
        %add3A_728 = arith.constant 4 : i32
        %add3A_729 = arith.addi %mul3A_727, %add3A_728 : i32
        %slice3A_730 = vector.extract_strided_slice %get3A_352 {offsets = [4], sizes = [1], strides = [1]} : vector<16xf32> to vector<1xf32>
        %squeeze3A_731 = vector.extract %slice3A_730[0] : f32 from vector<1xf32>
        %get3A_732 = arith.index_cast %add3A_729 : i32 to index
        %get3A_733 = arith.constant 0 : index
        %get3A_734 = tpu.vector_load %arg11[%get3A_732, %get3A_733] {strides = array<i32>} : memref<128x128xf32, #tpu.memory_space<vmem>>, vector<1x16xf32>,
        %get3A_735 = vector.shape_cast %get3A_734 : vector<1x16xf32> to vector<16xf32>
        %mul3A_736 = vector.broadcast %squeeze3A_731 : f32 to vector<16xf32>
        %mul3A_737 = arith.mulf %get3A_735, %mul3A_736 : vector<16xf32>
        %swap3A_738 = arith.index_cast %add3A_729 : i32 to index
        %swap3A_739 = arith.constant 0 : index
        %swap3A_740 = tpu.vector_load %arg11[%swap3A_738, %swap3A_739] {strides = array<i32>} : memref<128x128xf32, #tpu.memory_space<vmem>>, vector<1x16xf32>,
        %swap3A_741 = vector.shape_cast %swap3A_740 : vector<1x16xf32> to vector<16xf32>
        %swap3A_742 = vector.shape_cast %mul3A_737 : vector<16xf32> to vector<1x16xf32>
        tpu.vector_store %arg11[%swap3A_738, %swap3A_739], %swap3A_742 {strides = array<i32>} : memref<128x128xf32, #tpu.memory_space<vmem>>, vector<1x16xf32>,
        %get3A_743 = arith.index_cast %add3A_729 : i32 to index
        %get3A_744 = arith.constant 16 : index
        %get3A_745 = tpu.vector_load %arg11[%get3A_743, %get3A_744] {strides = array<i32>} : memref<128x128xf32, #tpu.memory_space<vmem>>, vector<1x16xf32>,
        %get3A_746 = vector.shape_cast %get3A_745 : vector<1x16xf32> to vector<16xf32>
        %mul3A_747 = vector.broadcast %squeeze3A_731 : f32 to vector<16xf32>
        %mul3A_748 = arith.mulf %get3A_746, %mul3A_747 : vector<16xf32>
        %swap3A_749 = arith.index_cast %add3A_729 : i32 to index
        %swap3A_750 = arith.constant 16 : index
        %swap3A_751 = tpu.vector_load %arg11[%swap3A_749, %swap3A_750] {strides = array<i32>} : memref<128x128xf32, #tpu.memory_space<vmem>>, vector<1x16xf32>,
        %swap3A_752 = vector.shape_cast %swap3A_751 : vector<1x16xf32> to vector<16xf32>
        %swap3A_753 = vector.shape_cast %mul3A_748 : vector<16xf32> to vector<1x16xf32>
        tpu.vector_store %arg11[%swap3A_749, %swap3A_750], %swap3A_753 {strides = array<i32>} : memref<128x128xf32, #tpu.memory_space<vmem>>, vector<1x16xf32>,
        %get3A_754 = arith.index_cast %add3A_729 : i32 to index
        %get3A_755 = arith.constant 32 : index
        %get3A_756 = tpu.vector_load %arg11[%get3A_754, %get3A_755] {strides = array<i32>} : memref<128x128xf32, #tpu.memory_space<vmem>>, vector<1x16xf32>,
        %get3A_757 = vector.shape_cast %get3A_756 : vector<1x16xf32> to vector<16xf32>
        %mul3A_758 = vector.broadcast %squeeze3A_731 : f32 to vector<16xf32>
        %mul3A_759 = arith.mulf %get3A_757, %mul3A_758 : vector<16xf32>
        %swap3A_760 = arith.index_cast %add3A_729 : i32 to index
        %swap3A_761 = arith.constant 32 : index
        %swap3A_762 = tpu.vector_load %arg11[%swap3A_760, %swap3A_761] {strides = array<i32>} : memref<128x128xf32, #tpu.memory_space<vmem>>, vector<1x16xf32>,
        %swap3A_763 = vector.shape_cast %swap3A_762 : vector<1x16xf32> to vector<16xf32>
        %swap3A_764 = vector.shape_cast %mul3A_759 : vector<16xf32> to vector<1x16xf32>
        tpu.vector_store %arg11[%swap3A_760, %swap3A_761], %swap3A_764 {strides = array<i32>} : memref<128x128xf32, #tpu.memory_space<vmem>>, vector<1x16xf32>,
        %get3A_765 = arith.index_cast %add3A_729 : i32 to index
        %get3A_766 = arith.constant 48 : index
        %get3A_767 = tpu.vector_load %arg11[%get3A_765, %get3A_766] {strides = array<i32>} : memref<128x128xf32, #tpu.memory_space<vmem>>, vector<1x16xf32>,
        %get3A_768 = vector.shape_cast %get3A_767 : vector<1x16xf32> to vector<16xf32>
        %mul3A_769 = vector.broadcast %squeeze3A_731 : f32 to vector<16xf32>
        %mul3A_770 = arith.mulf %get3A_768, %mul3A_769 : vector<16xf32>
        %swap3A_771 = arith.index_cast %add3A_729 : i32 to index
        %swap3A_772 = arith.constant 48 : index
        %swap3A_773 = tpu.vector_load %arg11[%swap3A_771, %swap3A_772] {strides = array<i32>} : memref<128x128xf32, #tpu.memory_space<vmem>>, vector<1x16xf32>,
        %swap3A_774 = vector.shape_cast %swap3A_773 : vector<1x16xf32> to vector<16xf32>
        %swap3A_775 = vector.shape_cast %mul3A_770 : vector<16xf32> to vector<1x16xf32>
        tpu.vector_store %arg11[%swap3A_771, %swap3A_772], %swap3A_775 {strides = array<i32>} : memref<128x128xf32, #tpu.memory_space<vmem>>, vector<1x16xf32>,
        %get3A_776 = arith.index_cast %add3A_729 : i32 to index
        %get3A_777 = arith.constant 64 : index
        %get3A_778 = tpu.vector_load %arg11[%get3A_776, %get3A_777] {strides = array<i32>} : memref<128x128xf32, #tpu.memory_space<vmem>>, vector<1x16xf32>,
        %get3A_779 = vector.shape_cast %get3A_778 : vector<1x16xf32> to vector<16xf32>
        %mul3A_780 = vector.broadcast %squeeze3A_731 : f32 to vector<16xf32>
        %mul3A_781 = arith.mulf %get3A_779, %mul3A_780 : vector<16xf32>
        %swap3A_782 = arith.index_cast %add3A_729 : i32 to index
        %swap3A_783 = arith.constant 64 : index
        %swap3A_784 = tpu.vector_load %arg11[%swap3A_782, %swap3A_783] {strides = array<i32>} : memref<128x128xf32, #tpu.memory_space<vmem>>, vector<1x16xf32>,
        %swap3A_785 = vector.shape_cast %swap3A_784 : vector<1x16xf32> to vector<16xf32>
        %swap3A_786 = vector.shape_cast %mul3A_781 : vector<16xf32> to vector<1x16xf32>
        tpu.vector_store %arg11[%swap3A_782, %swap3A_783], %swap3A_786 {strides = array<i32>} : memref<128x128xf32, #tpu.memory_space<vmem>>, vector<1x16xf32>,
        %get3A_787 = arith.index_cast %add3A_729 : i32 to index
        %get3A_788 = arith.constant 80 : index
        %get3A_789 = tpu.vector_load %arg11[%get3A_787, %get3A_788] {strides = array<i32>} : memref<128x128xf32, #tpu.memory_space<vmem>>, vector<1x16xf32>,
        %get3A_790 = vector.shape_cast %get3A_789 : vector<1x16xf32> to vector<16xf32>
        %mul3A_791 = vector.broadcast %squeeze3A_731 : f32 to vector<16xf32>
        %mul3A_792 = arith.mulf %get3A_790, %mul3A_791 : vector<16xf32>
        %swap3A_793 = arith.index_cast %add3A_729 : i32 to index
        %swap3A_794 = arith.constant 80 : index
        %swap3A_795 = tpu.vector_load %arg11[%swap3A_793, %swap3A_794] {strides = array<i32>} : memref<128x128xf32, #tpu.memory_space<vmem>>, vector<1x16xf32>,
        %swap3A_796 = vector.shape_cast %swap3A_795 : vector<1x16xf32> to vector<16xf32>
        %swap3A_797 = vector.shape_cast %mul3A_792 : vector<16xf32> to vector<1x16xf32>
        tpu.vector_store %arg11[%swap3A_793, %swap3A_794], %swap3A_797 {strides = array<i32>} : memref<128x128xf32, #tpu.memory_space<vmem>>, vector<1x16xf32>,
        %get3A_798 = arith.index_cast %add3A_729 : i32 to index
        %get3A_799 = arith.constant 96 : index
        %get3A_800 = tpu.vector_load %arg11[%get3A_798, %get3A_799] {strides = array<i32>} : memref<128x128xf32, #tpu.memory_space<vmem>>, vector<1x16xf32>,
        %get3A_801 = vector.shape_cast %get3A_800 : vector<1x16xf32> to vector<16xf32>
        %mul3A_802 = vector.broadcast %squeeze3A_731 : f32 to vector<16xf32>
        %mul3A_803 = arith.mulf %get3A_801, %mul3A_802 : vector<16xf32>
        %swap3A_804 = arith.index_cast %add3A_729 : i32 to index
        %swap3A_805 = arith.constant 96 : index
        %swap3A_806 = tpu.vector_load %arg11[%swap3A_804, %swap3A_805] {strides = array<i32>} : memref<128x128xf32, #tpu.memory_space<vmem>>, vector<1x16xf32>,
        %swap3A_807 = vector.shape_cast %swap3A_806 : vector<1x16xf32> to vector<16xf32>
        %swap3A_808 = vector.shape_cast %mul3A_803 : vector<16xf32> to vector<1x16xf32>
        tpu.vector_store %arg11[%swap3A_804, %swap3A_805], %swap3A_808 {strides = array<i32>} : memref<128x128xf32, #tpu.memory_space<vmem>>, vector<1x16xf32>,
        %get3A_809 = arith.index_cast %add3A_729 : i32 to index
        %get3A_810 = arith.constant 112 : index
        %get3A_811 = tpu.vector_load %arg11[%get3A_809, %get3A_810] {strides = array<i32>} : memref<128x128xf32, #tpu.memory_space<vmem>>, vector<1x16xf32>,
        %get3A_812 = vector.shape_cast %get3A_811 : vector<1x16xf32> to vector<16xf32>
        %mul3A_813 = vector.broadcast %squeeze3A_731 : f32 to vector<16xf32>
        %mul3A_814 = arith.mulf %get3A_812, %mul3A_813 : vector<16xf32>
        %swap3A_815 = arith.index_cast %add3A_729 : i32 to index
        %swap3A_816 = arith.constant 112 : index
        %swap3A_817 = tpu.vector_load %arg11[%swap3A_815, %swap3A_816] {strides = array<i32>} : memref<128x128xf32, #tpu.memory_space<vmem>>, vector<1x16xf32>,
        %swap3A_818 = vector.shape_cast %swap3A_817 : vector<1x16xf32> to vector<16xf32>
        %swap3A_819 = vector.shape_cast %mul3A_814 : vector<16xf32> to vector<1x16xf32>
        tpu.vector_store %arg11[%swap3A_815, %swap3A_816], %swap3A_819 {strides = array<i32>} : memref<128x128xf32, #tpu.memory_space<vmem>>, vector<1x16xf32>,
        %mul3A_820 = arith.constant 16 : i32
        %mul3A_821 = arith.muli %add3A_348, %mul3A_820 : i32
        %add3A_822 = arith.constant 5 : i32
        %add3A_823 = arith.addi %mul3A_821, %add3A_822 : i32
        %slice3A_824 = vector.extract_strided_slice %get3A_352 {offsets = [5], sizes = [1], strides = [1]} : vector<16xf32> to vector<1xf32>
        %squeeze3A_825 = vector.extract %slice3A_824[0] : f32 from vector<1xf32>
        %get3A_826 = arith.index_cast %add3A_823 : i32 to index
        %get3A_827 = arith.constant 0 : index
        %get3A_828 = tpu.vector_load %arg11[%get3A_826, %get3A_827] {strides = array<i32>} : memref<128x128xf32, #tpu.memory_space<vmem>>, vector<1x16xf32>,
        %get3A_829 = vector.shape_cast %get3A_828 : vector<1x16xf32> to vector<16xf32>
        %mul3A_830 = vector.broadcast %squeeze3A_825 : f32 to vector<16xf32>
        %mul3A_831 = arith.mulf %get3A_829, %mul3A_830 : vector<16xf32>
        %swap3A_832 = arith.index_cast %add3A_823 : i32 to index
        %swap3A_833 = arith.constant 0 : index
        %swap3A_834 = tpu.vector_load %arg11[%swap3A_832, %swap3A_833] {strides = array<i32>} : memref<128x128xf32, #tpu.memory_space<vmem>>, vector<1x16xf32>,
        %swap3A_835 = vector.shape_cast %swap3A_834 : vector<1x16xf32> to vector<16xf32>
        %swap3A_836 = vector.shape_cast %mul3A_831 : vector<16xf32> to vector<1x16xf32>
        tpu.vector_store %arg11[%swap3A_832, %swap3A_833], %swap3A_836 {strides = array<i32>} : memref<128x128xf32, #tpu.memory_space<vmem>>, vector<1x16xf32>,
        %get3A_837 = arith.index_cast %add3A_823 : i32 to index
        %get3A_838 = arith.constant 16 : index
        %get3A_839 = tpu.vector_load %arg11[%get3A_837, %get3A_838] {strides = array<i32>} : memref<128x128xf32, #tpu.memory_space<vmem>>, vector<1x16xf32>,
        %get3A_840 = vector.shape_cast %get3A_839 : vector<1x16xf32> to vector<16xf32>
        %mul3A_841 = vector.broadcast %squeeze3A_825 : f32 to vector<16xf32>
        %mul3A_842 = arith.mulf %get3A_840, %mul3A_841 : vector<16xf32>
        %swap3A_843 = arith.index_cast %add3A_823 : i32 to index
        %swap3A_844 = arith.constant 16 : index
        %swap3A_845 = tpu.vector_load %arg11[%swap3A_843, %swap3A_844] {strides = array<i32>} : memref<128x128xf32, #tpu.memory_space<vmem>>, vector<1x16xf32>,
        %swap3A_846 = vector.shape_cast %swap3A_845 : vector<1x16xf32> to vector<16xf32>
        %swap3A_847 = vector.shape_cast %mul3A_842 : vector<16xf32> to vector<1x16xf32>
        tpu.vector_store %arg11[%swap3A_843, %swap3A_844], %swap3A_847 {strides = array<i32>} : memref<128x128xf32, #tpu.memory_space<vmem>>, vector<1x16xf32>,
        %get3A_848 = arith.index_cast %add3A_823 : i32 to index
        %get3A_849 = arith.constant 32 : index
        %get3A_850 = tpu.vector_load %arg11[%get3A_848, %get3A_849] {strides = array<i32>} : memref<128x128xf32, #tpu.memory_space<vmem>>, vector<1x16xf32>,
        %get3A_851 = vector.shape_cast %get3A_850 : vector<1x16xf32> to vector<16xf32>
        %mul3A_852 = vector.broadcast %squeeze3A_825 : f32 to vector<16xf32>
        %mul3A_853 = arith.mulf %get3A_851, %mul3A_852 : vector<16xf32>
        %swap3A_854 = arith.index_cast %add3A_823 : i32 to index
        %swap3A_855 = arith.constant 32 : index
        %swap3A_856 = tpu.vector_load %arg11[%swap3A_854, %swap3A_855] {strides = array<i32>} : memref<128x128xf32, #tpu.memory_space<vmem>>, vector<1x16xf32>,
        %swap3A_857 = vector.shape_cast %swap3A_856 : vector<1x16xf32> to vector<16xf32>
        %swap3A_858 = vector.shape_cast %mul3A_853 : vector<16xf32> to vector<1x16xf32>
        tpu.vector_store %arg11[%swap3A_854, %swap3A_855], %swap3A_858 {strides = array<i32>} : memref<128x128xf32, #tpu.memory_space<vmem>>, vector<1x16xf32>,
        %get3A_859 = arith.index_cast %add3A_823 : i32 to index
        %get3A_860 = arith.constant 48 : index
        %get3A_861 = tpu.vector_load %arg11[%get3A_859, %get3A_860] {strides = array<i32>} : memref<128x128xf32, #tpu.memory_space<vmem>>, vector<1x16xf32>,
        %get3A_862 = vector.shape_cast %get3A_861 : vector<1x16xf32> to vector<16xf32>
        %mul3A_863 = vector.broadcast %squeeze3A_825 : f32 to vector<16xf32>
        %mul3A_864 = arith.mulf %get3A_862, %mul3A_863 : vector<16xf32>
        %swap3A_865 = arith.index_cast %add3A_823 : i32 to index
        %swap3A_866 = arith.constant 48 : index
        %swap3A_867 = tpu.vector_load %arg11[%swap3A_865, %swap3A_866] {strides = array<i32>} : memref<128x128xf32, #tpu.memory_space<vmem>>, vector<1x16xf32>,
        %swap3A_868 = vector.shape_cast %swap3A_867 : vector<1x16xf32> to vector<16xf32>
        %swap3A_869 = vector.shape_cast %mul3A_864 : vector<16xf32> to vector<1x16xf32>
        tpu.vector_store %arg11[%swap3A_865, %swap3A_866], %swap3A_869 {strides = array<i32>} : memref<128x128xf32, #tpu.memory_space<vmem>>, vector<1x16xf32>,
        %get3A_870 = arith.index_cast %add3A_823 : i32 to index
        %get3A_871 = arith.constant 64 : index
        %get3A_872 = tpu.vector_load %arg11[%get3A_870, %get3A_871] {strides = array<i32>} : memref<128x128xf32, #tpu.memory_space<vmem>>, vector<1x16xf32>,
        %get3A_873 = vector.shape_cast %get3A_872 : vector<1x16xf32> to vector<16xf32>
        %mul3A_874 = vector.broadcast %squeeze3A_825 : f32 to vector<16xf32>
        %mul3A_875 = arith.mulf %get3A_873, %mul3A_874 : vector<16xf32>
        %swap3A_876 = arith.index_cast %add3A_823 : i32 to index
        %swap3A_877 = arith.constant 64 : index
        %swap3A_878 = tpu.vector_load %arg11[%swap3A_876, %swap3A_877] {strides = array<i32>} : memref<128x128xf32, #tpu.memory_space<vmem>>, vector<1x16xf32>,
        %swap3A_879 = vector.shape_cast %swap3A_878 : vector<1x16xf32> to vector<16xf32>
        %swap3A_880 = vector.shape_cast %mul3A_875 : vector<16xf32> to vector<1x16xf32>
        tpu.vector_store %arg11[%swap3A_876, %swap3A_877], %swap3A_880 {strides = array<i32>} : memref<128x128xf32, #tpu.memory_space<vmem>>, vector<1x16xf32>,
        %get3A_881 = arith.index_cast %add3A_823 : i32 to index
        %get3A_882 = arith.constant 80 : index
        %get3A_883 = tpu.vector_load %arg11[%get3A_881, %get3A_882] {strides = array<i32>} : memref<128x128xf32, #tpu.memory_space<vmem>>, vector<1x16xf32>,
        %get3A_884 = vector.shape_cast %get3A_883 : vector<1x16xf32> to vector<16xf32>
        %mul3A_885 = vector.broadcast %squeeze3A_825 : f32 to vector<16xf32>
        %mul3A_886 = arith.mulf %get3A_884, %mul3A_885 : vector<16xf32>
        %swap3A_887 = arith.index_cast %add3A_823 : i32 to index
        %swap3A_888 = arith.constant 80 : index
        %swap3A_889 = tpu.vector_load %arg11[%swap3A_887, %swap3A_888] {strides = array<i32>} : memref<128x128xf32, #tpu.memory_space<vmem>>, vector<1x16xf32>,
        %swap3A_890 = vector.shape_cast %swap3A_889 : vector<1x16xf32> to vector<16xf32>
        %swap3A_891 = vector.shape_cast %mul3A_886 : vector<16xf32> to vector<1x16xf32>
        tpu.vector_store %arg11[%swap3A_887, %swap3A_888], %swap3A_891 {strides = array<i32>} : memref<128x128xf32, #tpu.memory_space<vmem>>, vector<1x16xf32>,
        %get3A_892 = arith.index_cast %add3A_823 : i32 to index
        %get3A_893 = arith.constant 96 : index
        %get3A_894 = tpu.vector_load %arg11[%get3A_892, %get3A_893] {strides = array<i32>} : memref<128x128xf32, #tpu.memory_space<vmem>>, vector<1x16xf32>,
        %get3A_895 = vector.shape_cast %get3A_894 : vector<1x16xf32> to vector<16xf32>
        %mul3A_896 = vector.broadcast %squeeze3A_825 : f32 to vector<16xf32>
        %mul3A_897 = arith.mulf %get3A_895, %mul3A_896 : vector<16xf32>
        %swap3A_898 = arith.index_cast %add3A_823 : i32 to index
        %swap3A_899 = arith.constant 96 : index
        %swap3A_900 = tpu.vector_load %arg11[%swap3A_898, %swap3A_899] {strides = array<i32>} : memref<128x128xf32, #tpu.memory_space<vmem>>, vector<1x16xf32>,
        %swap3A_901 = vector.shape_cast %swap3A_900 : vector<1x16xf32> to vector<16xf32>
        %swap3A_902 = vector.shape_cast %mul3A_897 : vector<16xf32> to vector<1x16xf32>
        tpu.vector_store %arg11[%swap3A_898, %swap3A_899], %swap3A_902 {strides = array<i32>} : memref<128x128xf32, #tpu.memory_space<vmem>>, vector<1x16xf32>,
        %get3A_903 = arith.index_cast %add3A_823 : i32 to index
        %get3A_904 = arith.constant 112 : index
        %get3A_905 = tpu.vector_load %arg11[%get3A_903, %get3A_904] {strides = array<i32>} : memref<128x128xf32, #tpu.memory_space<vmem>>, vector<1x16xf32>,
        %get3A_906 = vector.shape_cast %get3A_905 : vector<1x16xf32> to vector<16xf32>
        %mul3A_907 = vector.broadcast %squeeze3A_825 : f32 to vector<16xf32>
        %mul3A_908 = arith.mulf %get3A_906, %mul3A_907 : vector<16xf32>
        %swap3A_909 = arith.index_cast %add3A_823 : i32 to index
        %swap3A_910 = arith.constant 112 : index
        %swap3A_911 = tpu.vector_load %arg11[%swap3A_909, %swap3A_910] {strides = array<i32>} : memref<128x128xf32, #tpu.memory_space<vmem>>, vector<1x16xf32>,
        %swap3A_912 = vector.shape_cast %swap3A_911 : vector<1x16xf32> to vector<16xf32>
        %swap3A_913 = vector.shape_cast %mul3A_908 : vector<16xf32> to vector<1x16xf32>
        tpu.vector_store %arg11[%swap3A_909, %swap3A_910], %swap3A_913 {strides = array<i32>} : memref<128x128xf32, #tpu.memory_space<vmem>>, vector<1x16xf32>,
        %mul3A_914 = arith.constant 16 : i32
        %mul3A_915 = arith.muli %add3A_348, %mul3A_914 : i32
        %add3A_916 = arith.constant 6 : i32
        %add3A_917 = arith.addi %mul3A_915, %add3A_916 : i32
        %slice3A_918 = vector.extract_strided_slice %get3A_352 {offsets = [6], sizes = [1], strides = [1]} : vector<16xf32> to vector<1xf32>
        %squeeze3A_919 = vector.extract %slice3A_918[0] : f32 from vector<1xf32>
        %get3A_920 = arith.index_cast %add3A_917 : i32 to index
        %get3A_921 = arith.constant 0 : index
        %get3A_922 = tpu.vector_load %arg11[%get3A_920, %get3A_921] {strides = array<i32>} : memref<128x128xf32, #tpu.memory_space<vmem>>, vector<1x16xf32>,
        %get3A_923 = vector.shape_cast %get3A_922 : vector<1x16xf32> to vector<16xf32>
        %mul3A_924 = vector.broadcast %squeeze3A_919 : f32 to vector<16xf32>
        %mul3A_925 = arith.mulf %get3A_923, %mul3A_924 : vector<16xf32>
        %swap3A_926 = arith.index_cast %add3A_917 : i32 to index
        %swap3A_927 = arith.constant 0 : index
        %swap3A_928 = tpu.vector_load %arg11[%swap3A_926, %swap3A_927] {strides = array<i32>} : memref<128x128xf32, #tpu.memory_space<vmem>>, vector<1x16xf32>,
        %swap3A_929 = vector.shape_cast %swap3A_928 : vector<1x16xf32> to vector<16xf32>
        %swap3A_930 = vector.shape_cast %mul3A_925 : vector<16xf32> to vector<1x16xf32>
        tpu.vector_store %arg11[%swap3A_926, %swap3A_927], %swap3A_930 {strides = array<i32>} : memref<128x128xf32, #tpu.memory_space<vmem>>, vector<1x16xf32>,
        %get3A_931 = arith.index_cast %add3A_917 : i32 to index
        %get3A_932 = arith.constant 16 : index
        %get3A_933 = tpu.vector_load %arg11[%get3A_931, %get3A_932] {strides = array<i32>} : memref<128x128xf32, #tpu.memory_space<vmem>>, vector<1x16xf32>,
        %get3A_934 = vector.shape_cast %get3A_933 : vector<1x16xf32> to vector<16xf32>
        %mul3A_935 = vector.broadcast %squeeze3A_919 : f32 to vector<16xf32>
        %mul3A_936 = arith.mulf %get3A_934, %mul3A_935 : vector<16xf32>
        %swap3A_937 = arith.index_cast %add3A_917 : i32 to index
        %swap3A_938 = arith.constant 16 : index
        %swap3A_939 = tpu.vector_load %arg11[%swap3A_937, %swap3A_938] {strides = array<i32>} : memref<128x128xf32, #tpu.memory_space<vmem>>, vector<1x16xf32>,
        %swap3A_940 = vector.shape_cast %swap3A_939 : vector<1x16xf32> to vector<16xf32>
        %swap3A_941 = vector.shape_cast %mul3A_936 : vector<16xf32> to vector<1x16xf32>
        tpu.vector_store %arg11[%swap3A_937, %swap3A_938], %swap3A_941 {strides = array<i32>} : memref<128x128xf32, #tpu.memory_space<vmem>>, vector<1x16xf32>,
        %get3A_942 = arith.index_cast %add3A_917 : i32 to index
        %get3A_943 = arith.constant 32 : index
        %get3A_944 = tpu.vector_load %arg11[%get3A_942, %get3A_943] {strides = array<i32>} : memref<128x128xf32, #tpu.memory_space<vmem>>, vector<1x16xf32>,
        %get3A_945 = vector.shape_cast %get3A_944 : vector<1x16xf32> to vector<16xf32>
        %mul3A_946 = vector.broadcast %squeeze3A_919 : f32 to vector<16xf32>
        %mul3A_947 = arith.mulf %get3A_945, %mul3A_946 : vector<16xf32>
        %swap3A_948 = arith.index_cast %add3A_917 : i32 to index
        %swap3A_949 = arith.constant 32 : index
        %swap3A_950 = tpu.vector_load %arg11[%swap3A_948, %swap3A_949] {strides = array<i32>} : memref<128x128xf32, #tpu.memory_space<vmem>>, vector<1x16xf32>,
        %swap3A_951 = vector.shape_cast %swap3A_950 : vector<1x16xf32> to vector<16xf32>
        %swap3A_952 = vector.shape_cast %mul3A_947 : vector<16xf32> to vector<1x16xf32>
        tpu.vector_store %arg11[%swap3A_948, %swap3A_949], %swap3A_952 {strides = array<i32>} : memref<128x128xf32, #tpu.memory_space<vmem>>, vector<1x16xf32>,
        %get3A_953 = arith.index_cast %add3A_917 : i32 to index
        %get3A_954 = arith.constant 48 : index
        %get3A_955 = tpu.vector_load %arg11[%get3A_953, %get3A_954] {strides = array<i32>} : memref<128x128xf32, #tpu.memory_space<vmem>>, vector<1x16xf32>,
        %get3A_956 = vector.shape_cast %get3A_955 : vector<1x16xf32> to vector<16xf32>
        %mul3A_957 = vector.broadcast %squeeze3A_919 : f32 to vector<16xf32>
        %mul3A_958 = arith.mulf %get3A_956, %mul3A_957 : vector<16xf32>
        %swap3A_959 = arith.index_cast %add3A_917 : i32 to index
        %swap3A_960 = arith.constant 48 : index
        %swap3A_961 = tpu.vector_load %arg11[%swap3A_959, %swap3A_960] {strides = array<i32>} : memref<128x128xf32, #tpu.memory_space<vmem>>, vector<1x16xf32>,
        %swap3A_962 = vector.shape_cast %swap3A_961 : vector<1x16xf32> to vector<16xf32>
        %swap3A_963 = vector.shape_cast %mul3A_958 : vector<16xf32> to vector<1x16xf32>
        tpu.vector_store %arg11[%swap3A_959, %swap3A_960], %swap3A_963 {strides = array<i32>} : memref<128x128xf32, #tpu.memory_space<vmem>>, vector<1x16xf32>,
        %get3A_964 = arith.index_cast %add3A_917 : i32 to index
        %get3A_965 = arith.constant 64 : index
        %get3A_966 = tpu.vector_load %arg11[%get3A_964, %get3A_965] {strides = array<i32>} : memref<128x128xf32, #tpu.memory_space<vmem>>, vector<1x16xf32>,
        %get3A_967 = vector.shape_cast %get3A_966 : vector<1x16xf32> to vector<16xf32>
        %mul3A_968 = vector.broadcast %squeeze3A_919 : f32 to vector<16xf32>
        %mul3A_969 = arith.mulf %get3A_967, %mul3A_968 : vector<16xf32>
        %swap3A_970 = arith.index_cast %add3A_917 : i32 to index
        %swap3A_971 = arith.constant 64 : index
        %swap3A_972 = tpu.vector_load %arg11[%swap3A_970, %swap3A_971] {strides = array<i32>} : memref<128x128xf32, #tpu.memory_space<vmem>>, vector<1x16xf32>,
        %swap3A_973 = vector.shape_cast %swap3A_972 : vector<1x16xf32> to vector<16xf32>
        %swap3A_974 = vector.shape_cast %mul3A_969 : vector<16xf32> to vector<1x16xf32>
        tpu.vector_store %arg11[%swap3A_970, %swap3A_971], %swap3A_974 {strides = array<i32>} : memref<128x128xf32, #tpu.memory_space<vmem>>, vector<1x16xf32>,
        %get3A_975 = arith.index_cast %add3A_917 : i32 to index
        %get3A_976 = arith.constant 80 : index
        %get3A_977 = tpu.vector_load %arg11[%get3A_975, %get3A_976] {strides = array<i32>} : memref<128x128xf32, #tpu.memory_space<vmem>>, vector<1x16xf32>,
        %get3A_978 = vector.shape_cast %get3A_977 : vector<1x16xf32> to vector<16xf32>
        %mul3A_979 = vector.broadcast %squeeze3A_919 : f32 to vector<16xf32>
        %mul3A_980 = arith.mulf %get3A_978, %mul3A_979 : vector<16xf32>
        %swap3A_981 = arith.index_cast %add3A_917 : i32 to index
        %swap3A_982 = arith.constant 80 : index
        %swap3A_983 = tpu.vector_load %arg11[%swap3A_981, %swap3A_982] {strides = array<i32>} : memref<128x128xf32, #tpu.memory_space<vmem>>, vector<1x16xf32>,
        %swap3A_984 = vector.shape_cast %swap3A_983 : vector<1x16xf32> to vector<16xf32>
        %swap3A_985 = vector.shape_cast %mul3A_980 : vector<16xf32> to vector<1x16xf32>
        tpu.vector_store %arg11[%swap3A_981, %swap3A_982], %swap3A_985 {strides = array<i32>} : memref<128x128xf32, #tpu.memory_space<vmem>>, vector<1x16xf32>,
        %get3A_986 = arith.index_cast %add3A_917 : i32 to index
        %get3A_987 = arith.constant 96 : index
        %get3A_988 = tpu.vector_load %arg11[%get3A_986, %get3A_987] {strides = array<i32>} : memref<128x128xf32, #tpu.memory_space<vmem>>, vector<1x16xf32>,
        %get3A_989 = vector.shape_cast %get3A_988 : vector<1x16xf32> to vector<16xf32>
        %mul3A_990 = vector.broadcast %squeeze3A_919 : f32 to vector<16xf32>
        %mul3A_991 = arith.mulf %get3A_989, %mul3A_990 : vector<16xf32>
        %swap3A_992 = arith.index_cast %add3A_917 : i32 to index
        %swap3A_993 = arith.constant 96 : index
        %swap3A_994 = tpu.vector_load %arg11[%swap3A_992, %swap3A_993] {strides = array<i32>} : memref<128x128xf32, #tpu.memory_space<vmem>>, vector<1x16xf32>,
        %swap3A_995 = vector.shape_cast %swap3A_994 : vector<1x16xf32> to vector<16xf32>
        %swap3A_996 = vector.shape_cast %mul3A_991 : vector<16xf32> to vector<1x16xf32>
        tpu.vector_store %arg11[%swap3A_992, %swap3A_993], %swap3A_996 {strides = array<i32>} : memref<128x128xf32, #tpu.memory_space<vmem>>, vector<1x16xf32>,
        %get3A_997 = arith.index_cast %add3A_917 : i32 to index
        %get3A_998 = arith.constant 112 : index
        %get3A_999 = tpu.vector_load %arg11[%get3A_997, %get3A_998] {strides = array<i32>} : memref<128x128xf32, #tpu.memory_space<vmem>>, vector<1x16xf32>,
        %get3A_1000 = vector.shape_cast %get3A_999 : vector<1x16xf32> to vector<16xf32>
        %mul3A_1001 = vector.broadcast %squeeze3A_919 : f32 to vector<16xf32>
        %mul3A_1002 = arith.mulf %get3A_1000, %mul3A_1001 : vector<16xf32>
        %swap3A_1003 = arith.index_cast %add3A_917 : i32 to index
        %swap3A_1004 = arith.constant 112 : index
        %swap3A_1005 = tpu.vector_load %arg11[%swap3A_1003, %swap3A_1004] {strides = array<i32>} : memref<128x128xf32, #tpu.memory_space<vmem>>, vector<1x16xf32>,
        %swap3A_1006 = vector.shape_cast %swap3A_1005 : vector<1x16xf32> to vector<16xf32>
        %swap3A_1007 = vector.shape_cast %mul3A_1002 : vector<16xf32> to vector<1x16xf32>
        tpu.vector_store %arg11[%swap3A_1003, %swap3A_1004], %swap3A_1007 {strides = array<i32>} : memref<128x128xf32, #tpu.memory_space<vmem>>, vector<1x16xf32>,
        %mul3A_1008 = arith.constant 16 : i32
        %mul3A_1009 = arith.muli %add3A_348, %mul3A_1008 : i32
        %add3A_1010 = arith.constant 7 : i32
        %add3A_1011 = arith.addi %mul3A_1009, %add3A_1010 : i32
        %slice3A_1012 = vector.extract_strided_slice %get3A_352 {offsets = [7], sizes = [1], strides = [1]} : vector<16xf32> to vector<1xf32>
        %squeeze3A_1013 = vector.extract %slice3A_1012[0] : f32 from vector<1xf32>
        %get3A_1014 = arith.index_cast %add3A_1011 : i32 to index
        %get3A_1015 = arith.constant 0 : index
        %get3A_1016 = tpu.vector_load %arg11[%get3A_1014, %get3A_1015] {strides = array<i32>} : memref<128x128xf32, #tpu.memory_space<vmem>>, vector<1x16xf32>,
        %get3A_1017 = vector.shape_cast %get3A_1016 : vector<1x16xf32> to vector<16xf32>
        %mul3A_1018 = vector.broadcast %squeeze3A_1013 : f32 to vector<16xf32>
        %mul3A_1019 = arith.mulf %get3A_1017, %mul3A_1018 : vector<16xf32>
        %swap3A_1020 = arith.index_cast %add3A_1011 : i32 to index
        %swap3A_1021 = arith.constant 0 : index
        %swap3A_1022 = tpu.vector_load %arg11[%swap3A_1020, %swap3A_1021] {strides = array<i32>} : memref<128x128xf32, #tpu.memory_space<vmem>>, vector<1x16xf32>,
        %swap3A_1023 = vector.shape_cast %swap3A_1022 : vector<1x16xf32> to vector<16xf32>
        %swap3A_1024 = vector.shape_cast %mul3A_1019 : vector<16xf32> to vector<1x16xf32>
        tpu.vector_store %arg11[%swap3A_1020, %swap3A_1021], %swap3A_1024 {strides = array<i32>} : memref<128x128xf32, #tpu.memory_space<vmem>>, vector<1x16xf32>,
        %get3A_1025 = arith.index_cast %add3A_1011 : i32 to index
        %get3A_1026 = arith.constant 16 : index
        %get3A_1027 = tpu.vector_load %arg11[%get3A_1025, %get3A_1026] {strides = array<i32>} : memref<128x128xf32, #tpu.memory_space<vmem>>, vector<1x16xf32>,
        %get3A_1028 = vector.shape_cast %get3A_1027 : vector<1x16xf32> to vector<16xf32>
        %mul3A_1029 = vector.broadcast %squeeze3A_1013 : f32 to vector<16xf32>
        %mul3A_1030 = arith.mulf %get3A_1028, %mul3A_1029 : vector<16xf32>
        %swap3A_1031 = arith.index_cast %add3A_1011 : i32 to index
        %swap3A_1032 = arith.constant 16 : index
        %swap3A_1033 = tpu.vector_load %arg11[%swap3A_1031, %swap3A_1032] {strides = array<i32>} : memref<128x128xf32, #tpu.memory_space<vmem>>, vector<1x16xf32>,
        %swap3A_1034 = vector.shape_cast %swap3A_1033 : vector<1x16xf32> to vector<16xf32>
        %swap3A_1035 = vector.shape_cast %mul3A_1030 : vector<16xf32> to vector<1x16xf32>
        tpu.vector_store %arg11[%swap3A_1031, %swap3A_1032], %swap3A_1035 {strides = array<i32>} : memref<128x128xf32, #tpu.memory_space<vmem>>, vector<1x16xf32>,
        %get3A_1036 = arith.index_cast %add3A_1011 : i32 to index
        %get3A_1037 = arith.constant 32 : index
        %get3A_1038 = tpu.vector_load %arg11[%get3A_1036, %get3A_1037] {strides = array<i32>} : memref<128x128xf32, #tpu.memory_space<vmem>>, vector<1x16xf32>,
        %get3A_1039 = vector.shape_cast %get3A_1038 : vector<1x16xf32> to vector<16xf32>
        %mul3A_1040 = vector.broadcast %squeeze3A_1013 : f32 to vector<16xf32>
        %mul3A_1041 = arith.mulf %get3A_1039, %mul3A_1040 : vector<16xf32>
        %swap3A_1042 = arith.index_cast %add3A_1011 : i32 to index
        %swap3A_1043 = arith.constant 32 : index
        %swap3A_1044 = tpu.vector_load %arg11[%swap3A_1042, %swap3A_1043] {strides = array<i32>} : memref<128x128xf32, #tpu.memory_space<vmem>>, vector<1x16xf32>,
        %swap3A_1045 = vector.shape_cast %swap3A_1044 : vector<1x16xf32> to vector<16xf32>
        %swap3A_1046 = vector.shape_cast %mul3A_1041 : vector<16xf32> to vector<1x16xf32>
        tpu.vector_store %arg11[%swap3A_1042, %swap3A_1043], %swap3A_1046 {strides = array<i32>} : memref<128x128xf32, #tpu.memory_space<vmem>>, vector<1x16xf32>,
        %get3A_1047 = arith.index_cast %add3A_1011 : i32 to index
        %get3A_1048 = arith.constant 48 : index
        %get3A_1049 = tpu.vector_load %arg11[%get3A_1047, %get3A_1048] {strides = array<i32>} : memref<128x128xf32, #tpu.memory_space<vmem>>, vector<1x16xf32>,
        %get3A_1050 = vector.shape_cast %get3A_1049 : vector<1x16xf32> to vector<16xf32>
        %mul3A_1051 = vector.broadcast %squeeze3A_1013 : f32 to vector<16xf32>
        %mul3A_1052 = arith.mulf %get3A_1050, %mul3A_1051 : vector<16xf32>
        %swap3A_1053 = arith.index_cast %add3A_1011 : i32 to index
        %swap3A_1054 = arith.constant 48 : index
        %swap3A_1055 = tpu.vector_load %arg11[%swap3A_1053, %swap3A_1054] {strides = array<i32>} : memref<128x128xf32, #tpu.memory_space<vmem>>, vector<1x16xf32>,
        %swap3A_1056 = vector.shape_cast %swap3A_1055 : vector<1x16xf32> to vector<16xf32>
        %swap3A_1057 = vector.shape_cast %mul3A_1052 : vector<16xf32> to vector<1x16xf32>
        tpu.vector_store %arg11[%swap3A_1053, %swap3A_1054], %swap3A_1057 {strides = array<i32>} : memref<128x128xf32, #tpu.memory_space<vmem>>, vector<1x16xf32>,
        %get3A_1058 = arith.index_cast %add3A_1011 : i32 to index
        %get3A_1059 = arith.constant 64 : index
        %get3A_1060 = tpu.vector_load %arg11[%get3A_1058, %get3A_1059] {strides = array<i32>} : memref<128x128xf32, #tpu.memory_space<vmem>>, vector<1x16xf32>,
        %get3A_1061 = vector.shape_cast %get3A_1060 : vector<1x16xf32> to vector<16xf32>
        %mul3A_1062 = vector.broadcast %squeeze3A_1013 : f32 to vector<16xf32>
        %mul3A_1063 = arith.mulf %get3A_1061, %mul3A_1062 : vector<16xf32>
        %swap3A_1064 = arith.index_cast %add3A_1011 : i32 to index
        %swap3A_1065 = arith.constant 64 : index
        %swap3A_1066 = tpu.vector_load %arg11[%swap3A_1064, %swap3A_1065] {strides = array<i32>} : memref<128x128xf32, #tpu.memory_space<vmem>>, vector<1x16xf32>,
        %swap3A_1067 = vector.shape_cast %swap3A_1066 : vector<1x16xf32> to vector<16xf32>
        %swap3A_1068 = vector.shape_cast %mul3A_1063 : vector<16xf32> to vector<1x16xf32>
        tpu.vector_store %arg11[%swap3A_1064, %swap3A_1065], %swap3A_1068 {strides = array<i32>} : memref<128x128xf32, #tpu.memory_space<vmem>>, vector<1x16xf32>,
        %get3A_1069 = arith.index_cast %add3A_1011 : i32 to index
        %get3A_1070 = arith.constant 80 : index
        %get3A_1071 = tpu.vector_load %arg11[%get3A_1069, %get3A_1070] {strides = array<i32>} : memref<128x128xf32, #tpu.memory_space<vmem>>, vector<1x16xf32>,
        %get3A_1072 = vector.shape_cast %get3A_1071 : vector<1x16xf32> to vector<16xf32>
        %mul3A_1073 = vector.broadcast %squeeze3A_1013 : f32 to vector<16xf32>
        %mul3A_1074 = arith.mulf %get3A_1072, %mul3A_1073 : vector<16xf32>
        %swap3A_1075 = arith.index_cast %add3A_1011 : i32 to index
        %swap3A_1076 = arith.constant 80 : index
        %swap3A_1077 = tpu.vector_load %arg11[%swap3A_1075, %swap3A_1076] {strides = array<i32>} : memref<128x128xf32, #tpu.memory_space<vmem>>, vector<1x16xf32>,
        %swap3A_1078 = vector.shape_cast %swap3A_1077 : vector<1x16xf32> to vector<16xf32>
        %swap3A_1079 = vector.shape_cast %mul3A_1074 : vector<16xf32> to vector<1x16xf32>
        tpu.vector_store %arg11[%swap3A_1075, %swap3A_1076], %swap3A_1079 {strides = array<i32>} : memref<128x128xf32, #tpu.memory_space<vmem>>, vector<1x16xf32>,
        %get3A_1080 = arith.index_cast %add3A_1011 : i32 to index
        %get3A_1081 = arith.constant 96 : index
        %get3A_1082 = tpu.vector_load %arg11[%get3A_1080, %get3A_1081] {strides = array<i32>} : memref<128x128xf32, #tpu.memory_space<vmem>>, vector<1x16xf32>,
        %get3A_1083 = vector.shape_cast %get3A_1082 : vector<1x16xf32> to vector<16xf32>
        %mul3A_1084 = vector.broadcast %squeeze3A_1013 : f32 to vector<16xf32>
        %mul3A_1085 = arith.mulf %get3A_1083, %mul3A_1084 : vector<16xf32>
        %swap3A_1086 = arith.index_cast %add3A_1011 : i32 to index
        %swap3A_1087 = arith.constant 96 : index
        %swap3A_1088 = tpu.vector_load %arg11[%swap3A_1086, %swap3A_1087] {strides = array<i32>} : memref<128x128xf32, #tpu.memory_space<vmem>>, vector<1x16xf32>,
        %swap3A_1089 = vector.shape_cast %swap3A_1088 : vector<1x16xf32> to vector<16xf32>
        %swap3A_1090 = vector.shape_cast %mul3A_1085 : vector<16xf32> to vector<1x16xf32>
        tpu.vector_store %arg11[%swap3A_1086, %swap3A_1087], %swap3A_1090 {strides = array<i32>} : memref<128x128xf32, #tpu.memory_space<vmem>>, vector<1x16xf32>,
        %get3A_1091 = arith.index_cast %add3A_1011 : i32 to index
        %get3A_1092 = arith.constant 112 : index
        %get3A_1093 = tpu.vector_load %arg11[%get3A_1091, %get3A_1092] {strides = array<i32>} : memref<128x128xf32, #tpu.memory_space<vmem>>, vector<1x16xf32>,
        %get3A_1094 = vector.shape_cast %get3A_1093 : vector<1x16xf32> to vector<16xf32>
        %mul3A_1095 = vector.broadcast %squeeze3A_1013 : f32 to vector<16xf32>
        %mul3A_1096 = arith.mulf %get3A_1094, %mul3A_1095 : vector<16xf32>
        %swap3A_1097 = arith.index_cast %add3A_1011 : i32 to index
        %swap3A_1098 = arith.constant 112 : index
        %swap3A_1099 = tpu.vector_load %arg11[%swap3A_1097, %swap3A_1098] {strides = array<i32>} : memref<128x128xf32, #tpu.memory_space<vmem>>, vector<1x16xf32>,
        %swap3A_1100 = vector.shape_cast %swap3A_1099 : vector<1x16xf32> to vector<16xf32>
        %swap3A_1101 = vector.shape_cast %mul3A_1096 : vector<16xf32> to vector<1x16xf32>
        tpu.vector_store %arg11[%swap3A_1097, %swap3A_1098], %swap3A_1101 {strides = array<i32>} : memref<128x128xf32, #tpu.memory_space<vmem>>, vector<1x16xf32>,
        %mul3A_1102 = arith.constant 16 : i32
        %mul3A_1103 = arith.muli %add3A_348, %mul3A_1102 : i32
        %add3A_1104 = arith.constant 8 : i32
        %add3A_1105 = arith.addi %mul3A_1103, %add3A_1104 : i32
        %slice3A_1106 = vector.extract_strided_slice %get3A_352 {offsets = [8], sizes = [1], strides = [1]} : vector<16xf32> to vector<1xf32>
        %squeeze3A_1107 = vector.extract %slice3A_1106[0] : f32 from vector<1xf32>
        %get3A_1108 = arith.index_cast %add3A_1105 : i32 to index
        %get3A_1109 = arith.constant 0 : index
        %get3A_1110 = tpu.vector_load %arg11[%get3A_1108, %get3A_1109] {strides = array<i32>} : memref<128x128xf32, #tpu.memory_space<vmem>>, vector<1x16xf32>,
        %get3A_1111 = vector.shape_cast %get3A_1110 : vector<1x16xf32> to vector<16xf32>
        %mul3A_1112 = vector.broadcast %squeeze3A_1107 : f32 to vector<16xf32>
        %mul3A_1113 = arith.mulf %get3A_1111, %mul3A_1112 : vector<16xf32>
        %swap3A_1114 = arith.index_cast %add3A_1105 : i32 to index
        %swap3A_1115 = arith.constant 0 : index
        %swap3A_1116 = tpu.vector_load %arg11[%swap3A_1114, %swap3A_1115] {strides = array<i32>} : memref<128x128xf32, #tpu.memory_space<vmem>>, vector<1x16xf32>,
        %swap3A_1117 = vector.shape_cast %swap3A_1116 : vector<1x16xf32> to vector<16xf32>
        %swap3A_1118 = vector.shape_cast %mul3A_1113 : vector<16xf32> to vector<1x16xf32>
        tpu.vector_store %arg11[%swap3A_1114, %swap3A_1115], %swap3A_1118 {strides = array<i32>} : memref<128x128xf32, #tpu.memory_space<vmem>>, vector<1x16xf32>,
        %get3A_1119 = arith.index_cast %add3A_1105 : i32 to index
        %get3A_1120 = arith.constant 16 : index
        %get3A_1121 = tpu.vector_load %arg11[%get3A_1119, %get3A_1120] {strides = array<i32>} : memref<128x128xf32, #tpu.memory_space<vmem>>, vector<1x16xf32>,
        %get3A_1122 = vector.shape_cast %get3A_1121 : vector<1x16xf32> to vector<16xf32>
        %mul3A_1123 = vector.broadcast %squeeze3A_1107 : f32 to vector<16xf32>
        %mul3A_1124 = arith.mulf %get3A_1122, %mul3A_1123 : vector<16xf32>
        %swap3A_1125 = arith.index_cast %add3A_1105 : i32 to index
        %swap3A_1126 = arith.constant 16 : index
        %swap3A_1127 = tpu.vector_load %arg11[%swap3A_1125, %swap3A_1126] {strides = array<i32>} : memref<128x128xf32, #tpu.memory_space<vmem>>, vector<1x16xf32>,
        %swap3A_1128 = vector.shape_cast %swap3A_1127 : vector<1x16xf32> to vector<16xf32>
        %swap3A_1129 = vector.shape_cast %mul3A_1124 : vector<16xf32> to vector<1x16xf32>
        tpu.vector_store %arg11[%swap3A_1125, %swap3A_1126], %swap3A_1129 {strides = array<i32>} : memref<128x128xf32, #tpu.memory_space<vmem>>, vector<1x16xf32>,
        %get3A_1130 = arith.index_cast %add3A_1105 : i32 to index
        %get3A_1131 = arith.constant 32 : index
        %get3A_1132 = tpu.vector_load %arg11[%get3A_1130, %get3A_1131] {strides = array<i32>} : memref<128x128xf32, #tpu.memory_space<vmem>>, vector<1x16xf32>,
        %get3A_1133 = vector.shape_cast %get3A_1132 : vector<1x16xf32> to vector<16xf32>
        %mul3A_1134 = vector.broadcast %squeeze3A_1107 : f32 to vector<16xf32>
        %mul3A_1135 = arith.mulf %get3A_1133, %mul3A_1134 : vector<16xf32>
        %swap3A_1136 = arith.index_cast %add3A_1105 : i32 to index
        %swap3A_1137 = arith.constant 32 : index
        %swap3A_1138 = tpu.vector_load %arg11[%swap3A_1136, %swap3A_1137] {strides = array<i32>} : memref<128x128xf32, #tpu.memory_space<vmem>>, vector<1x16xf32>,
        %swap3A_1139 = vector.shape_cast %swap3A_1138 : vector<1x16xf32> to vector<16xf32>
        %swap3A_1140 = vector.shape_cast %mul3A_1135 : vector<16xf32> to vector<1x16xf32>
        tpu.vector_store %arg11[%swap3A_1136, %swap3A_1137], %swap3A_1140 {strides = array<i32>} : memref<128x128xf32, #tpu.memory_space<vmem>>, vector<1x16xf32>,
        %get3A_1141 = arith.index_cast %add3A_1105 : i32 to index
        %get3A_1142 = arith.constant 48 : index
        %get3A_1143 = tpu.vector_load %arg11[%get3A_1141, %get3A_1142] {strides = array<i32>} : memref<128x128xf32, #tpu.memory_space<vmem>>, vector<1x16xf32>,
        %get3A_1144 = vector.shape_cast %get3A_1143 : vector<1x16xf32> to vector<16xf32>
        %mul3A_1145 = vector.broadcast %squeeze3A_1107 : f32 to vector<16xf32>
        %mul3A_1146 = arith.mulf %get3A_1144, %mul3A_1145 : vector<16xf32>
        %swap3A_1147 = arith.index_cast %add3A_1105 : i32 to index
        %swap3A_1148 = arith.constant 48 : index
        %swap3A_1149 = tpu.vector_load %arg11[%swap3A_1147, %swap3A_1148] {strides = array<i32>} : memref<128x128xf32, #tpu.memory_space<vmem>>, vector<1x16xf32>,
        %swap3A_1150 = vector.shape_cast %swap3A_1149 : vector<1x16xf32> to vector<16xf32>
        %swap3A_1151 = vector.shape_cast %mul3A_1146 : vector<16xf32> to vector<1x16xf32>
        tpu.vector_store %arg11[%swap3A_1147, %swap3A_1148], %swap3A_1151 {strides = array<i32>} : memref<128x128xf32, #tpu.memory_space<vmem>>, vector<1x16xf32>,
        %get3A_1152 = arith.index_cast %add3A_1105 : i32 to index
        %get3A_1153 = arith.constant 64 : index
        %get3A_1154 = tpu.vector_load %arg11[%get3A_1152, %get3A_1153] {strides = array<i32>} : memref<128x128xf32, #tpu.memory_space<vmem>>, vector<1x16xf32>,
        %get3A_1155 = vector.shape_cast %get3A_1154 : vector<1x16xf32> to vector<16xf32>
        %mul3A_1156 = vector.broadcast %squeeze3A_1107 : f32 to vector<16xf32>
        %mul3A_1157 = arith.mulf %get3A_1155, %mul3A_1156 : vector<16xf32>
        %swap3A_1158 = arith.index_cast %add3A_1105 : i32 to index
        %swap3A_1159 = arith.constant 64 : index
        %swap3A_1160 = tpu.vector_load %arg11[%swap3A_1158, %swap3A_1159] {strides = array<i32>} : memref<128x128xf32, #tpu.memory_space<vmem>>, vector<1x16xf32>,
        %swap3A_1161 = vector.shape_cast %swap3A_1160 : vector<1x16xf32> to vector<16xf32>
        %swap3A_1162 = vector.shape_cast %mul3A_1157 : vector<16xf32> to vector<1x16xf32>
        tpu.vector_store %arg11[%swap3A_1158, %swap3A_1159], %swap3A_1162 {strides = array<i32>} : memref<128x128xf32, #tpu.memory_space<vmem>>, vector<1x16xf32>,
        %get3A_1163 = arith.index_cast %add3A_1105 : i32 to index
        %get3A_1164 = arith.constant 80 : index
        %get3A_1165 = tpu.vector_load %arg11[%get3A_1163, %get3A_1164] {strides = array<i32>} : memref<128x128xf32, #tpu.memory_space<vmem>>, vector<1x16xf32>,
        %get3A_1166 = vector.shape_cast %get3A_1165 : vector<1x16xf32> to vector<16xf32>
        %mul3A_1167 = vector.broadcast %squeeze3A_1107 : f32 to vector<16xf32>
        %mul3A_1168 = arith.mulf %get3A_1166, %mul3A_1167 : vector<16xf32>
        %swap3A_1169 = arith.index_cast %add3A_1105 : i32 to index
        %swap3A_1170 = arith.constant 80 : index
        %swap3A_1171 = tpu.vector_load %arg11[%swap3A_1169, %swap3A_1170] {strides = array<i32>} : memref<128x128xf32, #tpu.memory_space<vmem>>, vector<1x16xf32>,
        %swap3A_1172 = vector.shape_cast %swap3A_1171 : vector<1x16xf32> to vector<16xf32>
        %swap3A_1173 = vector.shape_cast %mul3A_1168 : vector<16xf32> to vector<1x16xf32>
        tpu.vector_store %arg11[%swap3A_1169, %swap3A_1170], %swap3A_1173 {strides = array<i32>} : memref<128x128xf32, #tpu.memory_space<vmem>>, vector<1x16xf32>,
        %get3A_1174 = arith.index_cast %add3A_1105 : i32 to index
        %get3A_1175 = arith.constant 96 : index
        %get3A_1176 = tpu.vector_load %arg11[%get3A_1174, %get3A_1175] {strides = array<i32>} : memref<128x128xf32, #tpu.memory_space<vmem>>, vector<1x16xf32>,
        %get3A_1177 = vector.shape_cast %get3A_1176 : vector<1x16xf32> to vector<16xf32>
        %mul3A_1178 = vector.broadcast %squeeze3A_1107 : f32 to vector<16xf32>
        %mul3A_1179 = arith.mulf %get3A_1177, %mul3A_1178 : vector<16xf32>
        %swap3A_1180 = arith.index_cast %add3A_1105 : i32 to index
        %swap3A_1181 = arith.constant 96 : index
        %swap3A_1182 = tpu.vector_load %arg11[%swap3A_1180, %swap3A_1181] {strides = array<i32>} : memref<128x128xf32, #tpu.memory_space<vmem>>, vector<1x16xf32>,
        %swap3A_1183 = vector.shape_cast %swap3A_1182 : vector<1x16xf32> to vector<16xf32>
        %swap3A_1184 = vector.shape_cast %mul3A_1179 : vector<16xf32> to vector<1x16xf32>
        tpu.vector_store %arg11[%swap3A_1180, %swap3A_1181], %swap3A_1184 {strides = array<i32>} : memref<128x128xf32, #tpu.memory_space<vmem>>, vector<1x16xf32>,
        %get3A_1185 = arith.index_cast %add3A_1105 : i32 to index
        %get3A_1186 = arith.constant 112 : index
        %get3A_1187 = tpu.vector_load %arg11[%get3A_1185, %get3A_1186] {strides = array<i32>} : memref<128x128xf32, #tpu.memory_space<vmem>>, vector<1x16xf32>,
        %get3A_1188 = vector.shape_cast %get3A_1187 : vector<1x16xf32> to vector<16xf32>
        %mul3A_1189 = vector.broadcast %squeeze3A_1107 : f32 to vector<16xf32>
        %mul3A_1190 = arith.mulf %get3A_1188, %mul3A_1189 : vector<16xf32>
        %swap3A_1191 = arith.index_cast %add3A_1105 : i32 to index
        %swap3A_1192 = arith.constant 112 : index
        %swap3A_1193 = tpu.vector_load %arg11[%swap3A_1191, %swap3A_1192] {strides = array<i32>} : memref<128x128xf32, #tpu.memory_space<vmem>>, vector<1x16xf32>,
        %swap3A_1194 = vector.shape_cast %swap3A_1193 : vector<1x16xf32> to vector<16xf32>
        %swap3A_1195 = vector.shape_cast %mul3A_1190 : vector<16xf32> to vector<1x16xf32>
        tpu.vector_store %arg11[%swap3A_1191, %swap3A_1192], %swap3A_1195 {strides = array<i32>} : memref<128x128xf32, #tpu.memory_space<vmem>>, vector<1x16xf32>,
        %mul3A_1196 = arith.constant 16 : i32
        %mul3A_1197 = arith.muli %add3A_348, %mul3A_1196 : i32
        %add3A_1198 = arith.constant 9 : i32
        %add3A_1199 = arith.addi %mul3A_1197, %add3A_1198 : i32
        %slice3A_1200 = vector.extract_strided_slice %get3A_352 {offsets = [9], sizes = [1], strides = [1]} : vector<16xf32> to vector<1xf32>
        %squeeze3A_1201 = vector.extract %slice3A_1200[0] : f32 from vector<1xf32>
        %get3A_1202 = arith.index_cast %add3A_1199 : i32 to index
        %get3A_1203 = arith.constant 0 : index
        %get3A_1204 = tpu.vector_load %arg11[%get3A_1202, %get3A_1203] {strides = array<i32>} : memref<128x128xf32, #tpu.memory_space<vmem>>, vector<1x16xf32>,
        %get3A_1205 = vector.shape_cast %get3A_1204 : vector<1x16xf32> to vector<16xf32>
        %mul3A_1206 = vector.broadcast %squeeze3A_1201 : f32 to vector<16xf32>
        %mul3A_1207 = arith.mulf %get3A_1205, %mul3A_1206 : vector<16xf32>
        %swap3A_1208 = arith.index_cast %add3A_1199 : i32 to index
        %swap3A_1209 = arith.constant 0 : index
        %swap3A_1210 = tpu.vector_load %arg11[%swap3A_1208, %swap3A_1209] {strides = array<i32>} : memref<128x128xf32, #tpu.memory_space<vmem>>, vector<1x16xf32>,
        %swap3A_1211 = vector.shape_cast %swap3A_1210 : vector<1x16xf32> to vector<16xf32>
        %swap3A_1212 = vector.shape_cast %mul3A_1207 : vector<16xf32> to vector<1x16xf32>
        tpu.vector_store %arg11[%swap3A_1208, %swap3A_1209], %swap3A_1212 {strides = array<i32>} : memref<128x128xf32, #tpu.memory_space<vmem>>, vector<1x16xf32>,
        %get3A_1213 = arith.index_cast %add3A_1199 : i32 to index
        %get3A_1214 = arith.constant 16 : index
        %get3A_1215 = tpu.vector_load %arg11[%get3A_1213, %get3A_1214] {strides = array<i32>} : memref<128x128xf32, #tpu.memory_space<vmem>>, vector<1x16xf32>,
        %get3A_1216 = vector.shape_cast %get3A_1215 : vector<1x16xf32> to vector<16xf32>
        %mul3A_1217 = vector.broadcast %squeeze3A_1201 : f32 to vector<16xf32>
        %mul3A_1218 = arith.mulf %get3A_1216, %mul3A_1217 : vector<16xf32>
        %swap3A_1219 = arith.index_cast %add3A_1199 : i32 to index
        %swap3A_1220 = arith.constant 16 : index
        %swap3A_1221 = tpu.vector_load %arg11[%swap3A_1219, %swap3A_1220] {strides = array<i32>} : memref<128x128xf32, #tpu.memory_space<vmem>>, vector<1x16xf32>,
        %swap3A_1222 = vector.shape_cast %swap3A_1221 : vector<1x16xf32> to vector<16xf32>
        %swap3A_1223 = vector.shape_cast %mul3A_1218 : vector<16xf32> to vector<1x16xf32>
        tpu.vector_store %arg11[%swap3A_1219, %swap3A_1220], %swap3A_1223 {strides = array<i32>} : memref<128x128xf32, #tpu.memory_space<vmem>>, vector<1x16xf32>,
        %get3A_1224 = arith.index_cast %add3A_1199 : i32 to index
        %get3A_1225 = arith.constant 32 : index
        %get3A_1226 = tpu.vector_load %arg11[%get3A_1224, %get3A_1225] {strides = array<i32>} : memref<128x128xf32, #tpu.memory_space<vmem>>, vector<1x16xf32>,
        %get3A_1227 = vector.shape_cast %get3A_1226 : vector<1x16xf32> to vector<16xf32>
        %mul3A_1228 = vector.broadcast %squeeze3A_1201 : f32 to vector<16xf32>
        %mul3A_1229 = arith.mulf %get3A_1227, %mul3A_1228 : vector<16xf32>
        %swap3A_1230 = arith.index_cast %add3A_1199 : i32 to index
        %swap3A_1231 = arith.constant 32 : index
        %swap3A_1232 = tpu.vector_load %arg11[%swap3A_1230, %swap3A_1231] {strides = array<i32>} : memref<128x128xf32, #tpu.memory_space<vmem>>, vector<1x16xf32>,
        %swap3A_1233 = vector.shape_cast %swap3A_1232 : vector<1x16xf32> to vector<16xf32>
        %swap3A_1234 = vector.shape_cast %mul3A_1229 : vector<16xf32> to vector<1x16xf32>
        tpu.vector_store %arg11[%swap3A_1230, %swap3A_1231], %swap3A_1234 {strides = array<i32>} : memref<128x128xf32, #tpu.memory_space<vmem>>, vector<1x16xf32>,
        %get3A_1235 = arith.index_cast %add3A_1199 : i32 to index
        %get3A_1236 = arith.constant 48 : index
        %get3A_1237 = tpu.vector_load %arg11[%get3A_1235, %get3A_1236] {strides = array<i32>} : memref<128x128xf32, #tpu.memory_space<vmem>>, vector<1x16xf32>,
        %get3A_1238 = vector.shape_cast %get3A_1237 : vector<1x16xf32> to vector<16xf32>
        %mul3A_1239 = vector.broadcast %squeeze3A_1201 : f32 to vector<16xf32>
        %mul3A_1240 = arith.mulf %get3A_1238, %mul3A_1239 : vector<16xf32>
        %swap3A_1241 = arith.index_cast %add3A_1199 : i32 to index
        %swap3A_1242 = arith.constant 48 : index
        %swap3A_1243 = tpu.vector_load %arg11[%swap3A_1241, %swap3A_1242] {strides = array<i32>} : memref<128x128xf32, #tpu.memory_space<vmem>>, vector<1x16xf32>,
        %swap3A_1244 = vector.shape_cast %swap3A_1243 : vector<1x16xf32> to vector<16xf32>
        %swap3A_1245 = vector.shape_cast %mul3A_1240 : vector<16xf32> to vector<1x16xf32>
        tpu.vector_store %arg11[%swap3A_1241, %swap3A_1242], %swap3A_1245 {strides = array<i32>} : memref<128x128xf32, #tpu.memory_space<vmem>>, vector<1x16xf32>,
        %get3A_1246 = arith.index_cast %add3A_1199 : i32 to index
        %get3A_1247 = arith.constant 64 : index
        %get3A_1248 = tpu.vector_load %arg11[%get3A_1246, %get3A_1247] {strides = array<i32>} : memref<128x128xf32, #tpu.memory_space<vmem>>, vector<1x16xf32>,
        %get3A_1249 = vector.shape_cast %get3A_1248 : vector<1x16xf32> to vector<16xf32>
        %mul3A_1250 = vector.broadcast %squeeze3A_1201 : f32 to vector<16xf32>
        %mul3A_1251 = arith.mulf %get3A_1249, %mul3A_1250 : vector<16xf32>
        %swap3A_1252 = arith.index_cast %add3A_1199 : i32 to index
        %swap3A_1253 = arith.constant 64 : index
        %swap3A_1254 = tpu.vector_load %arg11[%swap3A_1252, %swap3A_1253] {strides = array<i32>} : memref<128x128xf32, #tpu.memory_space<vmem>>, vector<1x16xf32>,
        %swap3A_1255 = vector.shape_cast %swap3A_1254 : vector<1x16xf32> to vector<16xf32>
        %swap3A_1256 = vector.shape_cast %mul3A_1251 : vector<16xf32> to vector<1x16xf32>
        tpu.vector_store %arg11[%swap3A_1252, %swap3A_1253], %swap3A_1256 {strides = array<i32>} : memref<128x128xf32, #tpu.memory_space<vmem>>, vector<1x16xf32>,
        %get3A_1257 = arith.index_cast %add3A_1199 : i32 to index
        %get3A_1258 = arith.constant 80 : index
        %get3A_1259 = tpu.vector_load %arg11[%get3A_1257, %get3A_1258] {strides = array<i32>} : memref<128x128xf32, #tpu.memory_space<vmem>>, vector<1x16xf32>,
        %get3A_1260 = vector.shape_cast %get3A_1259 : vector<1x16xf32> to vector<16xf32>
        %mul3A_1261 = vector.broadcast %squeeze3A_1201 : f32 to vector<16xf32>
        %mul3A_1262 = arith.mulf %get3A_1260, %mul3A_1261 : vector<16xf32>
        %swap3A_1263 = arith.index_cast %add3A_1199 : i32 to index
        %swap3A_1264 = arith.constant 80 : index
        %swap3A_1265 = tpu.vector_load %arg11[%swap3A_1263, %swap3A_1264] {strides = array<i32>} : memref<128x128xf32, #tpu.memory_space<vmem>>, vector<1x16xf32>,
        %swap3A_1266 = vector.shape_cast %swap3A_1265 : vector<1x16xf32> to vector<16xf32>
        %swap3A_1267 = vector.shape_cast %mul3A_1262 : vector<16xf32> to vector<1x16xf32>
        tpu.vector_store %arg11[%swap3A_1263, %swap3A_1264], %swap3A_1267 {strides = array<i32>} : memref<128x128xf32, #tpu.memory_space<vmem>>, vector<1x16xf32>,
        %get3A_1268 = arith.index_cast %add3A_1199 : i32 to index
        %get3A_1269 = arith.constant 96 : index
        %get3A_1270 = tpu.vector_load %arg11[%get3A_1268, %get3A_1269] {strides = array<i32>} : memref<128x128xf32, #tpu.memory_space<vmem>>, vector<1x16xf32>,
        %get3A_1271 = vector.shape_cast %get3A_1270 : vector<1x16xf32> to vector<16xf32>
        %mul3A_1272 = vector.broadcast %squeeze3A_1201 : f32 to vector<16xf32>
        %mul3A_1273 = arith.mulf %get3A_1271, %mul3A_1272 : vector<16xf32>
        %swap3A_1274 = arith.index_cast %add3A_1199 : i32 to index
        %swap3A_1275 = arith.constant 96 : index
        %swap3A_1276 = tpu.vector_load %arg11[%swap3A_1274, %swap3A_1275] {strides = array<i32>} : memref<128x128xf32, #tpu.memory_space<vmem>>, vector<1x16xf32>,
        %swap3A_1277 = vector.shape_cast %swap3A_1276 : vector<1x16xf32> to vector<16xf32>
        %swap3A_1278 = vector.shape_cast %mul3A_1273 : vector<16xf32> to vector<1x16xf32>
        tpu.vector_store %arg11[%swap3A_1274, %swap3A_1275], %swap3A_1278 {strides = array<i32>} : memref<128x128xf32, #tpu.memory_space<vmem>>, vector<1x16xf32>,
        %get3A_1279 = arith.index_cast %add3A_1199 : i32 to index
        %get3A_1280 = arith.constant 112 : index
        %get3A_1281 = tpu.vector_load %arg11[%get3A_1279, %get3A_1280] {strides = array<i32>} : memref<128x128xf32, #tpu.memory_space<vmem>>, vector<1x16xf32>,
        %get3A_1282 = vector.shape_cast %get3A_1281 : vector<1x16xf32> to vector<16xf32>
        %mul3A_1283 = vector.broadcast %squeeze3A_1201 : f32 to vector<16xf32>
        %mul3A_1284 = arith.mulf %get3A_1282, %mul3A_1283 : vector<16xf32>
        %swap3A_1285 = arith.index_cast %add3A_1199 : i32 to index
        %swap3A_1286 = arith.constant 112 : index
        %swap3A_1287 = tpu.vector_load %arg11[%swap3A_1285, %swap3A_1286] {strides = array<i32>} : memref<128x128xf32, #tpu.memory_space<vmem>>, vector<1x16xf32>,
        %swap3A_1288 = vector.shape_cast %swap3A_1287 : vector<1x16xf32> to vector<16xf32>
        %swap3A_1289 = vector.shape_cast %mul3A_1284 : vector<16xf32> to vector<1x16xf32>
        tpu.vector_store %arg11[%swap3A_1285, %swap3A_1286], %swap3A_1289 {strides = array<i32>} : memref<128x128xf32, #tpu.memory_space<vmem>>, vector<1x16xf32>,
        %mul3A_1290 = arith.constant 16 : i32
        %mul3A_1291 = arith.muli %add3A_348, %mul3A_1290 : i32
        %add3A_1292 = arith.constant 10 : i32
        %add3A_1293 = arith.addi %mul3A_1291, %add3A_1292 : i32
        %slice3A_1294 = vector.extract_strided_slice %get3A_352 {offsets = [10], sizes = [1], strides = [1]} : vector<16xf32> to vector<1xf32>
        %squeeze3A_1295 = vector.extract %slice3A_1294[0] : f32 from vector<1xf32>
        %get3A_1296 = arith.index_cast %add3A_1293 : i32 to index
        %get3A_1297 = arith.constant 0 : index
        %get3A_1298 = tpu.vector_load %arg11[%get3A_1296, %get3A_1297] {strides = array<i32>} : memref<128x128xf32, #tpu.memory_space<vmem>>, vector<1x16xf32>,
        %get3A_1299 = vector.shape_cast %get3A_1298 : vector<1x16xf32> to vector<16xf32>
        %mul3A_1300 = vector.broadcast %squeeze3A_1295 : f32 to vector<16xf32>
        %mul3A_1301 = arith.mulf %get3A_1299, %mul3A_1300 : vector<16xf32>
        %swap3A_1302 = arith.index_cast %add3A_1293 : i32 to index
        %swap3A_1303 = arith.constant 0 : index
        %swap3A_1304 = tpu.vector_load %arg11[%swap3A_1302, %swap3A_1303] {strides = array<i32>} : memref<128x128xf32, #tpu.memory_space<vmem>>, vector<1x16xf32>,
        %swap3A_1305 = vector.shape_cast %swap3A_1304 : vector<1x16xf32> to vector<16xf32>
        %swap3A_1306 = vector.shape_cast %mul3A_1301 : vector<16xf32> to vector<1x16xf32>
        tpu.vector_store %arg11[%swap3A_1302, %swap3A_1303], %swap3A_1306 {strides = array<i32>} : memref<128x128xf32, #tpu.memory_space<vmem>>, vector<1x16xf32>,
        %get3A_1307 = arith.index_cast %add3A_1293 : i32 to index
        %get3A_1308 = arith.constant 16 : index
        %get3A_1309 = tpu.vector_load %arg11[%get3A_1307, %get3A_1308] {strides = array<i32>} : memref<128x128xf32, #tpu.memory_space<vmem>>, vector<1x16xf32>,
        %get3A_1310 = vector.shape_cast %get3A_1309 : vector<1x16xf32> to vector<16xf32>
        %mul3A_1311 = vector.broadcast %squeeze3A_1295 : f32 to vector<16xf32>
        %mul3A_1312 = arith.mulf %get3A_1310, %mul3A_1311 : vector<16xf32>
        %swap3A_1313 = arith.index_cast %add3A_1293 : i32 to index
        %swap3A_1314 = arith.constant 16 : index
        %swap3A_1315 = tpu.vector_load %arg11[%swap3A_1313, %swap3A_1314] {strides = array<i32>} : memref<128x128xf32, #tpu.memory_space<vmem>>, vector<1x16xf32>,
        %swap3A_1316 = vector.shape_cast %swap3A_1315 : vector<1x16xf32> to vector<16xf32>
        %swap3A_1317 = vector.shape_cast %mul3A_1312 : vector<16xf32> to vector<1x16xf32>
        tpu.vector_store %arg11[%swap3A_1313, %swap3A_1314], %swap3A_1317 {strides = array<i32>} : memref<128x128xf32, #tpu.memory_space<vmem>>, vector<1x16xf32>,
        %get3A_1318 = arith.index_cast %add3A_1293 : i32 to index
        %get3A_1319 = arith.constant 32 : index
        %get3A_1320 = tpu.vector_load %arg11[%get3A_1318, %get3A_1319] {strides = array<i32>} : memref<128x128xf32, #tpu.memory_space<vmem>>, vector<1x16xf32>,
        %get3A_1321 = vector.shape_cast %get3A_1320 : vector<1x16xf32> to vector<16xf32>
        %mul3A_1322 = vector.broadcast %squeeze3A_1295 : f32 to vector<16xf32>
        %mul3A_1323 = arith.mulf %get3A_1321, %mul3A_1322 : vector<16xf32>
        %swap3A_1324 = arith.index_cast %add3A_1293 : i32 to index
        %swap3A_1325 = arith.constant 32 : index
        %swap3A_1326 = tpu.vector_load %arg11[%swap3A_1324, %swap3A_1325] {strides = array<i32>} : memref<128x128xf32, #tpu.memory_space<vmem>>, vector<1x16xf32>,
        %swap3A_1327 = vector.shape_cast %swap3A_1326 : vector<1x16xf32> to vector<16xf32>
        %swap3A_1328 = vector.shape_cast %mul3A_1323 : vector<16xf32> to vector<1x16xf32>
        tpu.vector_store %arg11[%swap3A_1324, %swap3A_1325], %swap3A_1328 {strides = array<i32>} : memref<128x128xf32, #tpu.memory_space<vmem>>, vector<1x16xf32>,
        %get3A_1329 = arith.index_cast %add3A_1293 : i32 to index
        %get3A_1330 = arith.constant 48 : index
        %get3A_1331 = tpu.vector_load %arg11[%get3A_1329, %get3A_1330] {strides = array<i32>} : memref<128x128xf32, #tpu.memory_space<vmem>>, vector<1x16xf32>,
        %get3A_1332 = vector.shape_cast %get3A_1331 : vector<1x16xf32> to vector<16xf32>
        %mul3A_1333 = vector.broadcast %squeeze3A_1295 : f32 to vector<16xf32>
        %mul3A_1334 = arith.mulf %get3A_1332, %mul3A_1333 : vector<16xf32>
        %swap3A_1335 = arith.index_cast %add3A_1293 : i32 to index
        %swap3A_1336 = arith.constant 48 : index
        %swap3A_1337 = tpu.vector_load %arg11[%swap3A_1335, %swap3A_1336] {strides = array<i32>} : memref<128x128xf32, #tpu.memory_space<vmem>>, vector<1x16xf32>,
        %swap3A_1338 = vector.shape_cast %swap3A_1337 : vector<1x16xf32> to vector<16xf32>
        %swap3A_1339 = vector.shape_cast %mul3A_1334 : vector<16xf32> to vector<1x16xf32>
        tpu.vector_store %arg11[%swap3A_1335, %swap3A_1336], %swap3A_1339 {strides = array<i32>} : memref<128x128xf32, #tpu.memory_space<vmem>>, vector<1x16xf32>,
        %get3A_1340 = arith.index_cast %add3A_1293 : i32 to index
        %get3A_1341 = arith.constant 64 : index
        %get3A_1342 = tpu.vector_load %arg11[%get3A_1340, %get3A_1341] {strides = array<i32>} : memref<128x128xf32, #tpu.memory_space<vmem>>, vector<1x16xf32>,
        %get3A_1343 = vector.shape_cast %get3A_1342 : vector<1x16xf32> to vector<16xf32>
        %mul3A_1344 = vector.broadcast %squeeze3A_1295 : f32 to vector<16xf32>
        %mul3A_1345 = arith.mulf %get3A_1343, %mul3A_1344 : vector<16xf32>
        %swap3A_1346 = arith.index_cast %add3A_1293 : i32 to index
        %swap3A_1347 = arith.constant 64 : index
        %swap3A_1348 = tpu.vector_load %arg11[%swap3A_1346, %swap3A_1347] {strides = array<i32>} : memref<128x128xf32, #tpu.memory_space<vmem>>, vector<1x16xf32>,
        %swap3A_1349 = vector.shape_cast %swap3A_1348 : vector<1x16xf32> to vector<16xf32>
        %swap3A_1350 = vector.shape_cast %mul3A_1345 : vector<16xf32> to vector<1x16xf32>
        tpu.vector_store %arg11[%swap3A_1346, %swap3A_1347], %swap3A_1350 {strides = array<i32>} : memref<128x128xf32, #tpu.memory_space<vmem>>, vector<1x16xf32>,
        %get3A_1351 = arith.index_cast %add3A_1293 : i32 to index
        %get3A_1352 = arith.constant 80 : index
        %get3A_1353 = tpu.vector_load %arg11[%get3A_1351, %get3A_1352] {strides = array<i32>} : memref<128x128xf32, #tpu.memory_space<vmem>>, vector<1x16xf32>,
        %get3A_1354 = vector.shape_cast %get3A_1353 : vector<1x16xf32> to vector<16xf32>
        %mul3A_1355 = vector.broadcast %squeeze3A_1295 : f32 to vector<16xf32>
        %mul3A_1356 = arith.mulf %get3A_1354, %mul3A_1355 : vector<16xf32>
        %swap3A_1357 = arith.index_cast %add3A_1293 : i32 to index
        %swap3A_1358 = arith.constant 80 : index
        %swap3A_1359 = tpu.vector_load %arg11[%swap3A_1357, %swap3A_1358] {strides = array<i32>} : memref<128x128xf32, #tpu.memory_space<vmem>>, vector<1x16xf32>,
        %swap3A_1360 = vector.shape_cast %swap3A_1359 : vector<1x16xf32> to vector<16xf32>
        %swap3A_1361 = vector.shape_cast %mul3A_1356 : vector<16xf32> to vector<1x16xf32>
        tpu.vector_store %arg11[%swap3A_1357, %swap3A_1358], %swap3A_1361 {strides = array<i32>} : memref<128x128xf32, #tpu.memory_space<vmem>>, vector<1x16xf32>,
        %get3A_1362 = arith.index_cast %add3A_1293 : i32 to index
        %get3A_1363 = arith.constant 96 : index
        %get3A_1364 = tpu.vector_load %arg11[%get3A_1362, %get3A_1363] {strides = array<i32>} : memref<128x128xf32, #tpu.memory_space<vmem>>, vector<1x16xf32>,
        %get3A_1365 = vector.shape_cast %get3A_1364 : vector<1x16xf32> to vector<16xf32>
        %mul3A_1366 = vector.broadcast %squeeze3A_1295 : f32 to vector<16xf32>
        %mul3A_1367 = arith.mulf %get3A_1365, %mul3A_1366 : vector<16xf32>
        %swap3A_1368 = arith.index_cast %add3A_1293 : i32 to index
        %swap3A_1369 = arith.constant 96 : index
        %swap3A_1370 = tpu.vector_load %arg11[%swap3A_1368, %swap3A_1369] {strides = array<i32>} : memref<128x128xf32, #tpu.memory_space<vmem>>, vector<1x16xf32>,
        %swap3A_1371 = vector.shape_cast %swap3A_1370 : vector<1x16xf32> to vector<16xf32>
        %swap3A_1372 = vector.shape_cast %mul3A_1367 : vector<16xf32> to vector<1x16xf32>
        tpu.vector_store %arg11[%swap3A_1368, %swap3A_1369], %swap3A_1372 {strides = array<i32>} : memref<128x128xf32, #tpu.memory_space<vmem>>, vector<1x16xf32>,
        %get3A_1373 = arith.index_cast %add3A_1293 : i32 to index
        %get3A_1374 = arith.constant 112 : index
        %get3A_1375 = tpu.vector_load %arg11[%get3A_1373, %get3A_1374] {strides = array<i32>} : memref<128x128xf32, #tpu.memory_space<vmem>>, vector<1x16xf32>,
        %get3A_1376 = vector.shape_cast %get3A_1375 : vector<1x16xf32> to vector<16xf32>
        %mul3A_1377 = vector.broadcast %squeeze3A_1295 : f32 to vector<16xf32>
        %mul3A_1378 = arith.mulf %get3A_1376, %mul3A_1377 : vector<16xf32>
        %swap3A_1379 = arith.index_cast %add3A_1293 : i32 to index
        %swap3A_1380 = arith.constant 112 : index
        %swap3A_1381 = tpu.vector_load %arg11[%swap3A_1379, %swap3A_1380] {strides = array<i32>} : memref<128x128xf32, #tpu.memory_space<vmem>>, vector<1x16xf32>,
        %swap3A_1382 = vector.shape_cast %swap3A_1381 : vector<1x16xf32> to vector<16xf32>
        %swap3A_1383 = vector.shape_cast %mul3A_1378 : vector<16xf32> to vector<1x16xf32>
        tpu.vector_store %arg11[%swap3A_1379, %swap3A_1380], %swap3A_1383 {strides = array<i32>} : memref<128x128xf32, #tpu.memory_space<vmem>>, vector<1x16xf32>,
        %mul3A_1384 = arith.constant 16 : i32
        %mul3A_1385 = arith.muli %add3A_348, %mul3A_1384 : i32
        %add3A_1386 = arith.constant 11 : i32
        %add3A_1387 = arith.addi %mul3A_1385, %add3A_1386 : i32
        %slice3A_1388 = vector.extract_strided_slice %get3A_352 {offsets = [11], sizes = [1], strides = [1]} : vector<16xf32> to vector<1xf32>
        %squeeze3A_1389 = vector.extract %slice3A_1388[0] : f32 from vector<1xf32>
        %get3A_1390 = arith.index_cast %add3A_1387 : i32 to index
        %get3A_1391 = arith.constant 0 : index
        %get3A_1392 = tpu.vector_load %arg11[%get3A_1390, %get3A_1391] {strides = array<i32>} : memref<128x128xf32, #tpu.memory_space<vmem>>, vector<1x16xf32>,
        %get3A_1393 = vector.shape_cast %get3A_1392 : vector<1x16xf32> to vector<16xf32>
        %mul3A_1394 = vector.broadcast %squeeze3A_1389 : f32 to vector<16xf32>
        %mul3A_1395 = arith.mulf %get3A_1393, %mul3A_1394 : vector<16xf32>
        %swap3A_1396 = arith.index_cast %add3A_1387 : i32 to index
        %swap3A_1397 = arith.constant 0 : index
        %swap3A_1398 = tpu.vector_load %arg11[%swap3A_1396, %swap3A_1397] {strides = array<i32>} : memref<128x128xf32, #tpu.memory_space<vmem>>, vector<1x16xf32>,
        %swap3A_1399 = vector.shape_cast %swap3A_1398 : vector<1x16xf32> to vector<16xf32>
        %swap3A_1400 = vector.shape_cast %mul3A_1395 : vector<16xf32> to vector<1x16xf32>
        tpu.vector_store %arg11[%swap3A_1396, %swap3A_1397], %swap3A_1400 {strides = array<i32>} : memref<128x128xf32, #tpu.memory_space<vmem>>, vector<1x16xf32>,
        %get3A_1401 = arith.index_cast %add3A_1387 : i32 to index
        %get3A_1402 = arith.constant 16 : index
        %get3A_1403 = tpu.vector_load %arg11[%get3A_1401, %get3A_1402] {strides = array<i32>} : memref<128x128xf32, #tpu.memory_space<vmem>>, vector<1x16xf32>,
        %get3A_1404 = vector.shape_cast %get3A_1403 : vector<1x16xf32> to vector<16xf32>
        %mul3A_1405 = vector.broadcast %squeeze3A_1389 : f32 to vector<16xf32>
        %mul3A_1406 = arith.mulf %get3A_1404, %mul3A_1405 : vector<16xf32>
        %swap3A_1407 = arith.index_cast %add3A_1387 : i32 to index
        %swap3A_1408 = arith.constant 16 : index
        %swap3A_1409 = tpu.vector_load %arg11[%swap3A_1407, %swap3A_1408] {strides = array<i32>} : memref<128x128xf32, #tpu.memory_space<vmem>>, vector<1x16xf32>,
        %swap3A_1410 = vector.shape_cast %swap3A_1409 : vector<1x16xf32> to vector<16xf32>
        %swap3A_1411 = vector.shape_cast %mul3A_1406 : vector<16xf32> to vector<1x16xf32>
        tpu.vector_store %arg11[%swap3A_1407, %swap3A_1408], %swap3A_1411 {strides = array<i32>} : memref<128x128xf32, #tpu.memory_space<vmem>>, vector<1x16xf32>,
        %get3A_1412 = arith.index_cast %add3A_1387 : i32 to index
        %get3A_1413 = arith.constant 32 : index
        %get3A_1414 = tpu.vector_load %arg11[%get3A_1412, %get3A_1413] {strides = array<i32>} : memref<128x128xf32, #tpu.memory_space<vmem>>, vector<1x16xf32>,
        %get3A_1415 = vector.shape_cast %get3A_1414 : vector<1x16xf32> to vector<16xf32>
        %mul3A_1416 = vector.broadcast %squeeze3A_1389 : f32 to vector<16xf32>
        %mul3A_1417 = arith.mulf %get3A_1415, %mul3A_1416 : vector<16xf32>
        %swap3A_1418 = arith.index_cast %add3A_1387 : i32 to index
        %swap3A_1419 = arith.constant 32 : index
        %swap3A_1420 = tpu.vector_load %arg11[%swap3A_1418, %swap3A_1419] {strides = array<i32>} : memref<128x128xf32, #tpu.memory_space<vmem>>, vector<1x16xf32>,
        %swap3A_1421 = vector.shape_cast %swap3A_1420 : vector<1x16xf32> to vector<16xf32>
        %swap3A_1422 = vector.shape_cast %mul3A_1417 : vector<16xf32> to vector<1x16xf32>
        tpu.vector_store %arg11[%swap3A_1418, %swap3A_1419], %swap3A_1422 {strides = array<i32>} : memref<128x128xf32, #tpu.memory_space<vmem>>, vector<1x16xf32>,
        %get3A_1423 = arith.index_cast %add3A_1387 : i32 to index
        %get3A_1424 = arith.constant 48 : index
        %get3A_1425 = tpu.vector_load %arg11[%get3A_1423, %get3A_1424] {strides = array<i32>} : memref<128x128xf32, #tpu.memory_space<vmem>>, vector<1x16xf32>,
        %get3A_1426 = vector.shape_cast %get3A_1425 : vector<1x16xf32> to vector<16xf32>
        %mul3A_1427 = vector.broadcast %squeeze3A_1389 : f32 to vector<16xf32>
        %mul3A_1428 = arith.mulf %get3A_1426, %mul3A_1427 : vector<16xf32>
        %swap3A_1429 = arith.index_cast %add3A_1387 : i32 to index
        %swap3A_1430 = arith.constant 48 : index
        %swap3A_1431 = tpu.vector_load %arg11[%swap3A_1429, %swap3A_1430] {strides = array<i32>} : memref<128x128xf32, #tpu.memory_space<vmem>>, vector<1x16xf32>,
        %swap3A_1432 = vector.shape_cast %swap3A_1431 : vector<1x16xf32> to vector<16xf32>
        %swap3A_1433 = vector.shape_cast %mul3A_1428 : vector<16xf32> to vector<1x16xf32>
        tpu.vector_store %arg11[%swap3A_1429, %swap3A_1430], %swap3A_1433 {strides = array<i32>} : memref<128x128xf32, #tpu.memory_space<vmem>>, vector<1x16xf32>,
        %get3A_1434 = arith.index_cast %add3A_1387 : i32 to index
        %get3A_1435 = arith.constant 64 : index
        %get3A_1436 = tpu.vector_load %arg11[%get3A_1434, %get3A_1435] {strides = array<i32>} : memref<128x128xf32, #tpu.memory_space<vmem>>, vector<1x16xf32>,
        %get3A_1437 = vector.shape_cast %get3A_1436 : vector<1x16xf32> to vector<16xf32>
        %mul3A_1438 = vector.broadcast %squeeze3A_1389 : f32 to vector<16xf32>
        %mul3A_1439 = arith.mulf %get3A_1437, %mul3A_1438 : vector<16xf32>
        %swap3A_1440 = arith.index_cast %add3A_1387 : i32 to index
        %swap3A_1441 = arith.constant 64 : index
        %swap3A_1442 = tpu.vector_load %arg11[%swap3A_1440, %swap3A_1441] {strides = array<i32>} : memref<128x128xf32, #tpu.memory_space<vmem>>, vector<1x16xf32>,
        %swap3A_1443 = vector.shape_cast %swap3A_1442 : vector<1x16xf32> to vector<16xf32>
        %swap3A_1444 = vector.shape_cast %mul3A_1439 : vector<16xf32> to vector<1x16xf32>
        tpu.vector_store %arg11[%swap3A_1440, %swap3A_1441], %swap3A_1444 {strides = array<i32>} : memref<128x128xf32, #tpu.memory_space<vmem>>, vector<1x16xf32>,
        %get3A_1445 = arith.index_cast %add3A_1387 : i32 to index
        %get3A_1446 = arith.constant 80 : index
        %get3A_1447 = tpu.vector_load %arg11[%get3A_1445, %get3A_1446] {strides = array<i32>} : memref<128x128xf32, #tpu.memory_space<vmem>>, vector<1x16xf32>,
        %get3A_1448 = vector.shape_cast %get3A_1447 : vector<1x16xf32> to vector<16xf32>
        %mul3A_1449 = vector.broadcast %squeeze3A_1389 : f32 to vector<16xf32>
        %mul3A_1450 = arith.mulf %get3A_1448, %mul3A_1449 : vector<16xf32>
        %swap3A_1451 = arith.index_cast %add3A_1387 : i32 to index
        %swap3A_1452 = arith.constant 80 : index
        %swap3A_1453 = tpu.vector_load %arg11[%swap3A_1451, %swap3A_1452] {strides = array<i32>} : memref<128x128xf32, #tpu.memory_space<vmem>>, vector<1x16xf32>,
        %swap3A_1454 = vector.shape_cast %swap3A_1453 : vector<1x16xf32> to vector<16xf32>
        %swap3A_1455 = vector.shape_cast %mul3A_1450 : vector<16xf32> to vector<1x16xf32>
        tpu.vector_store %arg11[%swap3A_1451, %swap3A_1452], %swap3A_1455 {strides = array<i32>} : memref<128x128xf32, #tpu.memory_space<vmem>>, vector<1x16xf32>,
        %get3A_1456 = arith.index_cast %add3A_1387 : i32 to index
        %get3A_1457 = arith.constant 96 : index
        %get3A_1458 = tpu.vector_load %arg11[%get3A_1456, %get3A_1457] {strides = array<i32>} : memref<128x128xf32, #tpu.memory_space<vmem>>, vector<1x16xf32>,
        %get3A_1459 = vector.shape_cast %get3A_1458 : vector<1x16xf32> to vector<16xf32>
        %mul3A_1460 = vector.broadcast %squeeze3A_1389 : f32 to vector<16xf32>
        %mul3A_1461 = arith.mulf %get3A_1459, %mul3A_1460 : vector<16xf32>
        %swap3A_1462 = arith.index_cast %add3A_1387 : i32 to index
        %swap3A_1463 = arith.constant 96 : index
        %swap3A_1464 = tpu.vector_load %arg11[%swap3A_1462, %swap3A_1463] {strides = array<i32>} : memref<128x128xf32, #tpu.memory_space<vmem>>, vector<1x16xf32>,
        %swap3A_1465 = vector.shape_cast %swap3A_1464 : vector<1x16xf32> to vector<16xf32>
        %swap3A_1466 = vector.shape_cast %mul3A_1461 : vector<16xf32> to vector<1x16xf32>
        tpu.vector_store %arg11[%swap3A_1462, %swap3A_1463], %swap3A_1466 {strides = array<i32>} : memref<128x128xf32, #tpu.memory_space<vmem>>, vector<1x16xf32>,
        %get3A_1467 = arith.index_cast %add3A_1387 : i32 to index
        %get3A_1468 = arith.constant 112 : index
        %get3A_1469 = tpu.vector_load %arg11[%get3A_1467, %get3A_1468] {strides = array<i32>} : memref<128x128xf32, #tpu.memory_space<vmem>>, vector<1x16xf32>,
        %get3A_1470 = vector.shape_cast %get3A_1469 : vector<1x16xf32> to vector<16xf32>
        %mul3A_1471 = vector.broadcast %squeeze3A_1389 : f32 to vector<16xf32>
        %mul3A_1472 = arith.mulf %get3A_1470, %mul3A_1471 : vector<16xf32>
        %swap3A_1473 = arith.index_cast %add3A_1387 : i32 to index
        %swap3A_1474 = arith.constant 112 : index
        %swap3A_1475 = tpu.vector_load %arg11[%swap3A_1473, %swap3A_1474] {strides = array<i32>} : memref<128x128xf32, #tpu.memory_space<vmem>>, vector<1x16xf32>,
        %swap3A_1476 = vector.shape_cast %swap3A_1475 : vector<1x16xf32> to vector<16xf32>
        %swap3A_1477 = vector.shape_cast %mul3A_1472 : vector<16xf32> to vector<1x16xf32>
        tpu.vector_store %arg11[%swap3A_1473, %swap3A_1474], %swap3A_1477 {strides = array<i32>} : memref<128x128xf32, #tpu.memory_space<vmem>>, vector<1x16xf32>,
        %mul3A_1478 = arith.constant 16 : i32
        %mul3A_1479 = arith.muli %add3A_348, %mul3A_1478 : i32
        %add3A_1480 = arith.constant 12 : i32
        %add3A_1481 = arith.addi %mul3A_1479, %add3A_1480 : i32
        %slice3A_1482 = vector.extract_strided_slice %get3A_352 {offsets = [12], sizes = [1], strides = [1]} : vector<16xf32> to vector<1xf32>
        %squeeze3A_1483 = vector.extract %slice3A_1482[0] : f32 from vector<1xf32>
        %get3A_1484 = arith.index_cast %add3A_1481 : i32 to index
        %get3A_1485 = arith.constant 0 : index
        %get3A_1486 = tpu.vector_load %arg11[%get3A_1484, %get3A_1485] {strides = array<i32>} : memref<128x128xf32, #tpu.memory_space<vmem>>, vector<1x16xf32>,
        %get3A_1487 = vector.shape_cast %get3A_1486 : vector<1x16xf32> to vector<16xf32>
        %mul3A_1488 = vector.broadcast %squeeze3A_1483 : f32 to vector<16xf32>
        %mul3A_1489 = arith.mulf %get3A_1487, %mul3A_1488 : vector<16xf32>
        %swap3A_1490 = arith.index_cast %add3A_1481 : i32 to index
        %swap3A_1491 = arith.constant 0 : index
        %swap3A_1492 = tpu.vector_load %arg11[%swap3A_1490, %swap3A_1491] {strides = array<i32>} : memref<128x128xf32, #tpu.memory_space<vmem>>, vector<1x16xf32>,
        %swap3A_1493 = vector.shape_cast %swap3A_1492 : vector<1x16xf32> to vector<16xf32>
        %swap3A_1494 = vector.shape_cast %mul3A_1489 : vector<16xf32> to vector<1x16xf32>
        tpu.vector_store %arg11[%swap3A_1490, %swap3A_1491], %swap3A_1494 {strides = array<i32>} : memref<128x128xf32, #tpu.memory_space<vmem>>, vector<1x16xf32>,
        %get3A_1495 = arith.index_cast %add3A_1481 : i32 to index
        %get3A_1496 = arith.constant 16 : index
        %get3A_1497 = tpu.vector_load %arg11[%get3A_1495, %get3A_1496] {strides = array<i32>} : memref<128x128xf32, #tpu.memory_space<vmem>>, vector<1x16xf32>,
        %get3A_1498 = vector.shape_cast %get3A_1497 : vector<1x16xf32> to vector<16xf32>
        %mul3A_1499 = vector.broadcast %squeeze3A_1483 : f32 to vector<16xf32>
        %mul3A_1500 = arith.mulf %get3A_1498, %mul3A_1499 : vector<16xf32>
        %swap3A_1501 = arith.index_cast %add3A_1481 : i32 to index
        %swap3A_1502 = arith.constant 16 : index
        %swap3A_1503 = tpu.vector_load %arg11[%swap3A_1501, %swap3A_1502] {strides = array<i32>} : memref<128x128xf32, #tpu.memory_space<vmem>>, vector<1x16xf32>,
        %swap3A_1504 = vector.shape_cast %swap3A_1503 : vector<1x16xf32> to vector<16xf32>
        %swap3A_1505 = vector.shape_cast %mul3A_1500 : vector<16xf32> to vector<1x16xf32>
        tpu.vector_store %arg11[%swap3A_1501, %swap3A_1502], %swap3A_1505 {strides = array<i32>} : memref<128x128xf32, #tpu.memory_space<vmem>>, vector<1x16xf32>,
        %get3A_1506 = arith.index_cast %add3A_1481 : i32 to index
        %get3A_1507 = arith.constant 32 : index
        %get3A_1508 = tpu.vector_load %arg11[%get3A_1506, %get3A_1507] {strides = array<i32>} : memref<128x128xf32, #tpu.memory_space<vmem>>, vector<1x16xf32>,
        %get3A_1509 = vector.shape_cast %get3A_1508 : vector<1x16xf32> to vector<16xf32>
        %mul3A_1510 = vector.broadcast %squeeze3A_1483 : f32 to vector<16xf32>
        %mul3A_1511 = arith.mulf %get3A_1509, %mul3A_1510 : vector<16xf32>
        %swap3A_1512 = arith.index_cast %add3A_1481 : i32 to index
        %swap3A_1513 = arith.constant 32 : index
        %swap3A_1514 = tpu.vector_load %arg11[%swap3A_1512, %swap3A_1513] {strides = array<i32>} : memref<128x128xf32, #tpu.memory_space<vmem>>, vector<1x16xf32>,
        %swap3A_1515 = vector.shape_cast %swap3A_1514 : vector<1x16xf32> to vector<16xf32>
        %swap3A_1516 = vector.shape_cast %mul3A_1511 : vector<16xf32> to vector<1x16xf32>
        tpu.vector_store %arg11[%swap3A_1512, %swap3A_1513], %swap3A_1516 {strides = array<i32>} : memref<128x128xf32, #tpu.memory_space<vmem>>, vector<1x16xf32>,
        %get3A_1517 = arith.index_cast %add3A_1481 : i32 to index
        %get3A_1518 = arith.constant 48 : index
        %get3A_1519 = tpu.vector_load %arg11[%get3A_1517, %get3A_1518] {strides = array<i32>} : memref<128x128xf32, #tpu.memory_space<vmem>>, vector<1x16xf32>,
        %get3A_1520 = vector.shape_cast %get3A_1519 : vector<1x16xf32> to vector<16xf32>
        %mul3A_1521 = vector.broadcast %squeeze3A_1483 : f32 to vector<16xf32>
        %mul3A_1522 = arith.mulf %get3A_1520, %mul3A_1521 : vector<16xf32>
        %swap3A_1523 = arith.index_cast %add3A_1481 : i32 to index
        %swap3A_1524 = arith.constant 48 : index
        %swap3A_1525 = tpu.vector_load %arg11[%swap3A_1523, %swap3A_1524] {strides = array<i32>} : memref<128x128xf32, #tpu.memory_space<vmem>>, vector<1x16xf32>,
        %swap3A_1526 = vector.shape_cast %swap3A_1525 : vector<1x16xf32> to vector<16xf32>
        %swap3A_1527 = vector.shape_cast %mul3A_1522 : vector<16xf32> to vector<1x16xf32>
        tpu.vector_store %arg11[%swap3A_1523, %swap3A_1524], %swap3A_1527 {strides = array<i32>} : memref<128x128xf32, #tpu.memory_space<vmem>>, vector<1x16xf32>,
        %get3A_1528 = arith.index_cast %add3A_1481 : i32 to index
        %get3A_1529 = arith.constant 64 : index
        %get3A_1530 = tpu.vector_load %arg11[%get3A_1528, %get3A_1529] {strides = array<i32>} : memref<128x128xf32, #tpu.memory_space<vmem>>, vector<1x16xf32>,
        %get3A_1531 = vector.shape_cast %get3A_1530 : vector<1x16xf32> to vector<16xf32>
        %mul3A_1532 = vector.broadcast %squeeze3A_1483 : f32 to vector<16xf32>
        %mul3A_1533 = arith.mulf %get3A_1531, %mul3A_1532 : vector<16xf32>
        %swap3A_1534 = arith.index_cast %add3A_1481 : i32 to index
        %swap3A_1535 = arith.constant 64 : index
        %swap3A_1536 = tpu.vector_load %arg11[%swap3A_1534, %swap3A_1535] {strides = array<i32>} : memref<128x128xf32, #tpu.memory_space<vmem>>, vector<1x16xf32>,
        %swap3A_1537 = vector.shape_cast %swap3A_1536 : vector<1x16xf32> to vector<16xf32>
        %swap3A_1538 = vector.shape_cast %mul3A_1533 : vector<16xf32> to vector<1x16xf32>
        tpu.vector_store %arg11[%swap3A_1534, %swap3A_1535], %swap3A_1538 {strides = array<i32>} : memref<128x128xf32, #tpu.memory_space<vmem>>, vector<1x16xf32>,
        %get3A_1539 = arith.index_cast %add3A_1481 : i32 to index
        %get3A_1540 = arith.constant 80 : index
        %get3A_1541 = tpu.vector_load %arg11[%get3A_1539, %get3A_1540] {strides = array<i32>} : memref<128x128xf32, #tpu.memory_space<vmem>>, vector<1x16xf32>,
        %get3A_1542 = vector.shape_cast %get3A_1541 : vector<1x16xf32> to vector<16xf32>
        %mul3A_1543 = vector.broadcast %squeeze3A_1483 : f32 to vector<16xf32>
        %mul3A_1544 = arith.mulf %get3A_1542, %mul3A_1543 : vector<16xf32>
        %swap3A_1545 = arith.index_cast %add3A_1481 : i32 to index
        %swap3A_1546 = arith.constant 80 : index
        %swap3A_1547 = tpu.vector_load %arg11[%swap3A_1545, %swap3A_1546] {strides = array<i32>} : memref<128x128xf32, #tpu.memory_space<vmem>>, vector<1x16xf32>,
        %swap3A_1548 = vector.shape_cast %swap3A_1547 : vector<1x16xf32> to vector<16xf32>
        %swap3A_1549 = vector.shape_cast %mul3A_1544 : vector<16xf32> to vector<1x16xf32>
        tpu.vector_store %arg11[%swap3A_1545, %swap3A_1546], %swap3A_1549 {strides = array<i32>} : memref<128x128xf32, #tpu.memory_space<vmem>>, vector<1x16xf32>,
        %get3A_1550 = arith.index_cast %add3A_1481 : i32 to index
        %get3A_1551 = arith.constant 96 : index
        %get3A_1552 = tpu.vector_load %arg11[%get3A_1550, %get3A_1551] {strides = array<i32>} : memref<128x128xf32, #tpu.memory_space<vmem>>, vector<1x16xf32>,
        %get3A_1553 = vector.shape_cast %get3A_1552 : vector<1x16xf32> to vector<16xf32>
        %mul3A_1554 = vector.broadcast %squeeze3A_1483 : f32 to vector<16xf32>
        %mul3A_1555 = arith.mulf %get3A_1553, %mul3A_1554 : vector<16xf32>
        %swap3A_1556 = arith.index_cast %add3A_1481 : i32 to index
        %swap3A_1557 = arith.constant 96 : index
        %swap3A_1558 = tpu.vector_load %arg11[%swap3A_1556, %swap3A_1557] {strides = array<i32>} : memref<128x128xf32, #tpu.memory_space<vmem>>, vector<1x16xf32>,
        %swap3A_1559 = vector.shape_cast %swap3A_1558 : vector<1x16xf32> to vector<16xf32>
        %swap3A_1560 = vector.shape_cast %mul3A_1555 : vector<16xf32> to vector<1x16xf32>
        tpu.vector_store %arg11[%swap3A_1556, %swap3A_1557], %swap3A_1560 {strides = array<i32>} : memref<128x128xf32, #tpu.memory_space<vmem>>, vector<1x16xf32>,
        %get3A_1561 = arith.index_cast %add3A_1481 : i32 to index
        %get3A_1562 = arith.constant 112 : index
        %get3A_1563 = tpu.vector_load %arg11[%get3A_1561, %get3A_1562] {strides = array<i32>} : memref<128x128xf32, #tpu.memory_space<vmem>>, vector<1x16xf32>,
        %get3A_1564 = vector.shape_cast %get3A_1563 : vector<1x16xf32> to vector<16xf32>
        %mul3A_1565 = vector.broadcast %squeeze3A_1483 : f32 to vector<16xf32>
        %mul3A_1566 = arith.mulf %get3A_1564, %mul3A_1565 : vector<16xf32>
        %swap3A_1567 = arith.index_cast %add3A_1481 : i32 to index
        %swap3A_1568 = arith.constant 112 : index
        %swap3A_1569 = tpu.vector_load %arg11[%swap3A_1567, %swap3A_1568] {strides = array<i32>} : memref<128x128xf32, #tpu.memory_space<vmem>>, vector<1x16xf32>,
        %swap3A_1570 = vector.shape_cast %swap3A_1569 : vector<1x16xf32> to vector<16xf32>
        %swap3A_1571 = vector.shape_cast %mul3A_1566 : vector<16xf32> to vector<1x16xf32>
        tpu.vector_store %arg11[%swap3A_1567, %swap3A_1568], %swap3A_1571 {strides = array<i32>} : memref<128x128xf32, #tpu.memory_space<vmem>>, vector<1x16xf32>,
        %mul3A_1572 = arith.constant 16 : i32
        %mul3A_1573 = arith.muli %add3A_348, %mul3A_1572 : i32
        %add3A_1574 = arith.constant 13 : i32
        %add3A_1575 = arith.addi %mul3A_1573, %add3A_1574 : i32
        %slice3A_1576 = vector.extract_strided_slice %get3A_352 {offsets = [13], sizes = [1], strides = [1]} : vector<16xf32> to vector<1xf32>
        %squeeze3A_1577 = vector.extract %slice3A_1576[0] : f32 from vector<1xf32>
        %get3A_1578 = arith.index_cast %add3A_1575 : i32 to index
        %get3A_1579 = arith.constant 0 : index
        %get3A_1580 = tpu.vector_load %arg11[%get3A_1578, %get3A_1579] {strides = array<i32>} : memref<128x128xf32, #tpu.memory_space<vmem>>, vector<1x16xf32>,
        %get3A_1581 = vector.shape_cast %get3A_1580 : vector<1x16xf32> to vector<16xf32>
        %mul3A_1582 = vector.broadcast %squeeze3A_1577 : f32 to vector<16xf32>
        %mul3A_1583 = arith.mulf %get3A_1581, %mul3A_1582 : vector<16xf32>
        %swap3A_1584 = arith.index_cast %add3A_1575 : i32 to index
        %swap3A_1585 = arith.constant 0 : index
        %swap3A_1586 = tpu.vector_load %arg11[%swap3A_1584, %swap3A_1585] {strides = array<i32>} : memref<128x128xf32, #tpu.memory_space<vmem>>, vector<1x16xf32>,
        %swap3A_1587 = vector.shape_cast %swap3A_1586 : vector<1x16xf32> to vector<16xf32>
        %swap3A_1588 = vector.shape_cast %mul3A_1583 : vector<16xf32> to vector<1x16xf32>
        tpu.vector_store %arg11[%swap3A_1584, %swap3A_1585], %swap3A_1588 {strides = array<i32>} : memref<128x128xf32, #tpu.memory_space<vmem>>, vector<1x16xf32>,
        %get3A_1589 = arith.index_cast %add3A_1575 : i32 to index
        %get3A_1590 = arith.constant 16 : index
        %get3A_1591 = tpu.vector_load %arg11[%get3A_1589, %get3A_1590] {strides = array<i32>} : memref<128x128xf32, #tpu.memory_space<vmem>>, vector<1x16xf32>,
        %get3A_1592 = vector.shape_cast %get3A_1591 : vector<1x16xf32> to vector<16xf32>
        %mul3A_1593 = vector.broadcast %squeeze3A_1577 : f32 to vector<16xf32>
        %mul3A_1594 = arith.mulf %get3A_1592, %mul3A_1593 : vector<16xf32>
        %swap3A_1595 = arith.index_cast %add3A_1575 : i32 to index
        %swap3A_1596 = arith.constant 16 : index
        %swap3A_1597 = tpu.vector_load %arg11[%swap3A_1595, %swap3A_1596] {strides = array<i32>} : memref<128x128xf32, #tpu.memory_space<vmem>>, vector<1x16xf32>,
        %swap3A_1598 = vector.shape_cast %swap3A_1597 : vector<1x16xf32> to vector<16xf32>
        %swap3A_1599 = vector.shape_cast %mul3A_1594 : vector<16xf32> to vector<1x16xf32>
        tpu.vector_store %arg11[%swap3A_1595, %swap3A_1596], %swap3A_1599 {strides = array<i32>} : memref<128x128xf32, #tpu.memory_space<vmem>>, vector<1x16xf32>,
        %get3A_1600 = arith.index_cast %add3A_1575 : i32 to index
        %get3A_1601 = arith.constant 32 : index
        %get3A_1602 = tpu.vector_load %arg11[%get3A_1600, %get3A_1601] {strides = array<i32>} : memref<128x128xf32, #tpu.memory_space<vmem>>, vector<1x16xf32>,
        %get3A_1603 = vector.shape_cast %get3A_1602 : vector<1x16xf32> to vector<16xf32>
        %mul3A_1604 = vector.broadcast %squeeze3A_1577 : f32 to vector<16xf32>
        %mul3A_1605 = arith.mulf %get3A_1603, %mul3A_1604 : vector<16xf32>
        %swap3A_1606 = arith.index_cast %add3A_1575 : i32 to index
        %swap3A_1607 = arith.constant 32 : index
        %swap3A_1608 = tpu.vector_load %arg11[%swap3A_1606, %swap3A_1607] {strides = array<i32>} : memref<128x128xf32, #tpu.memory_space<vmem>>, vector<1x16xf32>,
        %swap3A_1609 = vector.shape_cast %swap3A_1608 : vector<1x16xf32> to vector<16xf32>
        %swap3A_1610 = vector.shape_cast %mul3A_1605 : vector<16xf32> to vector<1x16xf32>
        tpu.vector_store %arg11[%swap3A_1606, %swap3A_1607], %swap3A_1610 {strides = array<i32>} : memref<128x128xf32, #tpu.memory_space<vmem>>, vector<1x16xf32>,
        %get3A_1611 = arith.index_cast %add3A_1575 : i32 to index
        %get3A_1612 = arith.constant 48 : index
        %get3A_1613 = tpu.vector_load %arg11[%get3A_1611, %get3A_1612] {strides = array<i32>} : memref<128x128xf32, #tpu.memory_space<vmem>>, vector<1x16xf32>,
        %get3A_1614 = vector.shape_cast %get3A_1613 : vector<1x16xf32> to vector<16xf32>
        %mul3A_1615 = vector.broadcast %squeeze3A_1577 : f32 to vector<16xf32>
        %mul3A_1616 = arith.mulf %get3A_1614, %mul3A_1615 : vector<16xf32>
        %swap3A_1617 = arith.index_cast %add3A_1575 : i32 to index
        %swap3A_1618 = arith.constant 48 : index
        %swap3A_1619 = tpu.vector_load %arg11[%swap3A_1617, %swap3A_1618] {strides = array<i32>} : memref<128x128xf32, #tpu.memory_space<vmem>>, vector<1x16xf32>,
        %swap3A_1620 = vector.shape_cast %swap3A_1619 : vector<1x16xf32> to vector<16xf32>
        %swap3A_1621 = vector.shape_cast %mul3A_1616 : vector<16xf32> to vector<1x16xf32>
        tpu.vector_store %arg11[%swap3A_1617, %swap3A_1618], %swap3A_1621 {strides = array<i32>} : memref<128x128xf32, #tpu.memory_space<vmem>>, vector<1x16xf32>,
        %get3A_1622 = arith.index_cast %add3A_1575 : i32 to index
        %get3A_1623 = arith.constant 64 : index
        %get3A_1624 = tpu.vector_load %arg11[%get3A_1622, %get3A_1623] {strides = array<i32>} : memref<128x128xf32, #tpu.memory_space<vmem>>, vector<1x16xf32>,
        %get3A_1625 = vector.shape_cast %get3A_1624 : vector<1x16xf32> to vector<16xf32>
        %mul3A_1626 = vector.broadcast %squeeze3A_1577 : f32 to vector<16xf32>
        %mul3A_1627 = arith.mulf %get3A_1625, %mul3A_1626 : vector<16xf32>
        %swap3A_1628 = arith.index_cast %add3A_1575 : i32 to index
        %swap3A_1629 = arith.constant 64 : index
        %swap3A_1630 = tpu.vector_load %arg11[%swap3A_1628, %swap3A_1629] {strides = array<i32>} : memref<128x128xf32, #tpu.memory_space<vmem>>, vector<1x16xf32>,
        %swap3A_1631 = vector.shape_cast %swap3A_1630 : vector<1x16xf32> to vector<16xf32>
        %swap3A_1632 = vector.shape_cast %mul3A_1627 : vector<16xf32> to vector<1x16xf32>
        tpu.vector_store %arg11[%swap3A_1628, %swap3A_1629], %swap3A_1632 {strides = array<i32>} : memref<128x128xf32, #tpu.memory_space<vmem>>, vector<1x16xf32>,
        %get3A_1633 = arith.index_cast %add3A_1575 : i32 to index
        %get3A_1634 = arith.constant 80 : index
        %get3A_1635 = tpu.vector_load %arg11[%get3A_1633, %get3A_1634] {strides = array<i32>} : memref<128x128xf32, #tpu.memory_space<vmem>>, vector<1x16xf32>,
        %get3A_1636 = vector.shape_cast %get3A_1635 : vector<1x16xf32> to vector<16xf32>
        %mul3A_1637 = vector.broadcast %squeeze3A_1577 : f32 to vector<16xf32>
        %mul3A_1638 = arith.mulf %get3A_1636, %mul3A_1637 : vector<16xf32>
        %swap3A_1639 = arith.index_cast %add3A_1575 : i32 to index
        %swap3A_1640 = arith.constant 80 : index
        %swap3A_1641 = tpu.vector_load %arg11[%swap3A_1639, %swap3A_1640] {strides = array<i32>} : memref<128x128xf32, #tpu.memory_space<vmem>>, vector<1x16xf32>,
        %swap3A_1642 = vector.shape_cast %swap3A_1641 : vector<1x16xf32> to vector<16xf32>
        %swap3A_1643 = vector.shape_cast %mul3A_1638 : vector<16xf32> to vector<1x16xf32>
        tpu.vector_store %arg11[%swap3A_1639, %swap3A_1640], %swap3A_1643 {strides = array<i32>} : memref<128x128xf32, #tpu.memory_space<vmem>>, vector<1x16xf32>,
        %get3A_1644 = arith.index_cast %add3A_1575 : i32 to index
        %get3A_1645 = arith.constant 96 : index
        %get3A_1646 = tpu.vector_load %arg11[%get3A_1644, %get3A_1645] {strides = array<i32>} : memref<128x128xf32, #tpu.memory_space<vmem>>, vector<1x16xf32>,
        %get3A_1647 = vector.shape_cast %get3A_1646 : vector<1x16xf32> to vector<16xf32>
        %mul3A_1648 = vector.broadcast %squeeze3A_1577 : f32 to vector<16xf32>
        %mul3A_1649 = arith.mulf %get3A_1647, %mul3A_1648 : vector<16xf32>
        %swap3A_1650 = arith.index_cast %add3A_1575 : i32 to index
        %swap3A_1651 = arith.constant 96 : index
        %swap3A_1652 = tpu.vector_load %arg11[%swap3A_1650, %swap3A_1651] {strides = array<i32>} : memref<128x128xf32, #tpu.memory_space<vmem>>, vector<1x16xf32>,
        %swap3A_1653 = vector.shape_cast %swap3A_1652 : vector<1x16xf32> to vector<16xf32>
        %swap3A_1654 = vector.shape_cast %mul3A_1649 : vector<16xf32> to vector<1x16xf32>
        tpu.vector_store %arg11[%swap3A_1650, %swap3A_1651], %swap3A_1654 {strides = array<i32>} : memref<128x128xf32, #tpu.memory_space<vmem>>, vector<1x16xf32>,
        %get3A_1655 = arith.index_cast %add3A_1575 : i32 to index
        %get3A_1656 = arith.constant 112 : index
        %get3A_1657 = tpu.vector_load %arg11[%get3A_1655, %get3A_1656] {strides = array<i32>} : memref<128x128xf32, #tpu.memory_space<vmem>>, vector<1x16xf32>,
        %get3A_1658 = vector.shape_cast %get3A_1657 : vector<1x16xf32> to vector<16xf32>
        %mul3A_1659 = vector.broadcast %squeeze3A_1577 : f32 to vector<16xf32>
        %mul3A_1660 = arith.mulf %get3A_1658, %mul3A_1659 : vector<16xf32>
        %swap3A_1661 = arith.index_cast %add3A_1575 : i32 to index
        %swap3A_1662 = arith.constant 112 : index
        %swap3A_1663 = tpu.vector_load %arg11[%swap3A_1661, %swap3A_1662] {strides = array<i32>} : memref<128x128xf32, #tpu.memory_space<vmem>>, vector<1x16xf32>,
        %swap3A_1664 = vector.shape_cast %swap3A_1663 : vector<1x16xf32> to vector<16xf32>
        %swap3A_1665 = vector.shape_cast %mul3A_1660 : vector<16xf32> to vector<1x16xf32>
        tpu.vector_store %arg11[%swap3A_1661, %swap3A_1662], %swap3A_1665 {strides = array<i32>} : memref<128x128xf32, #tpu.memory_space<vmem>>, vector<1x16xf32>,
        %mul3A_1666 = arith.constant 16 : i32
        %mul3A_1667 = arith.muli %add3A_348, %mul3A_1666 : i32
        %add3A_1668 = arith.constant 14 : i32
        %add3A_1669 = arith.addi %mul3A_1667, %add3A_1668 : i32
        %slice3A_1670 = vector.extract_strided_slice %get3A_352 {offsets = [14], sizes = [1], strides = [1]} : vector<16xf32> to vector<1xf32>
        %squeeze3A_1671 = vector.extract %slice3A_1670[0] : f32 from vector<1xf32>
        %get3A_1672 = arith.index_cast %add3A_1669 : i32 to index
        %get3A_1673 = arith.constant 0 : index
        %get3A_1674 = tpu.vector_load %arg11[%get3A_1672, %get3A_1673] {strides = array<i32>} : memref<128x128xf32, #tpu.memory_space<vmem>>, vector<1x16xf32>,
        %get3A_1675 = vector.shape_cast %get3A_1674 : vector<1x16xf32> to vector<16xf32>
        %mul3A_1676 = vector.broadcast %squeeze3A_1671 : f32 to vector<16xf32>
        %mul3A_1677 = arith.mulf %get3A_1675, %mul3A_1676 : vector<16xf32>
        %swap3A_1678 = arith.index_cast %add3A_1669 : i32 to index
        %swap3A_1679 = arith.constant 0 : index
        %swap3A_1680 = tpu.vector_load %arg11[%swap3A_1678, %swap3A_1679] {strides = array<i32>} : memref<128x128xf32, #tpu.memory_space<vmem>>, vector<1x16xf32>,
        %swap3A_1681 = vector.shape_cast %swap3A_1680 : vector<1x16xf32> to vector<16xf32>
        %swap3A_1682 = vector.shape_cast %mul3A_1677 : vector<16xf32> to vector<1x16xf32>
        tpu.vector_store %arg11[%swap3A_1678, %swap3A_1679], %swap3A_1682 {strides = array<i32>} : memref<128x128xf32, #tpu.memory_space<vmem>>, vector<1x16xf32>,
        %get3A_1683 = arith.index_cast %add3A_1669 : i32 to index
        %get3A_1684 = arith.constant 16 : index
        %get3A_1685 = tpu.vector_load %arg11[%get3A_1683, %get3A_1684] {strides = array<i32>} : memref<128x128xf32, #tpu.memory_space<vmem>>, vector<1x16xf32>,
        %get3A_1686 = vector.shape_cast %get3A_1685 : vector<1x16xf32> to vector<16xf32>
        %mul3A_1687 = vector.broadcast %squeeze3A_1671 : f32 to vector<16xf32>
        %mul3A_1688 = arith.mulf %get3A_1686, %mul3A_1687 : vector<16xf32>
        %swap3A_1689 = arith.index_cast %add3A_1669 : i32 to index
        %swap3A_1690 = arith.constant 16 : index
        %swap3A_1691 = tpu.vector_load %arg11[%swap3A_1689, %swap3A_1690] {strides = array<i32>} : memref<128x128xf32, #tpu.memory_space<vmem>>, vector<1x16xf32>,
        %swap3A_1692 = vector.shape_cast %swap3A_1691 : vector<1x16xf32> to vector<16xf32>
        %swap3A_1693 = vector.shape_cast %mul3A_1688 : vector<16xf32> to vector<1x16xf32>
        tpu.vector_store %arg11[%swap3A_1689, %swap3A_1690], %swap3A_1693 {strides = array<i32>} : memref<128x128xf32, #tpu.memory_space<vmem>>, vector<1x16xf32>,
        %get3A_1694 = arith.index_cast %add3A_1669 : i32 to index
        %get3A_1695 = arith.constant 32 : index
        %get3A_1696 = tpu.vector_load %arg11[%get3A_1694, %get3A_1695] {strides = array<i32>} : memref<128x128xf32, #tpu.memory_space<vmem>>, vector<1x16xf32>,
        %get3A_1697 = vector.shape_cast %get3A_1696 : vector<1x16xf32> to vector<16xf32>
        %mul3A_1698 = vector.broadcast %squeeze3A_1671 : f32 to vector<16xf32>
        %mul3A_1699 = arith.mulf %get3A_1697, %mul3A_1698 : vector<16xf32>
        %swap3A_1700 = arith.index_cast %add3A_1669 : i32 to index
        %swap3A_1701 = arith.constant 32 : index
        %swap3A_1702 = tpu.vector_load %arg11[%swap3A_1700, %swap3A_1701] {strides = array<i32>} : memref<128x128xf32, #tpu.memory_space<vmem>>, vector<1x16xf32>,
        %swap3A_1703 = vector.shape_cast %swap3A_1702 : vector<1x16xf32> to vector<16xf32>
        %swap3A_1704 = vector.shape_cast %mul3A_1699 : vector<16xf32> to vector<1x16xf32>
        tpu.vector_store %arg11[%swap3A_1700, %swap3A_1701], %swap3A_1704 {strides = array<i32>} : memref<128x128xf32, #tpu.memory_space<vmem>>, vector<1x16xf32>,
        %get3A_1705 = arith.index_cast %add3A_1669 : i32 to index
        %get3A_1706 = arith.constant 48 : index
        %get3A_1707 = tpu.vector_load %arg11[%get3A_1705, %get3A_1706] {strides = array<i32>} : memref<128x128xf32, #tpu.memory_space<vmem>>, vector<1x16xf32>,
        %get3A_1708 = vector.shape_cast %get3A_1707 : vector<1x16xf32> to vector<16xf32>
        %mul3A_1709 = vector.broadcast %squeeze3A_1671 : f32 to vector<16xf32>
        %mul3A_1710 = arith.mulf %get3A_1708, %mul3A_1709 : vector<16xf32>
        %swap3A_1711 = arith.index_cast %add3A_1669 : i32 to index
        %swap3A_1712 = arith.constant 48 : index
        %swap3A_1713 = tpu.vector_load %arg11[%swap3A_1711, %swap3A_1712] {strides = array<i32>} : memref<128x128xf32, #tpu.memory_space<vmem>>, vector<1x16xf32>,
        %swap3A_1714 = vector.shape_cast %swap3A_1713 : vector<1x16xf32> to vector<16xf32>
        %swap3A_1715 = vector.shape_cast %mul3A_1710 : vector<16xf32> to vector<1x16xf32>
        tpu.vector_store %arg11[%swap3A_1711, %swap3A_1712], %swap3A_1715 {strides = array<i32>} : memref<128x128xf32, #tpu.memory_space<vmem>>, vector<1x16xf32>,
        %get3A_1716 = arith.index_cast %add3A_1669 : i32 to index
        %get3A_1717 = arith.constant 64 : index
        %get3A_1718 = tpu.vector_load %arg11[%get3A_1716, %get3A_1717] {strides = array<i32>} : memref<128x128xf32, #tpu.memory_space<vmem>>, vector<1x16xf32>,
        %get3A_1719 = vector.shape_cast %get3A_1718 : vector<1x16xf32> to vector<16xf32>
        %mul3A_1720 = vector.broadcast %squeeze3A_1671 : f32 to vector<16xf32>
        %mul3A_1721 = arith.mulf %get3A_1719, %mul3A_1720 : vector<16xf32>
        %swap3A_1722 = arith.index_cast %add3A_1669 : i32 to index
        %swap3A_1723 = arith.constant 64 : index
        %swap3A_1724 = tpu.vector_load %arg11[%swap3A_1722, %swap3A_1723] {strides = array<i32>} : memref<128x128xf32, #tpu.memory_space<vmem>>, vector<1x16xf32>,
        %swap3A_1725 = vector.shape_cast %swap3A_1724 : vector<1x16xf32> to vector<16xf32>
        %swap3A_1726 = vector.shape_cast %mul3A_1721 : vector<16xf32> to vector<1x16xf32>
        tpu.vector_store %arg11[%swap3A_1722, %swap3A_1723], %swap3A_1726 {strides = array<i32>} : memref<128x128xf32, #tpu.memory_space<vmem>>, vector<1x16xf32>,
        %get3A_1727 = arith.index_cast %add3A_1669 : i32 to index
        %get3A_1728 = arith.constant 80 : index
        %get3A_1729 = tpu.vector_load %arg11[%get3A_1727, %get3A_1728] {strides = array<i32>} : memref<128x128xf32, #tpu.memory_space<vmem>>, vector<1x16xf32>,
        %get3A_1730 = vector.shape_cast %get3A_1729 : vector<1x16xf32> to vector<16xf32>
        %mul3A_1731 = vector.broadcast %squeeze3A_1671 : f32 to vector<16xf32>
        %mul3A_1732 = arith.mulf %get3A_1730, %mul3A_1731 : vector<16xf32>
        %swap3A_1733 = arith.index_cast %add3A_1669 : i32 to index
        %swap3A_1734 = arith.constant 80 : index
        %swap3A_1735 = tpu.vector_load %arg11[%swap3A_1733, %swap3A_1734] {strides = array<i32>} : memref<128x128xf32, #tpu.memory_space<vmem>>, vector<1x16xf32>,
        %swap3A_1736 = vector.shape_cast %swap3A_1735 : vector<1x16xf32> to vector<16xf32>
        %swap3A_1737 = vector.shape_cast %mul3A_1732 : vector<16xf32> to vector<1x16xf32>
        tpu.vector_store %arg11[%swap3A_1733, %swap3A_1734], %swap3A_1737 {strides = array<i32>} : memref<128x128xf32, #tpu.memory_space<vmem>>, vector<1x16xf32>,
        %get3A_1738 = arith.index_cast %add3A_1669 : i32 to index
        %get3A_1739 = arith.constant 96 : index
        %get3A_1740 = tpu.vector_load %arg11[%get3A_1738, %get3A_1739] {strides = array<i32>} : memref<128x128xf32, #tpu.memory_space<vmem>>, vector<1x16xf32>,
        %get3A_1741 = vector.shape_cast %get3A_1740 : vector<1x16xf32> to vector<16xf32>
        %mul3A_1742 = vector.broadcast %squeeze3A_1671 : f32 to vector<16xf32>
        %mul3A_1743 = arith.mulf %get3A_1741, %mul3A_1742 : vector<16xf32>
        %swap3A_1744 = arith.index_cast %add3A_1669 : i32 to index
        %swap3A_1745 = arith.constant 96 : index
        %swap3A_1746 = tpu.vector_load %arg11[%swap3A_1744, %swap3A_1745] {strides = array<i32>} : memref<128x128xf32, #tpu.memory_space<vmem>>, vector<1x16xf32>,
        %swap3A_1747 = vector.shape_cast %swap3A_1746 : vector<1x16xf32> to vector<16xf32>
        %swap3A_1748 = vector.shape_cast %mul3A_1743 : vector<16xf32> to vector<1x16xf32>
        tpu.vector_store %arg11[%swap3A_1744, %swap3A_1745], %swap3A_1748 {strides = array<i32>} : memref<128x128xf32, #tpu.memory_space<vmem>>, vector<1x16xf32>,
        %get3A_1749 = arith.index_cast %add3A_1669 : i32 to index
        %get3A_1750 = arith.constant 112 : index
        %get3A_1751 = tpu.vector_load %arg11[%get3A_1749, %get3A_1750] {strides = array<i32>} : memref<128x128xf32, #tpu.memory_space<vmem>>, vector<1x16xf32>,
        %get3A_1752 = vector.shape_cast %get3A_1751 : vector<1x16xf32> to vector<16xf32>
        %mul3A_1753 = vector.broadcast %squeeze3A_1671 : f32 to vector<16xf32>
        %mul3A_1754 = arith.mulf %get3A_1752, %mul3A_1753 : vector<16xf32>
        %swap3A_1755 = arith.index_cast %add3A_1669 : i32 to index
        %swap3A_1756 = arith.constant 112 : index
        %swap3A_1757 = tpu.vector_load %arg11[%swap3A_1755, %swap3A_1756] {strides = array<i32>} : memref<128x128xf32, #tpu.memory_space<vmem>>, vector<1x16xf32>,
        %swap3A_1758 = vector.shape_cast %swap3A_1757 : vector<1x16xf32> to vector<16xf32>
        %swap3A_1759 = vector.shape_cast %mul3A_1754 : vector<16xf32> to vector<1x16xf32>
        tpu.vector_store %arg11[%swap3A_1755, %swap3A_1756], %swap3A_1759 {strides = array<i32>} : memref<128x128xf32, #tpu.memory_space<vmem>>, vector<1x16xf32>,
        %mul3A_1760 = arith.constant 16 : i32
        %mul3A_1761 = arith.muli %add3A_348, %mul3A_1760 : i32
        %add3A_1762 = arith.constant 15 : i32
        %add3A_1763 = arith.addi %mul3A_1761, %add3A_1762 : i32
        %slice3A_1764 = vector.extract_strided_slice %get3A_352 {offsets = [15], sizes = [1], strides = [1]} : vector<16xf32> to vector<1xf32>
        %squeeze3A_1765 = vector.extract %slice3A_1764[0] : f32 from vector<1xf32>
        %get3A_1766 = arith.index_cast %add3A_1763 : i32 to index
        %get3A_1767 = arith.constant 0 : index
        %get3A_1768 = tpu.vector_load %arg11[%get3A_1766, %get3A_1767] {strides = array<i32>} : memref<128x128xf32, #tpu.memory_space<vmem>>, vector<1x16xf32>,
        %get3A_1769 = vector.shape_cast %get3A_1768 : vector<1x16xf32> to vector<16xf32>
        %mul3A_1770 = vector.broadcast %squeeze3A_1765 : f32 to vector<16xf32>
        %mul3A_1771 = arith.mulf %get3A_1769, %mul3A_1770 : vector<16xf32>
        %swap3A_1772 = arith.index_cast %add3A_1763 : i32 to index
        %swap3A_1773 = arith.constant 0 : index
        %swap3A_1774 = tpu.vector_load %arg11[%swap3A_1772, %swap3A_1773] {strides = array<i32>} : memref<128x128xf32, #tpu.memory_space<vmem>>, vector<1x16xf32>,
        %swap3A_1775 = vector.shape_cast %swap3A_1774 : vector<1x16xf32> to vector<16xf32>
        %swap3A_1776 = vector.shape_cast %mul3A_1771 : vector<16xf32> to vector<1x16xf32>
        tpu.vector_store %arg11[%swap3A_1772, %swap3A_1773], %swap3A_1776 {strides = array<i32>} : memref<128x128xf32, #tpu.memory_space<vmem>>, vector<1x16xf32>,
        %get3A_1777 = arith.index_cast %add3A_1763 : i32 to index
        %get3A_1778 = arith.constant 16 : index
        %get3A_1779 = tpu.vector_load %arg11[%get3A_1777, %get3A_1778] {strides = array<i32>} : memref<128x128xf32, #tpu.memory_space<vmem>>, vector<1x16xf32>,
        %get3A_1780 = vector.shape_cast %get3A_1779 : vector<1x16xf32> to vector<16xf32>
        %mul3A_1781 = vector.broadcast %squeeze3A_1765 : f32 to vector<16xf32>
        %mul3A_1782 = arith.mulf %get3A_1780, %mul3A_1781 : vector<16xf32>
        %swap3A_1783 = arith.index_cast %add3A_1763 : i32 to index
        %swap3A_1784 = arith.constant 16 : index
        %swap3A_1785 = tpu.vector_load %arg11[%swap3A_1783, %swap3A_1784] {strides = array<i32>} : memref<128x128xf32, #tpu.memory_space<vmem>>, vector<1x16xf32>,
        %swap3A_1786 = vector.shape_cast %swap3A_1785 : vector<1x16xf32> to vector<16xf32>
        %swap3A_1787 = vector.shape_cast %mul3A_1782 : vector<16xf32> to vector<1x16xf32>
        tpu.vector_store %arg11[%swap3A_1783, %swap3A_1784], %swap3A_1787 {strides = array<i32>} : memref<128x128xf32, #tpu.memory_space<vmem>>, vector<1x16xf32>,
        %get3A_1788 = arith.index_cast %add3A_1763 : i32 to index
        %get3A_1789 = arith.constant 32 : index
        %get3A_1790 = tpu.vector_load %arg11[%get3A_1788, %get3A_1789] {strides = array<i32>} : memref<128x128xf32, #tpu.memory_space<vmem>>, vector<1x16xf32>,
        %get3A_1791 = vector.shape_cast %get3A_1790 : vector<1x16xf32> to vector<16xf32>
        %mul3A_1792 = vector.broadcast %squeeze3A_1765 : f32 to vector<16xf32>
        %mul3A_1793 = arith.mulf %get3A_1791, %mul3A_1792 : vector<16xf32>
        %swap3A_1794 = arith.index_cast %add3A_1763 : i32 to index
        %swap3A_1795 = arith.constant 32 : index
        %swap3A_1796 = tpu.vector_load %arg11[%swap3A_1794, %swap3A_1795] {strides = array<i32>} : memref<128x128xf32, #tpu.memory_space<vmem>>, vector<1x16xf32>,
        %swap3A_1797 = vector.shape_cast %swap3A_1796 : vector<1x16xf32> to vector<16xf32>
        %swap3A_1798 = vector.shape_cast %mul3A_1793 : vector<16xf32> to vector<1x16xf32>
        tpu.vector_store %arg11[%swap3A_1794, %swap3A_1795], %swap3A_1798 {strides = array<i32>} : memref<128x128xf32, #tpu.memory_space<vmem>>, vector<1x16xf32>,
        %get3A_1799 = arith.index_cast %add3A_1763 : i32 to index
        %get3A_1800 = arith.constant 48 : index
        %get3A_1801 = tpu.vector_load %arg11[%get3A_1799, %get3A_1800] {strides = array<i32>} : memref<128x128xf32, #tpu.memory_space<vmem>>, vector<1x16xf32>,
        %get3A_1802 = vector.shape_cast %get3A_1801 : vector<1x16xf32> to vector<16xf32>
        %mul3A_1803 = vector.broadcast %squeeze3A_1765 : f32 to vector<16xf32>
        %mul3A_1804 = arith.mulf %get3A_1802, %mul3A_1803 : vector<16xf32>
        %swap3A_1805 = arith.index_cast %add3A_1763 : i32 to index
        %swap3A_1806 = arith.constant 48 : index
        %swap3A_1807 = tpu.vector_load %arg11[%swap3A_1805, %swap3A_1806] {strides = array<i32>} : memref<128x128xf32, #tpu.memory_space<vmem>>, vector<1x16xf32>,
        %swap3A_1808 = vector.shape_cast %swap3A_1807 : vector<1x16xf32> to vector<16xf32>
        %swap3A_1809 = vector.shape_cast %mul3A_1804 : vector<16xf32> to vector<1x16xf32>
        tpu.vector_store %arg11[%swap3A_1805, %swap3A_1806], %swap3A_1809 {strides = array<i32>} : memref<128x128xf32, #tpu.memory_space<vmem>>, vector<1x16xf32>,
        %get3A_1810 = arith.index_cast %add3A_1763 : i32 to index
        %get3A_1811 = arith.constant 64 : index
        %get3A_1812 = tpu.vector_load %arg11[%get3A_1810, %get3A_1811] {strides = array<i32>} : memref<128x128xf32, #tpu.memory_space<vmem>>, vector<1x16xf32>,
        %get3A_1813 = vector.shape_cast %get3A_1812 : vector<1x16xf32> to vector<16xf32>
        %mul3A_1814 = vector.broadcast %squeeze3A_1765 : f32 to vector<16xf32>
        %mul3A_1815 = arith.mulf %get3A_1813, %mul3A_1814 : vector<16xf32>
        %swap3A_1816 = arith.index_cast %add3A_1763 : i32 to index
        %swap3A_1817 = arith.constant 64 : index
        %swap3A_1818 = tpu.vector_load %arg11[%swap3A_1816, %swap3A_1817] {strides = array<i32>} : memref<128x128xf32, #tpu.memory_space<vmem>>, vector<1x16xf32>,
        %swap3A_1819 = vector.shape_cast %swap3A_1818 : vector<1x16xf32> to vector<16xf32>
        %swap3A_1820 = vector.shape_cast %mul3A_1815 : vector<16xf32> to vector<1x16xf32>
        tpu.vector_store %arg11[%swap3A_1816, %swap3A_1817], %swap3A_1820 {strides = array<i32>} : memref<128x128xf32, #tpu.memory_space<vmem>>, vector<1x16xf32>,
        %get3A_1821 = arith.index_cast %add3A_1763 : i32 to index
        %get3A_1822 = arith.constant 80 : index
        %get3A_1823 = tpu.vector_load %arg11[%get3A_1821, %get3A_1822] {strides = array<i32>} : memref<128x128xf32, #tpu.memory_space<vmem>>, vector<1x16xf32>,
        %get3A_1824 = vector.shape_cast %get3A_1823 : vector<1x16xf32> to vector<16xf32>
        %mul3A_1825 = vector.broadcast %squeeze3A_1765 : f32 to vector<16xf32>
        %mul3A_1826 = arith.mulf %get3A_1824, %mul3A_1825 : vector<16xf32>
        %swap3A_1827 = arith.index_cast %add3A_1763 : i32 to index
        %swap3A_1828 = arith.constant 80 : index
        %swap3A_1829 = tpu.vector_load %arg11[%swap3A_1827, %swap3A_1828] {strides = array<i32>} : memref<128x128xf32, #tpu.memory_space<vmem>>, vector<1x16xf32>,
        %swap3A_1830 = vector.shape_cast %swap3A_1829 : vector<1x16xf32> to vector<16xf32>
        %swap3A_1831 = vector.shape_cast %mul3A_1826 : vector<16xf32> to vector<1x16xf32>
        tpu.vector_store %arg11[%swap3A_1827, %swap3A_1828], %swap3A_1831 {strides = array<i32>} : memref<128x128xf32, #tpu.memory_space<vmem>>, vector<1x16xf32>,
        %get3A_1832 = arith.index_cast %add3A_1763 : i32 to index
        %get3A_1833 = arith.constant 96 : index
        %get3A_1834 = tpu.vector_load %arg11[%get3A_1832, %get3A_1833] {strides = array<i32>} : memref<128x128xf32, #tpu.memory_space<vmem>>, vector<1x16xf32>,
        %get3A_1835 = vector.shape_cast %get3A_1834 : vector<1x16xf32> to vector<16xf32>
        %mul3A_1836 = vector.broadcast %squeeze3A_1765 : f32 to vector<16xf32>
        %mul3A_1837 = arith.mulf %get3A_1835, %mul3A_1836 : vector<16xf32>
        %swap3A_1838 = arith.index_cast %add3A_1763 : i32 to index
        %swap3A_1839 = arith.constant 96 : index
        %swap3A_1840 = tpu.vector_load %arg11[%swap3A_1838, %swap3A_1839] {strides = array<i32>} : memref<128x128xf32, #tpu.memory_space<vmem>>, vector<1x16xf32>,
        %swap3A_1841 = vector.shape_cast %swap3A_1840 : vector<1x16xf32> to vector<16xf32>
        %swap3A_1842 = vector.shape_cast %mul3A_1837 : vector<16xf32> to vector<1x16xf32>
        tpu.vector_store %arg11[%swap3A_1838, %swap3A_1839], %swap3A_1842 {strides = array<i32>} : memref<128x128xf32, #tpu.memory_space<vmem>>, vector<1x16xf32>,
        %get3A_1843 = arith.index_cast %add3A_1763 : i32 to index
        %get3A_1844 = arith.constant 112 : index
        %get3A_1845 = tpu.vector_load %arg11[%get3A_1843, %get3A_1844] {strides = array<i32>} : memref<128x128xf32, #tpu.memory_space<vmem>>, vector<1x16xf32>,
        %get3A_1846 = vector.shape_cast %get3A_1845 : vector<1x16xf32> to vector<16xf32>
        %mul3A_1847 = vector.broadcast %squeeze3A_1765 : f32 to vector<16xf32>
        %mul3A_1848 = arith.mulf %get3A_1846, %mul3A_1847 : vector<16xf32>
        %swap3A_1849 = arith.index_cast %add3A_1763 : i32 to index
        %swap3A_1850 = arith.constant 112 : index
        %swap3A_1851 = tpu.vector_load %arg11[%swap3A_1849, %swap3A_1850] {strides = array<i32>} : memref<128x128xf32, #tpu.memory_space<vmem>>, vector<1x16xf32>,
        %swap3A_1852 = vector.shape_cast %swap3A_1851 : vector<1x16xf32> to vector<16xf32>
        %swap3A_1853 = vector.shape_cast %mul3A_1848 : vector<16xf32> to vector<1x16xf32>
        tpu.vector_store %arg11[%swap3A_1849, %swap3A_1850], %swap3A_1853 {strides = array<i32>} : memref<128x128xf32, #tpu.memory_space<vmem>>, vector<1x16xf32>,
      }
      %scan3A_130 = arith.constant 8 : i32
      %jit3A = arith.constant 4 : i32
      %eq3A = arith.constant 0 : i32
      %eq3A_131 = arith.cmpi eq, %jit3A, %eq3A : i32
      %jit3A_132 = arith.constant 1 : i32
      %select_n3A = arith.select %eq3A_131, %jit3A_132, %jit3A : i32
      %rem3A = arith.remsi %arg1, %select_n3A : i32
      %ne3A = arith.constant 0 : i32
      %ne3A_133 = arith.cmpi ne, %rem3A, %ne3A : i32
      %lt3A_134 = arith.constant 0 : i32
      %lt3A_135 = arith.cmpi slt, %rem3A, %lt3A_134 : i32
      %lt3A_136 = arith.constant 0 : i32
      %lt3A_137 = arith.cmpi slt, %select_n3A, %lt3A_136 : i32
      %ne3A_138 = arith.xori %lt3A_135, %lt3A_137 : i1
      %and3A = arith.andi %ne3A_138, %ne3A_133 : i1
      %add3A_139 = arith.addi %rem3A, %select_n3A : i32
      %select_n3A_140 = arith.select %and3A, %add3A_139, %rem3A : i32
      %eq3A_141 = arith.constant 0 : i32
      %eq3A_142 = arith.cmpi eq, %select_n3A_140, %eq3A_141 : i32
      %convert_element_type3A_143 = arith.extui %eq3A_142 : i1 to i32
      %cond3A_144 = arith.constant 0 : i32
      %cond3A_145 = arith.cmpi ne, %convert_element_type3A_143, %cond3A_144 : i32
      scf.if %cond3A_145 {
        %run_scoped3A = arith.constant 1 : i32
        "tpu.region"() ({
          %run_scoped3A_344 = tpu.sem_alloc : memref<!tpu.dma_semaphore, #tpu.memory_space<semaphore_mem>>
          %dma_start3A_345 = arith.constant 0 : i32
          %dma_start3A_346 = tpu.memref_slice %arg7[%run_scoped3A, %dma_start3A_345] : memref<2x128xi32, #tpu.memory_space<vmem>> -> memref<1x128xi32, #tpu.memory_space<vmem>>
          %dma_start3A_347 = tpu.memref_squeeze %dma_start3A_346 : memref<1x128xi32, #tpu.memory_space<vmem>> -> memref<128xi32, #tpu.memory_space<vmem>>
          %dma_start3A_348 = arith.constant 0 : i32
          %dma_start3A_349 = arith.constant 0 : i32
          %dma_start3A_350 = tpu.memref_slice %arg6[%dma_start3A_348, %dma_start3A_349] : memref<10240x128xf32, #tpu.memory_space<vmem_shared>> -> memref<10240x128xf32, #tpu.memory_space<vmem_shared>>
          tpu.enqueue_indirect_dma source(%arg11 : memref<128x128xf32, #tpu.memory_space<vmem>>) target(%dma_start3A_350 : memref<10240x128xf32, #tpu.memory_space<vmem_shared>>) offsets(%dma_start3A_347 : memref<128xi32, #tpu.memory_space<vmem>>) semaphore(%run_scoped3A_344 : memref<!tpu.dma_semaphore, #tpu.memory_space<semaphore_mem>>) {add = true}
          %dma_wait3A_351 = arith.constant 0 : i32
          %dma_wait3A_352 = tpu.memref_slice %arg7[%run_scoped3A, %dma_wait3A_351] : memref<2x128xi32, #tpu.memory_space<vmem>> -> memref<1x128xi32, #tpu.memory_space<vmem>>
          %dma_wait3A_353 = tpu.memref_squeeze %dma_wait3A_352 : memref<1x128xi32, #tpu.memory_space<vmem>> -> memref<128xi32, #tpu.memory_space<vmem>>
          %dma_wait3A_354 = arith.constant 0 : i32
          %dma_wait3A_355 = arith.constant 0 : i32
          %dma_wait3A_356 = tpu.memref_slice %arg6[%dma_wait3A_354, %dma_wait3A_355] : memref<10240x128xf32, #tpu.memory_space<vmem_shared>> -> memref<10240x128xf32, #tpu.memory_space<vmem_shared>>
          tpu.wait_indirect_dma semaphore(%run_scoped3A_344 : memref<!tpu.dma_semaphore, #tpu.memory_space<semaphore_mem>>) src(%arg11 : memref<128x128xf32, #tpu.memory_space<vmem>>) dst(%dma_wait3A_356 : memref<10240x128xf32, #tpu.memory_space<vmem_shared>>)
          tpu.yield
        }) : () -> ()
      } else {
      }
      %barrier3A_146 = arith.constant 0 : index
      tpu.barrier barrier_id(%barrier3A_146)
      %jit3A_147 = arith.constant 4 : i32
      %eq3A_148 = arith.constant 0 : i32
      %eq3A_149 = arith.cmpi eq, %jit3A_147, %eq3A_148 : i32
      %jit3A_150 = arith.constant 1 : i32
      %select_n3A_151 = arith.select %eq3A_149, %jit3A_150, %jit3A_147 : i32
      %rem3A_152 = arith.remsi %arg1, %select_n3A_151 : i32
      %ne3A_153 = arith.constant 0 : i32
      %ne3A_154 = arith.cmpi ne, %rem3A_152, %ne3A_153 : i32
      %lt3A_155 = arith.constant 0 : i32
      %lt3A_156 = arith.cmpi slt, %rem3A_152, %lt3A_155 : i32
      %lt3A_157 = arith.constant 0 : i32
      %lt3A_158 = arith.cmpi slt, %select_n3A_151, %lt3A_157 : i32
      %ne3A_159 = arith.xori %lt3A_156, %lt3A_158 : i1
      %and3A_160 = arith.andi %ne3A_159, %ne3A_154 : i1
      %add3A_161 = arith.addi %rem3A_152, %select_n3A_151 : i32
      %select_n3A_162 = arith.select %and3A_160, %add3A_161, %rem3A_152 : i32
      %eq3A_163 = arith.constant 1 : i32
      %eq3A_164 = arith.cmpi eq, %select_n3A_162, %eq3A_163 : i32
      %convert_element_type3A_165 = arith.extui %eq3A_164 : i1 to i32
      %cond3A_166 = arith.constant 0 : i32
      %cond3A_167 = arith.cmpi ne, %convert_element_type3A_165, %cond3A_166 : i32
      scf.if %cond3A_167 {
        %run_scoped3A = arith.constant 1 : i32
        "tpu.region"() ({
          %run_scoped3A_344 = tpu.sem_alloc : memref<!tpu.dma_semaphore, #tpu.memory_space<semaphore_mem>>
          %dma_start3A_345 = arith.constant 0 : i32
          %dma_start3A_346 = tpu.memref_slice %arg7[%run_scoped3A, %dma_start3A_345] : memref<2x128xi32, #tpu.memory_space<vmem>> -> memref<1x128xi32, #tpu.memory_space<vmem>>
          %dma_start3A_347 = tpu.memref_squeeze %dma_start3A_346 : memref<1x128xi32, #tpu.memory_space<vmem>> -> memref<128xi32, #tpu.memory_space<vmem>>
          %dma_start3A_348 = arith.constant 0 : i32
          %dma_start3A_349 = arith.constant 0 : i32
          %dma_start3A_350 = tpu.memref_slice %arg6[%dma_start3A_348, %dma_start3A_349] : memref<10240x128xf32, #tpu.memory_space<vmem_shared>> -> memref<10240x128xf32, #tpu.memory_space<vmem_shared>>
          tpu.enqueue_indirect_dma source(%arg11 : memref<128x128xf32, #tpu.memory_space<vmem>>) target(%dma_start3A_350 : memref<10240x128xf32, #tpu.memory_space<vmem_shared>>) offsets(%dma_start3A_347 : memref<128xi32, #tpu.memory_space<vmem>>) semaphore(%run_scoped3A_344 : memref<!tpu.dma_semaphore, #tpu.memory_space<semaphore_mem>>) {add = true}
          %dma_wait3A_351 = arith.constant 0 : i32
          %dma_wait3A_352 = tpu.memref_slice %arg7[%run_scoped3A, %dma_wait3A_351] : memref<2x128xi32, #tpu.memory_space<vmem>> -> memref<1x128xi32, #tpu.memory_space<vmem>>
          %dma_wait3A_353 = tpu.memref_squeeze %dma_wait3A_352 : memref<1x128xi32, #tpu.memory_space<vmem>> -> memref<128xi32, #tpu.memory_space<vmem>>
          %dma_wait3A_354 = arith.constant 0 : i32
          %dma_wait3A_355 = arith.constant 0 : i32
          %dma_wait3A_356 = tpu.memref_slice %arg6[%dma_wait3A_354, %dma_wait3A_355] : memref<10240x128xf32, #tpu.memory_space<vmem_shared>> -> memref<10240x128xf32, #tpu.memory_space<vmem_shared>>
          tpu.wait_indirect_dma semaphore(%run_scoped3A_344 : memref<!tpu.dma_semaphore, #tpu.memory_space<semaphore_mem>>) src(%arg11 : memref<128x128xf32, #tpu.memory_space<vmem>>) dst(%dma_wait3A_356 : memref<10240x128xf32, #tpu.memory_space<vmem_shared>>)
          tpu.yield
        }) : () -> ()
      } else {
      }
      %barrier3A_168 = arith.constant 0 : index
      tpu.barrier barrier_id(%barrier3A_168)
      %jit3A_169 = arith.constant 4 : i32
      %eq3A_170 = arith.constant 0 : i32
      %eq3A_171 = arith.cmpi eq, %jit3A_169, %eq3A_170 : i32
      %jit3A_172 = arith.constant 1 : i32
      %select_n3A_173 = arith.select %eq3A_171, %jit3A_172, %jit3A_169 : i32
      %rem3A_174 = arith.remsi %arg1, %select_n3A_173 : i32
      %ne3A_175 = arith.constant 0 : i32
      %ne3A_176 = arith.cmpi ne, %rem3A_174, %ne3A_175 : i32
      %lt3A_177 = arith.constant 0 : i32
      %lt3A_178 = arith.cmpi slt, %rem3A_174, %lt3A_177 : i32
      %lt3A_179 = arith.constant 0 : i32
      %lt3A_180 = arith.cmpi slt, %select_n3A_173, %lt3A_179 : i32
      %ne3A_181 = arith.xori %lt3A_178, %lt3A_180 : i1
      %and3A_182 = arith.andi %ne3A_181, %ne3A_176 : i1
      %add3A_183 = arith.addi %rem3A_174, %select_n3A_173 : i32
      %select_n3A_184 = arith.select %and3A_182, %add3A_183, %rem3A_174 : i32
      %eq3A_185 = arith.constant 2 : i32
      %eq3A_186 = arith.cmpi eq, %select_n3A_184, %eq3A_185 : i32
      %convert_element_type3A_187 = arith.extui %eq3A_186 : i1 to i32
      %cond3A_188 = arith.constant 0 : i32
      %cond3A_189 = arith.cmpi ne, %convert_element_type3A_187, %cond3A_188 : i32
      scf.if %cond3A_189 {
        %run_scoped3A = arith.constant 1 : i32
        "tpu.region"() ({
          %run_scoped3A_344 = tpu.sem_alloc : memref<!tpu.dma_semaphore, #tpu.memory_space<semaphore_mem>>
          %dma_start3A_345 = arith.constant 0 : i32
          %dma_start3A_346 = tpu.memref_slice %arg7[%run_scoped3A, %dma_start3A_345] : memref<2x128xi32, #tpu.memory_space<vmem>> -> memref<1x128xi32, #tpu.memory_space<vmem>>
          %dma_start3A_347 = tpu.memref_squeeze %dma_start3A_346 : memref<1x128xi32, #tpu.memory_space<vmem>> -> memref<128xi32, #tpu.memory_space<vmem>>
          %dma_start3A_348 = arith.constant 0 : i32
          %dma_start3A_349 = arith.constant 0 : i32
          %dma_start3A_350 = tpu.memref_slice %arg6[%dma_start3A_348, %dma_start3A_349] : memref<10240x128xf32, #tpu.memory_space<vmem_shared>> -> memref<10240x128xf32, #tpu.memory_space<vmem_shared>>
          tpu.enqueue_indirect_dma source(%arg11 : memref<128x128xf32, #tpu.memory_space<vmem>>) target(%dma_start3A_350 : memref<10240x128xf32, #tpu.memory_space<vmem_shared>>) offsets(%dma_start3A_347 : memref<128xi32, #tpu.memory_space<vmem>>) semaphore(%run_scoped3A_344 : memref<!tpu.dma_semaphore, #tpu.memory_space<semaphore_mem>>) {add = true}
          %dma_wait3A_351 = arith.constant 0 : i32
          %dma_wait3A_352 = tpu.memref_slice %arg7[%run_scoped3A, %dma_wait3A_351] : memref<2x128xi32, #tpu.memory_space<vmem>> -> memref<1x128xi32, #tpu.memory_space<vmem>>
          %dma_wait3A_353 = tpu.memref_squeeze %dma_wait3A_352 : memref<1x128xi32, #tpu.memory_space<vmem>> -> memref<128xi32, #tpu.memory_space<vmem>>
          %dma_wait3A_354 = arith.constant 0 : i32
          %dma_wait3A_355 = arith.constant 0 : i32
          %dma_wait3A_356 = tpu.memref_slice %arg6[%dma_wait3A_354, %dma_wait3A_355] : memref<10240x128xf32, #tpu.memory_space<vmem_shared>> -> memref<10240x128xf32, #tpu.memory_space<vmem_shared>>
          tpu.wait_indirect_dma semaphore(%run_scoped3A_344 : memref<!tpu.dma_semaphore, #tpu.memory_space<semaphore_mem>>) src(%arg11 : memref<128x128xf32, #tpu.memory_space<vmem>>) dst(%dma_wait3A_356 : memref<10240x128xf32, #tpu.memory_space<vmem_shared>>)
          tpu.yield
        }) : () -> ()
      } else {
      }
      %barrier3A_190 = arith.constant 0 : index
      tpu.barrier barrier_id(%barrier3A_190)
      %jit3A_191 = arith.constant 4 : i32
      %eq3A_192 = arith.constant 0 : i32
      %eq3A_193 = arith.cmpi eq, %jit3A_191, %eq3A_192 : i32
      %jit3A_194 = arith.constant 1 : i32
      %select_n3A_195 = arith.select %eq3A_193, %jit3A_194, %jit3A_191 : i32
      %rem3A_196 = arith.remsi %arg1, %select_n3A_195 : i32
      %ne3A_197 = arith.constant 0 : i32
      %ne3A_198 = arith.cmpi ne, %rem3A_196, %ne3A_197 : i32
      %lt3A_199 = arith.constant 0 : i32
      %lt3A_200 = arith.cmpi slt, %rem3A_196, %lt3A_199 : i32
      %lt3A_201 = arith.constant 0 : i32
      %lt3A_202 = arith.cmpi slt, %select_n3A_195, %lt3A_201 : i32
      %ne3A_203 = arith.xori %lt3A_200, %lt3A_202 : i1
      %and3A_204 = arith.andi %ne3A_203, %ne3A_198 : i1
      %add3A_205 = arith.addi %rem3A_196, %select_n3A_195 : i32
      %select_n3A_206 = arith.select %and3A_204, %add3A_205, %rem3A_196 : i32
      %eq3A_207 = arith.constant 3 : i32
      %eq3A_208 = arith.cmpi eq, %select_n3A_206, %eq3A_207 : i32
      %convert_element_type3A_209 = arith.extui %eq3A_208 : i1 to i32
      %cond3A_210 = arith.constant 0 : i32
      %cond3A_211 = arith.cmpi ne, %convert_element_type3A_209, %cond3A_210 : i32
      scf.if %cond3A_211 {
        %run_scoped3A = arith.constant 1 : i32
        "tpu.region"() ({
          %run_scoped3A_344 = tpu.sem_alloc : memref<!tpu.dma_semaphore, #tpu.memory_space<semaphore_mem>>
          %dma_start3A_345 = arith.constant 0 : i32
          %dma_start3A_346 = tpu.memref_slice %arg7[%run_scoped3A, %dma_start3A_345] : memref<2x128xi32, #tpu.memory_space<vmem>> -> memref<1x128xi32, #tpu.memory_space<vmem>>
          %dma_start3A_347 = tpu.memref_squeeze %dma_start3A_346 : memref<1x128xi32, #tpu.memory_space<vmem>> -> memref<128xi32, #tpu.memory_space<vmem>>
          %dma_start3A_348 = arith.constant 0 : i32
          %dma_start3A_349 = arith.constant 0 : i32
          %dma_start3A_350 = tpu.memref_slice %arg6[%dma_start3A_348, %dma_start3A_349] : memref<10240x128xf32, #tpu.memory_space<vmem_shared>> -> memref<10240x128xf32, #tpu.memory_space<vmem_shared>>
          tpu.enqueue_indirect_dma source(%arg11 : memref<128x128xf32, #tpu.memory_space<vmem>>) target(%dma_start3A_350 : memref<10240x128xf32, #tpu.memory_space<vmem_shared>>) offsets(%dma_start3A_347 : memref<128xi32, #tpu.memory_space<vmem>>) semaphore(%run_scoped3A_344 : memref<!tpu.dma_semaphore, #tpu.memory_space<semaphore_mem>>) {add = true}
          %dma_wait3A_351 = arith.constant 0 : i32
          %dma_wait3A_352 = tpu.memref_slice %arg7[%run_scoped3A, %dma_wait3A_351] : memref<2x128xi32, #tpu.memory_space<vmem>> -> memref<1x128xi32, #tpu.memory_space<vmem>>
          %dma_wait3A_353 = tpu.memref_squeeze %dma_wait3A_352 : memref<1x128xi32, #tpu.memory_space<vmem>> -> memref<128xi32, #tpu.memory_space<vmem>>
          %dma_wait3A_354 = arith.constant 0 : i32
          %dma_wait3A_355 = arith.constant 0 : i32
          %dma_wait3A_356 = tpu.memref_slice %arg6[%dma_wait3A_354, %dma_wait3A_355] : memref<10240x128xf32, #tpu.memory_space<vmem_shared>> -> memref<10240x128xf32, #tpu.memory_space<vmem_shared>>
          tpu.wait_indirect_dma semaphore(%run_scoped3A_344 : memref<!tpu.dma_semaphore, #tpu.memory_space<semaphore_mem>>) src(%arg11 : memref<128x128xf32, #tpu.memory_space<vmem>>) dst(%dma_wait3A_356 : memref<10240x128xf32, #tpu.memory_space<vmem_shared>>)
          tpu.yield
        }) : () -> ()
      } else {
      }
      %barrier3A_212 = arith.constant 0 : index
      tpu.barrier barrier_id(%barrier3A_212)
      %add3A_213 = arith.constant 2 : i32
      %add3A_214 = arith.addi %add3A_108, %add3A_213 : i32
      %lt3A_215 = arith.constant 80 : i32
      %lt3A_216 = arith.cmpi slt, %add3A_214, %lt3A_215 : i32
      %convert_element_type3A_217 = arith.extui %lt3A_216 : i1 to i32
      %cond3A_218 = arith.constant 0 : i32
      %cond3A_219 = arith.cmpi ne, %convert_element_type3A_217, %cond3A_218 : i32
      scf.if %cond3A_219 {
        %add3A_344 = arith.addi %mul3A_2, %add3A_108 : i32
        %add3A_345 = arith.constant 2 : i32
        %add3A_346 = arith.addi %add3A_344, %add3A_345 : i32
        %dma_start3A_347 = arith.constant 0 : i32
        %dma_start3A_348 = arith.constant 0 : i32
        %dma_start3A_349 = arith.constant 0 : i32
        %dma_start3A_350 = tpu.memref_slice %arg3[%add3A_346, %dma_start3A_348, %dma_start3A_349] : memref<2560x2x128xi32, #tpu.memory_space<hbm>> -> memref<1x2x128xi32, #tpu.memory_space<hbm>>
        %dma_start3A_351 = tpu.memref_squeeze %dma_start3A_350 : memref<1x2x128xi32, #tpu.memory_space<hbm>> -> memref<2x128xi32, #tpu.memory_space<hbm>>
        %dma_start3A_352 = tpu.memref_slice %arg14[%dma_start3A_347] : memref<2x!tpu.dma_semaphore, #tpu.memory_space<semaphore_mem>> -> memref<1x!tpu.dma_semaphore, #tpu.memory_space<semaphore_mem>>
        %dma_start3A_353 = tpu.memref_squeeze %dma_start3A_352 : memref<1x!tpu.dma_semaphore, #tpu.memory_space<semaphore_mem>> -> memref<!tpu.dma_semaphore, #tpu.memory_space<semaphore_mem>>
        %dma_start3A_354 = arith.constant 0 : i32
        %dma_start3A_355 = arith.constant 0 : i32
        %dma_start3A_356 = tpu.memref_slice %arg3[%add3A_346, %dma_start3A_354, %dma_start3A_355] : memref<2560x2x128xi32, #tpu.memory_space<hbm>> -> memref<1x2x128xi32, #tpu.memory_space<hbm>>
        %dma_start3A_357 = tpu.memref_squeeze %dma_start3A_356 : memref<1x2x128xi32, #tpu.memory_space<hbm>> -> memref<2x128xi32, #tpu.memory_space<hbm>>
        tpu.enqueue_dma source(%dma_start3A_357 : memref<2x128xi32, #tpu.memory_space<hbm>>) target(%arg7 : memref<2x128xi32, #tpu.memory_space<vmem>>) target_semaphore(%dma_start3A_353 : memref<!tpu.dma_semaphore, #tpu.memory_space<semaphore_mem>>)
        %add3A_358 = arith.addi %mul3A_2, %add3A_108 : i32
        %add3A_359 = arith.constant 2 : i32
        %add3A_360 = arith.addi %add3A_358, %add3A_359 : i32
        %dma_start3A_361 = arith.constant 0 : i32
        %dma_start3A_362 = arith.constant 0 : i32
        %dma_start3A_363 = tpu.memref_slice %arg4[%add3A_360, %dma_start3A_362] : memref<2560x128xf32, #tpu.memory_space<hbm>> -> memref<1x128xf32, #tpu.memory_space<hbm>>
        %dma_start3A_364 = tpu.memref_squeeze %dma_start3A_363 : memref<1x128xf32, #tpu.memory_space<hbm>> -> memref<128xf32, #tpu.memory_space<hbm>>
        %dma_start3A_365 = tpu.memref_slice %arg15[%dma_start3A_361] : memref<2x!tpu.dma_semaphore, #tpu.memory_space<semaphore_mem>> -> memref<1x!tpu.dma_semaphore, #tpu.memory_space<semaphore_mem>>
        %dma_start3A_366 = tpu.memref_squeeze %dma_start3A_365 : memref<1x!tpu.dma_semaphore, #tpu.memory_space<semaphore_mem>> -> memref<!tpu.dma_semaphore, #tpu.memory_space<semaphore_mem>>
        %dma_start3A_367 = arith.constant 0 : i32
        %dma_start3A_368 = tpu.memref_slice %arg4[%add3A_360, %dma_start3A_367] : memref<2560x128xf32, #tpu.memory_space<hbm>> -> memref<1x128xf32, #tpu.memory_space<hbm>>
        %dma_start3A_369 = tpu.memref_squeeze %dma_start3A_368 : memref<1x128xf32, #tpu.memory_space<hbm>> -> memref<128xf32, #tpu.memory_space<hbm>>
        tpu.enqueue_dma source(%dma_start3A_369 : memref<128xf32, #tpu.memory_space<hbm>>) target(%arg9 : memref<128xf32, #tpu.memory_space<vmem>>) target_semaphore(%dma_start3A_366 : memref<!tpu.dma_semaphore, #tpu.memory_space<semaphore_mem>>)
      } else {
      }
      %add3A_220 = arith.constant 1 : i32
      %add3A_221 = arith.addi %add3A_106, %add3A_220 : i32
      %dma_wait3A_222 = arith.constant 0 : i32
      %dma_wait3A_223 = arith.constant 1 : i32
      %dma_wait3A_224 = arith.constant 0 : i32
      %dma_wait3A_225 = tpu.memref_slice %arg8[%dma_wait3A_222, %dma_wait3A_224] : memref<2x128xi32, #tpu.memory_space<vmem>> -> memref<1x128xi32, #tpu.memory_space<vmem>>
      %dma_wait3A_226 = tpu.memref_squeeze %dma_wait3A_225 : memref<1x128xi32, #tpu.memory_space<vmem>> -> memref<128xi32, #tpu.memory_space<vmem>>
      %dma_wait3A_227 = arith.constant 0 : i32
      %dma_wait3A_228 = arith.constant 0 : i32
      %dma_wait3A_229 = tpu.memref_slice %arg2[%dma_wait3A_227, %dma_wait3A_228] : memref<10000x128xf32, #tpu.memory_space<hbm>> -> memref<10000x128xf32, #tpu.memory_space<hbm>>
      %dma_wait3A_230 = tpu.memref_slice %arg13[%dma_wait3A_223] : memref<2x!tpu.dma_semaphore, #tpu.memory_space<semaphore_mem>> -> memref<1x!tpu.dma_semaphore, #tpu.memory_space<semaphore_mem>>
      %dma_wait3A_231 = tpu.memref_squeeze %dma_wait3A_230 : memref<1x!tpu.dma_semaphore, #tpu.memory_space<semaphore_mem>> -> memref<!tpu.dma_semaphore, #tpu.memory_space<semaphore_mem>>
      tpu.wait_indirect_dma semaphore(%dma_wait3A_231 : memref<!tpu.dma_semaphore, #tpu.memory_space<semaphore_mem>>) src(%dma_wait3A_229 : memref<10000x128xf32, #tpu.memory_space<hbm>>) dst(%arg12 : memref<128x128xf32, #tpu.memory_space<vmem>>)
      %add3A_232 = arith.constant 1 : i32
      %add3A_233 = arith.addi %add3A_221, %add3A_232 : i32
      %lt3A_234 = arith.constant 80 : i32
      %lt3A_235 = arith.cmpi slt, %add3A_233, %lt3A_234 : i32
      %convert_element_type3A_236 = arith.extui %lt3A_235 : i1 to i32
      %cond3A_237 = arith.constant 0 : i32
      %cond3A_238 = arith.cmpi ne, %convert_element_type3A_236, %cond3A_237 : i32
      scf.if %cond3A_238 {
        %add3A_344 = arith.addi %mul3A_2, %add3A_221 : i32
        %add3A_345 = arith.constant 1 : i32
        %add3A_346 = arith.addi %add3A_344, %add3A_345 : i32
        %dma_wait3A_347 = arith.constant 0 : i32
        %dma_wait3A_348 = arith.constant 0 : i32
        %dma_wait3A_349 = arith.constant 0 : i32
        %dma_wait3A_350 = tpu.memref_slice %arg3[%add3A_346, %dma_wait3A_348, %dma_wait3A_349] : memref<2560x2x128xi32, #tpu.memory_space<hbm>> -> memref<1x2x128xi32, #tpu.memory_space<hbm>>
        %dma_wait3A_351 = tpu.memref_squeeze %dma_wait3A_350 : memref<1x2x128xi32, #tpu.memory_space<hbm>> -> memref<2x128xi32, #tpu.memory_space<hbm>>
        %dma_wait3A_352 = tpu.memref_slice %arg14[%dma_wait3A_347] : memref<2x!tpu.dma_semaphore, #tpu.memory_space<semaphore_mem>> -> memref<1x!tpu.dma_semaphore, #tpu.memory_space<semaphore_mem>>
        %dma_wait3A_353 = tpu.memref_squeeze %dma_wait3A_352 : memref<1x!tpu.dma_semaphore, #tpu.memory_space<semaphore_mem>> -> memref<!tpu.dma_semaphore, #tpu.memory_space<semaphore_mem>>
        %dma_wait3A_354 = arith.constant 0 : i32
        %dma_wait3A_355 = arith.constant 0 : i32
        %dma_wait3A_356 = tpu.memref_slice %arg3[%add3A_346, %dma_wait3A_354, %dma_wait3A_355] : memref<2560x2x128xi32, #tpu.memory_space<hbm>> -> memref<1x2x128xi32, #tpu.memory_space<hbm>>
        %dma_wait3A_357 = tpu.memref_squeeze %dma_wait3A_356 : memref<1x2x128xi32, #tpu.memory_space<hbm>> -> memref<2x128xi32, #tpu.memory_space<hbm>>
        tpu.wait_dma2 semaphore(%dma_wait3A_353 : memref<!tpu.dma_semaphore, #tpu.memory_space<semaphore_mem>>) src(%dma_wait3A_357 : memref<2x128xi32, #tpu.memory_space<hbm>>) dst(%arg7 : memref<2x128xi32, #tpu.memory_space<vmem>>)
        %dma_start3A_358 = arith.constant 0 : i32
        %dma_start3A_359 = arith.constant 0 : i32
        %dma_start3A_360 = arith.constant 0 : i32
        %dma_start3A_361 = tpu.memref_slice %arg7[%dma_start3A_358, %dma_start3A_360] : memref<2x128xi32, #tpu.memory_space<vmem>> -> memref<1x128xi32, #tpu.memory_space<vmem>>
        %dma_start3A_362 = tpu.memref_squeeze %dma_start3A_361 : memref<1x128xi32, #tpu.memory_space<vmem>> -> memref<128xi32, #tpu.memory_space<vmem>>
        %dma_start3A_363 = arith.constant 0 : i32
        %dma_start3A_364 = arith.constant 0 : i32
        %dma_start3A_365 = tpu.memref_slice %arg2[%dma_start3A_363, %dma_start3A_364] : memref<10000x128xf32, #tpu.memory_space<hbm>> -> memref<10000x128xf32, #tpu.memory_space<hbm>>
        %dma_start3A_366 = tpu.memref_slice %arg13[%dma_start3A_359] : memref<2x!tpu.dma_semaphore, #tpu.memory_space<semaphore_mem>> -> memref<1x!tpu.dma_semaphore, #tpu.memory_space<semaphore_mem>>
        %dma_start3A_367 = tpu.memref_squeeze %dma_start3A_366 : memref<1x!tpu.dma_semaphore, #tpu.memory_space<semaphore_mem>> -> memref<!tpu.dma_semaphore, #tpu.memory_space<semaphore_mem>>
        tpu.enqueue_indirect_dma source(%dma_start3A_365 : memref<10000x128xf32, #tpu.memory_space<hbm>>) target(%arg11 : memref<128x128xf32, #tpu.memory_space<vmem>>) offsets(%dma_start3A_362 : memref<128xi32, #tpu.memory_space<vmem>>) semaphore(%dma_start3A_367 : memref<!tpu.dma_semaphore, #tpu.memory_space<semaphore_mem>>)
      } else {
      }
      %gt3A_239 = arith.constant 0 : i32
      %gt3A_240 = arith.cmpi sgt, %add3A_221, %gt3A_239 : i32
      %convert_element_type3A_241 = arith.extui %gt3A_240 : i1 to i32
      %cond3A_242 = arith.constant 0 : i32
      %cond3A_243 = arith.cmpi ne, %convert_element_type3A_241, %cond3A_242 : i32
      scf.if %cond3A_243 {
        %add3A_344 = arith.addi %mul3A_2, %add3A_221 : i32
        %dma_wait3A_345 = arith.constant 1 : i32
        %dma_wait3A_346 = arith.constant 0 : i32
        %dma_wait3A_347 = tpu.memref_slice %arg4[%add3A_344, %dma_wait3A_346] : memref<2560x128xf32, #tpu.memory_space<hbm>> -> memref<1x128xf32, #tpu.memory_space<hbm>>
        %dma_wait3A_348 = tpu.memref_squeeze %dma_wait3A_347 : memref<1x128xf32, #tpu.memory_space<hbm>> -> memref<128xf32, #tpu.memory_space<hbm>>
        %dma_wait3A_349 = tpu.memref_slice %arg15[%dma_wait3A_345] : memref<2x!tpu.dma_semaphore, #tpu.memory_space<semaphore_mem>> -> memref<1x!tpu.dma_semaphore, #tpu.memory_space<semaphore_mem>>
        %dma_wait3A_350 = tpu.memref_squeeze %dma_wait3A_349 : memref<1x!tpu.dma_semaphore, #tpu.memory_space<semaphore_mem>> -> memref<!tpu.dma_semaphore, #tpu.memory_space<semaphore_mem>>
        %dma_wait3A_351 = arith.constant 0 : i32
        %dma_wait3A_352 = tpu.memref_slice %arg4[%add3A_344, %dma_wait3A_351] : memref<2560x128xf32, #tpu.memory_space<hbm>> -> memref<1x128xf32, #tpu.memory_space<hbm>>
        %dma_wait3A_353 = tpu.memref_squeeze %dma_wait3A_352 : memref<1x128xf32, #tpu.memory_space<hbm>> -> memref<128xf32, #tpu.memory_space<hbm>>
        tpu.wait_dma2 semaphore(%dma_wait3A_350 : memref<!tpu.dma_semaphore, #tpu.memory_space<semaphore_mem>>) src(%dma_wait3A_353 : memref<128xf32, #tpu.memory_space<hbm>>) dst(%arg10 : memref<128xf32, #tpu.memory_space<vmem>>)
      } else {
      }
      %scan3A_244 = arith.constant 0 : i32
      %scan3A_245 = arith.constant 8 : i32
      %scan3A_246 = arith.addi %scan3A_244, %scan3A_245 : i32
      %scan3A_247 = arith.constant 1 : i32
      scf.for %scan3A_344 = %scan3A_244 to %scan3A_246 step %scan3A_247  : i32 {
        %mul3A_345 = arith.constant 1 : i32
        %mul3A_346 = arith.muli %scan3A_344, %mul3A_345 : i32
        %add3A_347 = arith.constant 0 : i32
        %add3A_348 = arith.addi %add3A_347, %mul3A_346 : i32
        %mul3A_349 = arith.constant 16 : i32
        %mul3A_350 = arith.muli %add3A_348, %mul3A_349 : i32
        %get3A = arith.index_cast %mul3A_350 : i32 to index
        %get3A_351 = tpu.vector_load %arg10[%get3A] {strides = array<i32>} : memref<128xf32, #tpu.memory_space<vmem>>, vector<16xf32>,
        %get3A_352 = vector.shape_cast %get3A_351 : vector<16xf32> to vector<16xf32>
        %mul3A_353 = arith.constant 16 : i32
        %mul3A_354 = arith.muli %add3A_348, %mul3A_353 : i32
        %add3A_355 = arith.constant 0 : i32
        %add3A_356 = arith.addi %mul3A_354, %add3A_355 : i32
        %slice3A = vector.extract_strided_slice %get3A_352 {offsets = [0], sizes = [1], strides = [1]} : vector<16xf32> to vector<1xf32>
        %squeeze3A = vector.extract %slice3A[0] : f32 from vector<1xf32>
        %get3A_357 = arith.index_cast %add3A_356 : i32 to index
        %get3A_358 = arith.constant 0 : index
        %get3A_359 = tpu.vector_load %arg12[%get3A_357, %get3A_358] {strides = array<i32>} : memref<128x128xf32, #tpu.memory_space<vmem>>, vector<1x16xf32>,
        %get3A_360 = vector.shape_cast %get3A_359 : vector<1x16xf32> to vector<16xf32>
        %mul3A_361 = vector.broadcast %squeeze3A : f32 to vector<16xf32>
        %mul3A_362 = arith.mulf %get3A_360, %mul3A_361 : vector<16xf32>
        %swap3A = arith.index_cast %add3A_356 : i32 to index
        %swap3A_363 = arith.constant 0 : index
        %swap3A_364 = tpu.vector_load %arg12[%swap3A, %swap3A_363] {strides = array<i32>} : memref<128x128xf32, #tpu.memory_space<vmem>>, vector<1x16xf32>,
        %swap3A_365 = vector.shape_cast %swap3A_364 : vector<1x16xf32> to vector<16xf32>
        %swap3A_366 = vector.shape_cast %mul3A_362 : vector<16xf32> to vector<1x16xf32>
        tpu.vector_store %arg12[%swap3A, %swap3A_363], %swap3A_366 {strides = array<i32>} : memref<128x128xf32, #tpu.memory_space<vmem>>, vector<1x16xf32>,
        %get3A_367 = arith.index_cast %add3A_356 : i32 to index
        %get3A_368 = arith.constant 16 : index
        %get3A_369 = tpu.vector_load %arg12[%get3A_367, %get3A_368] {strides = array<i32>} : memref<128x128xf32, #tpu.memory_space<vmem>>, vector<1x16xf32>,
        %get3A_370 = vector.shape_cast %get3A_369 : vector<1x16xf32> to vector<16xf32>
        %mul3A_371 = vector.broadcast %squeeze3A : f32 to vector<16xf32>
        %mul3A_372 = arith.mulf %get3A_370, %mul3A_371 : vector<16xf32>
        %swap3A_373 = arith.index_cast %add3A_356 : i32 to index
        %swap3A_374 = arith.constant 16 : index
        %swap3A_375 = tpu.vector_load %arg12[%swap3A_373, %swap3A_374] {strides = array<i32>} : memref<128x128xf32, #tpu.memory_space<vmem>>, vector<1x16xf32>,
        %swap3A_376 = vector.shape_cast %swap3A_375 : vector<1x16xf32> to vector<16xf32>
        %swap3A_377 = vector.shape_cast %mul3A_372 : vector<16xf32> to vector<1x16xf32>
        tpu.vector_store %arg12[%swap3A_373, %swap3A_374], %swap3A_377 {strides = array<i32>} : memref<128x128xf32, #tpu.memory_space<vmem>>, vector<1x16xf32>,
        %get3A_378 = arith.index_cast %add3A_356 : i32 to index
        %get3A_379 = arith.constant 32 : index
        %get3A_380 = tpu.vector_load %arg12[%get3A_378, %get3A_379] {strides = array<i32>} : memref<128x128xf32, #tpu.memory_space<vmem>>, vector<1x16xf32>,
        %get3A_381 = vector.shape_cast %get3A_380 : vector<1x16xf32> to vector<16xf32>
        %mul3A_382 = vector.broadcast %squeeze3A : f32 to vector<16xf32>
        %mul3A_383 = arith.mulf %get3A_381, %mul3A_382 : vector<16xf32>
        %swap3A_384 = arith.index_cast %add3A_356 : i32 to index
        %swap3A_385 = arith.constant 32 : index
        %swap3A_386 = tpu.vector_load %arg12[%swap3A_384, %swap3A_385] {strides = array<i32>} : memref<128x128xf32, #tpu.memory_space<vmem>>, vector<1x16xf32>,
        %swap3A_387 = vector.shape_cast %swap3A_386 : vector<1x16xf32> to vector<16xf32>
        %swap3A_388 = vector.shape_cast %mul3A_383 : vector<16xf32> to vector<1x16xf32>
        tpu.vector_store %arg12[%swap3A_384, %swap3A_385], %swap3A_388 {strides = array<i32>} : memref<128x128xf32, #tpu.memory_space<vmem>>, vector<1x16xf32>,
        %get3A_389 = arith.index_cast %add3A_356 : i32 to index
        %get3A_390 = arith.constant 48 : index
        %get3A_391 = tpu.vector_load %arg12[%get3A_389, %get3A_390] {strides = array<i32>} : memref<128x128xf32, #tpu.memory_space<vmem>>, vector<1x16xf32>,
        %get3A_392 = vector.shape_cast %get3A_391 : vector<1x16xf32> to vector<16xf32>
        %mul3A_393 = vector.broadcast %squeeze3A : f32 to vector<16xf32>
        %mul3A_394 = arith.mulf %get3A_392, %mul3A_393 : vector<16xf32>
        %swap3A_395 = arith.index_cast %add3A_356 : i32 to index
        %swap3A_396 = arith.constant 48 : index
        %swap3A_397 = tpu.vector_load %arg12[%swap3A_395, %swap3A_396] {strides = array<i32>} : memref<128x128xf32, #tpu.memory_space<vmem>>, vector<1x16xf32>,
        %swap3A_398 = vector.shape_cast %swap3A_397 : vector<1x16xf32> to vector<16xf32>
        %swap3A_399 = vector.shape_cast %mul3A_394 : vector<16xf32> to vector<1x16xf32>
        tpu.vector_store %arg12[%swap3A_395, %swap3A_396], %swap3A_399 {strides = array<i32>} : memref<128x128xf32, #tpu.memory_space<vmem>>, vector<1x16xf32>,
        %get3A_400 = arith.index_cast %add3A_356 : i32 to index
        %get3A_401 = arith.constant 64 : index
        %get3A_402 = tpu.vector_load %arg12[%get3A_400, %get3A_401] {strides = array<i32>} : memref<128x128xf32, #tpu.memory_space<vmem>>, vector<1x16xf32>,
        %get3A_403 = vector.shape_cast %get3A_402 : vector<1x16xf32> to vector<16xf32>
        %mul3A_404 = vector.broadcast %squeeze3A : f32 to vector<16xf32>
        %mul3A_405 = arith.mulf %get3A_403, %mul3A_404 : vector<16xf32>
        %swap3A_406 = arith.index_cast %add3A_356 : i32 to index
        %swap3A_407 = arith.constant 64 : index
        %swap3A_408 = tpu.vector_load %arg12[%swap3A_406, %swap3A_407] {strides = array<i32>} : memref<128x128xf32, #tpu.memory_space<vmem>>, vector<1x16xf32>,
        %swap3A_409 = vector.shape_cast %swap3A_408 : vector<1x16xf32> to vector<16xf32>
        %swap3A_410 = vector.shape_cast %mul3A_405 : vector<16xf32> to vector<1x16xf32>
        tpu.vector_store %arg12[%swap3A_406, %swap3A_407], %swap3A_410 {strides = array<i32>} : memref<128x128xf32, #tpu.memory_space<vmem>>, vector<1x16xf32>,
        %get3A_411 = arith.index_cast %add3A_356 : i32 to index
        %get3A_412 = arith.constant 80 : index
        %get3A_413 = tpu.vector_load %arg12[%get3A_411, %get3A_412] {strides = array<i32>} : memref<128x128xf32, #tpu.memory_space<vmem>>, vector<1x16xf32>,
        %get3A_414 = vector.shape_cast %get3A_413 : vector<1x16xf32> to vector<16xf32>
        %mul3A_415 = vector.broadcast %squeeze3A : f32 to vector<16xf32>
        %mul3A_416 = arith.mulf %get3A_414, %mul3A_415 : vector<16xf32>
        %swap3A_417 = arith.index_cast %add3A_356 : i32 to index
        %swap3A_418 = arith.constant 80 : index
        %swap3A_419 = tpu.vector_load %arg12[%swap3A_417, %swap3A_418] {strides = array<i32>} : memref<128x128xf32, #tpu.memory_space<vmem>>, vector<1x16xf32>,
        %swap3A_420 = vector.shape_cast %swap3A_419 : vector<1x16xf32> to vector<16xf32>
        %swap3A_421 = vector.shape_cast %mul3A_416 : vector<16xf32> to vector<1x16xf32>
        tpu.vector_store %arg12[%swap3A_417, %swap3A_418], %swap3A_421 {strides = array<i32>} : memref<128x128xf32, #tpu.memory_space<vmem>>, vector<1x16xf32>,
        %get3A_422 = arith.index_cast %add3A_356 : i32 to index
        %get3A_423 = arith.constant 96 : index
        %get3A_424 = tpu.vector_load %arg12[%get3A_422, %get3A_423] {strides = array<i32>} : memref<128x128xf32, #tpu.memory_space<vmem>>, vector<1x16xf32>,
        %get3A_425 = vector.shape_cast %get3A_424 : vector<1x16xf32> to vector<16xf32>
        %mul3A_426 = vector.broadcast %squeeze3A : f32 to vector<16xf32>
        %mul3A_427 = arith.mulf %get3A_425, %mul3A_426 : vector<16xf32>
        %swap3A_428 = arith.index_cast %add3A_356 : i32 to index
        %swap3A_429 = arith.constant 96 : index
        %swap3A_430 = tpu.vector_load %arg12[%swap3A_428, %swap3A_429] {strides = array<i32>} : memref<128x128xf32, #tpu.memory_space<vmem>>, vector<1x16xf32>,
        %swap3A_431 = vector.shape_cast %swap3A_430 : vector<1x16xf32> to vector<16xf32>
        %swap3A_432 = vector.shape_cast %mul3A_427 : vector<16xf32> to vector<1x16xf32>
        tpu.vector_store %arg12[%swap3A_428, %swap3A_429], %swap3A_432 {strides = array<i32>} : memref<128x128xf32, #tpu.memory_space<vmem>>, vector<1x16xf32>,
        %get3A_433 = arith.index_cast %add3A_356 : i32 to index
        %get3A_434 = arith.constant 112 : index
        %get3A_435 = tpu.vector_load %arg12[%get3A_433, %get3A_434] {strides = array<i32>} : memref<128x128xf32, #tpu.memory_space<vmem>>, vector<1x16xf32>,
        %get3A_436 = vector.shape_cast %get3A_435 : vector<1x16xf32> to vector<16xf32>
        %mul3A_437 = vector.broadcast %squeeze3A : f32 to vector<16xf32>
        %mul3A_438 = arith.mulf %get3A_436, %mul3A_437 : vector<16xf32>
        %swap3A_439 = arith.index_cast %add3A_356 : i32 to index
        %swap3A_440 = arith.constant 112 : index
        %swap3A_441 = tpu.vector_load %arg12[%swap3A_439, %swap3A_440] {strides = array<i32>} : memref<128x128xf32, #tpu.memory_space<vmem>>, vector<1x16xf32>,
        %swap3A_442 = vector.shape_cast %swap3A_441 : vector<1x16xf32> to vector<16xf32>
        %swap3A_443 = vector.shape_cast %mul3A_438 : vector<16xf32> to vector<1x16xf32>
        tpu.vector_store %arg12[%swap3A_439, %swap3A_440], %swap3A_443 {strides = array<i32>} : memref<128x128xf32, #tpu.memory_space<vmem>>, vector<1x16xf32>,
        %mul3A_444 = arith.constant 16 : i32
        %mul3A_445 = arith.muli %add3A_348, %mul3A_444 : i32
        %add3A_446 = arith.constant 1 : i32
        %add3A_447 = arith.addi %mul3A_445, %add3A_446 : i32
        %slice3A_448 = vector.extract_strided_slice %get3A_352 {offsets = [1], sizes = [1], strides = [1]} : vector<16xf32> to vector<1xf32>
        %squeeze3A_449 = vector.extract %slice3A_448[0] : f32 from vector<1xf32>
        %get3A_450 = arith.index_cast %add3A_447 : i32 to index
        %get3A_451 = arith.constant 0 : index
        %get3A_452 = tpu.vector_load %arg12[%get3A_450, %get3A_451] {strides = array<i32>} : memref<128x128xf32, #tpu.memory_space<vmem>>, vector<1x16xf32>,
        %get3A_453 = vector.shape_cast %get3A_452 : vector<1x16xf32> to vector<16xf32>
        %mul3A_454 = vector.broadcast %squeeze3A_449 : f32 to vector<16xf32>
        %mul3A_455 = arith.mulf %get3A_453, %mul3A_454 : vector<16xf32>
        %swap3A_456 = arith.index_cast %add3A_447 : i32 to index
        %swap3A_457 = arith.constant 0 : index
        %swap3A_458 = tpu.vector_load %arg12[%swap3A_456, %swap3A_457] {strides = array<i32>} : memref<128x128xf32, #tpu.memory_space<vmem>>, vector<1x16xf32>,
        %swap3A_459 = vector.shape_cast %swap3A_458 : vector<1x16xf32> to vector<16xf32>
        %swap3A_460 = vector.shape_cast %mul3A_455 : vector<16xf32> to vector<1x16xf32>
        tpu.vector_store %arg12[%swap3A_456, %swap3A_457], %swap3A_460 {strides = array<i32>} : memref<128x128xf32, #tpu.memory_space<vmem>>, vector<1x16xf32>,
        %get3A_461 = arith.index_cast %add3A_447 : i32 to index
        %get3A_462 = arith.constant 16 : index
        %get3A_463 = tpu.vector_load %arg12[%get3A_461, %get3A_462] {strides = array<i32>} : memref<128x128xf32, #tpu.memory_space<vmem>>, vector<1x16xf32>,
        %get3A_464 = vector.shape_cast %get3A_463 : vector<1x16xf32> to vector<16xf32>
        %mul3A_465 = vector.broadcast %squeeze3A_449 : f32 to vector<16xf32>
        %mul3A_466 = arith.mulf %get3A_464, %mul3A_465 : vector<16xf32>
        %swap3A_467 = arith.index_cast %add3A_447 : i32 to index
        %swap3A_468 = arith.constant 16 : index
        %swap3A_469 = tpu.vector_load %arg12[%swap3A_467, %swap3A_468] {strides = array<i32>} : memref<128x128xf32, #tpu.memory_space<vmem>>, vector<1x16xf32>,
        %swap3A_470 = vector.shape_cast %swap3A_469 : vector<1x16xf32> to vector<16xf32>
        %swap3A_471 = vector.shape_cast %mul3A_466 : vector<16xf32> to vector<1x16xf32>
        tpu.vector_store %arg12[%swap3A_467, %swap3A_468], %swap3A_471 {strides = array<i32>} : memref<128x128xf32, #tpu.memory_space<vmem>>, vector<1x16xf32>,
        %get3A_472 = arith.index_cast %add3A_447 : i32 to index
        %get3A_473 = arith.constant 32 : index
        %get3A_474 = tpu.vector_load %arg12[%get3A_472, %get3A_473] {strides = array<i32>} : memref<128x128xf32, #tpu.memory_space<vmem>>, vector<1x16xf32>,
        %get3A_475 = vector.shape_cast %get3A_474 : vector<1x16xf32> to vector<16xf32>
        %mul3A_476 = vector.broadcast %squeeze3A_449 : f32 to vector<16xf32>
        %mul3A_477 = arith.mulf %get3A_475, %mul3A_476 : vector<16xf32>
        %swap3A_478 = arith.index_cast %add3A_447 : i32 to index
        %swap3A_479 = arith.constant 32 : index
        %swap3A_480 = tpu.vector_load %arg12[%swap3A_478, %swap3A_479] {strides = array<i32>} : memref<128x128xf32, #tpu.memory_space<vmem>>, vector<1x16xf32>,
        %swap3A_481 = vector.shape_cast %swap3A_480 : vector<1x16xf32> to vector<16xf32>
        %swap3A_482 = vector.shape_cast %mul3A_477 : vector<16xf32> to vector<1x16xf32>
        tpu.vector_store %arg12[%swap3A_478, %swap3A_479], %swap3A_482 {strides = array<i32>} : memref<128x128xf32, #tpu.memory_space<vmem>>, vector<1x16xf32>,
        %get3A_483 = arith.index_cast %add3A_447 : i32 to index
        %get3A_484 = arith.constant 48 : index
        %get3A_485 = tpu.vector_load %arg12[%get3A_483, %get3A_484] {strides = array<i32>} : memref<128x128xf32, #tpu.memory_space<vmem>>, vector<1x16xf32>,
        %get3A_486 = vector.shape_cast %get3A_485 : vector<1x16xf32> to vector<16xf32>
        %mul3A_487 = vector.broadcast %squeeze3A_449 : f32 to vector<16xf32>
        %mul3A_488 = arith.mulf %get3A_486, %mul3A_487 : vector<16xf32>
        %swap3A_489 = arith.index_cast %add3A_447 : i32 to index
        %swap3A_490 = arith.constant 48 : index
        %swap3A_491 = tpu.vector_load %arg12[%swap3A_489, %swap3A_490] {strides = array<i32>} : memref<128x128xf32, #tpu.memory_space<vmem>>, vector<1x16xf32>,
        %swap3A_492 = vector.shape_cast %swap3A_491 : vector<1x16xf32> to vector<16xf32>
        %swap3A_493 = vector.shape_cast %mul3A_488 : vector<16xf32> to vector<1x16xf32>
        tpu.vector_store %arg12[%swap3A_489, %swap3A_490], %swap3A_493 {strides = array<i32>} : memref<128x128xf32, #tpu.memory_space<vmem>>, vector<1x16xf32>,
        %get3A_494 = arith.index_cast %add3A_447 : i32 to index
        %get3A_495 = arith.constant 64 : index
        %get3A_496 = tpu.vector_load %arg12[%get3A_494, %get3A_495] {strides = array<i32>} : memref<128x128xf32, #tpu.memory_space<vmem>>, vector<1x16xf32>,
        %get3A_497 = vector.shape_cast %get3A_496 : vector<1x16xf32> to vector<16xf32>
        %mul3A_498 = vector.broadcast %squeeze3A_449 : f32 to vector<16xf32>
        %mul3A_499 = arith.mulf %get3A_497, %mul3A_498 : vector<16xf32>
        %swap3A_500 = arith.index_cast %add3A_447 : i32 to index
        %swap3A_501 = arith.constant 64 : index
        %swap3A_502 = tpu.vector_load %arg12[%swap3A_500, %swap3A_501] {strides = array<i32>} : memref<128x128xf32, #tpu.memory_space<vmem>>, vector<1x16xf32>,
        %swap3A_503 = vector.shape_cast %swap3A_502 : vector<1x16xf32> to vector<16xf32>
        %swap3A_504 = vector.shape_cast %mul3A_499 : vector<16xf32> to vector<1x16xf32>
        tpu.vector_store %arg12[%swap3A_500, %swap3A_501], %swap3A_504 {strides = array<i32>} : memref<128x128xf32, #tpu.memory_space<vmem>>, vector<1x16xf32>,
        %get3A_505 = arith.index_cast %add3A_447 : i32 to index
        %get3A_506 = arith.constant 80 : index
        %get3A_507 = tpu.vector_load %arg12[%get3A_505, %get3A_506] {strides = array<i32>} : memref<128x128xf32, #tpu.memory_space<vmem>>, vector<1x16xf32>,
        %get3A_508 = vector.shape_cast %get3A_507 : vector<1x16xf32> to vector<16xf32>
        %mul3A_509 = vector.broadcast %squeeze3A_449 : f32 to vector<16xf32>
        %mul3A_510 = arith.mulf %get3A_508, %mul3A_509 : vector<16xf32>
        %swap3A_511 = arith.index_cast %add3A_447 : i32 to index
        %swap3A_512 = arith.constant 80 : index
        %swap3A_513 = tpu.vector_load %arg12[%swap3A_511, %swap3A_512] {strides = array<i32>} : memref<128x128xf32, #tpu.memory_space<vmem>>, vector<1x16xf32>,
        %swap3A_514 = vector.shape_cast %swap3A_513 : vector<1x16xf32> to vector<16xf32>
        %swap3A_515 = vector.shape_cast %mul3A_510 : vector<16xf32> to vector<1x16xf32>
        tpu.vector_store %arg12[%swap3A_511, %swap3A_512], %swap3A_515 {strides = array<i32>} : memref<128x128xf32, #tpu.memory_space<vmem>>, vector<1x16xf32>,
        %get3A_516 = arith.index_cast %add3A_447 : i32 to index
        %get3A_517 = arith.constant 96 : index
        %get3A_518 = tpu.vector_load %arg12[%get3A_516, %get3A_517] {strides = array<i32>} : memref<128x128xf32, #tpu.memory_space<vmem>>, vector<1x16xf32>,
        %get3A_519 = vector.shape_cast %get3A_518 : vector<1x16xf32> to vector<16xf32>
        %mul3A_520 = vector.broadcast %squeeze3A_449 : f32 to vector<16xf32>
        %mul3A_521 = arith.mulf %get3A_519, %mul3A_520 : vector<16xf32>
        %swap3A_522 = arith.index_cast %add3A_447 : i32 to index
        %swap3A_523 = arith.constant 96 : index
        %swap3A_524 = tpu.vector_load %arg12[%swap3A_522, %swap3A_523] {strides = array<i32>} : memref<128x128xf32, #tpu.memory_space<vmem>>, vector<1x16xf32>,
        %swap3A_525 = vector.shape_cast %swap3A_524 : vector<1x16xf32> to vector<16xf32>
        %swap3A_526 = vector.shape_cast %mul3A_521 : vector<16xf32> to vector<1x16xf32>
        tpu.vector_store %arg12[%swap3A_522, %swap3A_523], %swap3A_526 {strides = array<i32>} : memref<128x128xf32, #tpu.memory_space<vmem>>, vector<1x16xf32>,
        %get3A_527 = arith.index_cast %add3A_447 : i32 to index
        %get3A_528 = arith.constant 112 : index
        %get3A_529 = tpu.vector_load %arg12[%get3A_527, %get3A_528] {strides = array<i32>} : memref<128x128xf32, #tpu.memory_space<vmem>>, vector<1x16xf32>,
        %get3A_530 = vector.shape_cast %get3A_529 : vector<1x16xf32> to vector<16xf32>
        %mul3A_531 = vector.broadcast %squeeze3A_449 : f32 to vector<16xf32>
        %mul3A_532 = arith.mulf %get3A_530, %mul3A_531 : vector<16xf32>
        %swap3A_533 = arith.index_cast %add3A_447 : i32 to index
        %swap3A_534 = arith.constant 112 : index
        %swap3A_535 = tpu.vector_load %arg12[%swap3A_533, %swap3A_534] {strides = array<i32>} : memref<128x128xf32, #tpu.memory_space<vmem>>, vector<1x16xf32>,
        %swap3A_536 = vector.shape_cast %swap3A_535 : vector<1x16xf32> to vector<16xf32>
        %swap3A_537 = vector.shape_cast %mul3A_532 : vector<16xf32> to vector<1x16xf32>
        tpu.vector_store %arg12[%swap3A_533, %swap3A_534], %swap3A_537 {strides = array<i32>} : memref<128x128xf32, #tpu.memory_space<vmem>>, vector<1x16xf32>,
        %mul3A_538 = arith.constant 16 : i32
        %mul3A_539 = arith.muli %add3A_348, %mul3A_538 : i32
        %add3A_540 = arith.constant 2 : i32
        %add3A_541 = arith.addi %mul3A_539, %add3A_540 : i32
        %slice3A_542 = vector.extract_strided_slice %get3A_352 {offsets = [2], sizes = [1], strides = [1]} : vector<16xf32> to vector<1xf32>
        %squeeze3A_543 = vector.extract %slice3A_542[0] : f32 from vector<1xf32>
        %get3A_544 = arith.index_cast %add3A_541 : i32 to index
        %get3A_545 = arith.constant 0 : index
        %get3A_546 = tpu.vector_load %arg12[%get3A_544, %get3A_545] {strides = array<i32>} : memref<128x128xf32, #tpu.memory_space<vmem>>, vector<1x16xf32>,
        %get3A_547 = vector.shape_cast %get3A_546 : vector<1x16xf32> to vector<16xf32>
        %mul3A_548 = vector.broadcast %squeeze3A_543 : f32 to vector<16xf32>
        %mul3A_549 = arith.mulf %get3A_547, %mul3A_548 : vector<16xf32>
        %swap3A_550 = arith.index_cast %add3A_541 : i32 to index
        %swap3A_551 = arith.constant 0 : index
        %swap3A_552 = tpu.vector_load %arg12[%swap3A_550, %swap3A_551] {strides = array<i32>} : memref<128x128xf32, #tpu.memory_space<vmem>>, vector<1x16xf32>,
        %swap3A_553 = vector.shape_cast %swap3A_552 : vector<1x16xf32> to vector<16xf32>
        %swap3A_554 = vector.shape_cast %mul3A_549 : vector<16xf32> to vector<1x16xf32>
        tpu.vector_store %arg12[%swap3A_550, %swap3A_551], %swap3A_554 {strides = array<i32>} : memref<128x128xf32, #tpu.memory_space<vmem>>, vector<1x16xf32>,
        %get3A_555 = arith.index_cast %add3A_541 : i32 to index
        %get3A_556 = arith.constant 16 : index
        %get3A_557 = tpu.vector_load %arg12[%get3A_555, %get3A_556] {strides = array<i32>} : memref<128x128xf32, #tpu.memory_space<vmem>>, vector<1x16xf32>,
        %get3A_558 = vector.shape_cast %get3A_557 : vector<1x16xf32> to vector<16xf32>
        %mul3A_559 = vector.broadcast %squeeze3A_543 : f32 to vector<16xf32>
        %mul3A_560 = arith.mulf %get3A_558, %mul3A_559 : vector<16xf32>
        %swap3A_561 = arith.index_cast %add3A_541 : i32 to index
        %swap3A_562 = arith.constant 16 : index
        %swap3A_563 = tpu.vector_load %arg12[%swap3A_561, %swap3A_562] {strides = array<i32>} : memref<128x128xf32, #tpu.memory_space<vmem>>, vector<1x16xf32>,
        %swap3A_564 = vector.shape_cast %swap3A_563 : vector<1x16xf32> to vector<16xf32>
        %swap3A_565 = vector.shape_cast %mul3A_560 : vector<16xf32> to vector<1x16xf32>
        tpu.vector_store %arg12[%swap3A_561, %swap3A_562], %swap3A_565 {strides = array<i32>} : memref<128x128xf32, #tpu.memory_space<vmem>>, vector<1x16xf32>,
        %get3A_566 = arith.index_cast %add3A_541 : i32 to index
        %get3A_567 = arith.constant 32 : index
        %get3A_568 = tpu.vector_load %arg12[%get3A_566, %get3A_567] {strides = array<i32>} : memref<128x128xf32, #tpu.memory_space<vmem>>, vector<1x16xf32>,
        %get3A_569 = vector.shape_cast %get3A_568 : vector<1x16xf32> to vector<16xf32>
        %mul3A_570 = vector.broadcast %squeeze3A_543 : f32 to vector<16xf32>
        %mul3A_571 = arith.mulf %get3A_569, %mul3A_570 : vector<16xf32>
        %swap3A_572 = arith.index_cast %add3A_541 : i32 to index
        %swap3A_573 = arith.constant 32 : index
        %swap3A_574 = tpu.vector_load %arg12[%swap3A_572, %swap3A_573] {strides = array<i32>} : memref<128x128xf32, #tpu.memory_space<vmem>>, vector<1x16xf32>,
        %swap3A_575 = vector.shape_cast %swap3A_574 : vector<1x16xf32> to vector<16xf32>
        %swap3A_576 = vector.shape_cast %mul3A_571 : vector<16xf32> to vector<1x16xf32>
        tpu.vector_store %arg12[%swap3A_572, %swap3A_573], %swap3A_576 {strides = array<i32>} : memref<128x128xf32, #tpu.memory_space<vmem>>, vector<1x16xf32>,
        %get3A_577 = arith.index_cast %add3A_541 : i32 to index
        %get3A_578 = arith.constant 48 : index
        %get3A_579 = tpu.vector_load %arg12[%get3A_577, %get3A_578] {strides = array<i32>} : memref<128x128xf32, #tpu.memory_space<vmem>>, vector<1x16xf32>,
        %get3A_580 = vector.shape_cast %get3A_579 : vector<1x16xf32> to vector<16xf32>
        %mul3A_581 = vector.broadcast %squeeze3A_543 : f32 to vector<16xf32>
        %mul3A_582 = arith.mulf %get3A_580, %mul3A_581 : vector<16xf32>
        %swap3A_583 = arith.index_cast %add3A_541 : i32 to index
        %swap3A_584 = arith.constant 48 : index
        %swap3A_585 = tpu.vector_load %arg12[%swap3A_583, %swap3A_584] {strides = array<i32>} : memref<128x128xf32, #tpu.memory_space<vmem>>, vector<1x16xf32>,
        %swap3A_586 = vector.shape_cast %swap3A_585 : vector<1x16xf32> to vector<16xf32>
        %swap3A_587 = vector.shape_cast %mul3A_582 : vector<16xf32> to vector<1x16xf32>
        tpu.vector_store %arg12[%swap3A_583, %swap3A_584], %swap3A_587 {strides = array<i32>} : memref<128x128xf32, #tpu.memory_space<vmem>>, vector<1x16xf32>,
        %get3A_588 = arith.index_cast %add3A_541 : i32 to index
        %get3A_589 = arith.constant 64 : index
        %get3A_590 = tpu.vector_load %arg12[%get3A_588, %get3A_589] {strides = array<i32>} : memref<128x128xf32, #tpu.memory_space<vmem>>, vector<1x16xf32>,
        %get3A_591 = vector.shape_cast %get3A_590 : vector<1x16xf32> to vector<16xf32>
        %mul3A_592 = vector.broadcast %squeeze3A_543 : f32 to vector<16xf32>
        %mul3A_593 = arith.mulf %get3A_591, %mul3A_592 : vector<16xf32>
        %swap3A_594 = arith.index_cast %add3A_541 : i32 to index
        %swap3A_595 = arith.constant 64 : index
        %swap3A_596 = tpu.vector_load %arg12[%swap3A_594, %swap3A_595] {strides = array<i32>} : memref<128x128xf32, #tpu.memory_space<vmem>>, vector<1x16xf32>,
        %swap3A_597 = vector.shape_cast %swap3A_596 : vector<1x16xf32> to vector<16xf32>
        %swap3A_598 = vector.shape_cast %mul3A_593 : vector<16xf32> to vector<1x16xf32>
        tpu.vector_store %arg12[%swap3A_594, %swap3A_595], %swap3A_598 {strides = array<i32>} : memref<128x128xf32, #tpu.memory_space<vmem>>, vector<1x16xf32>,
        %get3A_599 = arith.index_cast %add3A_541 : i32 to index
        %get3A_600 = arith.constant 80 : index
        %get3A_601 = tpu.vector_load %arg12[%get3A_599, %get3A_600] {strides = array<i32>} : memref<128x128xf32, #tpu.memory_space<vmem>>, vector<1x16xf32>,
        %get3A_602 = vector.shape_cast %get3A_601 : vector<1x16xf32> to vector<16xf32>
        %mul3A_603 = vector.broadcast %squeeze3A_543 : f32 to vector<16xf32>
        %mul3A_604 = arith.mulf %get3A_602, %mul3A_603 : vector<16xf32>
        %swap3A_605 = arith.index_cast %add3A_541 : i32 to index
        %swap3A_606 = arith.constant 80 : index
        %swap3A_607 = tpu.vector_load %arg12[%swap3A_605, %swap3A_606] {strides = array<i32>} : memref<128x128xf32, #tpu.memory_space<vmem>>, vector<1x16xf32>,
        %swap3A_608 = vector.shape_cast %swap3A_607 : vector<1x16xf32> to vector<16xf32>
        %swap3A_609 = vector.shape_cast %mul3A_604 : vector<16xf32> to vector<1x16xf32>
        tpu.vector_store %arg12[%swap3A_605, %swap3A_606], %swap3A_609 {strides = array<i32>} : memref<128x128xf32, #tpu.memory_space<vmem>>, vector<1x16xf32>,
        %get3A_610 = arith.index_cast %add3A_541 : i32 to index
        %get3A_611 = arith.constant 96 : index
        %get3A_612 = tpu.vector_load %arg12[%get3A_610, %get3A_611] {strides = array<i32>} : memref<128x128xf32, #tpu.memory_space<vmem>>, vector<1x16xf32>,
        %get3A_613 = vector.shape_cast %get3A_612 : vector<1x16xf32> to vector<16xf32>
        %mul3A_614 = vector.broadcast %squeeze3A_543 : f32 to vector<16xf32>
        %mul3A_615 = arith.mulf %get3A_613, %mul3A_614 : vector<16xf32>
        %swap3A_616 = arith.index_cast %add3A_541 : i32 to index
        %swap3A_617 = arith.constant 96 : index
        %swap3A_618 = tpu.vector_load %arg12[%swap3A_616, %swap3A_617] {strides = array<i32>} : memref<128x128xf32, #tpu.memory_space<vmem>>, vector<1x16xf32>,
        %swap3A_619 = vector.shape_cast %swap3A_618 : vector<1x16xf32> to vector<16xf32>
        %swap3A_620 = vector.shape_cast %mul3A_615 : vector<16xf32> to vector<1x16xf32>
        tpu.vector_store %arg12[%swap3A_616, %swap3A_617], %swap3A_620 {strides = array<i32>} : memref<128x128xf32, #tpu.memory_space<vmem>>, vector<1x16xf32>,
        %get3A_621 = arith.index_cast %add3A_541 : i32 to index
        %get3A_622 = arith.constant 112 : index
        %get3A_623 = tpu.vector_load %arg12[%get3A_621, %get3A_622] {strides = array<i32>} : memref<128x128xf32, #tpu.memory_space<vmem>>, vector<1x16xf32>,
        %get3A_624 = vector.shape_cast %get3A_623 : vector<1x16xf32> to vector<16xf32>
        %mul3A_625 = vector.broadcast %squeeze3A_543 : f32 to vector<16xf32>
        %mul3A_626 = arith.mulf %get3A_624, %mul3A_625 : vector<16xf32>
        %swap3A_627 = arith.index_cast %add3A_541 : i32 to index
        %swap3A_628 = arith.constant 112 : index
        %swap3A_629 = tpu.vector_load %arg12[%swap3A_627, %swap3A_628] {strides = array<i32>} : memref<128x128xf32, #tpu.memory_space<vmem>>, vector<1x16xf32>,
        %swap3A_630 = vector.shape_cast %swap3A_629 : vector<1x16xf32> to vector<16xf32>
        %swap3A_631 = vector.shape_cast %mul3A_626 : vector<16xf32> to vector<1x16xf32>
        tpu.vector_store %arg12[%swap3A_627, %swap3A_628], %swap3A_631 {strides = array<i32>} : memref<128x128xf32, #tpu.memory_space<vmem>>, vector<1x16xf32>,
        %mul3A_632 = arith.constant 16 : i32
        %mul3A_633 = arith.muli %add3A_348, %mul3A_632 : i32
        %add3A_634 = arith.constant 3 : i32
        %add3A_635 = arith.addi %mul3A_633, %add3A_634 : i32
        %slice3A_636 = vector.extract_strided_slice %get3A_352 {offsets = [3], sizes = [1], strides = [1]} : vector<16xf32> to vector<1xf32>
        %squeeze3A_637 = vector.extract %slice3A_636[0] : f32 from vector<1xf32>
        %get3A_638 = arith.index_cast %add3A_635 : i32 to index
        %get3A_639 = arith.constant 0 : index
        %get3A_640 = tpu.vector_load %arg12[%get3A_638, %get3A_639] {strides = array<i32>} : memref<128x128xf32, #tpu.memory_space<vmem>>, vector<1x16xf32>,
        %get3A_641 = vector.shape_cast %get3A_640 : vector<1x16xf32> to vector<16xf32>
        %mul3A_642 = vector.broadcast %squeeze3A_637 : f32 to vector<16xf32>
        %mul3A_643 = arith.mulf %get3A_641, %mul3A_642 : vector<16xf32>
        %swap3A_644 = arith.index_cast %add3A_635 : i32 to index
        %swap3A_645 = arith.constant 0 : index
        %swap3A_646 = tpu.vector_load %arg12[%swap3A_644, %swap3A_645] {strides = array<i32>} : memref<128x128xf32, #tpu.memory_space<vmem>>, vector<1x16xf32>,
        %swap3A_647 = vector.shape_cast %swap3A_646 : vector<1x16xf32> to vector<16xf32>
        %swap3A_648 = vector.shape_cast %mul3A_643 : vector<16xf32> to vector<1x16xf32>
        tpu.vector_store %arg12[%swap3A_644, %swap3A_645], %swap3A_648 {strides = array<i32>} : memref<128x128xf32, #tpu.memory_space<vmem>>, vector<1x16xf32>,
        %get3A_649 = arith.index_cast %add3A_635 : i32 to index
        %get3A_650 = arith.constant 16 : index
        %get3A_651 = tpu.vector_load %arg12[%get3A_649, %get3A_650] {strides = array<i32>} : memref<128x128xf32, #tpu.memory_space<vmem>>, vector<1x16xf32>,
        %get3A_652 = vector.shape_cast %get3A_651 : vector<1x16xf32> to vector<16xf32>
        %mul3A_653 = vector.broadcast %squeeze3A_637 : f32 to vector<16xf32>
        %mul3A_654 = arith.mulf %get3A_652, %mul3A_653 : vector<16xf32>
        %swap3A_655 = arith.index_cast %add3A_635 : i32 to index
        %swap3A_656 = arith.constant 16 : index
        %swap3A_657 = tpu.vector_load %arg12[%swap3A_655, %swap3A_656] {strides = array<i32>} : memref<128x128xf32, #tpu.memory_space<vmem>>, vector<1x16xf32>,
        %swap3A_658 = vector.shape_cast %swap3A_657 : vector<1x16xf32> to vector<16xf32>
        %swap3A_659 = vector.shape_cast %mul3A_654 : vector<16xf32> to vector<1x16xf32>
        tpu.vector_store %arg12[%swap3A_655, %swap3A_656], %swap3A_659 {strides = array<i32>} : memref<128x128xf32, #tpu.memory_space<vmem>>, vector<1x16xf32>,
        %get3A_660 = arith.index_cast %add3A_635 : i32 to index
        %get3A_661 = arith.constant 32 : index
        %get3A_662 = tpu.vector_load %arg12[%get3A_660, %get3A_661] {strides = array<i32>} : memref<128x128xf32, #tpu.memory_space<vmem>>, vector<1x16xf32>,
        %get3A_663 = vector.shape_cast %get3A_662 : vector<1x16xf32> to vector<16xf32>
        %mul3A_664 = vector.broadcast %squeeze3A_637 : f32 to vector<16xf32>
        %mul3A_665 = arith.mulf %get3A_663, %mul3A_664 : vector<16xf32>
        %swap3A_666 = arith.index_cast %add3A_635 : i32 to index
        %swap3A_667 = arith.constant 32 : index
        %swap3A_668 = tpu.vector_load %arg12[%swap3A_666, %swap3A_667] {strides = array<i32>} : memref<128x128xf32, #tpu.memory_space<vmem>>, vector<1x16xf32>,
        %swap3A_669 = vector.shape_cast %swap3A_668 : vector<1x16xf32> to vector<16xf32>
        %swap3A_670 = vector.shape_cast %mul3A_665 : vector<16xf32> to vector<1x16xf32>
        tpu.vector_store %arg12[%swap3A_666, %swap3A_667], %swap3A_670 {strides = array<i32>} : memref<128x128xf32, #tpu.memory_space<vmem>>, vector<1x16xf32>,
        %get3A_671 = arith.index_cast %add3A_635 : i32 to index
        %get3A_672 = arith.constant 48 : index
        %get3A_673 = tpu.vector_load %arg12[%get3A_671, %get3A_672] {strides = array<i32>} : memref<128x128xf32, #tpu.memory_space<vmem>>, vector<1x16xf32>,
        %get3A_674 = vector.shape_cast %get3A_673 : vector<1x16xf32> to vector<16xf32>
        %mul3A_675 = vector.broadcast %squeeze3A_637 : f32 to vector<16xf32>
        %mul3A_676 = arith.mulf %get3A_674, %mul3A_675 : vector<16xf32>
        %swap3A_677 = arith.index_cast %add3A_635 : i32 to index
        %swap3A_678 = arith.constant 48 : index
        %swap3A_679 = tpu.vector_load %arg12[%swap3A_677, %swap3A_678] {strides = array<i32>} : memref<128x128xf32, #tpu.memory_space<vmem>>, vector<1x16xf32>,
        %swap3A_680 = vector.shape_cast %swap3A_679 : vector<1x16xf32> to vector<16xf32>
        %swap3A_681 = vector.shape_cast %mul3A_676 : vector<16xf32> to vector<1x16xf32>
        tpu.vector_store %arg12[%swap3A_677, %swap3A_678], %swap3A_681 {strides = array<i32>} : memref<128x128xf32, #tpu.memory_space<vmem>>, vector<1x16xf32>,
        %get3A_682 = arith.index_cast %add3A_635 : i32 to index
        %get3A_683 = arith.constant 64 : index
        %get3A_684 = tpu.vector_load %arg12[%get3A_682, %get3A_683] {strides = array<i32>} : memref<128x128xf32, #tpu.memory_space<vmem>>, vector<1x16xf32>,
        %get3A_685 = vector.shape_cast %get3A_684 : vector<1x16xf32> to vector<16xf32>
        %mul3A_686 = vector.broadcast %squeeze3A_637 : f32 to vector<16xf32>
        %mul3A_687 = arith.mulf %get3A_685, %mul3A_686 : vector<16xf32>
        %swap3A_688 = arith.index_cast %add3A_635 : i32 to index
        %swap3A_689 = arith.constant 64 : index
        %swap3A_690 = tpu.vector_load %arg12[%swap3A_688, %swap3A_689] {strides = array<i32>} : memref<128x128xf32, #tpu.memory_space<vmem>>, vector<1x16xf32>,
        %swap3A_691 = vector.shape_cast %swap3A_690 : vector<1x16xf32> to vector<16xf32>
        %swap3A_692 = vector.shape_cast %mul3A_687 : vector<16xf32> to vector<1x16xf32>
        tpu.vector_store %arg12[%swap3A_688, %swap3A_689], %swap3A_692 {strides = array<i32>} : memref<128x128xf32, #tpu.memory_space<vmem>>, vector<1x16xf32>,
        %get3A_693 = arith.index_cast %add3A_635 : i32 to index
        %get3A_694 = arith.constant 80 : index
        %get3A_695 = tpu.vector_load %arg12[%get3A_693, %get3A_694] {strides = array<i32>} : memref<128x128xf32, #tpu.memory_space<vmem>>, vector<1x16xf32>,
        %get3A_696 = vector.shape_cast %get3A_695 : vector<1x16xf32> to vector<16xf32>
        %mul3A_697 = vector.broadcast %squeeze3A_637 : f32 to vector<16xf32>
        %mul3A_698 = arith.mulf %get3A_696, %mul3A_697 : vector<16xf32>
        %swap3A_699 = arith.index_cast %add3A_635 : i32 to index
        %swap3A_700 = arith.constant 80 : index
        %swap3A_701 = tpu.vector_load %arg12[%swap3A_699, %swap3A_700] {strides = array<i32>} : memref<128x128xf32, #tpu.memory_space<vmem>>, vector<1x16xf32>,
        %swap3A_702 = vector.shape_cast %swap3A_701 : vector<1x16xf32> to vector<16xf32>
        %swap3A_703 = vector.shape_cast %mul3A_698 : vector<16xf32> to vector<1x16xf32>
        tpu.vector_store %arg12[%swap3A_699, %swap3A_700], %swap3A_703 {strides = array<i32>} : memref<128x128xf32, #tpu.memory_space<vmem>>, vector<1x16xf32>,
        %get3A_704 = arith.index_cast %add3A_635 : i32 to index
        %get3A_705 = arith.constant 96 : index
        %get3A_706 = tpu.vector_load %arg12[%get3A_704, %get3A_705] {strides = array<i32>} : memref<128x128xf32, #tpu.memory_space<vmem>>, vector<1x16xf32>,
        %get3A_707 = vector.shape_cast %get3A_706 : vector<1x16xf32> to vector<16xf32>
        %mul3A_708 = vector.broadcast %squeeze3A_637 : f32 to vector<16xf32>
        %mul3A_709 = arith.mulf %get3A_707, %mul3A_708 : vector<16xf32>
        %swap3A_710 = arith.index_cast %add3A_635 : i32 to index
        %swap3A_711 = arith.constant 96 : index
        %swap3A_712 = tpu.vector_load %arg12[%swap3A_710, %swap3A_711] {strides = array<i32>} : memref<128x128xf32, #tpu.memory_space<vmem>>, vector<1x16xf32>,
        %swap3A_713 = vector.shape_cast %swap3A_712 : vector<1x16xf32> to vector<16xf32>
        %swap3A_714 = vector.shape_cast %mul3A_709 : vector<16xf32> to vector<1x16xf32>
        tpu.vector_store %arg12[%swap3A_710, %swap3A_711], %swap3A_714 {strides = array<i32>} : memref<128x128xf32, #tpu.memory_space<vmem>>, vector<1x16xf32>,
        %get3A_715 = arith.index_cast %add3A_635 : i32 to index
        %get3A_716 = arith.constant 112 : index
        %get3A_717 = tpu.vector_load %arg12[%get3A_715, %get3A_716] {strides = array<i32>} : memref<128x128xf32, #tpu.memory_space<vmem>>, vector<1x16xf32>,
        %get3A_718 = vector.shape_cast %get3A_717 : vector<1x16xf32> to vector<16xf32>
        %mul3A_719 = vector.broadcast %squeeze3A_637 : f32 to vector<16xf32>
        %mul3A_720 = arith.mulf %get3A_718, %mul3A_719 : vector<16xf32>
        %swap3A_721 = arith.index_cast %add3A_635 : i32 to index
        %swap3A_722 = arith.constant 112 : index
        %swap3A_723 = tpu.vector_load %arg12[%swap3A_721, %swap3A_722] {strides = array<i32>} : memref<128x128xf32, #tpu.memory_space<vmem>>, vector<1x16xf32>,
        %swap3A_724 = vector.shape_cast %swap3A_723 : vector<1x16xf32> to vector<16xf32>
        %swap3A_725 = vector.shape_cast %mul3A_720 : vector<16xf32> to vector<1x16xf32>
        tpu.vector_store %arg12[%swap3A_721, %swap3A_722], %swap3A_725 {strides = array<i32>} : memref<128x128xf32, #tpu.memory_space<vmem>>, vector<1x16xf32>,
        %mul3A_726 = arith.constant 16 : i32
        %mul3A_727 = arith.muli %add3A_348, %mul3A_726 : i32
        %add3A_728 = arith.constant 4 : i32
        %add3A_729 = arith.addi %mul3A_727, %add3A_728 : i32
        %slice3A_730 = vector.extract_strided_slice %get3A_352 {offsets = [4], sizes = [1], strides = [1]} : vector<16xf32> to vector<1xf32>
        %squeeze3A_731 = vector.extract %slice3A_730[0] : f32 from vector<1xf32>
        %get3A_732 = arith.index_cast %add3A_729 : i32 to index
        %get3A_733 = arith.constant 0 : index
        %get3A_734 = tpu.vector_load %arg12[%get3A_732, %get3A_733] {strides = array<i32>} : memref<128x128xf32, #tpu.memory_space<vmem>>, vector<1x16xf32>,
        %get3A_735 = vector.shape_cast %get3A_734 : vector<1x16xf32> to vector<16xf32>
        %mul3A_736 = vector.broadcast %squeeze3A_731 : f32 to vector<16xf32>
        %mul3A_737 = arith.mulf %get3A_735, %mul3A_736 : vector<16xf32>
        %swap3A_738 = arith.index_cast %add3A_729 : i32 to index
        %swap3A_739 = arith.constant 0 : index
        %swap3A_740 = tpu.vector_load %arg12[%swap3A_738, %swap3A_739] {strides = array<i32>} : memref<128x128xf32, #tpu.memory_space<vmem>>, vector<1x16xf32>,
        %swap3A_741 = vector.shape_cast %swap3A_740 : vector<1x16xf32> to vector<16xf32>
        %swap3A_742 = vector.shape_cast %mul3A_737 : vector<16xf32> to vector<1x16xf32>
        tpu.vector_store %arg12[%swap3A_738, %swap3A_739], %swap3A_742 {strides = array<i32>} : memref<128x128xf32, #tpu.memory_space<vmem>>, vector<1x16xf32>,
        %get3A_743 = arith.index_cast %add3A_729 : i32 to index
        %get3A_744 = arith.constant 16 : index
        %get3A_745 = tpu.vector_load %arg12[%get3A_743, %get3A_744] {strides = array<i32>} : memref<128x128xf32, #tpu.memory_space<vmem>>, vector<1x16xf32>,
        %get3A_746 = vector.shape_cast %get3A_745 : vector<1x16xf32> to vector<16xf32>
        %mul3A_747 = vector.broadcast %squeeze3A_731 : f32 to vector<16xf32>
        %mul3A_748 = arith.mulf %get3A_746, %mul3A_747 : vector<16xf32>
        %swap3A_749 = arith.index_cast %add3A_729 : i32 to index
        %swap3A_750 = arith.constant 16 : index
        %swap3A_751 = tpu.vector_load %arg12[%swap3A_749, %swap3A_750] {strides = array<i32>} : memref<128x128xf32, #tpu.memory_space<vmem>>, vector<1x16xf32>,
        %swap3A_752 = vector.shape_cast %swap3A_751 : vector<1x16xf32> to vector<16xf32>
        %swap3A_753 = vector.shape_cast %mul3A_748 : vector<16xf32> to vector<1x16xf32>
        tpu.vector_store %arg12[%swap3A_749, %swap3A_750], %swap3A_753 {strides = array<i32>} : memref<128x128xf32, #tpu.memory_space<vmem>>, vector<1x16xf32>,
        %get3A_754 = arith.index_cast %add3A_729 : i32 to index
        %get3A_755 = arith.constant 32 : index
        %get3A_756 = tpu.vector_load %arg12[%get3A_754, %get3A_755] {strides = array<i32>} : memref<128x128xf32, #tpu.memory_space<vmem>>, vector<1x16xf32>,
        %get3A_757 = vector.shape_cast %get3A_756 : vector<1x16xf32> to vector<16xf32>
        %mul3A_758 = vector.broadcast %squeeze3A_731 : f32 to vector<16xf32>
        %mul3A_759 = arith.mulf %get3A_757, %mul3A_758 : vector<16xf32>
        %swap3A_760 = arith.index_cast %add3A_729 : i32 to index
        %swap3A_761 = arith.constant 32 : index
        %swap3A_762 = tpu.vector_load %arg12[%swap3A_760, %swap3A_761] {strides = array<i32>} : memref<128x128xf32, #tpu.memory_space<vmem>>, vector<1x16xf32>,
        %swap3A_763 = vector.shape_cast %swap3A_762 : vector<1x16xf32> to vector<16xf32>
        %swap3A_764 = vector.shape_cast %mul3A_759 : vector<16xf32> to vector<1x16xf32>
        tpu.vector_store %arg12[%swap3A_760, %swap3A_761], %swap3A_764 {strides = array<i32>} : memref<128x128xf32, #tpu.memory_space<vmem>>, vector<1x16xf32>,
        %get3A_765 = arith.index_cast %add3A_729 : i32 to index
        %get3A_766 = arith.constant 48 : index
        %get3A_767 = tpu.vector_load %arg12[%get3A_765, %get3A_766] {strides = array<i32>} : memref<128x128xf32, #tpu.memory_space<vmem>>, vector<1x16xf32>,
        %get3A_768 = vector.shape_cast %get3A_767 : vector<1x16xf32> to vector<16xf32>
        %mul3A_769 = vector.broadcast %squeeze3A_731 : f32 to vector<16xf32>
        %mul3A_770 = arith.mulf %get3A_768, %mul3A_769 : vector<16xf32>
        %swap3A_771 = arith.index_cast %add3A_729 : i32 to index
        %swap3A_772 = arith.constant 48 : index
        %swap3A_773 = tpu.vector_load %arg12[%swap3A_771, %swap3A_772] {strides = array<i32>} : memref<128x128xf32, #tpu.memory_space<vmem>>, vector<1x16xf32>,
        %swap3A_774 = vector.shape_cast %swap3A_773 : vector<1x16xf32> to vector<16xf32>
        %swap3A_775 = vector.shape_cast %mul3A_770 : vector<16xf32> to vector<1x16xf32>
        tpu.vector_store %arg12[%swap3A_771, %swap3A_772], %swap3A_775 {strides = array<i32>} : memref<128x128xf32, #tpu.memory_space<vmem>>, vector<1x16xf32>,
        %get3A_776 = arith.index_cast %add3A_729 : i32 to index
        %get3A_777 = arith.constant 64 : index
        %get3A_778 = tpu.vector_load %arg12[%get3A_776, %get3A_777] {strides = array<i32>} : memref<128x128xf32, #tpu.memory_space<vmem>>, vector<1x16xf32>,
        %get3A_779 = vector.shape_cast %get3A_778 : vector<1x16xf32> to vector<16xf32>
        %mul3A_780 = vector.broadcast %squeeze3A_731 : f32 to vector<16xf32>
        %mul3A_781 = arith.mulf %get3A_779, %mul3A_780 : vector<16xf32>
        %swap3A_782 = arith.index_cast %add3A_729 : i32 to index
        %swap3A_783 = arith.constant 64 : index
        %swap3A_784 = tpu.vector_load %arg12[%swap3A_782, %swap3A_783] {strides = array<i32>} : memref<128x128xf32, #tpu.memory_space<vmem>>, vector<1x16xf32>,
        %swap3A_785 = vector.shape_cast %swap3A_784 : vector<1x16xf32> to vector<16xf32>
        %swap3A_786 = vector.shape_cast %mul3A_781 : vector<16xf32> to vector<1x16xf32>
        tpu.vector_store %arg12[%swap3A_782, %swap3A_783], %swap3A_786 {strides = array<i32>} : memref<128x128xf32, #tpu.memory_space<vmem>>, vector<1x16xf32>,
        %get3A_787 = arith.index_cast %add3A_729 : i32 to index
        %get3A_788 = arith.constant 80 : index
        %get3A_789 = tpu.vector_load %arg12[%get3A_787, %get3A_788] {strides = array<i32>} : memref<128x128xf32, #tpu.memory_space<vmem>>, vector<1x16xf32>,
        %get3A_790 = vector.shape_cast %get3A_789 : vector<1x16xf32> to vector<16xf32>
        %mul3A_791 = vector.broadcast %squeeze3A_731 : f32 to vector<16xf32>
        %mul3A_792 = arith.mulf %get3A_790, %mul3A_791 : vector<16xf32>
        %swap3A_793 = arith.index_cast %add3A_729 : i32 to index
        %swap3A_794 = arith.constant 80 : index
        %swap3A_795 = tpu.vector_load %arg12[%swap3A_793, %swap3A_794] {strides = array<i32>} : memref<128x128xf32, #tpu.memory_space<vmem>>, vector<1x16xf32>,
        %swap3A_796 = vector.shape_cast %swap3A_795 : vector<1x16xf32> to vector<16xf32>
        %swap3A_797 = vector.shape_cast %mul3A_792 : vector<16xf32> to vector<1x16xf32>
        tpu.vector_store %arg12[%swap3A_793, %swap3A_794], %swap3A_797 {strides = array<i32>} : memref<128x128xf32, #tpu.memory_space<vmem>>, vector<1x16xf32>,
        %get3A_798 = arith.index_cast %add3A_729 : i32 to index
        %get3A_799 = arith.constant 96 : index
        %get3A_800 = tpu.vector_load %arg12[%get3A_798, %get3A_799] {strides = array<i32>} : memref<128x128xf32, #tpu.memory_space<vmem>>, vector<1x16xf32>,
        %get3A_801 = vector.shape_cast %get3A_800 : vector<1x16xf32> to vector<16xf32>
        %mul3A_802 = vector.broadcast %squeeze3A_731 : f32 to vector<16xf32>
        %mul3A_803 = arith.mulf %get3A_801, %mul3A_802 : vector<16xf32>
        %swap3A_804 = arith.index_cast %add3A_729 : i32 to index
        %swap3A_805 = arith.constant 96 : index
        %swap3A_806 = tpu.vector_load %arg12[%swap3A_804, %swap3A_805] {strides = array<i32>} : memref<128x128xf32, #tpu.memory_space<vmem>>, vector<1x16xf32>,
        %swap3A_807 = vector.shape_cast %swap3A_806 : vector<1x16xf32> to vector<16xf32>
        %swap3A_808 = vector.shape_cast %mul3A_803 : vector<16xf32> to vector<1x16xf32>
        tpu.vector_store %arg12[%swap3A_804, %swap3A_805], %swap3A_808 {strides = array<i32>} : memref<128x128xf32, #tpu.memory_space<vmem>>, vector<1x16xf32>,
        %get3A_809 = arith.index_cast %add3A_729 : i32 to index
        %get3A_810 = arith.constant 112 : index
        %get3A_811 = tpu.vector_load %arg12[%get3A_809, %get3A_810] {strides = array<i32>} : memref<128x128xf32, #tpu.memory_space<vmem>>, vector<1x16xf32>,
        %get3A_812 = vector.shape_cast %get3A_811 : vector<1x16xf32> to vector<16xf32>
        %mul3A_813 = vector.broadcast %squeeze3A_731 : f32 to vector<16xf32>
        %mul3A_814 = arith.mulf %get3A_812, %mul3A_813 : vector<16xf32>
        %swap3A_815 = arith.index_cast %add3A_729 : i32 to index
        %swap3A_816 = arith.constant 112 : index
        %swap3A_817 = tpu.vector_load %arg12[%swap3A_815, %swap3A_816] {strides = array<i32>} : memref<128x128xf32, #tpu.memory_space<vmem>>, vector<1x16xf32>,
        %swap3A_818 = vector.shape_cast %swap3A_817 : vector<1x16xf32> to vector<16xf32>
        %swap3A_819 = vector.shape_cast %mul3A_814 : vector<16xf32> to vector<1x16xf32>
        tpu.vector_store %arg12[%swap3A_815, %swap3A_816], %swap3A_819 {strides = array<i32>} : memref<128x128xf32, #tpu.memory_space<vmem>>, vector<1x16xf32>,
        %mul3A_820 = arith.constant 16 : i32
        %mul3A_821 = arith.muli %add3A_348, %mul3A_820 : i32
        %add3A_822 = arith.constant 5 : i32
        %add3A_823 = arith.addi %mul3A_821, %add3A_822 : i32
        %slice3A_824 = vector.extract_strided_slice %get3A_352 {offsets = [5], sizes = [1], strides = [1]} : vector<16xf32> to vector<1xf32>
        %squeeze3A_825 = vector.extract %slice3A_824[0] : f32 from vector<1xf32>
        %get3A_826 = arith.index_cast %add3A_823 : i32 to index
        %get3A_827 = arith.constant 0 : index
        %get3A_828 = tpu.vector_load %arg12[%get3A_826, %get3A_827] {strides = array<i32>} : memref<128x128xf32, #tpu.memory_space<vmem>>, vector<1x16xf32>,
        %get3A_829 = vector.shape_cast %get3A_828 : vector<1x16xf32> to vector<16xf32>
        %mul3A_830 = vector.broadcast %squeeze3A_825 : f32 to vector<16xf32>
        %mul3A_831 = arith.mulf %get3A_829, %mul3A_830 : vector<16xf32>
        %swap3A_832 = arith.index_cast %add3A_823 : i32 to index
        %swap3A_833 = arith.constant 0 : index
        %swap3A_834 = tpu.vector_load %arg12[%swap3A_832, %swap3A_833] {strides = array<i32>} : memref<128x128xf32, #tpu.memory_space<vmem>>, vector<1x16xf32>,
        %swap3A_835 = vector.shape_cast %swap3A_834 : vector<1x16xf32> to vector<16xf32>
        %swap3A_836 = vector.shape_cast %mul3A_831 : vector<16xf32> to vector<1x16xf32>
        tpu.vector_store %arg12[%swap3A_832, %swap3A_833], %swap3A_836 {strides = array<i32>} : memref<128x128xf32, #tpu.memory_space<vmem>>, vector<1x16xf32>,
        %get3A_837 = arith.index_cast %add3A_823 : i32 to index
        %get3A_838 = arith.constant 16 : index
        %get3A_839 = tpu.vector_load %arg12[%get3A_837, %get3A_838] {strides = array<i32>} : memref<128x128xf32, #tpu.memory_space<vmem>>, vector<1x16xf32>,
        %get3A_840 = vector.shape_cast %get3A_839 : vector<1x16xf32> to vector<16xf32>
        %mul3A_841 = vector.broadcast %squeeze3A_825 : f32 to vector<16xf32>
        %mul3A_842 = arith.mulf %get3A_840, %mul3A_841 : vector<16xf32>
        %swap3A_843 = arith.index_cast %add3A_823 : i32 to index
        %swap3A_844 = arith.constant 16 : index
        %swap3A_845 = tpu.vector_load %arg12[%swap3A_843, %swap3A_844] {strides = array<i32>} : memref<128x128xf32, #tpu.memory_space<vmem>>, vector<1x16xf32>,
        %swap3A_846 = vector.shape_cast %swap3A_845 : vector<1x16xf32> to vector<16xf32>
        %swap3A_847 = vector.shape_cast %mul3A_842 : vector<16xf32> to vector<1x16xf32>
        tpu.vector_store %arg12[%swap3A_843, %swap3A_844], %swap3A_847 {strides = array<i32>} : memref<128x128xf32, #tpu.memory_space<vmem>>, vector<1x16xf32>,
        %get3A_848 = arith.index_cast %add3A_823 : i32 to index
        %get3A_849 = arith.constant 32 : index
        %get3A_850 = tpu.vector_load %arg12[%get3A_848, %get3A_849] {strides = array<i32>} : memref<128x128xf32, #tpu.memory_space<vmem>>, vector<1x16xf32>,
        %get3A_851 = vector.shape_cast %get3A_850 : vector<1x16xf32> to vector<16xf32>
        %mul3A_852 = vector.broadcast %squeeze3A_825 : f32 to vector<16xf32>
        %mul3A_853 = arith.mulf %get3A_851, %mul3A_852 : vector<16xf32>
        %swap3A_854 = arith.index_cast %add3A_823 : i32 to index
        %swap3A_855 = arith.constant 32 : index
        %swap3A_856 = tpu.vector_load %arg12[%swap3A_854, %swap3A_855] {strides = array<i32>} : memref<128x128xf32, #tpu.memory_space<vmem>>, vector<1x16xf32>,
        %swap3A_857 = vector.shape_cast %swap3A_856 : vector<1x16xf32> to vector<16xf32>
        %swap3A_858 = vector.shape_cast %mul3A_853 : vector<16xf32> to vector<1x16xf32>
        tpu.vector_store %arg12[%swap3A_854, %swap3A_855], %swap3A_858 {strides = array<i32>} : memref<128x128xf32, #tpu.memory_space<vmem>>, vector<1x16xf32>,
        %get3A_859 = arith.index_cast %add3A_823 : i32 to index
        %get3A_860 = arith.constant 48 : index
        %get3A_861 = tpu.vector_load %arg12[%get3A_859, %get3A_860] {strides = array<i32>} : memref<128x128xf32, #tpu.memory_space<vmem>>, vector<1x16xf32>,
        %get3A_862 = vector.shape_cast %get3A_861 : vector<1x16xf32> to vector<16xf32>
        %mul3A_863 = vector.broadcast %squeeze3A_825 : f32 to vector<16xf32>
        %mul3A_864 = arith.mulf %get3A_862, %mul3A_863 : vector<16xf32>
        %swap3A_865 = arith.index_cast %add3A_823 : i32 to index
        %swap3A_866 = arith.constant 48 : index
        %swap3A_867 = tpu.vector_load %arg12[%swap3A_865, %swap3A_866] {strides = array<i32>} : memref<128x128xf32, #tpu.memory_space<vmem>>, vector<1x16xf32>,
        %swap3A_868 = vector.shape_cast %swap3A_867 : vector<1x16xf32> to vector<16xf32>
        %swap3A_869 = vector.shape_cast %mul3A_864 : vector<16xf32> to vector<1x16xf32>
        tpu.vector_store %arg12[%swap3A_865, %swap3A_866], %swap3A_869 {strides = array<i32>} : memref<128x128xf32, #tpu.memory_space<vmem>>, vector<1x16xf32>,
        %get3A_870 = arith.index_cast %add3A_823 : i32 to index
        %get3A_871 = arith.constant 64 : index
        %get3A_872 = tpu.vector_load %arg12[%get3A_870, %get3A_871] {strides = array<i32>} : memref<128x128xf32, #tpu.memory_space<vmem>>, vector<1x16xf32>,
        %get3A_873 = vector.shape_cast %get3A_872 : vector<1x16xf32> to vector<16xf32>
        %mul3A_874 = vector.broadcast %squeeze3A_825 : f32 to vector<16xf32>
        %mul3A_875 = arith.mulf %get3A_873, %mul3A_874 : vector<16xf32>
        %swap3A_876 = arith.index_cast %add3A_823 : i32 to index
        %swap3A_877 = arith.constant 64 : index
        %swap3A_878 = tpu.vector_load %arg12[%swap3A_876, %swap3A_877] {strides = array<i32>} : memref<128x128xf32, #tpu.memory_space<vmem>>, vector<1x16xf32>,
        %swap3A_879 = vector.shape_cast %swap3A_878 : vector<1x16xf32> to vector<16xf32>
        %swap3A_880 = vector.shape_cast %mul3A_875 : vector<16xf32> to vector<1x16xf32>
        tpu.vector_store %arg12[%swap3A_876, %swap3A_877], %swap3A_880 {strides = array<i32>} : memref<128x128xf32, #tpu.memory_space<vmem>>, vector<1x16xf32>,
        %get3A_881 = arith.index_cast %add3A_823 : i32 to index
        %get3A_882 = arith.constant 80 : index
        %get3A_883 = tpu.vector_load %arg12[%get3A_881, %get3A_882] {strides = array<i32>} : memref<128x128xf32, #tpu.memory_space<vmem>>, vector<1x16xf32>,
        %get3A_884 = vector.shape_cast %get3A_883 : vector<1x16xf32> to vector<16xf32>
        %mul3A_885 = vector.broadcast %squeeze3A_825 : f32 to vector<16xf32>
        %mul3A_886 = arith.mulf %get3A_884, %mul3A_885 : vector<16xf32>
        %swap3A_887 = arith.index_cast %add3A_823 : i32 to index
        %swap3A_888 = arith.constant 80 : index
        %swap3A_889 = tpu.vector_load %arg12[%swap3A_887, %swap3A_888] {strides = array<i32>} : memref<128x128xf32, #tpu.memory_space<vmem>>, vector<1x16xf32>,
        %swap3A_890 = vector.shape_cast %swap3A_889 : vector<1x16xf32> to vector<16xf32>
        %swap3A_891 = vector.shape_cast %mul3A_886 : vector<16xf32> to vector<1x16xf32>
        tpu.vector_store %arg12[%swap3A_887, %swap3A_888], %swap3A_891 {strides = array<i32>} : memref<128x128xf32, #tpu.memory_space<vmem>>, vector<1x16xf32>,
        %get3A_892 = arith.index_cast %add3A_823 : i32 to index
        %get3A_893 = arith.constant 96 : index
        %get3A_894 = tpu.vector_load %arg12[%get3A_892, %get3A_893] {strides = array<i32>} : memref<128x128xf32, #tpu.memory_space<vmem>>, vector<1x16xf32>,
        %get3A_895 = vector.shape_cast %get3A_894 : vector<1x16xf32> to vector<16xf32>
        %mul3A_896 = vector.broadcast %squeeze3A_825 : f32 to vector<16xf32>
        %mul3A_897 = arith.mulf %get3A_895, %mul3A_896 : vector<16xf32>
        %swap3A_898 = arith.index_cast %add3A_823 : i32 to index
        %swap3A_899 = arith.constant 96 : index
        %swap3A_900 = tpu.vector_load %arg12[%swap3A_898, %swap3A_899] {strides = array<i32>} : memref<128x128xf32, #tpu.memory_space<vmem>>, vector<1x16xf32>,
        %swap3A_901 = vector.shape_cast %swap3A_900 : vector<1x16xf32> to vector<16xf32>
        %swap3A_902 = vector.shape_cast %mul3A_897 : vector<16xf32> to vector<1x16xf32>
        tpu.vector_store %arg12[%swap3A_898, %swap3A_899], %swap3A_902 {strides = array<i32>} : memref<128x128xf32, #tpu.memory_space<vmem>>, vector<1x16xf32>,
        %get3A_903 = arith.index_cast %add3A_823 : i32 to index
        %get3A_904 = arith.constant 112 : index
        %get3A_905 = tpu.vector_load %arg12[%get3A_903, %get3A_904] {strides = array<i32>} : memref<128x128xf32, #tpu.memory_space<vmem>>, vector<1x16xf32>,
        %get3A_906 = vector.shape_cast %get3A_905 : vector<1x16xf32> to vector<16xf32>
        %mul3A_907 = vector.broadcast %squeeze3A_825 : f32 to vector<16xf32>
        %mul3A_908 = arith.mulf %get3A_906, %mul3A_907 : vector<16xf32>
        %swap3A_909 = arith.index_cast %add3A_823 : i32 to index
        %swap3A_910 = arith.constant 112 : index
        %swap3A_911 = tpu.vector_load %arg12[%swap3A_909, %swap3A_910] {strides = array<i32>} : memref<128x128xf32, #tpu.memory_space<vmem>>, vector<1x16xf32>,
        %swap3A_912 = vector.shape_cast %swap3A_911 : vector<1x16xf32> to vector<16xf32>
        %swap3A_913 = vector.shape_cast %mul3A_908 : vector<16xf32> to vector<1x16xf32>
        tpu.vector_store %arg12[%swap3A_909, %swap3A_910], %swap3A_913 {strides = array<i32>} : memref<128x128xf32, #tpu.memory_space<vmem>>, vector<1x16xf32>,
        %mul3A_914 = arith.constant 16 : i32
        %mul3A_915 = arith.muli %add3A_348, %mul3A_914 : i32
        %add3A_916 = arith.constant 6 : i32
        %add3A_917 = arith.addi %mul3A_915, %add3A_916 : i32
        %slice3A_918 = vector.extract_strided_slice %get3A_352 {offsets = [6], sizes = [1], strides = [1]} : vector<16xf32> to vector<1xf32>
        %squeeze3A_919 = vector.extract %slice3A_918[0] : f32 from vector<1xf32>
        %get3A_920 = arith.index_cast %add3A_917 : i32 to index
        %get3A_921 = arith.constant 0 : index
        %get3A_922 = tpu.vector_load %arg12[%get3A_920, %get3A_921] {strides = array<i32>} : memref<128x128xf32, #tpu.memory_space<vmem>>, vector<1x16xf32>,
        %get3A_923 = vector.shape_cast %get3A_922 : vector<1x16xf32> to vector<16xf32>
        %mul3A_924 = vector.broadcast %squeeze3A_919 : f32 to vector<16xf32>
        %mul3A_925 = arith.mulf %get3A_923, %mul3A_924 : vector<16xf32>
        %swap3A_926 = arith.index_cast %add3A_917 : i32 to index
        %swap3A_927 = arith.constant 0 : index
        %swap3A_928 = tpu.vector_load %arg12[%swap3A_926, %swap3A_927] {strides = array<i32>} : memref<128x128xf32, #tpu.memory_space<vmem>>, vector<1x16xf32>,
        %swap3A_929 = vector.shape_cast %swap3A_928 : vector<1x16xf32> to vector<16xf32>
        %swap3A_930 = vector.shape_cast %mul3A_925 : vector<16xf32> to vector<1x16xf32>
        tpu.vector_store %arg12[%swap3A_926, %swap3A_927], %swap3A_930 {strides = array<i32>} : memref<128x128xf32, #tpu.memory_space<vmem>>, vector<1x16xf32>,
        %get3A_931 = arith.index_cast %add3A_917 : i32 to index
        %get3A_932 = arith.constant 16 : index
        %get3A_933 = tpu.vector_load %arg12[%get3A_931, %get3A_932] {strides = array<i32>} : memref<128x128xf32, #tpu.memory_space<vmem>>, vector<1x16xf32>,
        %get3A_934 = vector.shape_cast %get3A_933 : vector<1x16xf32> to vector<16xf32>
        %mul3A_935 = vector.broadcast %squeeze3A_919 : f32 to vector<16xf32>
        %mul3A_936 = arith.mulf %get3A_934, %mul3A_935 : vector<16xf32>
        %swap3A_937 = arith.index_cast %add3A_917 : i32 to index
        %swap3A_938 = arith.constant 16 : index
        %swap3A_939 = tpu.vector_load %arg12[%swap3A_937, %swap3A_938] {strides = array<i32>} : memref<128x128xf32, #tpu.memory_space<vmem>>, vector<1x16xf32>,
        %swap3A_940 = vector.shape_cast %swap3A_939 : vector<1x16xf32> to vector<16xf32>
        %swap3A_941 = vector.shape_cast %mul3A_936 : vector<16xf32> to vector<1x16xf32>
        tpu.vector_store %arg12[%swap3A_937, %swap3A_938], %swap3A_941 {strides = array<i32>} : memref<128x128xf32, #tpu.memory_space<vmem>>, vector<1x16xf32>,
        %get3A_942 = arith.index_cast %add3A_917 : i32 to index
        %get3A_943 = arith.constant 32 : index
        %get3A_944 = tpu.vector_load %arg12[%get3A_942, %get3A_943] {strides = array<i32>} : memref<128x128xf32, #tpu.memory_space<vmem>>, vector<1x16xf32>,
        %get3A_945 = vector.shape_cast %get3A_944 : vector<1x16xf32> to vector<16xf32>
        %mul3A_946 = vector.broadcast %squeeze3A_919 : f32 to vector<16xf32>
        %mul3A_947 = arith.mulf %get3A_945, %mul3A_946 : vector<16xf32>
        %swap3A_948 = arith.index_cast %add3A_917 : i32 to index
        %swap3A_949 = arith.constant 32 : index
        %swap3A_950 = tpu.vector_load %arg12[%swap3A_948, %swap3A_949] {strides = array<i32>} : memref<128x128xf32, #tpu.memory_space<vmem>>, vector<1x16xf32>,
        %swap3A_951 = vector.shape_cast %swap3A_950 : vector<1x16xf32> to vector<16xf32>
        %swap3A_952 = vector.shape_cast %mul3A_947 : vector<16xf32> to vector<1x16xf32>
        tpu.vector_store %arg12[%swap3A_948, %swap3A_949], %swap3A_952 {strides = array<i32>} : memref<128x128xf32, #tpu.memory_space<vmem>>, vector<1x16xf32>,
        %get3A_953 = arith.index_cast %add3A_917 : i32 to index
        %get3A_954 = arith.constant 48 : index
        %get3A_955 = tpu.vector_load %arg12[%get3A_953, %get3A_954] {strides = array<i32>} : memref<128x128xf32, #tpu.memory_space<vmem>>, vector<1x16xf32>,
        %get3A_956 = vector.shape_cast %get3A_955 : vector<1x16xf32> to vector<16xf32>
        %mul3A_957 = vector.broadcast %squeeze3A_919 : f32 to vector<16xf32>
        %mul3A_958 = arith.mulf %get3A_956, %mul3A_957 : vector<16xf32>
        %swap3A_959 = arith.index_cast %add3A_917 : i32 to index
        %swap3A_960 = arith.constant 48 : index
        %swap3A_961 = tpu.vector_load %arg12[%swap3A_959, %swap3A_960] {strides = array<i32>} : memref<128x128xf32, #tpu.memory_space<vmem>>, vector<1x16xf32>,
        %swap3A_962 = vector.shape_cast %swap3A_961 : vector<1x16xf32> to vector<16xf32>
        %swap3A_963 = vector.shape_cast %mul3A_958 : vector<16xf32> to vector<1x16xf32>
        tpu.vector_store %arg12[%swap3A_959, %swap3A_960], %swap3A_963 {strides = array<i32>} : memref<128x128xf32, #tpu.memory_space<vmem>>, vector<1x16xf32>,
        %get3A_964 = arith.index_cast %add3A_917 : i32 to index
        %get3A_965 = arith.constant 64 : index
        %get3A_966 = tpu.vector_load %arg12[%get3A_964, %get3A_965] {strides = array<i32>} : memref<128x128xf32, #tpu.memory_space<vmem>>, vector<1x16xf32>,
        %get3A_967 = vector.shape_cast %get3A_966 : vector<1x16xf32> to vector<16xf32>
        %mul3A_968 = vector.broadcast %squeeze3A_919 : f32 to vector<16xf32>
        %mul3A_969 = arith.mulf %get3A_967, %mul3A_968 : vector<16xf32>
        %swap3A_970 = arith.index_cast %add3A_917 : i32 to index
        %swap3A_971 = arith.constant 64 : index
        %swap3A_972 = tpu.vector_load %arg12[%swap3A_970, %swap3A_971] {strides = array<i32>} : memref<128x128xf32, #tpu.memory_space<vmem>>, vector<1x16xf32>,
        %swap3A_973 = vector.shape_cast %swap3A_972 : vector<1x16xf32> to vector<16xf32>
        %swap3A_974 = vector.shape_cast %mul3A_969 : vector<16xf32> to vector<1x16xf32>
        tpu.vector_store %arg12[%swap3A_970, %swap3A_971], %swap3A_974 {strides = array<i32>} : memref<128x128xf32, #tpu.memory_space<vmem>>, vector<1x16xf32>,
        %get3A_975 = arith.index_cast %add3A_917 : i32 to index
        %get3A_976 = arith.constant 80 : index
        %get3A_977 = tpu.vector_load %arg12[%get3A_975, %get3A_976] {strides = array<i32>} : memref<128x128xf32, #tpu.memory_space<vmem>>, vector<1x16xf32>,
        %get3A_978 = vector.shape_cast %get3A_977 : vector<1x16xf32> to vector<16xf32>
        %mul3A_979 = vector.broadcast %squeeze3A_919 : f32 to vector<16xf32>
        %mul3A_980 = arith.mulf %get3A_978, %mul3A_979 : vector<16xf32>
        %swap3A_981 = arith.index_cast %add3A_917 : i32 to index
        %swap3A_982 = arith.constant 80 : index
        %swap3A_983 = tpu.vector_load %arg12[%swap3A_981, %swap3A_982] {strides = array<i32>} : memref<128x128xf32, #tpu.memory_space<vmem>>, vector<1x16xf32>,
        %swap3A_984 = vector.shape_cast %swap3A_983 : vector<1x16xf32> to vector<16xf32>
        %swap3A_985 = vector.shape_cast %mul3A_980 : vector<16xf32> to vector<1x16xf32>
        tpu.vector_store %arg12[%swap3A_981, %swap3A_982], %swap3A_985 {strides = array<i32>} : memref<128x128xf32, #tpu.memory_space<vmem>>, vector<1x16xf32>,
        %get3A_986 = arith.index_cast %add3A_917 : i32 to index
        %get3A_987 = arith.constant 96 : index
        %get3A_988 = tpu.vector_load %arg12[%get3A_986, %get3A_987] {strides = array<i32>} : memref<128x128xf32, #tpu.memory_space<vmem>>, vector<1x16xf32>,
        %get3A_989 = vector.shape_cast %get3A_988 : vector<1x16xf32> to vector<16xf32>
        %mul3A_990 = vector.broadcast %squeeze3A_919 : f32 to vector<16xf32>
        %mul3A_991 = arith.mulf %get3A_989, %mul3A_990 : vector<16xf32>
        %swap3A_992 = arith.index_cast %add3A_917 : i32 to index
        %swap3A_993 = arith.constant 96 : index
        %swap3A_994 = tpu.vector_load %arg12[%swap3A_992, %swap3A_993] {strides = array<i32>} : memref<128x128xf32, #tpu.memory_space<vmem>>, vector<1x16xf32>,
        %swap3A_995 = vector.shape_cast %swap3A_994 : vector<1x16xf32> to vector<16xf32>
        %swap3A_996 = vector.shape_cast %mul3A_991 : vector<16xf32> to vector<1x16xf32>
        tpu.vector_store %arg12[%swap3A_992, %swap3A_993], %swap3A_996 {strides = array<i32>} : memref<128x128xf32, #tpu.memory_space<vmem>>, vector<1x16xf32>,
        %get3A_997 = arith.index_cast %add3A_917 : i32 to index
        %get3A_998 = arith.constant 112 : index
        %get3A_999 = tpu.vector_load %arg12[%get3A_997, %get3A_998] {strides = array<i32>} : memref<128x128xf32, #tpu.memory_space<vmem>>, vector<1x16xf32>,
        %get3A_1000 = vector.shape_cast %get3A_999 : vector<1x16xf32> to vector<16xf32>
        %mul3A_1001 = vector.broadcast %squeeze3A_919 : f32 to vector<16xf32>
        %mul3A_1002 = arith.mulf %get3A_1000, %mul3A_1001 : vector<16xf32>
        %swap3A_1003 = arith.index_cast %add3A_917 : i32 to index
        %swap3A_1004 = arith.constant 112 : index
        %swap3A_1005 = tpu.vector_load %arg12[%swap3A_1003, %swap3A_1004] {strides = array<i32>} : memref<128x128xf32, #tpu.memory_space<vmem>>, vector<1x16xf32>,
        %swap3A_1006 = vector.shape_cast %swap3A_1005 : vector<1x16xf32> to vector<16xf32>
        %swap3A_1007 = vector.shape_cast %mul3A_1002 : vector<16xf32> to vector<1x16xf32>
        tpu.vector_store %arg12[%swap3A_1003, %swap3A_1004], %swap3A_1007 {strides = array<i32>} : memref<128x128xf32, #tpu.memory_space<vmem>>, vector<1x16xf32>,
        %mul3A_1008 = arith.constant 16 : i32
        %mul3A_1009 = arith.muli %add3A_348, %mul3A_1008 : i32
        %add3A_1010 = arith.constant 7 : i32
        %add3A_1011 = arith.addi %mul3A_1009, %add3A_1010 : i32
        %slice3A_1012 = vector.extract_strided_slice %get3A_352 {offsets = [7], sizes = [1], strides = [1]} : vector<16xf32> to vector<1xf32>
        %squeeze3A_1013 = vector.extract %slice3A_1012[0] : f32 from vector<1xf32>
        %get3A_1014 = arith.index_cast %add3A_1011 : i32 to index
        %get3A_1015 = arith.constant 0 : index
        %get3A_1016 = tpu.vector_load %arg12[%get3A_1014, %get3A_1015] {strides = array<i32>} : memref<128x128xf32, #tpu.memory_space<vmem>>, vector<1x16xf32>,
        %get3A_1017 = vector.shape_cast %get3A_1016 : vector<1x16xf32> to vector<16xf32>
        %mul3A_1018 = vector.broadcast %squeeze3A_1013 : f32 to vector<16xf32>
        %mul3A_1019 = arith.mulf %get3A_1017, %mul3A_1018 : vector<16xf32>
        %swap3A_1020 = arith.index_cast %add3A_1011 : i32 to index
        %swap3A_1021 = arith.constant 0 : index
        %swap3A_1022 = tpu.vector_load %arg12[%swap3A_1020, %swap3A_1021] {strides = array<i32>} : memref<128x128xf32, #tpu.memory_space<vmem>>, vector<1x16xf32>,
        %swap3A_1023 = vector.shape_cast %swap3A_1022 : vector<1x16xf32> to vector<16xf32>
        %swap3A_1024 = vector.shape_cast %mul3A_1019 : vector<16xf32> to vector<1x16xf32>
        tpu.vector_store %arg12[%swap3A_1020, %swap3A_1021], %swap3A_1024 {strides = array<i32>} : memref<128x128xf32, #tpu.memory_space<vmem>>, vector<1x16xf32>,
        %get3A_1025 = arith.index_cast %add3A_1011 : i32 to index
        %get3A_1026 = arith.constant 16 : index
        %get3A_1027 = tpu.vector_load %arg12[%get3A_1025, %get3A_1026] {strides = array<i32>} : memref<128x128xf32, #tpu.memory_space<vmem>>, vector<1x16xf32>,
        %get3A_1028 = vector.shape_cast %get3A_1027 : vector<1x16xf32> to vector<16xf32>
        %mul3A_1029 = vector.broadcast %squeeze3A_1013 : f32 to vector<16xf32>
        %mul3A_1030 = arith.mulf %get3A_1028, %mul3A_1029 : vector<16xf32>
        %swap3A_1031 = arith.index_cast %add3A_1011 : i32 to index
        %swap3A_1032 = arith.constant 16 : index
        %swap3A_1033 = tpu.vector_load %arg12[%swap3A_1031, %swap3A_1032] {strides = array<i32>} : memref<128x128xf32, #tpu.memory_space<vmem>>, vector<1x16xf32>,
        %swap3A_1034 = vector.shape_cast %swap3A_1033 : vector<1x16xf32> to vector<16xf32>
        %swap3A_1035 = vector.shape_cast %mul3A_1030 : vector<16xf32> to vector<1x16xf32>
        tpu.vector_store %arg12[%swap3A_1031, %swap3A_1032], %swap3A_1035 {strides = array<i32>} : memref<128x128xf32, #tpu.memory_space<vmem>>, vector<1x16xf32>,
        %get3A_1036 = arith.index_cast %add3A_1011 : i32 to index
        %get3A_1037 = arith.constant 32 : index
        %get3A_1038 = tpu.vector_load %arg12[%get3A_1036, %get3A_1037] {strides = array<i32>} : memref<128x128xf32, #tpu.memory_space<vmem>>, vector<1x16xf32>,
        %get3A_1039 = vector.shape_cast %get3A_1038 : vector<1x16xf32> to vector<16xf32>
        %mul3A_1040 = vector.broadcast %squeeze3A_1013 : f32 to vector<16xf32>
        %mul3A_1041 = arith.mulf %get3A_1039, %mul3A_1040 : vector<16xf32>
        %swap3A_1042 = arith.index_cast %add3A_1011 : i32 to index
        %swap3A_1043 = arith.constant 32 : index
        %swap3A_1044 = tpu.vector_load %arg12[%swap3A_1042, %swap3A_1043] {strides = array<i32>} : memref<128x128xf32, #tpu.memory_space<vmem>>, vector<1x16xf32>,
        %swap3A_1045 = vector.shape_cast %swap3A_1044 : vector<1x16xf32> to vector<16xf32>
        %swap3A_1046 = vector.shape_cast %mul3A_1041 : vector<16xf32> to vector<1x16xf32>
        tpu.vector_store %arg12[%swap3A_1042, %swap3A_1043], %swap3A_1046 {strides = array<i32>} : memref<128x128xf32, #tpu.memory_space<vmem>>, vector<1x16xf32>,
        %get3A_1047 = arith.index_cast %add3A_1011 : i32 to index
        %get3A_1048 = arith.constant 48 : index
        %get3A_1049 = tpu.vector_load %arg12[%get3A_1047, %get3A_1048] {strides = array<i32>} : memref<128x128xf32, #tpu.memory_space<vmem>>, vector<1x16xf32>,
        %get3A_1050 = vector.shape_cast %get3A_1049 : vector<1x16xf32> to vector<16xf32>
        %mul3A_1051 = vector.broadcast %squeeze3A_1013 : f32 to vector<16xf32>
        %mul3A_1052 = arith.mulf %get3A_1050, %mul3A_1051 : vector<16xf32>
        %swap3A_1053 = arith.index_cast %add3A_1011 : i32 to index
        %swap3A_1054 = arith.constant 48 : index
        %swap3A_1055 = tpu.vector_load %arg12[%swap3A_1053, %swap3A_1054] {strides = array<i32>} : memref<128x128xf32, #tpu.memory_space<vmem>>, vector<1x16xf32>,
        %swap3A_1056 = vector.shape_cast %swap3A_1055 : vector<1x16xf32> to vector<16xf32>
        %swap3A_1057 = vector.shape_cast %mul3A_1052 : vector<16xf32> to vector<1x16xf32>
        tpu.vector_store %arg12[%swap3A_1053, %swap3A_1054], %swap3A_1057 {strides = array<i32>} : memref<128x128xf32, #tpu.memory_space<vmem>>, vector<1x16xf32>,
        %get3A_1058 = arith.index_cast %add3A_1011 : i32 to index
        %get3A_1059 = arith.constant 64 : index
        %get3A_1060 = tpu.vector_load %arg12[%get3A_1058, %get3A_1059] {strides = array<i32>} : memref<128x128xf32, #tpu.memory_space<vmem>>, vector<1x16xf32>,
        %get3A_1061 = vector.shape_cast %get3A_1060 : vector<1x16xf32> to vector<16xf32>
        %mul3A_1062 = vector.broadcast %squeeze3A_1013 : f32 to vector<16xf32>
        %mul3A_1063 = arith.mulf %get3A_1061, %mul3A_1062 : vector<16xf32>
        %swap3A_1064 = arith.index_cast %add3A_1011 : i32 to index
        %swap3A_1065 = arith.constant 64 : index
        %swap3A_1066 = tpu.vector_load %arg12[%swap3A_1064, %swap3A_1065] {strides = array<i32>} : memref<128x128xf32, #tpu.memory_space<vmem>>, vector<1x16xf32>,
        %swap3A_1067 = vector.shape_cast %swap3A_1066 : vector<1x16xf32> to vector<16xf32>
        %swap3A_1068 = vector.shape_cast %mul3A_1063 : vector<16xf32> to vector<1x16xf32>
        tpu.vector_store %arg12[%swap3A_1064, %swap3A_1065], %swap3A_1068 {strides = array<i32>} : memref<128x128xf32, #tpu.memory_space<vmem>>, vector<1x16xf32>,
        %get3A_1069 = arith.index_cast %add3A_1011 : i32 to index
        %get3A_1070 = arith.constant 80 : index
        %get3A_1071 = tpu.vector_load %arg12[%get3A_1069, %get3A_1070] {strides = array<i32>} : memref<128x128xf32, #tpu.memory_space<vmem>>, vector<1x16xf32>,
        %get3A_1072 = vector.shape_cast %get3A_1071 : vector<1x16xf32> to vector<16xf32>
        %mul3A_1073 = vector.broadcast %squeeze3A_1013 : f32 to vector<16xf32>
        %mul3A_1074 = arith.mulf %get3A_1072, %mul3A_1073 : vector<16xf32>
        %swap3A_1075 = arith.index_cast %add3A_1011 : i32 to index
        %swap3A_1076 = arith.constant 80 : index
        %swap3A_1077 = tpu.vector_load %arg12[%swap3A_1075, %swap3A_1076] {strides = array<i32>} : memref<128x128xf32, #tpu.memory_space<vmem>>, vector<1x16xf32>,
        %swap3A_1078 = vector.shape_cast %swap3A_1077 : vector<1x16xf32> to vector<16xf32>
        %swap3A_1079 = vector.shape_cast %mul3A_1074 : vector<16xf32> to vector<1x16xf32>
        tpu.vector_store %arg12[%swap3A_1075, %swap3A_1076], %swap3A_1079 {strides = array<i32>} : memref<128x128xf32, #tpu.memory_space<vmem>>, vector<1x16xf32>,
        %get3A_1080 = arith.index_cast %add3A_1011 : i32 to index
        %get3A_1081 = arith.constant 96 : index
        %get3A_1082 = tpu.vector_load %arg12[%get3A_1080, %get3A_1081] {strides = array<i32>} : memref<128x128xf32, #tpu.memory_space<vmem>>, vector<1x16xf32>,
        %get3A_1083 = vector.shape_cast %get3A_1082 : vector<1x16xf32> to vector<16xf32>
        %mul3A_1084 = vector.broadcast %squeeze3A_1013 : f32 to vector<16xf32>
        %mul3A_1085 = arith.mulf %get3A_1083, %mul3A_1084 : vector<16xf32>
        %swap3A_1086 = arith.index_cast %add3A_1011 : i32 to index
        %swap3A_1087 = arith.constant 96 : index
        %swap3A_1088 = tpu.vector_load %arg12[%swap3A_1086, %swap3A_1087] {strides = array<i32>} : memref<128x128xf32, #tpu.memory_space<vmem>>, vector<1x16xf32>,
        %swap3A_1089 = vector.shape_cast %swap3A_1088 : vector<1x16xf32> to vector<16xf32>
        %swap3A_1090 = vector.shape_cast %mul3A_1085 : vector<16xf32> to vector<1x16xf32>
        tpu.vector_store %arg12[%swap3A_1086, %swap3A_1087], %swap3A_1090 {strides = array<i32>} : memref<128x128xf32, #tpu.memory_space<vmem>>, vector<1x16xf32>,
        %get3A_1091 = arith.index_cast %add3A_1011 : i32 to index
        %get3A_1092 = arith.constant 112 : index
        %get3A_1093 = tpu.vector_load %arg12[%get3A_1091, %get3A_1092] {strides = array<i32>} : memref<128x128xf32, #tpu.memory_space<vmem>>, vector<1x16xf32>,
        %get3A_1094 = vector.shape_cast %get3A_1093 : vector<1x16xf32> to vector<16xf32>
        %mul3A_1095 = vector.broadcast %squeeze3A_1013 : f32 to vector<16xf32>
        %mul3A_1096 = arith.mulf %get3A_1094, %mul3A_1095 : vector<16xf32>
        %swap3A_1097 = arith.index_cast %add3A_1011 : i32 to index
        %swap3A_1098 = arith.constant 112 : index
        %swap3A_1099 = tpu.vector_load %arg12[%swap3A_1097, %swap3A_1098] {strides = array<i32>} : memref<128x128xf32, #tpu.memory_space<vmem>>, vector<1x16xf32>,
        %swap3A_1100 = vector.shape_cast %swap3A_1099 : vector<1x16xf32> to vector<16xf32>
        %swap3A_1101 = vector.shape_cast %mul3A_1096 : vector<16xf32> to vector<1x16xf32>
        tpu.vector_store %arg12[%swap3A_1097, %swap3A_1098], %swap3A_1101 {strides = array<i32>} : memref<128x128xf32, #tpu.memory_space<vmem>>, vector<1x16xf32>,
        %mul3A_1102 = arith.constant 16 : i32
        %mul3A_1103 = arith.muli %add3A_348, %mul3A_1102 : i32
        %add3A_1104 = arith.constant 8 : i32
        %add3A_1105 = arith.addi %mul3A_1103, %add3A_1104 : i32
        %slice3A_1106 = vector.extract_strided_slice %get3A_352 {offsets = [8], sizes = [1], strides = [1]} : vector<16xf32> to vector<1xf32>
        %squeeze3A_1107 = vector.extract %slice3A_1106[0] : f32 from vector<1xf32>
        %get3A_1108 = arith.index_cast %add3A_1105 : i32 to index
        %get3A_1109 = arith.constant 0 : index
        %get3A_1110 = tpu.vector_load %arg12[%get3A_1108, %get3A_1109] {strides = array<i32>} : memref<128x128xf32, #tpu.memory_space<vmem>>, vector<1x16xf32>,
        %get3A_1111 = vector.shape_cast %get3A_1110 : vector<1x16xf32> to vector<16xf32>
        %mul3A_1112 = vector.broadcast %squeeze3A_1107 : f32 to vector<16xf32>
        %mul3A_1113 = arith.mulf %get3A_1111, %mul3A_1112 : vector<16xf32>
        %swap3A_1114 = arith.index_cast %add3A_1105 : i32 to index
        %swap3A_1115 = arith.constant 0 : index
        %swap3A_1116 = tpu.vector_load %arg12[%swap3A_1114, %swap3A_1115] {strides = array<i32>} : memref<128x128xf32, #tpu.memory_space<vmem>>, vector<1x16xf32>,
        %swap3A_1117 = vector.shape_cast %swap3A_1116 : vector<1x16xf32> to vector<16xf32>
        %swap3A_1118 = vector.shape_cast %mul3A_1113 : vector<16xf32> to vector<1x16xf32>
        tpu.vector_store %arg12[%swap3A_1114, %swap3A_1115], %swap3A_1118 {strides = array<i32>} : memref<128x128xf32, #tpu.memory_space<vmem>>, vector<1x16xf32>,
        %get3A_1119 = arith.index_cast %add3A_1105 : i32 to index
        %get3A_1120 = arith.constant 16 : index
        %get3A_1121 = tpu.vector_load %arg12[%get3A_1119, %get3A_1120] {strides = array<i32>} : memref<128x128xf32, #tpu.memory_space<vmem>>, vector<1x16xf32>,
        %get3A_1122 = vector.shape_cast %get3A_1121 : vector<1x16xf32> to vector<16xf32>
        %mul3A_1123 = vector.broadcast %squeeze3A_1107 : f32 to vector<16xf32>
        %mul3A_1124 = arith.mulf %get3A_1122, %mul3A_1123 : vector<16xf32>
        %swap3A_1125 = arith.index_cast %add3A_1105 : i32 to index
        %swap3A_1126 = arith.constant 16 : index
        %swap3A_1127 = tpu.vector_load %arg12[%swap3A_1125, %swap3A_1126] {strides = array<i32>} : memref<128x128xf32, #tpu.memory_space<vmem>>, vector<1x16xf32>,
        %swap3A_1128 = vector.shape_cast %swap3A_1127 : vector<1x16xf32> to vector<16xf32>
        %swap3A_1129 = vector.shape_cast %mul3A_1124 : vector<16xf32> to vector<1x16xf32>
        tpu.vector_store %arg12[%swap3A_1125, %swap3A_1126], %swap3A_1129 {strides = array<i32>} : memref<128x128xf32, #tpu.memory_space<vmem>>, vector<1x16xf32>,
        %get3A_1130 = arith.index_cast %add3A_1105 : i32 to index
        %get3A_1131 = arith.constant 32 : index
        %get3A_1132 = tpu.vector_load %arg12[%get3A_1130, %get3A_1131] {strides = array<i32>} : memref<128x128xf32, #tpu.memory_space<vmem>>, vector<1x16xf32>,
        %get3A_1133 = vector.shape_cast %get3A_1132 : vector<1x16xf32> to vector<16xf32>
        %mul3A_1134 = vector.broadcast %squeeze3A_1107 : f32 to vector<16xf32>
        %mul3A_1135 = arith.mulf %get3A_1133, %mul3A_1134 : vector<16xf32>
        %swap3A_1136 = arith.index_cast %add3A_1105 : i32 to index
        %swap3A_1137 = arith.constant 32 : index
        %swap3A_1138 = tpu.vector_load %arg12[%swap3A_1136, %swap3A_1137] {strides = array<i32>} : memref<128x128xf32, #tpu.memory_space<vmem>>, vector<1x16xf32>,
        %swap3A_1139 = vector.shape_cast %swap3A_1138 : vector<1x16xf32> to vector<16xf32>
        %swap3A_1140 = vector.shape_cast %mul3A_1135 : vector<16xf32> to vector<1x16xf32>
        tpu.vector_store %arg12[%swap3A_1136, %swap3A_1137], %swap3A_1140 {strides = array<i32>} : memref<128x128xf32, #tpu.memory_space<vmem>>, vector<1x16xf32>,
        %get3A_1141 = arith.index_cast %add3A_1105 : i32 to index
        %get3A_1142 = arith.constant 48 : index
        %get3A_1143 = tpu.vector_load %arg12[%get3A_1141, %get3A_1142] {strides = array<i32>} : memref<128x128xf32, #tpu.memory_space<vmem>>, vector<1x16xf32>,
        %get3A_1144 = vector.shape_cast %get3A_1143 : vector<1x16xf32> to vector<16xf32>
        %mul3A_1145 = vector.broadcast %squeeze3A_1107 : f32 to vector<16xf32>
        %mul3A_1146 = arith.mulf %get3A_1144, %mul3A_1145 : vector<16xf32>
        %swap3A_1147 = arith.index_cast %add3A_1105 : i32 to index
        %swap3A_1148 = arith.constant 48 : index
        %swap3A_1149 = tpu.vector_load %arg12[%swap3A_1147, %swap3A_1148] {strides = array<i32>} : memref<128x128xf32, #tpu.memory_space<vmem>>, vector<1x16xf32>,
        %swap3A_1150 = vector.shape_cast %swap3A_1149 : vector<1x16xf32> to vector<16xf32>
        %swap3A_1151 = vector.shape_cast %mul3A_1146 : vector<16xf32> to vector<1x16xf32>
        tpu.vector_store %arg12[%swap3A_1147, %swap3A_1148], %swap3A_1151 {strides = array<i32>} : memref<128x128xf32, #tpu.memory_space<vmem>>, vector<1x16xf32>,
        %get3A_1152 = arith.index_cast %add3A_1105 : i32 to index
        %get3A_1153 = arith.constant 64 : index
        %get3A_1154 = tpu.vector_load %arg12[%get3A_1152, %get3A_1153] {strides = array<i32>} : memref<128x128xf32, #tpu.memory_space<vmem>>, vector<1x16xf32>,
        %get3A_1155 = vector.shape_cast %get3A_1154 : vector<1x16xf32> to vector<16xf32>
        %mul3A_1156 = vector.broadcast %squeeze3A_1107 : f32 to vector<16xf32>
        %mul3A_1157 = arith.mulf %get3A_1155, %mul3A_1156 : vector<16xf32>
        %swap3A_1158 = arith.index_cast %add3A_1105 : i32 to index
        %swap3A_1159 = arith.constant 64 : index
        %swap3A_1160 = tpu.vector_load %arg12[%swap3A_1158, %swap3A_1159] {strides = array<i32>} : memref<128x128xf32, #tpu.memory_space<vmem>>, vector<1x16xf32>,
        %swap3A_1161 = vector.shape_cast %swap3A_1160 : vector<1x16xf32> to vector<16xf32>
        %swap3A_1162 = vector.shape_cast %mul3A_1157 : vector<16xf32> to vector<1x16xf32>
        tpu.vector_store %arg12[%swap3A_1158, %swap3A_1159], %swap3A_1162 {strides = array<i32>} : memref<128x128xf32, #tpu.memory_space<vmem>>, vector<1x16xf32>,
        %get3A_1163 = arith.index_cast %add3A_1105 : i32 to index
        %get3A_1164 = arith.constant 80 : index
        %get3A_1165 = tpu.vector_load %arg12[%get3A_1163, %get3A_1164] {strides = array<i32>} : memref<128x128xf32, #tpu.memory_space<vmem>>, vector<1x16xf32>,
        %get3A_1166 = vector.shape_cast %get3A_1165 : vector<1x16xf32> to vector<16xf32>
        %mul3A_1167 = vector.broadcast %squeeze3A_1107 : f32 to vector<16xf32>
        %mul3A_1168 = arith.mulf %get3A_1166, %mul3A_1167 : vector<16xf32>
        %swap3A_1169 = arith.index_cast %add3A_1105 : i32 to index
        %swap3A_1170 = arith.constant 80 : index
        %swap3A_1171 = tpu.vector_load %arg12[%swap3A_1169, %swap3A_1170] {strides = array<i32>} : memref<128x128xf32, #tpu.memory_space<vmem>>, vector<1x16xf32>,
        %swap3A_1172 = vector.shape_cast %swap3A_1171 : vector<1x16xf32> to vector<16xf32>
        %swap3A_1173 = vector.shape_cast %mul3A_1168 : vector<16xf32> to vector<1x16xf32>
        tpu.vector_store %arg12[%swap3A_1169, %swap3A_1170], %swap3A_1173 {strides = array<i32>} : memref<128x128xf32, #tpu.memory_space<vmem>>, vector<1x16xf32>,
        %get3A_1174 = arith.index_cast %add3A_1105 : i32 to index
        %get3A_1175 = arith.constant 96 : index
        %get3A_1176 = tpu.vector_load %arg12[%get3A_1174, %get3A_1175] {strides = array<i32>} : memref<128x128xf32, #tpu.memory_space<vmem>>, vector<1x16xf32>,
        %get3A_1177 = vector.shape_cast %get3A_1176 : vector<1x16xf32> to vector<16xf32>
        %mul3A_1178 = vector.broadcast %squeeze3A_1107 : f32 to vector<16xf32>
        %mul3A_1179 = arith.mulf %get3A_1177, %mul3A_1178 : vector<16xf32>
        %swap3A_1180 = arith.index_cast %add3A_1105 : i32 to index
        %swap3A_1181 = arith.constant 96 : index
        %swap3A_1182 = tpu.vector_load %arg12[%swap3A_1180, %swap3A_1181] {strides = array<i32>} : memref<128x128xf32, #tpu.memory_space<vmem>>, vector<1x16xf32>,
        %swap3A_1183 = vector.shape_cast %swap3A_1182 : vector<1x16xf32> to vector<16xf32>
        %swap3A_1184 = vector.shape_cast %mul3A_1179 : vector<16xf32> to vector<1x16xf32>
        tpu.vector_store %arg12[%swap3A_1180, %swap3A_1181], %swap3A_1184 {strides = array<i32>} : memref<128x128xf32, #tpu.memory_space<vmem>>, vector<1x16xf32>,
        %get3A_1185 = arith.index_cast %add3A_1105 : i32 to index
        %get3A_1186 = arith.constant 112 : index
        %get3A_1187 = tpu.vector_load %arg12[%get3A_1185, %get3A_1186] {strides = array<i32>} : memref<128x128xf32, #tpu.memory_space<vmem>>, vector<1x16xf32>,
        %get3A_1188 = vector.shape_cast %get3A_1187 : vector<1x16xf32> to vector<16xf32>
        %mul3A_1189 = vector.broadcast %squeeze3A_1107 : f32 to vector<16xf32>
        %mul3A_1190 = arith.mulf %get3A_1188, %mul3A_1189 : vector<16xf32>
        %swap3A_1191 = arith.index_cast %add3A_1105 : i32 to index
        %swap3A_1192 = arith.constant 112 : index
        %swap3A_1193 = tpu.vector_load %arg12[%swap3A_1191, %swap3A_1192] {strides = array<i32>} : memref<128x128xf32, #tpu.memory_space<vmem>>, vector<1x16xf32>,
        %swap3A_1194 = vector.shape_cast %swap3A_1193 : vector<1x16xf32> to vector<16xf32>
        %swap3A_1195 = vector.shape_cast %mul3A_1190 : vector<16xf32> to vector<1x16xf32>
        tpu.vector_store %arg12[%swap3A_1191, %swap3A_1192], %swap3A_1195 {strides = array<i32>} : memref<128x128xf32, #tpu.memory_space<vmem>>, vector<1x16xf32>,
        %mul3A_1196 = arith.constant 16 : i32
        %mul3A_1197 = arith.muli %add3A_348, %mul3A_1196 : i32
        %add3A_1198 = arith.constant 9 : i32
        %add3A_1199 = arith.addi %mul3A_1197, %add3A_1198 : i32
        %slice3A_1200 = vector.extract_strided_slice %get3A_352 {offsets = [9], sizes = [1], strides = [1]} : vector<16xf32> to vector<1xf32>
        %squeeze3A_1201 = vector.extract %slice3A_1200[0] : f32 from vector<1xf32>
        %get3A_1202 = arith.index_cast %add3A_1199 : i32 to index
        %get3A_1203 = arith.constant 0 : index
        %get3A_1204 = tpu.vector_load %arg12[%get3A_1202, %get3A_1203] {strides = array<i32>} : memref<128x128xf32, #tpu.memory_space<vmem>>, vector<1x16xf32>,
        %get3A_1205 = vector.shape_cast %get3A_1204 : vector<1x16xf32> to vector<16xf32>
        %mul3A_1206 = vector.broadcast %squeeze3A_1201 : f32 to vector<16xf32>
        %mul3A_1207 = arith.mulf %get3A_1205, %mul3A_1206 : vector<16xf32>
        %swap3A_1208 = arith.index_cast %add3A_1199 : i32 to index
        %swap3A_1209 = arith.constant 0 : index
        %swap3A_1210 = tpu.vector_load %arg12[%swap3A_1208, %swap3A_1209] {strides = array<i32>} : memref<128x128xf32, #tpu.memory_space<vmem>>, vector<1x16xf32>,
        %swap3A_1211 = vector.shape_cast %swap3A_1210 : vector<1x16xf32> to vector<16xf32>
        %swap3A_1212 = vector.shape_cast %mul3A_1207 : vector<16xf32> to vector<1x16xf32>
        tpu.vector_store %arg12[%swap3A_1208, %swap3A_1209], %swap3A_1212 {strides = array<i32>} : memref<128x128xf32, #tpu.memory_space<vmem>>, vector<1x16xf32>,
        %get3A_1213 = arith.index_cast %add3A_1199 : i32 to index
        %get3A_1214 = arith.constant 16 : index
        %get3A_1215 = tpu.vector_load %arg12[%get3A_1213, %get3A_1214] {strides = array<i32>} : memref<128x128xf32, #tpu.memory_space<vmem>>, vector<1x16xf32>,
        %get3A_1216 = vector.shape_cast %get3A_1215 : vector<1x16xf32> to vector<16xf32>
        %mul3A_1217 = vector.broadcast %squeeze3A_1201 : f32 to vector<16xf32>
        %mul3A_1218 = arith.mulf %get3A_1216, %mul3A_1217 : vector<16xf32>
        %swap3A_1219 = arith.index_cast %add3A_1199 : i32 to index
        %swap3A_1220 = arith.constant 16 : index
        %swap3A_1221 = tpu.vector_load %arg12[%swap3A_1219, %swap3A_1220] {strides = array<i32>} : memref<128x128xf32, #tpu.memory_space<vmem>>, vector<1x16xf32>,
        %swap3A_1222 = vector.shape_cast %swap3A_1221 : vector<1x16xf32> to vector<16xf32>
        %swap3A_1223 = vector.shape_cast %mul3A_1218 : vector<16xf32> to vector<1x16xf32>
        tpu.vector_store %arg12[%swap3A_1219, %swap3A_1220], %swap3A_1223 {strides = array<i32>} : memref<128x128xf32, #tpu.memory_space<vmem>>, vector<1x16xf32>,
        %get3A_1224 = arith.index_cast %add3A_1199 : i32 to index
        %get3A_1225 = arith.constant 32 : index
        %get3A_1226 = tpu.vector_load %arg12[%get3A_1224, %get3A_1225] {strides = array<i32>} : memref<128x128xf32, #tpu.memory_space<vmem>>, vector<1x16xf32>,
        %get3A_1227 = vector.shape_cast %get3A_1226 : vector<1x16xf32> to vector<16xf32>
        %mul3A_1228 = vector.broadcast %squeeze3A_1201 : f32 to vector<16xf32>
        %mul3A_1229 = arith.mulf %get3A_1227, %mul3A_1228 : vector<16xf32>
        %swap3A_1230 = arith.index_cast %add3A_1199 : i32 to index
        %swap3A_1231 = arith.constant 32 : index
        %swap3A_1232 = tpu.vector_load %arg12[%swap3A_1230, %swap3A_1231] {strides = array<i32>} : memref<128x128xf32, #tpu.memory_space<vmem>>, vector<1x16xf32>,
        %swap3A_1233 = vector.shape_cast %swap3A_1232 : vector<1x16xf32> to vector<16xf32>
        %swap3A_1234 = vector.shape_cast %mul3A_1229 : vector<16xf32> to vector<1x16xf32>
        tpu.vector_store %arg12[%swap3A_1230, %swap3A_1231], %swap3A_1234 {strides = array<i32>} : memref<128x128xf32, #tpu.memory_space<vmem>>, vector<1x16xf32>,
        %get3A_1235 = arith.index_cast %add3A_1199 : i32 to index
        %get3A_1236 = arith.constant 48 : index
        %get3A_1237 = tpu.vector_load %arg12[%get3A_1235, %get3A_1236] {strides = array<i32>} : memref<128x128xf32, #tpu.memory_space<vmem>>, vector<1x16xf32>,
        %get3A_1238 = vector.shape_cast %get3A_1237 : vector<1x16xf32> to vector<16xf32>
        %mul3A_1239 = vector.broadcast %squeeze3A_1201 : f32 to vector<16xf32>
        %mul3A_1240 = arith.mulf %get3A_1238, %mul3A_1239 : vector<16xf32>
        %swap3A_1241 = arith.index_cast %add3A_1199 : i32 to index
        %swap3A_1242 = arith.constant 48 : index
        %swap3A_1243 = tpu.vector_load %arg12[%swap3A_1241, %swap3A_1242] {strides = array<i32>} : memref<128x128xf32, #tpu.memory_space<vmem>>, vector<1x16xf32>,
        %swap3A_1244 = vector.shape_cast %swap3A_1243 : vector<1x16xf32> to vector<16xf32>
        %swap3A_1245 = vector.shape_cast %mul3A_1240 : vector<16xf32> to vector<1x16xf32>
        tpu.vector_store %arg12[%swap3A_1241, %swap3A_1242], %swap3A_1245 {strides = array<i32>} : memref<128x128xf32, #tpu.memory_space<vmem>>, vector<1x16xf32>,
        %get3A_1246 = arith.index_cast %add3A_1199 : i32 to index
        %get3A_1247 = arith.constant 64 : index
        %get3A_1248 = tpu.vector_load %arg12[%get3A_1246, %get3A_1247] {strides = array<i32>} : memref<128x128xf32, #tpu.memory_space<vmem>>, vector<1x16xf32>,
        %get3A_1249 = vector.shape_cast %get3A_1248 : vector<1x16xf32> to vector<16xf32>
        %mul3A_1250 = vector.broadcast %squeeze3A_1201 : f32 to vector<16xf32>
        %mul3A_1251 = arith.mulf %get3A_1249, %mul3A_1250 : vector<16xf32>
        %swap3A_1252 = arith.index_cast %add3A_1199 : i32 to index
        %swap3A_1253 = arith.constant 64 : index
        %swap3A_1254 = tpu.vector_load %arg12[%swap3A_1252, %swap3A_1253] {strides = array<i32>} : memref<128x128xf32, #tpu.memory_space<vmem>>, vector<1x16xf32>,
        %swap3A_1255 = vector.shape_cast %swap3A_1254 : vector<1x16xf32> to vector<16xf32>
        %swap3A_1256 = vector.shape_cast %mul3A_1251 : vector<16xf32> to vector<1x16xf32>
        tpu.vector_store %arg12[%swap3A_1252, %swap3A_1253], %swap3A_1256 {strides = array<i32>} : memref<128x128xf32, #tpu.memory_space<vmem>>, vector<1x16xf32>,
        %get3A_1257 = arith.index_cast %add3A_1199 : i32 to index
        %get3A_1258 = arith.constant 80 : index
        %get3A_1259 = tpu.vector_load %arg12[%get3A_1257, %get3A_1258] {strides = array<i32>} : memref<128x128xf32, #tpu.memory_space<vmem>>, vector<1x16xf32>,
        %get3A_1260 = vector.shape_cast %get3A_1259 : vector<1x16xf32> to vector<16xf32>
        %mul3A_1261 = vector.broadcast %squeeze3A_1201 : f32 to vector<16xf32>
        %mul3A_1262 = arith.mulf %get3A_1260, %mul3A_1261 : vector<16xf32>
        %swap3A_1263 = arith.index_cast %add3A_1199 : i32 to index
        %swap3A_1264 = arith.constant 80 : index
        %swap3A_1265 = tpu.vector_load %arg12[%swap3A_1263, %swap3A_1264] {strides = array<i32>} : memref<128x128xf32, #tpu.memory_space<vmem>>, vector<1x16xf32>,
        %swap3A_1266 = vector.shape_cast %swap3A_1265 : vector<1x16xf32> to vector<16xf32>
        %swap3A_1267 = vector.shape_cast %mul3A_1262 : vector<16xf32> to vector<1x16xf32>
        tpu.vector_store %arg12[%swap3A_1263, %swap3A_1264], %swap3A_1267 {strides = array<i32>} : memref<128x128xf32, #tpu.memory_space<vmem>>, vector<1x16xf32>,
        %get3A_1268 = arith.index_cast %add3A_1199 : i32 to index
        %get3A_1269 = arith.constant 96 : index
        %get3A_1270 = tpu.vector_load %arg12[%get3A_1268, %get3A_1269] {strides = array<i32>} : memref<128x128xf32, #tpu.memory_space<vmem>>, vector<1x16xf32>,
        %get3A_1271 = vector.shape_cast %get3A_1270 : vector<1x16xf32> to vector<16xf32>
        %mul3A_1272 = vector.broadcast %squeeze3A_1201 : f32 to vector<16xf32>
        %mul3A_1273 = arith.mulf %get3A_1271, %mul3A_1272 : vector<16xf32>
        %swap3A_1274 = arith.index_cast %add3A_1199 : i32 to index
        %swap3A_1275 = arith.constant 96 : index
        %swap3A_1276 = tpu.vector_load %arg12[%swap3A_1274, %swap3A_1275] {strides = array<i32>} : memref<128x128xf32, #tpu.memory_space<vmem>>, vector<1x16xf32>,
        %swap3A_1277 = vector.shape_cast %swap3A_1276 : vector<1x16xf32> to vector<16xf32>
        %swap3A_1278 = vector.shape_cast %mul3A_1273 : vector<16xf32> to vector<1x16xf32>
        tpu.vector_store %arg12[%swap3A_1274, %swap3A_1275], %swap3A_1278 {strides = array<i32>} : memref<128x128xf32, #tpu.memory_space<vmem>>, vector<1x16xf32>,
        %get3A_1279 = arith.index_cast %add3A_1199 : i32 to index
        %get3A_1280 = arith.constant 112 : index
        %get3A_1281 = tpu.vector_load %arg12[%get3A_1279, %get3A_1280] {strides = array<i32>} : memref<128x128xf32, #tpu.memory_space<vmem>>, vector<1x16xf32>,
        %get3A_1282 = vector.shape_cast %get3A_1281 : vector<1x16xf32> to vector<16xf32>
        %mul3A_1283 = vector.broadcast %squeeze3A_1201 : f32 to vector<16xf32>
        %mul3A_1284 = arith.mulf %get3A_1282, %mul3A_1283 : vector<16xf32>
        %swap3A_1285 = arith.index_cast %add3A_1199 : i32 to index
        %swap3A_1286 = arith.constant 112 : index
        %swap3A_1287 = tpu.vector_load %arg12[%swap3A_1285, %swap3A_1286] {strides = array<i32>} : memref<128x128xf32, #tpu.memory_space<vmem>>, vector<1x16xf32>,
        %swap3A_1288 = vector.shape_cast %swap3A_1287 : vector<1x16xf32> to vector<16xf32>
        %swap3A_1289 = vector.shape_cast %mul3A_1284 : vector<16xf32> to vector<1x16xf32>
        tpu.vector_store %arg12[%swap3A_1285, %swap3A_1286], %swap3A_1289 {strides = array<i32>} : memref<128x128xf32, #tpu.memory_space<vmem>>, vector<1x16xf32>,
        %mul3A_1290 = arith.constant 16 : i32
        %mul3A_1291 = arith.muli %add3A_348, %mul3A_1290 : i32
        %add3A_1292 = arith.constant 10 : i32
        %add3A_1293 = arith.addi %mul3A_1291, %add3A_1292 : i32
        %slice3A_1294 = vector.extract_strided_slice %get3A_352 {offsets = [10], sizes = [1], strides = [1]} : vector<16xf32> to vector<1xf32>
        %squeeze3A_1295 = vector.extract %slice3A_1294[0] : f32 from vector<1xf32>
        %get3A_1296 = arith.index_cast %add3A_1293 : i32 to index
        %get3A_1297 = arith.constant 0 : index
        %get3A_1298 = tpu.vector_load %arg12[%get3A_1296, %get3A_1297] {strides = array<i32>} : memref<128x128xf32, #tpu.memory_space<vmem>>, vector<1x16xf32>,
        %get3A_1299 = vector.shape_cast %get3A_1298 : vector<1x16xf32> to vector<16xf32>
        %mul3A_1300 = vector.broadcast %squeeze3A_1295 : f32 to vector<16xf32>
        %mul3A_1301 = arith.mulf %get3A_1299, %mul3A_1300 : vector<16xf32>
        %swap3A_1302 = arith.index_cast %add3A_1293 : i32 to index
        %swap3A_1303 = arith.constant 0 : index
        %swap3A_1304 = tpu.vector_load %arg12[%swap3A_1302, %swap3A_1303] {strides = array<i32>} : memref<128x128xf32, #tpu.memory_space<vmem>>, vector<1x16xf32>,
        %swap3A_1305 = vector.shape_cast %swap3A_1304 : vector<1x16xf32> to vector<16xf32>
        %swap3A_1306 = vector.shape_cast %mul3A_1301 : vector<16xf32> to vector<1x16xf32>
        tpu.vector_store %arg12[%swap3A_1302, %swap3A_1303], %swap3A_1306 {strides = array<i32>} : memref<128x128xf32, #tpu.memory_space<vmem>>, vector<1x16xf32>,
        %get3A_1307 = arith.index_cast %add3A_1293 : i32 to index
        %get3A_1308 = arith.constant 16 : index
        %get3A_1309 = tpu.vector_load %arg12[%get3A_1307, %get3A_1308] {strides = array<i32>} : memref<128x128xf32, #tpu.memory_space<vmem>>, vector<1x16xf32>,
        %get3A_1310 = vector.shape_cast %get3A_1309 : vector<1x16xf32> to vector<16xf32>
        %mul3A_1311 = vector.broadcast %squeeze3A_1295 : f32 to vector<16xf32>
        %mul3A_1312 = arith.mulf %get3A_1310, %mul3A_1311 : vector<16xf32>
        %swap3A_1313 = arith.index_cast %add3A_1293 : i32 to index
        %swap3A_1314 = arith.constant 16 : index
        %swap3A_1315 = tpu.vector_load %arg12[%swap3A_1313, %swap3A_1314] {strides = array<i32>} : memref<128x128xf32, #tpu.memory_space<vmem>>, vector<1x16xf32>,
        %swap3A_1316 = vector.shape_cast %swap3A_1315 : vector<1x16xf32> to vector<16xf32>
        %swap3A_1317 = vector.shape_cast %mul3A_1312 : vector<16xf32> to vector<1x16xf32>
        tpu.vector_store %arg12[%swap3A_1313, %swap3A_1314], %swap3A_1317 {strides = array<i32>} : memref<128x128xf32, #tpu.memory_space<vmem>>, vector<1x16xf32>,
        %get3A_1318 = arith.index_cast %add3A_1293 : i32 to index
        %get3A_1319 = arith.constant 32 : index
        %get3A_1320 = tpu.vector_load %arg12[%get3A_1318, %get3A_1319] {strides = array<i32>} : memref<128x128xf32, #tpu.memory_space<vmem>>, vector<1x16xf32>,
        %get3A_1321 = vector.shape_cast %get3A_1320 : vector<1x16xf32> to vector<16xf32>
        %mul3A_1322 = vector.broadcast %squeeze3A_1295 : f32 to vector<16xf32>
        %mul3A_1323 = arith.mulf %get3A_1321, %mul3A_1322 : vector<16xf32>
        %swap3A_1324 = arith.index_cast %add3A_1293 : i32 to index
        %swap3A_1325 = arith.constant 32 : index
        %swap3A_1326 = tpu.vector_load %arg12[%swap3A_1324, %swap3A_1325] {strides = array<i32>} : memref<128x128xf32, #tpu.memory_space<vmem>>, vector<1x16xf32>,
        %swap3A_1327 = vector.shape_cast %swap3A_1326 : vector<1x16xf32> to vector<16xf32>
        %swap3A_1328 = vector.shape_cast %mul3A_1323 : vector<16xf32> to vector<1x16xf32>
        tpu.vector_store %arg12[%swap3A_1324, %swap3A_1325], %swap3A_1328 {strides = array<i32>} : memref<128x128xf32, #tpu.memory_space<vmem>>, vector<1x16xf32>,
        %get3A_1329 = arith.index_cast %add3A_1293 : i32 to index
        %get3A_1330 = arith.constant 48 : index
        %get3A_1331 = tpu.vector_load %arg12[%get3A_1329, %get3A_1330] {strides = array<i32>} : memref<128x128xf32, #tpu.memory_space<vmem>>, vector<1x16xf32>,
        %get3A_1332 = vector.shape_cast %get3A_1331 : vector<1x16xf32> to vector<16xf32>
        %mul3A_1333 = vector.broadcast %squeeze3A_1295 : f32 to vector<16xf32>
        %mul3A_1334 = arith.mulf %get3A_1332, %mul3A_1333 : vector<16xf32>
        %swap3A_1335 = arith.index_cast %add3A_1293 : i32 to index
        %swap3A_1336 = arith.constant 48 : index
        %swap3A_1337 = tpu.vector_load %arg12[%swap3A_1335, %swap3A_1336] {strides = array<i32>} : memref<128x128xf32, #tpu.memory_space<vmem>>, vector<1x16xf32>,
        %swap3A_1338 = vector.shape_cast %swap3A_1337 : vector<1x16xf32> to vector<16xf32>
        %swap3A_1339 = vector.shape_cast %mul3A_1334 : vector<16xf32> to vector<1x16xf32>
        tpu.vector_store %arg12[%swap3A_1335, %swap3A_1336], %swap3A_1339 {strides = array<i32>} : memref<128x128xf32, #tpu.memory_space<vmem>>, vector<1x16xf32>,
        %get3A_1340 = arith.index_cast %add3A_1293 : i32 to index
        %get3A_1341 = arith.constant 64 : index
        %get3A_1342 = tpu.vector_load %arg12[%get3A_1340, %get3A_1341] {strides = array<i32>} : memref<128x128xf32, #tpu.memory_space<vmem>>, vector<1x16xf32>,
        %get3A_1343 = vector.shape_cast %get3A_1342 : vector<1x16xf32> to vector<16xf32>
        %mul3A_1344 = vector.broadcast %squeeze3A_1295 : f32 to vector<16xf32>
        %mul3A_1345 = arith.mulf %get3A_1343, %mul3A_1344 : vector<16xf32>
        %swap3A_1346 = arith.index_cast %add3A_1293 : i32 to index
        %swap3A_1347 = arith.constant 64 : index
        %swap3A_1348 = tpu.vector_load %arg12[%swap3A_1346, %swap3A_1347] {strides = array<i32>} : memref<128x128xf32, #tpu.memory_space<vmem>>, vector<1x16xf32>,
        %swap3A_1349 = vector.shape_cast %swap3A_1348 : vector<1x16xf32> to vector<16xf32>
        %swap3A_1350 = vector.shape_cast %mul3A_1345 : vector<16xf32> to vector<1x16xf32>
        tpu.vector_store %arg12[%swap3A_1346, %swap3A_1347], %swap3A_1350 {strides = array<i32>} : memref<128x128xf32, #tpu.memory_space<vmem>>, vector<1x16xf32>,
        %get3A_1351 = arith.index_cast %add3A_1293 : i32 to index
        %get3A_1352 = arith.constant 80 : index
        %get3A_1353 = tpu.vector_load %arg12[%get3A_1351, %get3A_1352] {strides = array<i32>} : memref<128x128xf32, #tpu.memory_space<vmem>>, vector<1x16xf32>,
        %get3A_1354 = vector.shape_cast %get3A_1353 : vector<1x16xf32> to vector<16xf32>
        %mul3A_1355 = vector.broadcast %squeeze3A_1295 : f32 to vector<16xf32>
        %mul3A_1356 = arith.mulf %get3A_1354, %mul3A_1355 : vector<16xf32>
        %swap3A_1357 = arith.index_cast %add3A_1293 : i32 to index
        %swap3A_1358 = arith.constant 80 : index
        %swap3A_1359 = tpu.vector_load %arg12[%swap3A_1357, %swap3A_1358] {strides = array<i32>} : memref<128x128xf32, #tpu.memory_space<vmem>>, vector<1x16xf32>,
        %swap3A_1360 = vector.shape_cast %swap3A_1359 : vector<1x16xf32> to vector<16xf32>
        %swap3A_1361 = vector.shape_cast %mul3A_1356 : vector<16xf32> to vector<1x16xf32>
        tpu.vector_store %arg12[%swap3A_1357, %swap3A_1358], %swap3A_1361 {strides = array<i32>} : memref<128x128xf32, #tpu.memory_space<vmem>>, vector<1x16xf32>,
        %get3A_1362 = arith.index_cast %add3A_1293 : i32 to index
        %get3A_1363 = arith.constant 96 : index
        %get3A_1364 = tpu.vector_load %arg12[%get3A_1362, %get3A_1363] {strides = array<i32>} : memref<128x128xf32, #tpu.memory_space<vmem>>, vector<1x16xf32>,
        %get3A_1365 = vector.shape_cast %get3A_1364 : vector<1x16xf32> to vector<16xf32>
        %mul3A_1366 = vector.broadcast %squeeze3A_1295 : f32 to vector<16xf32>
        %mul3A_1367 = arith.mulf %get3A_1365, %mul3A_1366 : vector<16xf32>
        %swap3A_1368 = arith.index_cast %add3A_1293 : i32 to index
        %swap3A_1369 = arith.constant 96 : index
        %swap3A_1370 = tpu.vector_load %arg12[%swap3A_1368, %swap3A_1369] {strides = array<i32>} : memref<128x128xf32, #tpu.memory_space<vmem>>, vector<1x16xf32>,
        %swap3A_1371 = vector.shape_cast %swap3A_1370 : vector<1x16xf32> to vector<16xf32>
        %swap3A_1372 = vector.shape_cast %mul3A_1367 : vector<16xf32> to vector<1x16xf32>
        tpu.vector_store %arg12[%swap3A_1368, %swap3A_1369], %swap3A_1372 {strides = array<i32>} : memref<128x128xf32, #tpu.memory_space<vmem>>, vector<1x16xf32>,
        %get3A_1373 = arith.index_cast %add3A_1293 : i32 to index
        %get3A_1374 = arith.constant 112 : index
        %get3A_1375 = tpu.vector_load %arg12[%get3A_1373, %get3A_1374] {strides = array<i32>} : memref<128x128xf32, #tpu.memory_space<vmem>>, vector<1x16xf32>,
        %get3A_1376 = vector.shape_cast %get3A_1375 : vector<1x16xf32> to vector<16xf32>
        %mul3A_1377 = vector.broadcast %squeeze3A_1295 : f32 to vector<16xf32>
        %mul3A_1378 = arith.mulf %get3A_1376, %mul3A_1377 : vector<16xf32>
        %swap3A_1379 = arith.index_cast %add3A_1293 : i32 to index
        %swap3A_1380 = arith.constant 112 : index
        %swap3A_1381 = tpu.vector_load %arg12[%swap3A_1379, %swap3A_1380] {strides = array<i32>} : memref<128x128xf32, #tpu.memory_space<vmem>>, vector<1x16xf32>,
        %swap3A_1382 = vector.shape_cast %swap3A_1381 : vector<1x16xf32> to vector<16xf32>
        %swap3A_1383 = vector.shape_cast %mul3A_1378 : vector<16xf32> to vector<1x16xf32>
        tpu.vector_store %arg12[%swap3A_1379, %swap3A_1380], %swap3A_1383 {strides = array<i32>} : memref<128x128xf32, #tpu.memory_space<vmem>>, vector<1x16xf32>,
        %mul3A_1384 = arith.constant 16 : i32
        %mul3A_1385 = arith.muli %add3A_348, %mul3A_1384 : i32
        %add3A_1386 = arith.constant 11 : i32
        %add3A_1387 = arith.addi %mul3A_1385, %add3A_1386 : i32
        %slice3A_1388 = vector.extract_strided_slice %get3A_352 {offsets = [11], sizes = [1], strides = [1]} : vector<16xf32> to vector<1xf32>
        %squeeze3A_1389 = vector.extract %slice3A_1388[0] : f32 from vector<1xf32>
        %get3A_1390 = arith.index_cast %add3A_1387 : i32 to index
        %get3A_1391 = arith.constant 0 : index
        %get3A_1392 = tpu.vector_load %arg12[%get3A_1390, %get3A_1391] {strides = array<i32>} : memref<128x128xf32, #tpu.memory_space<vmem>>, vector<1x16xf32>,
        %get3A_1393 = vector.shape_cast %get3A_1392 : vector<1x16xf32> to vector<16xf32>
        %mul3A_1394 = vector.broadcast %squeeze3A_1389 : f32 to vector<16xf32>
        %mul3A_1395 = arith.mulf %get3A_1393, %mul3A_1394 : vector<16xf32>
        %swap3A_1396 = arith.index_cast %add3A_1387 : i32 to index
        %swap3A_1397 = arith.constant 0 : index
        %swap3A_1398 = tpu.vector_load %arg12[%swap3A_1396, %swap3A_1397] {strides = array<i32>} : memref<128x128xf32, #tpu.memory_space<vmem>>, vector<1x16xf32>,
        %swap3A_1399 = vector.shape_cast %swap3A_1398 : vector<1x16xf32> to vector<16xf32>
        %swap3A_1400 = vector.shape_cast %mul3A_1395 : vector<16xf32> to vector<1x16xf32>
        tpu.vector_store %arg12[%swap3A_1396, %swap3A_1397], %swap3A_1400 {strides = array<i32>} : memref<128x128xf32, #tpu.memory_space<vmem>>, vector<1x16xf32>,
        %get3A_1401 = arith.index_cast %add3A_1387 : i32 to index
        %get3A_1402 = arith.constant 16 : index
        %get3A_1403 = tpu.vector_load %arg12[%get3A_1401, %get3A_1402] {strides = array<i32>} : memref<128x128xf32, #tpu.memory_space<vmem>>, vector<1x16xf32>,
        %get3A_1404 = vector.shape_cast %get3A_1403 : vector<1x16xf32> to vector<16xf32>
        %mul3A_1405 = vector.broadcast %squeeze3A_1389 : f32 to vector<16xf32>
        %mul3A_1406 = arith.mulf %get3A_1404, %mul3A_1405 : vector<16xf32>
        %swap3A_1407 = arith.index_cast %add3A_1387 : i32 to index
        %swap3A_1408 = arith.constant 16 : index
        %swap3A_1409 = tpu.vector_load %arg12[%swap3A_1407, %swap3A_1408] {strides = array<i32>} : memref<128x128xf32, #tpu.memory_space<vmem>>, vector<1x16xf32>,
        %swap3A_1410 = vector.shape_cast %swap3A_1409 : vector<1x16xf32> to vector<16xf32>
        %swap3A_1411 = vector.shape_cast %mul3A_1406 : vector<16xf32> to vector<1x16xf32>
        tpu.vector_store %arg12[%swap3A_1407, %swap3A_1408], %swap3A_1411 {strides = array<i32>} : memref<128x128xf32, #tpu.memory_space<vmem>>, vector<1x16xf32>,
        %get3A_1412 = arith.index_cast %add3A_1387 : i32 to index
        %get3A_1413 = arith.constant 32 : index
        %get3A_1414 = tpu.vector_load %arg12[%get3A_1412, %get3A_1413] {strides = array<i32>} : memref<128x128xf32, #tpu.memory_space<vmem>>, vector<1x16xf32>,
        %get3A_1415 = vector.shape_cast %get3A_1414 : vector<1x16xf32> to vector<16xf32>
        %mul3A_1416 = vector.broadcast %squeeze3A_1389 : f32 to vector<16xf32>
        %mul3A_1417 = arith.mulf %get3A_1415, %mul3A_1416 : vector<16xf32>
        %swap3A_1418 = arith.index_cast %add3A_1387 : i32 to index
        %swap3A_1419 = arith.constant 32 : index
        %swap3A_1420 = tpu.vector_load %arg12[%swap3A_1418, %swap3A_1419] {strides = array<i32>} : memref<128x128xf32, #tpu.memory_space<vmem>>, vector<1x16xf32>,
        %swap3A_1421 = vector.shape_cast %swap3A_1420 : vector<1x16xf32> to vector<16xf32>
        %swap3A_1422 = vector.shape_cast %mul3A_1417 : vector<16xf32> to vector<1x16xf32>
        tpu.vector_store %arg12[%swap3A_1418, %swap3A_1419], %swap3A_1422 {strides = array<i32>} : memref<128x128xf32, #tpu.memory_space<vmem>>, vector<1x16xf32>,
        %get3A_1423 = arith.index_cast %add3A_1387 : i32 to index
        %get3A_1424 = arith.constant 48 : index
        %get3A_1425 = tpu.vector_load %arg12[%get3A_1423, %get3A_1424] {strides = array<i32>} : memref<128x128xf32, #tpu.memory_space<vmem>>, vector<1x16xf32>,
        %get3A_1426 = vector.shape_cast %get3A_1425 : vector<1x16xf32> to vector<16xf32>
        %mul3A_1427 = vector.broadcast %squeeze3A_1389 : f32 to vector<16xf32>
        %mul3A_1428 = arith.mulf %get3A_1426, %mul3A_1427 : vector<16xf32>
        %swap3A_1429 = arith.index_cast %add3A_1387 : i32 to index
        %swap3A_1430 = arith.constant 48 : index
        %swap3A_1431 = tpu.vector_load %arg12[%swap3A_1429, %swap3A_1430] {strides = array<i32>} : memref<128x128xf32, #tpu.memory_space<vmem>>, vector<1x16xf32>,
        %swap3A_1432 = vector.shape_cast %swap3A_1431 : vector<1x16xf32> to vector<16xf32>
        %swap3A_1433 = vector.shape_cast %mul3A_1428 : vector<16xf32> to vector<1x16xf32>
        tpu.vector_store %arg12[%swap3A_1429, %swap3A_1430], %swap3A_1433 {strides = array<i32>} : memref<128x128xf32, #tpu.memory_space<vmem>>, vector<1x16xf32>,
        %get3A_1434 = arith.index_cast %add3A_1387 : i32 to index
        %get3A_1435 = arith.constant 64 : index
        %get3A_1436 = tpu.vector_load %arg12[%get3A_1434, %get3A_1435] {strides = array<i32>} : memref<128x128xf32, #tpu.memory_space<vmem>>, vector<1x16xf32>,
        %get3A_1437 = vector.shape_cast %get3A_1436 : vector<1x16xf32> to vector<16xf32>
        %mul3A_1438 = vector.broadcast %squeeze3A_1389 : f32 to vector<16xf32>
        %mul3A_1439 = arith.mulf %get3A_1437, %mul3A_1438 : vector<16xf32>
        %swap3A_1440 = arith.index_cast %add3A_1387 : i32 to index
        %swap3A_1441 = arith.constant 64 : index
        %swap3A_1442 = tpu.vector_load %arg12[%swap3A_1440, %swap3A_1441] {strides = array<i32>} : memref<128x128xf32, #tpu.memory_space<vmem>>, vector<1x16xf32>,
        %swap3A_1443 = vector.shape_cast %swap3A_1442 : vector<1x16xf32> to vector<16xf32>
        %swap3A_1444 = vector.shape_cast %mul3A_1439 : vector<16xf32> to vector<1x16xf32>
        tpu.vector_store %arg12[%swap3A_1440, %swap3A_1441], %swap3A_1444 {strides = array<i32>} : memref<128x128xf32, #tpu.memory_space<vmem>>, vector<1x16xf32>,
        %get3A_1445 = arith.index_cast %add3A_1387 : i32 to index
        %get3A_1446 = arith.constant 80 : index
        %get3A_1447 = tpu.vector_load %arg12[%get3A_1445, %get3A_1446] {strides = array<i32>} : memref<128x128xf32, #tpu.memory_space<vmem>>, vector<1x16xf32>,
        %get3A_1448 = vector.shape_cast %get3A_1447 : vector<1x16xf32> to vector<16xf32>
        %mul3A_1449 = vector.broadcast %squeeze3A_1389 : f32 to vector<16xf32>
        %mul3A_1450 = arith.mulf %get3A_1448, %mul3A_1449 : vector<16xf32>
        %swap3A_1451 = arith.index_cast %add3A_1387 : i32 to index
        %swap3A_1452 = arith.constant 80 : index
        %swap3A_1453 = tpu.vector_load %arg12[%swap3A_1451, %swap3A_1452] {strides = array<i32>} : memref<128x128xf32, #tpu.memory_space<vmem>>, vector<1x16xf32>,
        %swap3A_1454 = vector.shape_cast %swap3A_1453 : vector<1x16xf32> to vector<16xf32>
        %swap3A_1455 = vector.shape_cast %mul3A_1450 : vector<16xf32> to vector<1x16xf32>
        tpu.vector_store %arg12[%swap3A_1451, %swap3A_1452], %swap3A_1455 {strides = array<i32>} : memref<128x128xf32, #tpu.memory_space<vmem>>, vector<1x16xf32>,
        %get3A_1456 = arith.index_cast %add3A_1387 : i32 to index
        %get3A_1457 = arith.constant 96 : index
        %get3A_1458 = tpu.vector_load %arg12[%get3A_1456, %get3A_1457] {strides = array<i32>} : memref<128x128xf32, #tpu.memory_space<vmem>>, vector<1x16xf32>,
        %get3A_1459 = vector.shape_cast %get3A_1458 : vector<1x16xf32> to vector<16xf32>
        %mul3A_1460 = vector.broadcast %squeeze3A_1389 : f32 to vector<16xf32>
        %mul3A_1461 = arith.mulf %get3A_1459, %mul3A_1460 : vector<16xf32>
        %swap3A_1462 = arith.index_cast %add3A_1387 : i32 to index
        %swap3A_1463 = arith.constant 96 : index
        %swap3A_1464 = tpu.vector_load %arg12[%swap3A_1462, %swap3A_1463] {strides = array<i32>} : memref<128x128xf32, #tpu.memory_space<vmem>>, vector<1x16xf32>,
        %swap3A_1465 = vector.shape_cast %swap3A_1464 : vector<1x16xf32> to vector<16xf32>
        %swap3A_1466 = vector.shape_cast %mul3A_1461 : vector<16xf32> to vector<1x16xf32>
        tpu.vector_store %arg12[%swap3A_1462, %swap3A_1463], %swap3A_1466 {strides = array<i32>} : memref<128x128xf32, #tpu.memory_space<vmem>>, vector<1x16xf32>,
        %get3A_1467 = arith.index_cast %add3A_1387 : i32 to index
        %get3A_1468 = arith.constant 112 : index
        %get3A_1469 = tpu.vector_load %arg12[%get3A_1467, %get3A_1468] {strides = array<i32>} : memref<128x128xf32, #tpu.memory_space<vmem>>, vector<1x16xf32>,
        %get3A_1470 = vector.shape_cast %get3A_1469 : vector<1x16xf32> to vector<16xf32>
        %mul3A_1471 = vector.broadcast %squeeze3A_1389 : f32 to vector<16xf32>
        %mul3A_1472 = arith.mulf %get3A_1470, %mul3A_1471 : vector<16xf32>
        %swap3A_1473 = arith.index_cast %add3A_1387 : i32 to index
        %swap3A_1474 = arith.constant 112 : index
        %swap3A_1475 = tpu.vector_load %arg12[%swap3A_1473, %swap3A_1474] {strides = array<i32>} : memref<128x128xf32, #tpu.memory_space<vmem>>, vector<1x16xf32>,
        %swap3A_1476 = vector.shape_cast %swap3A_1475 : vector<1x16xf32> to vector<16xf32>
        %swap3A_1477 = vector.shape_cast %mul3A_1472 : vector<16xf32> to vector<1x16xf32>
        tpu.vector_store %arg12[%swap3A_1473, %swap3A_1474], %swap3A_1477 {strides = array<i32>} : memref<128x128xf32, #tpu.memory_space<vmem>>, vector<1x16xf32>,
        %mul3A_1478 = arith.constant 16 : i32
        %mul3A_1479 = arith.muli %add3A_348, %mul3A_1478 : i32
        %add3A_1480 = arith.constant 12 : i32
        %add3A_1481 = arith.addi %mul3A_1479, %add3A_1480 : i32
        %slice3A_1482 = vector.extract_strided_slice %get3A_352 {offsets = [12], sizes = [1], strides = [1]} : vector<16xf32> to vector<1xf32>
        %squeeze3A_1483 = vector.extract %slice3A_1482[0] : f32 from vector<1xf32>
        %get3A_1484 = arith.index_cast %add3A_1481 : i32 to index
        %get3A_1485 = arith.constant 0 : index
        %get3A_1486 = tpu.vector_load %arg12[%get3A_1484, %get3A_1485] {strides = array<i32>} : memref<128x128xf32, #tpu.memory_space<vmem>>, vector<1x16xf32>,
        %get3A_1487 = vector.shape_cast %get3A_1486 : vector<1x16xf32> to vector<16xf32>
        %mul3A_1488 = vector.broadcast %squeeze3A_1483 : f32 to vector<16xf32>
        %mul3A_1489 = arith.mulf %get3A_1487, %mul3A_1488 : vector<16xf32>
        %swap3A_1490 = arith.index_cast %add3A_1481 : i32 to index
        %swap3A_1491 = arith.constant 0 : index
        %swap3A_1492 = tpu.vector_load %arg12[%swap3A_1490, %swap3A_1491] {strides = array<i32>} : memref<128x128xf32, #tpu.memory_space<vmem>>, vector<1x16xf32>,
        %swap3A_1493 = vector.shape_cast %swap3A_1492 : vector<1x16xf32> to vector<16xf32>
        %swap3A_1494 = vector.shape_cast %mul3A_1489 : vector<16xf32> to vector<1x16xf32>
        tpu.vector_store %arg12[%swap3A_1490, %swap3A_1491], %swap3A_1494 {strides = array<i32>} : memref<128x128xf32, #tpu.memory_space<vmem>>, vector<1x16xf32>,
        %get3A_1495 = arith.index_cast %add3A_1481 : i32 to index
        %get3A_1496 = arith.constant 16 : index
        %get3A_1497 = tpu.vector_load %arg12[%get3A_1495, %get3A_1496] {strides = array<i32>} : memref<128x128xf32, #tpu.memory_space<vmem>>, vector<1x16xf32>,
        %get3A_1498 = vector.shape_cast %get3A_1497 : vector<1x16xf32> to vector<16xf32>
        %mul3A_1499 = vector.broadcast %squeeze3A_1483 : f32 to vector<16xf32>
        %mul3A_1500 = arith.mulf %get3A_1498, %mul3A_1499 : vector<16xf32>
        %swap3A_1501 = arith.index_cast %add3A_1481 : i32 to index
        %swap3A_1502 = arith.constant 16 : index
        %swap3A_1503 = tpu.vector_load %arg12[%swap3A_1501, %swap3A_1502] {strides = array<i32>} : memref<128x128xf32, #tpu.memory_space<vmem>>, vector<1x16xf32>,
        %swap3A_1504 = vector.shape_cast %swap3A_1503 : vector<1x16xf32> to vector<16xf32>
        %swap3A_1505 = vector.shape_cast %mul3A_1500 : vector<16xf32> to vector<1x16xf32>
        tpu.vector_store %arg12[%swap3A_1501, %swap3A_1502], %swap3A_1505 {strides = array<i32>} : memref<128x128xf32, #tpu.memory_space<vmem>>, vector<1x16xf32>,
        %get3A_1506 = arith.index_cast %add3A_1481 : i32 to index
        %get3A_1507 = arith.constant 32 : index
        %get3A_1508 = tpu.vector_load %arg12[%get3A_1506, %get3A_1507] {strides = array<i32>} : memref<128x128xf32, #tpu.memory_space<vmem>>, vector<1x16xf32>,
        %get3A_1509 = vector.shape_cast %get3A_1508 : vector<1x16xf32> to vector<16xf32>
        %mul3A_1510 = vector.broadcast %squeeze3A_1483 : f32 to vector<16xf32>
        %mul3A_1511 = arith.mulf %get3A_1509, %mul3A_1510 : vector<16xf32>
        %swap3A_1512 = arith.index_cast %add3A_1481 : i32 to index
        %swap3A_1513 = arith.constant 32 : index
        %swap3A_1514 = tpu.vector_load %arg12[%swap3A_1512, %swap3A_1513] {strides = array<i32>} : memref<128x128xf32, #tpu.memory_space<vmem>>, vector<1x16xf32>,
        %swap3A_1515 = vector.shape_cast %swap3A_1514 : vector<1x16xf32> to vector<16xf32>
        %swap3A_1516 = vector.shape_cast %mul3A_1511 : vector<16xf32> to vector<1x16xf32>
        tpu.vector_store %arg12[%swap3A_1512, %swap3A_1513], %swap3A_1516 {strides = array<i32>} : memref<128x128xf32, #tpu.memory_space<vmem>>, vector<1x16xf32>,
        %get3A_1517 = arith.index_cast %add3A_1481 : i32 to index
        %get3A_1518 = arith.constant 48 : index
        %get3A_1519 = tpu.vector_load %arg12[%get3A_1517, %get3A_1518] {strides = array<i32>} : memref<128x128xf32, #tpu.memory_space<vmem>>, vector<1x16xf32>,
        %get3A_1520 = vector.shape_cast %get3A_1519 : vector<1x16xf32> to vector<16xf32>
        %mul3A_1521 = vector.broadcast %squeeze3A_1483 : f32 to vector<16xf32>
        %mul3A_1522 = arith.mulf %get3A_1520, %mul3A_1521 : vector<16xf32>
        %swap3A_1523 = arith.index_cast %add3A_1481 : i32 to index
        %swap3A_1524 = arith.constant 48 : index
        %swap3A_1525 = tpu.vector_load %arg12[%swap3A_1523, %swap3A_1524] {strides = array<i32>} : memref<128x128xf32, #tpu.memory_space<vmem>>, vector<1x16xf32>,
        %swap3A_1526 = vector.shape_cast %swap3A_1525 : vector<1x16xf32> to vector<16xf32>
        %swap3A_1527 = vector.shape_cast %mul3A_1522 : vector<16xf32> to vector<1x16xf32>
        tpu.vector_store %arg12[%swap3A_1523, %swap3A_1524], %swap3A_1527 {strides = array<i32>} : memref<128x128xf32, #tpu.memory_space<vmem>>, vector<1x16xf32>,
        %get3A_1528 = arith.index_cast %add3A_1481 : i32 to index
        %get3A_1529 = arith.constant 64 : index
        %get3A_1530 = tpu.vector_load %arg12[%get3A_1528, %get3A_1529] {strides = array<i32>} : memref<128x128xf32, #tpu.memory_space<vmem>>, vector<1x16xf32>,
        %get3A_1531 = vector.shape_cast %get3A_1530 : vector<1x16xf32> to vector<16xf32>
        %mul3A_1532 = vector.broadcast %squeeze3A_1483 : f32 to vector<16xf32>
        %mul3A_1533 = arith.mulf %get3A_1531, %mul3A_1532 : vector<16xf32>
        %swap3A_1534 = arith.index_cast %add3A_1481 : i32 to index
        %swap3A_1535 = arith.constant 64 : index
        %swap3A_1536 = tpu.vector_load %arg12[%swap3A_1534, %swap3A_1535] {strides = array<i32>} : memref<128x128xf32, #tpu.memory_space<vmem>>, vector<1x16xf32>,
        %swap3A_1537 = vector.shape_cast %swap3A_1536 : vector<1x16xf32> to vector<16xf32>
        %swap3A_1538 = vector.shape_cast %mul3A_1533 : vector<16xf32> to vector<1x16xf32>
        tpu.vector_store %arg12[%swap3A_1534, %swap3A_1535], %swap3A_1538 {strides = array<i32>} : memref<128x128xf32, #tpu.memory_space<vmem>>, vector<1x16xf32>,
        %get3A_1539 = arith.index_cast %add3A_1481 : i32 to index
        %get3A_1540 = arith.constant 80 : index
        %get3A_1541 = tpu.vector_load %arg12[%get3A_1539, %get3A_1540] {strides = array<i32>} : memref<128x128xf32, #tpu.memory_space<vmem>>, vector<1x16xf32>,
        %get3A_1542 = vector.shape_cast %get3A_1541 : vector<1x16xf32> to vector<16xf32>
        %mul3A_1543 = vector.broadcast %squeeze3A_1483 : f32 to vector<16xf32>
        %mul3A_1544 = arith.mulf %get3A_1542, %mul3A_1543 : vector<16xf32>
        %swap3A_1545 = arith.index_cast %add3A_1481 : i32 to index
        %swap3A_1546 = arith.constant 80 : index
        %swap3A_1547 = tpu.vector_load %arg12[%swap3A_1545, %swap3A_1546] {strides = array<i32>} : memref<128x128xf32, #tpu.memory_space<vmem>>, vector<1x16xf32>,
        %swap3A_1548 = vector.shape_cast %swap3A_1547 : vector<1x16xf32> to vector<16xf32>
        %swap3A_1549 = vector.shape_cast %mul3A_1544 : vector<16xf32> to vector<1x16xf32>
        tpu.vector_store %arg12[%swap3A_1545, %swap3A_1546], %swap3A_1549 {strides = array<i32>} : memref<128x128xf32, #tpu.memory_space<vmem>>, vector<1x16xf32>,
        %get3A_1550 = arith.index_cast %add3A_1481 : i32 to index
        %get3A_1551 = arith.constant 96 : index
        %get3A_1552 = tpu.vector_load %arg12[%get3A_1550, %get3A_1551] {strides = array<i32>} : memref<128x128xf32, #tpu.memory_space<vmem>>, vector<1x16xf32>,
        %get3A_1553 = vector.shape_cast %get3A_1552 : vector<1x16xf32> to vector<16xf32>
        %mul3A_1554 = vector.broadcast %squeeze3A_1483 : f32 to vector<16xf32>
        %mul3A_1555 = arith.mulf %get3A_1553, %mul3A_1554 : vector<16xf32>
        %swap3A_1556 = arith.index_cast %add3A_1481 : i32 to index
        %swap3A_1557 = arith.constant 96 : index
        %swap3A_1558 = tpu.vector_load %arg12[%swap3A_1556, %swap3A_1557] {strides = array<i32>} : memref<128x128xf32, #tpu.memory_space<vmem>>, vector<1x16xf32>,
        %swap3A_1559 = vector.shape_cast %swap3A_1558 : vector<1x16xf32> to vector<16xf32>
        %swap3A_1560 = vector.shape_cast %mul3A_1555 : vector<16xf32> to vector<1x16xf32>
        tpu.vector_store %arg12[%swap3A_1556, %swap3A_1557], %swap3A_1560 {strides = array<i32>} : memref<128x128xf32, #tpu.memory_space<vmem>>, vector<1x16xf32>,
        %get3A_1561 = arith.index_cast %add3A_1481 : i32 to index
        %get3A_1562 = arith.constant 112 : index
        %get3A_1563 = tpu.vector_load %arg12[%get3A_1561, %get3A_1562] {strides = array<i32>} : memref<128x128xf32, #tpu.memory_space<vmem>>, vector<1x16xf32>,
        %get3A_1564 = vector.shape_cast %get3A_1563 : vector<1x16xf32> to vector<16xf32>
        %mul3A_1565 = vector.broadcast %squeeze3A_1483 : f32 to vector<16xf32>
        %mul3A_1566 = arith.mulf %get3A_1564, %mul3A_1565 : vector<16xf32>
        %swap3A_1567 = arith.index_cast %add3A_1481 : i32 to index
        %swap3A_1568 = arith.constant 112 : index
        %swap3A_1569 = tpu.vector_load %arg12[%swap3A_1567, %swap3A_1568] {strides = array<i32>} : memref<128x128xf32, #tpu.memory_space<vmem>>, vector<1x16xf32>,
        %swap3A_1570 = vector.shape_cast %swap3A_1569 : vector<1x16xf32> to vector<16xf32>
        %swap3A_1571 = vector.shape_cast %mul3A_1566 : vector<16xf32> to vector<1x16xf32>
        tpu.vector_store %arg12[%swap3A_1567, %swap3A_1568], %swap3A_1571 {strides = array<i32>} : memref<128x128xf32, #tpu.memory_space<vmem>>, vector<1x16xf32>,
        %mul3A_1572 = arith.constant 16 : i32
        %mul3A_1573 = arith.muli %add3A_348, %mul3A_1572 : i32
        %add3A_1574 = arith.constant 13 : i32
        %add3A_1575 = arith.addi %mul3A_1573, %add3A_1574 : i32
        %slice3A_1576 = vector.extract_strided_slice %get3A_352 {offsets = [13], sizes = [1], strides = [1]} : vector<16xf32> to vector<1xf32>
        %squeeze3A_1577 = vector.extract %slice3A_1576[0] : f32 from vector<1xf32>
        %get3A_1578 = arith.index_cast %add3A_1575 : i32 to index
        %get3A_1579 = arith.constant 0 : index
        %get3A_1580 = tpu.vector_load %arg12[%get3A_1578, %get3A_1579] {strides = array<i32>} : memref<128x128xf32, #tpu.memory_space<vmem>>, vector<1x16xf32>,
        %get3A_1581 = vector.shape_cast %get3A_1580 : vector<1x16xf32> to vector<16xf32>
        %mul3A_1582 = vector.broadcast %squeeze3A_1577 : f32 to vector<16xf32>
        %mul3A_1583 = arith.mulf %get3A_1581, %mul3A_1582 : vector<16xf32>
        %swap3A_1584 = arith.index_cast %add3A_1575 : i32 to index
        %swap3A_1585 = arith.constant 0 : index
        %swap3A_1586 = tpu.vector_load %arg12[%swap3A_1584, %swap3A_1585] {strides = array<i32>} : memref<128x128xf32, #tpu.memory_space<vmem>>, vector<1x16xf32>,
        %swap3A_1587 = vector.shape_cast %swap3A_1586 : vector<1x16xf32> to vector<16xf32>
        %swap3A_1588 = vector.shape_cast %mul3A_1583 : vector<16xf32> to vector<1x16xf32>
        tpu.vector_store %arg12[%swap3A_1584, %swap3A_1585], %swap3A_1588 {strides = array<i32>} : memref<128x128xf32, #tpu.memory_space<vmem>>, vector<1x16xf32>,
        %get3A_1589 = arith.index_cast %add3A_1575 : i32 to index
        %get3A_1590 = arith.constant 16 : index
        %get3A_1591 = tpu.vector_load %arg12[%get3A_1589, %get3A_1590] {strides = array<i32>} : memref<128x128xf32, #tpu.memory_space<vmem>>, vector<1x16xf32>,
        %get3A_1592 = vector.shape_cast %get3A_1591 : vector<1x16xf32> to vector<16xf32>
        %mul3A_1593 = vector.broadcast %squeeze3A_1577 : f32 to vector<16xf32>
        %mul3A_1594 = arith.mulf %get3A_1592, %mul3A_1593 : vector<16xf32>
        %swap3A_1595 = arith.index_cast %add3A_1575 : i32 to index
        %swap3A_1596 = arith.constant 16 : index
        %swap3A_1597 = tpu.vector_load %arg12[%swap3A_1595, %swap3A_1596] {strides = array<i32>} : memref<128x128xf32, #tpu.memory_space<vmem>>, vector<1x16xf32>,
        %swap3A_1598 = vector.shape_cast %swap3A_1597 : vector<1x16xf32> to vector<16xf32>
        %swap3A_1599 = vector.shape_cast %mul3A_1594 : vector<16xf32> to vector<1x16xf32>
        tpu.vector_store %arg12[%swap3A_1595, %swap3A_1596], %swap3A_1599 {strides = array<i32>} : memref<128x128xf32, #tpu.memory_space<vmem>>, vector<1x16xf32>,
        %get3A_1600 = arith.index_cast %add3A_1575 : i32 to index
        %get3A_1601 = arith.constant 32 : index
        %get3A_1602 = tpu.vector_load %arg12[%get3A_1600, %get3A_1601] {strides = array<i32>} : memref<128x128xf32, #tpu.memory_space<vmem>>, vector<1x16xf32>,
        %get3A_1603 = vector.shape_cast %get3A_1602 : vector<1x16xf32> to vector<16xf32>
        %mul3A_1604 = vector.broadcast %squeeze3A_1577 : f32 to vector<16xf32>
        %mul3A_1605 = arith.mulf %get3A_1603, %mul3A_1604 : vector<16xf32>
        %swap3A_1606 = arith.index_cast %add3A_1575 : i32 to index
        %swap3A_1607 = arith.constant 32 : index
        %swap3A_1608 = tpu.vector_load %arg12[%swap3A_1606, %swap3A_1607] {strides = array<i32>} : memref<128x128xf32, #tpu.memory_space<vmem>>, vector<1x16xf32>,
        %swap3A_1609 = vector.shape_cast %swap3A_1608 : vector<1x16xf32> to vector<16xf32>
        %swap3A_1610 = vector.shape_cast %mul3A_1605 : vector<16xf32> to vector<1x16xf32>
        tpu.vector_store %arg12[%swap3A_1606, %swap3A_1607], %swap3A_1610 {strides = array<i32>} : memref<128x128xf32, #tpu.memory_space<vmem>>, vector<1x16xf32>,
        %get3A_1611 = arith.index_cast %add3A_1575 : i32 to index
        %get3A_1612 = arith.constant 48 : index
        %get3A_1613 = tpu.vector_load %arg12[%get3A_1611, %get3A_1612] {strides = array<i32>} : memref<128x128xf32, #tpu.memory_space<vmem>>, vector<1x16xf32>,
        %get3A_1614 = vector.shape_cast %get3A_1613 : vector<1x16xf32> to vector<16xf32>
        %mul3A_1615 = vector.broadcast %squeeze3A_1577 : f32 to vector<16xf32>
        %mul3A_1616 = arith.mulf %get3A_1614, %mul3A_1615 : vector<16xf32>
        %swap3A_1617 = arith.index_cast %add3A_1575 : i32 to index
        %swap3A_1618 = arith.constant 48 : index
        %swap3A_1619 = tpu.vector_load %arg12[%swap3A_1617, %swap3A_1618] {strides = array<i32>} : memref<128x128xf32, #tpu.memory_space<vmem>>, vector<1x16xf32>,
        %swap3A_1620 = vector.shape_cast %swap3A_1619 : vector<1x16xf32> to vector<16xf32>
        %swap3A_1621 = vector.shape_cast %mul3A_1616 : vector<16xf32> to vector<1x16xf32>
        tpu.vector_store %arg12[%swap3A_1617, %swap3A_1618], %swap3A_1621 {strides = array<i32>} : memref<128x128xf32, #tpu.memory_space<vmem>>, vector<1x16xf32>,
        %get3A_1622 = arith.index_cast %add3A_1575 : i32 to index
        %get3A_1623 = arith.constant 64 : index
        %get3A_1624 = tpu.vector_load %arg12[%get3A_1622, %get3A_1623] {strides = array<i32>} : memref<128x128xf32, #tpu.memory_space<vmem>>, vector<1x16xf32>,
        %get3A_1625 = vector.shape_cast %get3A_1624 : vector<1x16xf32> to vector<16xf32>
        %mul3A_1626 = vector.broadcast %squeeze3A_1577 : f32 to vector<16xf32>
        %mul3A_1627 = arith.mulf %get3A_1625, %mul3A_1626 : vector<16xf32>
        %swap3A_1628 = arith.index_cast %add3A_1575 : i32 to index
        %swap3A_1629 = arith.constant 64 : index
        %swap3A_1630 = tpu.vector_load %arg12[%swap3A_1628, %swap3A_1629] {strides = array<i32>} : memref<128x128xf32, #tpu.memory_space<vmem>>, vector<1x16xf32>,
        %swap3A_1631 = vector.shape_cast %swap3A_1630 : vector<1x16xf32> to vector<16xf32>
        %swap3A_1632 = vector.shape_cast %mul3A_1627 : vector<16xf32> to vector<1x16xf32>
        tpu.vector_store %arg12[%swap3A_1628, %swap3A_1629], %swap3A_1632 {strides = array<i32>} : memref<128x128xf32, #tpu.memory_space<vmem>>, vector<1x16xf32>,
        %get3A_1633 = arith.index_cast %add3A_1575 : i32 to index
        %get3A_1634 = arith.constant 80 : index
        %get3A_1635 = tpu.vector_load %arg12[%get3A_1633, %get3A_1634] {strides = array<i32>} : memref<128x128xf32, #tpu.memory_space<vmem>>, vector<1x16xf32>,
        %get3A_1636 = vector.shape_cast %get3A_1635 : vector<1x16xf32> to vector<16xf32>
        %mul3A_1637 = vector.broadcast %squeeze3A_1577 : f32 to vector<16xf32>
        %mul3A_1638 = arith.mulf %get3A_1636, %mul3A_1637 : vector<16xf32>
        %swap3A_1639 = arith.index_cast %add3A_1575 : i32 to index
        %swap3A_1640 = arith.constant 80 : index
        %swap3A_1641 = tpu.vector_load %arg12[%swap3A_1639, %swap3A_1640] {strides = array<i32>} : memref<128x128xf32, #tpu.memory_space<vmem>>, vector<1x16xf32>,
        %swap3A_1642 = vector.shape_cast %swap3A_1641 : vector<1x16xf32> to vector<16xf32>
        %swap3A_1643 = vector.shape_cast %mul3A_1638 : vector<16xf32> to vector<1x16xf32>
        tpu.vector_store %arg12[%swap3A_1639, %swap3A_1640], %swap3A_1643 {strides = array<i32>} : memref<128x128xf32, #tpu.memory_space<vmem>>, vector<1x16xf32>,
        %get3A_1644 = arith.index_cast %add3A_1575 : i32 to index
        %get3A_1645 = arith.constant 96 : index
        %get3A_1646 = tpu.vector_load %arg12[%get3A_1644, %get3A_1645] {strides = array<i32>} : memref<128x128xf32, #tpu.memory_space<vmem>>, vector<1x16xf32>,
        %get3A_1647 = vector.shape_cast %get3A_1646 : vector<1x16xf32> to vector<16xf32>
        %mul3A_1648 = vector.broadcast %squeeze3A_1577 : f32 to vector<16xf32>
        %mul3A_1649 = arith.mulf %get3A_1647, %mul3A_1648 : vector<16xf32>
        %swap3A_1650 = arith.index_cast %add3A_1575 : i32 to index
        %swap3A_1651 = arith.constant 96 : index
        %swap3A_1652 = tpu.vector_load %arg12[%swap3A_1650, %swap3A_1651] {strides = array<i32>} : memref<128x128xf32, #tpu.memory_space<vmem>>, vector<1x16xf32>,
        %swap3A_1653 = vector.shape_cast %swap3A_1652 : vector<1x16xf32> to vector<16xf32>
        %swap3A_1654 = vector.shape_cast %mul3A_1649 : vector<16xf32> to vector<1x16xf32>
        tpu.vector_store %arg12[%swap3A_1650, %swap3A_1651], %swap3A_1654 {strides = array<i32>} : memref<128x128xf32, #tpu.memory_space<vmem>>, vector<1x16xf32>,
        %get3A_1655 = arith.index_cast %add3A_1575 : i32 to index
        %get3A_1656 = arith.constant 112 : index
        %get3A_1657 = tpu.vector_load %arg12[%get3A_1655, %get3A_1656] {strides = array<i32>} : memref<128x128xf32, #tpu.memory_space<vmem>>, vector<1x16xf32>,
        %get3A_1658 = vector.shape_cast %get3A_1657 : vector<1x16xf32> to vector<16xf32>
        %mul3A_1659 = vector.broadcast %squeeze3A_1577 : f32 to vector<16xf32>
        %mul3A_1660 = arith.mulf %get3A_1658, %mul3A_1659 : vector<16xf32>
        %swap3A_1661 = arith.index_cast %add3A_1575 : i32 to index
        %swap3A_1662 = arith.constant 112 : index
        %swap3A_1663 = tpu.vector_load %arg12[%swap3A_1661, %swap3A_1662] {strides = array<i32>} : memref<128x128xf32, #tpu.memory_space<vmem>>, vector<1x16xf32>,
        %swap3A_1664 = vector.shape_cast %swap3A_1663 : vector<1x16xf32> to vector<16xf32>
        %swap3A_1665 = vector.shape_cast %mul3A_1660 : vector<16xf32> to vector<1x16xf32>
        tpu.vector_store %arg12[%swap3A_1661, %swap3A_1662], %swap3A_1665 {strides = array<i32>} : memref<128x128xf32, #tpu.memory_space<vmem>>, vector<1x16xf32>,
        %mul3A_1666 = arith.constant 16 : i32
        %mul3A_1667 = arith.muli %add3A_348, %mul3A_1666 : i32
        %add3A_1668 = arith.constant 14 : i32
        %add3A_1669 = arith.addi %mul3A_1667, %add3A_1668 : i32
        %slice3A_1670 = vector.extract_strided_slice %get3A_352 {offsets = [14], sizes = [1], strides = [1]} : vector<16xf32> to vector<1xf32>
        %squeeze3A_1671 = vector.extract %slice3A_1670[0] : f32 from vector<1xf32>
        %get3A_1672 = arith.index_cast %add3A_1669 : i32 to index
        %get3A_1673 = arith.constant 0 : index
        %get3A_1674 = tpu.vector_load %arg12[%get3A_1672, %get3A_1673] {strides = array<i32>} : memref<128x128xf32, #tpu.memory_space<vmem>>, vector<1x16xf32>,
        %get3A_1675 = vector.shape_cast %get3A_1674 : vector<1x16xf32> to vector<16xf32>
        %mul3A_1676 = vector.broadcast %squeeze3A_1671 : f32 to vector<16xf32>
        %mul3A_1677 = arith.mulf %get3A_1675, %mul3A_1676 : vector<16xf32>
        %swap3A_1678 = arith.index_cast %add3A_1669 : i32 to index
        %swap3A_1679 = arith.constant 0 : index
        %swap3A_1680 = tpu.vector_load %arg12[%swap3A_1678, %swap3A_1679] {strides = array<i32>} : memref<128x128xf32, #tpu.memory_space<vmem>>, vector<1x16xf32>,
        %swap3A_1681 = vector.shape_cast %swap3A_1680 : vector<1x16xf32> to vector<16xf32>
        %swap3A_1682 = vector.shape_cast %mul3A_1677 : vector<16xf32> to vector<1x16xf32>
        tpu.vector_store %arg12[%swap3A_1678, %swap3A_1679], %swap3A_1682 {strides = array<i32>} : memref<128x128xf32, #tpu.memory_space<vmem>>, vector<1x16xf32>,
        %get3A_1683 = arith.index_cast %add3A_1669 : i32 to index
        %get3A_1684 = arith.constant 16 : index
        %get3A_1685 = tpu.vector_load %arg12[%get3A_1683, %get3A_1684] {strides = array<i32>} : memref<128x128xf32, #tpu.memory_space<vmem>>, vector<1x16xf32>,
        %get3A_1686 = vector.shape_cast %get3A_1685 : vector<1x16xf32> to vector<16xf32>
        %mul3A_1687 = vector.broadcast %squeeze3A_1671 : f32 to vector<16xf32>
        %mul3A_1688 = arith.mulf %get3A_1686, %mul3A_1687 : vector<16xf32>
        %swap3A_1689 = arith.index_cast %add3A_1669 : i32 to index
        %swap3A_1690 = arith.constant 16 : index
        %swap3A_1691 = tpu.vector_load %arg12[%swap3A_1689, %swap3A_1690] {strides = array<i32>} : memref<128x128xf32, #tpu.memory_space<vmem>>, vector<1x16xf32>,
        %swap3A_1692 = vector.shape_cast %swap3A_1691 : vector<1x16xf32> to vector<16xf32>
        %swap3A_1693 = vector.shape_cast %mul3A_1688 : vector<16xf32> to vector<1x16xf32>
        tpu.vector_store %arg12[%swap3A_1689, %swap3A_1690], %swap3A_1693 {strides = array<i32>} : memref<128x128xf32, #tpu.memory_space<vmem>>, vector<1x16xf32>,
        %get3A_1694 = arith.index_cast %add3A_1669 : i32 to index
        %get3A_1695 = arith.constant 32 : index
        %get3A_1696 = tpu.vector_load %arg12[%get3A_1694, %get3A_1695] {strides = array<i32>} : memref<128x128xf32, #tpu.memory_space<vmem>>, vector<1x16xf32>,
        %get3A_1697 = vector.shape_cast %get3A_1696 : vector<1x16xf32> to vector<16xf32>
        %mul3A_1698 = vector.broadcast %squeeze3A_1671 : f32 to vector<16xf32>
        %mul3A_1699 = arith.mulf %get3A_1697, %mul3A_1698 : vector<16xf32>
        %swap3A_1700 = arith.index_cast %add3A_1669 : i32 to index
        %swap3A_1701 = arith.constant 32 : index
        %swap3A_1702 = tpu.vector_load %arg12[%swap3A_1700, %swap3A_1701] {strides = array<i32>} : memref<128x128xf32, #tpu.memory_space<vmem>>, vector<1x16xf32>,
        %swap3A_1703 = vector.shape_cast %swap3A_1702 : vector<1x16xf32> to vector<16xf32>
        %swap3A_1704 = vector.shape_cast %mul3A_1699 : vector<16xf32> to vector<1x16xf32>
        tpu.vector_store %arg12[%swap3A_1700, %swap3A_1701], %swap3A_1704 {strides = array<i32>} : memref<128x128xf32, #tpu.memory_space<vmem>>, vector<1x16xf32>,
        %get3A_1705 = arith.index_cast %add3A_1669 : i32 to index
        %get3A_1706 = arith.constant 48 : index
        %get3A_1707 = tpu.vector_load %arg12[%get3A_1705, %get3A_1706] {strides = array<i32>} : memref<128x128xf32, #tpu.memory_space<vmem>>, vector<1x16xf32>,
        %get3A_1708 = vector.shape_cast %get3A_1707 : vector<1x16xf32> to vector<16xf32>
        %mul3A_1709 = vector.broadcast %squeeze3A_1671 : f32 to vector<16xf32>
        %mul3A_1710 = arith.mulf %get3A_1708, %mul3A_1709 : vector<16xf32>
        %swap3A_1711 = arith.index_cast %add3A_1669 : i32 to index
        %swap3A_1712 = arith.constant 48 : index
        %swap3A_1713 = tpu.vector_load %arg12[%swap3A_1711, %swap3A_1712] {strides = array<i32>} : memref<128x128xf32, #tpu.memory_space<vmem>>, vector<1x16xf32>,
        %swap3A_1714 = vector.shape_cast %swap3A_1713 : vector<1x16xf32> to vector<16xf32>
        %swap3A_1715 = vector.shape_cast %mul3A_1710 : vector<16xf32> to vector<1x16xf32>
        tpu.vector_store %arg12[%swap3A_1711, %swap3A_1712], %swap3A_1715 {strides = array<i32>} : memref<128x128xf32, #tpu.memory_space<vmem>>, vector<1x16xf32>,
        %get3A_1716 = arith.index_cast %add3A_1669 : i32 to index
        %get3A_1717 = arith.constant 64 : index
        %get3A_1718 = tpu.vector_load %arg12[%get3A_1716, %get3A_1717] {strides = array<i32>} : memref<128x128xf32, #tpu.memory_space<vmem>>, vector<1x16xf32>,
        %get3A_1719 = vector.shape_cast %get3A_1718 : vector<1x16xf32> to vector<16xf32>
        %mul3A_1720 = vector.broadcast %squeeze3A_1671 : f32 to vector<16xf32>
        %mul3A_1721 = arith.mulf %get3A_1719, %mul3A_1720 : vector<16xf32>
        %swap3A_1722 = arith.index_cast %add3A_1669 : i32 to index
        %swap3A_1723 = arith.constant 64 : index
        %swap3A_1724 = tpu.vector_load %arg12[%swap3A_1722, %swap3A_1723] {strides = array<i32>} : memref<128x128xf32, #tpu.memory_space<vmem>>, vector<1x16xf32>,
        %swap3A_1725 = vector.shape_cast %swap3A_1724 : vector<1x16xf32> to vector<16xf32>
        %swap3A_1726 = vector.shape_cast %mul3A_1721 : vector<16xf32> to vector<1x16xf32>
        tpu.vector_store %arg12[%swap3A_1722, %swap3A_1723], %swap3A_1726 {strides = array<i32>} : memref<128x128xf32, #tpu.memory_space<vmem>>, vector<1x16xf32>,
        %get3A_1727 = arith.index_cast %add3A_1669 : i32 to index
        %get3A_1728 = arith.constant 80 : index
        %get3A_1729 = tpu.vector_load %arg12[%get3A_1727, %get3A_1728] {strides = array<i32>} : memref<128x128xf32, #tpu.memory_space<vmem>>, vector<1x16xf32>,
        %get3A_1730 = vector.shape_cast %get3A_1729 : vector<1x16xf32> to vector<16xf32>
        %mul3A_1731 = vector.broadcast %squeeze3A_1671 : f32 to vector<16xf32>
        %mul3A_1732 = arith.mulf %get3A_1730, %mul3A_1731 : vector<16xf32>
        %swap3A_1733 = arith.index_cast %add3A_1669 : i32 to index
        %swap3A_1734 = arith.constant 80 : index
        %swap3A_1735 = tpu.vector_load %arg12[%swap3A_1733, %swap3A_1734] {strides = array<i32>} : memref<128x128xf32, #tpu.memory_space<vmem>>, vector<1x16xf32>,
        %swap3A_1736 = vector.shape_cast %swap3A_1735 : vector<1x16xf32> to vector<16xf32>
        %swap3A_1737 = vector.shape_cast %mul3A_1732 : vector<16xf32> to vector<1x16xf32>
        tpu.vector_store %arg12[%swap3A_1733, %swap3A_1734], %swap3A_1737 {strides = array<i32>} : memref<128x128xf32, #tpu.memory_space<vmem>>, vector<1x16xf32>,
        %get3A_1738 = arith.index_cast %add3A_1669 : i32 to index
        %get3A_1739 = arith.constant 96 : index
        %get3A_1740 = tpu.vector_load %arg12[%get3A_1738, %get3A_1739] {strides = array<i32>} : memref<128x128xf32, #tpu.memory_space<vmem>>, vector<1x16xf32>,
        %get3A_1741 = vector.shape_cast %get3A_1740 : vector<1x16xf32> to vector<16xf32>
        %mul3A_1742 = vector.broadcast %squeeze3A_1671 : f32 to vector<16xf32>
        %mul3A_1743 = arith.mulf %get3A_1741, %mul3A_1742 : vector<16xf32>
        %swap3A_1744 = arith.index_cast %add3A_1669 : i32 to index
        %swap3A_1745 = arith.constant 96 : index
        %swap3A_1746 = tpu.vector_load %arg12[%swap3A_1744, %swap3A_1745] {strides = array<i32>} : memref<128x128xf32, #tpu.memory_space<vmem>>, vector<1x16xf32>,
        %swap3A_1747 = vector.shape_cast %swap3A_1746 : vector<1x16xf32> to vector<16xf32>
        %swap3A_1748 = vector.shape_cast %mul3A_1743 : vector<16xf32> to vector<1x16xf32>
        tpu.vector_store %arg12[%swap3A_1744, %swap3A_1745], %swap3A_1748 {strides = array<i32>} : memref<128x128xf32, #tpu.memory_space<vmem>>, vector<1x16xf32>,
        %get3A_1749 = arith.index_cast %add3A_1669 : i32 to index
        %get3A_1750 = arith.constant 112 : index
        %get3A_1751 = tpu.vector_load %arg12[%get3A_1749, %get3A_1750] {strides = array<i32>} : memref<128x128xf32, #tpu.memory_space<vmem>>, vector<1x16xf32>,
        %get3A_1752 = vector.shape_cast %get3A_1751 : vector<1x16xf32> to vector<16xf32>
        %mul3A_1753 = vector.broadcast %squeeze3A_1671 : f32 to vector<16xf32>
        %mul3A_1754 = arith.mulf %get3A_1752, %mul3A_1753 : vector<16xf32>
        %swap3A_1755 = arith.index_cast %add3A_1669 : i32 to index
        %swap3A_1756 = arith.constant 112 : index
        %swap3A_1757 = tpu.vector_load %arg12[%swap3A_1755, %swap3A_1756] {strides = array<i32>} : memref<128x128xf32, #tpu.memory_space<vmem>>, vector<1x16xf32>,
        %swap3A_1758 = vector.shape_cast %swap3A_1757 : vector<1x16xf32> to vector<16xf32>
        %swap3A_1759 = vector.shape_cast %mul3A_1754 : vector<16xf32> to vector<1x16xf32>
        tpu.vector_store %arg12[%swap3A_1755, %swap3A_1756], %swap3A_1759 {strides = array<i32>} : memref<128x128xf32, #tpu.memory_space<vmem>>, vector<1x16xf32>,
        %mul3A_1760 = arith.constant 16 : i32
        %mul3A_1761 = arith.muli %add3A_348, %mul3A_1760 : i32
        %add3A_1762 = arith.constant 15 : i32
        %add3A_1763 = arith.addi %mul3A_1761, %add3A_1762 : i32
        %slice3A_1764 = vector.extract_strided_slice %get3A_352 {offsets = [15], sizes = [1], strides = [1]} : vector<16xf32> to vector<1xf32>
        %squeeze3A_1765 = vector.extract %slice3A_1764[0] : f32 from vector<1xf32>
        %get3A_1766 = arith.index_cast %add3A_1763 : i32 to index
        %get3A_1767 = arith.constant 0 : index
        %get3A_1768 = tpu.vector_load %arg12[%get3A_1766, %get3A_1767] {strides = array<i32>} : memref<128x128xf32, #tpu.memory_space<vmem>>, vector<1x16xf32>,
        %get3A_1769 = vector.shape_cast %get3A_1768 : vector<1x16xf32> to vector<16xf32>
        %mul3A_1770 = vector.broadcast %squeeze3A_1765 : f32 to vector<16xf32>
        %mul3A_1771 = arith.mulf %get3A_1769, %mul3A_1770 : vector<16xf32>
        %swap3A_1772 = arith.index_cast %add3A_1763 : i32 to index
        %swap3A_1773 = arith.constant 0 : index
        %swap3A_1774 = tpu.vector_load %arg12[%swap3A_1772, %swap3A_1773] {strides = array<i32>} : memref<128x128xf32, #tpu.memory_space<vmem>>, vector<1x16xf32>,
        %swap3A_1775 = vector.shape_cast %swap3A_1774 : vector<1x16xf32> to vector<16xf32>
        %swap3A_1776 = vector.shape_cast %mul3A_1771 : vector<16xf32> to vector<1x16xf32>
        tpu.vector_store %arg12[%swap3A_1772, %swap3A_1773], %swap3A_1776 {strides = array<i32>} : memref<128x128xf32, #tpu.memory_space<vmem>>, vector<1x16xf32>,
        %get3A_1777 = arith.index_cast %add3A_1763 : i32 to index
        %get3A_1778 = arith.constant 16 : index
        %get3A_1779 = tpu.vector_load %arg12[%get3A_1777, %get3A_1778] {strides = array<i32>} : memref<128x128xf32, #tpu.memory_space<vmem>>, vector<1x16xf32>,
        %get3A_1780 = vector.shape_cast %get3A_1779 : vector<1x16xf32> to vector<16xf32>
        %mul3A_1781 = vector.broadcast %squeeze3A_1765 : f32 to vector<16xf32>
        %mul3A_1782 = arith.mulf %get3A_1780, %mul3A_1781 : vector<16xf32>
        %swap3A_1783 = arith.index_cast %add3A_1763 : i32 to index
        %swap3A_1784 = arith.constant 16 : index
        %swap3A_1785 = tpu.vector_load %arg12[%swap3A_1783, %swap3A_1784] {strides = array<i32>} : memref<128x128xf32, #tpu.memory_space<vmem>>, vector<1x16xf32>,
        %swap3A_1786 = vector.shape_cast %swap3A_1785 : vector<1x16xf32> to vector<16xf32>
        %swap3A_1787 = vector.shape_cast %mul3A_1782 : vector<16xf32> to vector<1x16xf32>
        tpu.vector_store %arg12[%swap3A_1783, %swap3A_1784], %swap3A_1787 {strides = array<i32>} : memref<128x128xf32, #tpu.memory_space<vmem>>, vector<1x16xf32>,
        %get3A_1788 = arith.index_cast %add3A_1763 : i32 to index
        %get3A_1789 = arith.constant 32 : index
        %get3A_1790 = tpu.vector_load %arg12[%get3A_1788, %get3A_1789] {strides = array<i32>} : memref<128x128xf32, #tpu.memory_space<vmem>>, vector<1x16xf32>,
        %get3A_1791 = vector.shape_cast %get3A_1790 : vector<1x16xf32> to vector<16xf32>
        %mul3A_1792 = vector.broadcast %squeeze3A_1765 : f32 to vector<16xf32>
        %mul3A_1793 = arith.mulf %get3A_1791, %mul3A_1792 : vector<16xf32>
        %swap3A_1794 = arith.index_cast %add3A_1763 : i32 to index
        %swap3A_1795 = arith.constant 32 : index
        %swap3A_1796 = tpu.vector_load %arg12[%swap3A_1794, %swap3A_1795] {strides = array<i32>} : memref<128x128xf32, #tpu.memory_space<vmem>>, vector<1x16xf32>,
        %swap3A_1797 = vector.shape_cast %swap3A_1796 : vector<1x16xf32> to vector<16xf32>
        %swap3A_1798 = vector.shape_cast %mul3A_1793 : vector<16xf32> to vector<1x16xf32>
        tpu.vector_store %arg12[%swap3A_1794, %swap3A_1795], %swap3A_1798 {strides = array<i32>} : memref<128x128xf32, #tpu.memory_space<vmem>>, vector<1x16xf32>,
        %get3A_1799 = arith.index_cast %add3A_1763 : i32 to index
        %get3A_1800 = arith.constant 48 : index
        %get3A_1801 = tpu.vector_load %arg12[%get3A_1799, %get3A_1800] {strides = array<i32>} : memref<128x128xf32, #tpu.memory_space<vmem>>, vector<1x16xf32>,
        %get3A_1802 = vector.shape_cast %get3A_1801 : vector<1x16xf32> to vector<16xf32>
        %mul3A_1803 = vector.broadcast %squeeze3A_1765 : f32 to vector<16xf32>
        %mul3A_1804 = arith.mulf %get3A_1802, %mul3A_1803 : vector<16xf32>
        %swap3A_1805 = arith.index_cast %add3A_1763 : i32 to index
        %swap3A_1806 = arith.constant 48 : index
        %swap3A_1807 = tpu.vector_load %arg12[%swap3A_1805, %swap3A_1806] {strides = array<i32>} : memref<128x128xf32, #tpu.memory_space<vmem>>, vector<1x16xf32>,
        %swap3A_1808 = vector.shape_cast %swap3A_1807 : vector<1x16xf32> to vector<16xf32>
        %swap3A_1809 = vector.shape_cast %mul3A_1804 : vector<16xf32> to vector<1x16xf32>
        tpu.vector_store %arg12[%swap3A_1805, %swap3A_1806], %swap3A_1809 {strides = array<i32>} : memref<128x128xf32, #tpu.memory_space<vmem>>, vector<1x16xf32>,
        %get3A_1810 = arith.index_cast %add3A_1763 : i32 to index
        %get3A_1811 = arith.constant 64 : index
        %get3A_1812 = tpu.vector_load %arg12[%get3A_1810, %get3A_1811] {strides = array<i32>} : memref<128x128xf32, #tpu.memory_space<vmem>>, vector<1x16xf32>,
        %get3A_1813 = vector.shape_cast %get3A_1812 : vector<1x16xf32> to vector<16xf32>
        %mul3A_1814 = vector.broadcast %squeeze3A_1765 : f32 to vector<16xf32>
        %mul3A_1815 = arith.mulf %get3A_1813, %mul3A_1814 : vector<16xf32>
        %swap3A_1816 = arith.index_cast %add3A_1763 : i32 to index
        %swap3A_1817 = arith.constant 64 : index
        %swap3A_1818 = tpu.vector_load %arg12[%swap3A_1816, %swap3A_1817] {strides = array<i32>} : memref<128x128xf32, #tpu.memory_space<vmem>>, vector<1x16xf32>,
        %swap3A_1819 = vector.shape_cast %swap3A_1818 : vector<1x16xf32> to vector<16xf32>
        %swap3A_1820 = vector.shape_cast %mul3A_1815 : vector<16xf32> to vector<1x16xf32>
        tpu.vector_store %arg12[%swap3A_1816, %swap3A_1817], %swap3A_1820 {strides = array<i32>} : memref<128x128xf32, #tpu.memory_space<vmem>>, vector<1x16xf32>,
        %get3A_1821 = arith.index_cast %add3A_1763 : i32 to index
        %get3A_1822 = arith.constant 80 : index
        %get3A_1823 = tpu.vector_load %arg12[%get3A_1821, %get3A_1822] {strides = array<i32>} : memref<128x128xf32, #tpu.memory_space<vmem>>, vector<1x16xf32>,
        %get3A_1824 = vector.shape_cast %get3A_1823 : vector<1x16xf32> to vector<16xf32>
        %mul3A_1825 = vector.broadcast %squeeze3A_1765 : f32 to vector<16xf32>
        %mul3A_1826 = arith.mulf %get3A_1824, %mul3A_1825 : vector<16xf32>
        %swap3A_1827 = arith.index_cast %add3A_1763 : i32 to index
        %swap3A_1828 = arith.constant 80 : index
        %swap3A_1829 = tpu.vector_load %arg12[%swap3A_1827, %swap3A_1828] {strides = array<i32>} : memref<128x128xf32, #tpu.memory_space<vmem>>, vector<1x16xf32>,
        %swap3A_1830 = vector.shape_cast %swap3A_1829 : vector<1x16xf32> to vector<16xf32>
        %swap3A_1831 = vector.shape_cast %mul3A_1826 : vector<16xf32> to vector<1x16xf32>
        tpu.vector_store %arg12[%swap3A_1827, %swap3A_1828], %swap3A_1831 {strides = array<i32>} : memref<128x128xf32, #tpu.memory_space<vmem>>, vector<1x16xf32>,
        %get3A_1832 = arith.index_cast %add3A_1763 : i32 to index
        %get3A_1833 = arith.constant 96 : index
        %get3A_1834 = tpu.vector_load %arg12[%get3A_1832, %get3A_1833] {strides = array<i32>} : memref<128x128xf32, #tpu.memory_space<vmem>>, vector<1x16xf32>,
        %get3A_1835 = vector.shape_cast %get3A_1834 : vector<1x16xf32> to vector<16xf32>
        %mul3A_1836 = vector.broadcast %squeeze3A_1765 : f32 to vector<16xf32>
        %mul3A_1837 = arith.mulf %get3A_1835, %mul3A_1836 : vector<16xf32>
        %swap3A_1838 = arith.index_cast %add3A_1763 : i32 to index
        %swap3A_1839 = arith.constant 96 : index
        %swap3A_1840 = tpu.vector_load %arg12[%swap3A_1838, %swap3A_1839] {strides = array<i32>} : memref<128x128xf32, #tpu.memory_space<vmem>>, vector<1x16xf32>,
        %swap3A_1841 = vector.shape_cast %swap3A_1840 : vector<1x16xf32> to vector<16xf32>
        %swap3A_1842 = vector.shape_cast %mul3A_1837 : vector<16xf32> to vector<1x16xf32>
        tpu.vector_store %arg12[%swap3A_1838, %swap3A_1839], %swap3A_1842 {strides = array<i32>} : memref<128x128xf32, #tpu.memory_space<vmem>>, vector<1x16xf32>,
        %get3A_1843 = arith.index_cast %add3A_1763 : i32 to index
        %get3A_1844 = arith.constant 112 : index
        %get3A_1845 = tpu.vector_load %arg12[%get3A_1843, %get3A_1844] {strides = array<i32>} : memref<128x128xf32, #tpu.memory_space<vmem>>, vector<1x16xf32>,
        %get3A_1846 = vector.shape_cast %get3A_1845 : vector<1x16xf32> to vector<16xf32>
        %mul3A_1847 = vector.broadcast %squeeze3A_1765 : f32 to vector<16xf32>
        %mul3A_1848 = arith.mulf %get3A_1846, %mul3A_1847 : vector<16xf32>
        %swap3A_1849 = arith.index_cast %add3A_1763 : i32 to index
        %swap3A_1850 = arith.constant 112 : index
        %swap3A_1851 = tpu.vector_load %arg12[%swap3A_1849, %swap3A_1850] {strides = array<i32>} : memref<128x128xf32, #tpu.memory_space<vmem>>, vector<1x16xf32>,
        %swap3A_1852 = vector.shape_cast %swap3A_1851 : vector<1x16xf32> to vector<16xf32>
        %swap3A_1853 = vector.shape_cast %mul3A_1848 : vector<16xf32> to vector<1x16xf32>
        tpu.vector_store %arg12[%swap3A_1849, %swap3A_1850], %swap3A_1853 {strides = array<i32>} : memref<128x128xf32, #tpu.memory_space<vmem>>, vector<1x16xf32>,
      }
      %scan3A_248 = arith.constant 8 : i32
      %jit3A_249 = arith.constant 4 : i32
      %eq3A_250 = arith.constant 0 : i32
      %eq3A_251 = arith.cmpi eq, %jit3A_249, %eq3A_250 : i32
      %jit3A_252 = arith.constant 1 : i32
      %select_n3A_253 = arith.select %eq3A_251, %jit3A_252, %jit3A_249 : i32
      %rem3A_254 = arith.remsi %arg1, %select_n3A_253 : i32
      %ne3A_255 = arith.constant 0 : i32
      %ne3A_256 = arith.cmpi ne, %rem3A_254, %ne3A_255 : i32
      %lt3A_257 = arith.constant 0 : i32
      %lt3A_258 = arith.cmpi slt, %rem3A_254, %lt3A_257 : i32
      %lt3A_259 = arith.constant 0 : i32
      %lt3A_260 = arith.cmpi slt, %select_n3A_253, %lt3A_259 : i32
      %ne3A_261 = arith.xori %lt3A_258, %lt3A_260 : i1
      %and3A_262 = arith.andi %ne3A_261, %ne3A_256 : i1
      %add3A_263 = arith.addi %rem3A_254, %select_n3A_253 : i32
      %select_n3A_264 = arith.select %and3A_262, %add3A_263, %rem3A_254 : i32
      %eq3A_265 = arith.constant 0 : i32
      %eq3A_266 = arith.cmpi eq, %select_n3A_264, %eq3A_265 : i32
      %convert_element_type3A_267 = arith.extui %eq3A_266 : i1 to i32
      %cond3A_268 = arith.constant 0 : i32
      %cond3A_269 = arith.cmpi ne, %convert_element_type3A_267, %cond3A_268 : i32
      scf.if %cond3A_269 {
        %run_scoped3A = arith.constant 1 : i32
        "tpu.region"() ({
          %run_scoped3A_344 = tpu.sem_alloc : memref<!tpu.dma_semaphore, #tpu.memory_space<semaphore_mem>>
          %dma_start3A_345 = arith.constant 0 : i32
          %dma_start3A_346 = tpu.memref_slice %arg8[%run_scoped3A, %dma_start3A_345] : memref<2x128xi32, #tpu.memory_space<vmem>> -> memref<1x128xi32, #tpu.memory_space<vmem>>
          %dma_start3A_347 = tpu.memref_squeeze %dma_start3A_346 : memref<1x128xi32, #tpu.memory_space<vmem>> -> memref<128xi32, #tpu.memory_space<vmem>>
          %dma_start3A_348 = arith.constant 0 : i32
          %dma_start3A_349 = arith.constant 0 : i32
          %dma_start3A_350 = tpu.memref_slice %arg6[%dma_start3A_348, %dma_start3A_349] : memref<10240x128xf32, #tpu.memory_space<vmem_shared>> -> memref<10240x128xf32, #tpu.memory_space<vmem_shared>>
          tpu.enqueue_indirect_dma source(%arg12 : memref<128x128xf32, #tpu.memory_space<vmem>>) target(%dma_start3A_350 : memref<10240x128xf32, #tpu.memory_space<vmem_shared>>) offsets(%dma_start3A_347 : memref<128xi32, #tpu.memory_space<vmem>>) semaphore(%run_scoped3A_344 : memref<!tpu.dma_semaphore, #tpu.memory_space<semaphore_mem>>) {add = true}
          %dma_wait3A_351 = arith.constant 0 : i32
          %dma_wait3A_352 = tpu.memref_slice %arg8[%run_scoped3A, %dma_wait3A_351] : memref<2x128xi32, #tpu.memory_space<vmem>> -> memref<1x128xi32, #tpu.memory_space<vmem>>
          %dma_wait3A_353 = tpu.memref_squeeze %dma_wait3A_352 : memref<1x128xi32, #tpu.memory_space<vmem>> -> memref<128xi32, #tpu.memory_space<vmem>>
          %dma_wait3A_354 = arith.constant 0 : i32
          %dma_wait3A_355 = arith.constant 0 : i32
          %dma_wait3A_356 = tpu.memref_slice %arg6[%dma_wait3A_354, %dma_wait3A_355] : memref<10240x128xf32, #tpu.memory_space<vmem_shared>> -> memref<10240x128xf32, #tpu.memory_space<vmem_shared>>
          tpu.wait_indirect_dma semaphore(%run_scoped3A_344 : memref<!tpu.dma_semaphore, #tpu.memory_space<semaphore_mem>>) src(%arg12 : memref<128x128xf32, #tpu.memory_space<vmem>>) dst(%dma_wait3A_356 : memref<10240x128xf32, #tpu.memory_space<vmem_shared>>)
          tpu.yield
        }) : () -> ()
      } else {
      }
      %barrier3A_270 = arith.constant 0 : index
      tpu.barrier barrier_id(%barrier3A_270)
      %jit3A_271 = arith.constant 4 : i32
      %eq3A_272 = arith.constant 0 : i32
      %eq3A_273 = arith.cmpi eq, %jit3A_271, %eq3A_272 : i32
      %jit3A_274 = arith.constant 1 : i32
      %select_n3A_275 = arith.select %eq3A_273, %jit3A_274, %jit3A_271 : i32
      %rem3A_276 = arith.remsi %arg1, %select_n3A_275 : i32
      %ne3A_277 = arith.constant 0 : i32
      %ne3A_278 = arith.cmpi ne, %rem3A_276, %ne3A_277 : i32
      %lt3A_279 = arith.constant 0 : i32
      %lt3A_280 = arith.cmpi slt, %rem3A_276, %lt3A_279 : i32
      %lt3A_281 = arith.constant 0 : i32
      %lt3A_282 = arith.cmpi slt, %select_n3A_275, %lt3A_281 : i32
      %ne3A_283 = arith.xori %lt3A_280, %lt3A_282 : i1
      %and3A_284 = arith.andi %ne3A_283, %ne3A_278 : i1
      %add3A_285 = arith.addi %rem3A_276, %select_n3A_275 : i32
      %select_n3A_286 = arith.select %and3A_284, %add3A_285, %rem3A_276 : i32
      %eq3A_287 = arith.constant 1 : i32
      %eq3A_288 = arith.cmpi eq, %select_n3A_286, %eq3A_287 : i32
      %convert_element_type3A_289 = arith.extui %eq3A_288 : i1 to i32
      %cond3A_290 = arith.constant 0 : i32
      %cond3A_291 = arith.cmpi ne, %convert_element_type3A_289, %cond3A_290 : i32
      scf.if %cond3A_291 {
        %run_scoped3A = arith.constant 1 : i32
        "tpu.region"() ({
          %run_scoped3A_344 = tpu.sem_alloc : memref<!tpu.dma_semaphore, #tpu.memory_space<semaphore_mem>>
          %dma_start3A_345 = arith.constant 0 : i32
          %dma_start3A_346 = tpu.memref_slice %arg8[%run_scoped3A, %dma_start3A_345] : memref<2x128xi32, #tpu.memory_space<vmem>> -> memref<1x128xi32, #tpu.memory_space<vmem>>
          %dma_start3A_347 = tpu.memref_squeeze %dma_start3A_346 : memref<1x128xi32, #tpu.memory_space<vmem>> -> memref<128xi32, #tpu.memory_space<vmem>>
          %dma_start3A_348 = arith.constant 0 : i32
          %dma_start3A_349 = arith.constant 0 : i32
          %dma_start3A_350 = tpu.memref_slice %arg6[%dma_start3A_348, %dma_start3A_349] : memref<10240x128xf32, #tpu.memory_space<vmem_shared>> -> memref<10240x128xf32, #tpu.memory_space<vmem_shared>>
          tpu.enqueue_indirect_dma source(%arg12 : memref<128x128xf32, #tpu.memory_space<vmem>>) target(%dma_start3A_350 : memref<10240x128xf32, #tpu.memory_space<vmem_shared>>) offsets(%dma_start3A_347 : memref<128xi32, #tpu.memory_space<vmem>>) semaphore(%run_scoped3A_344 : memref<!tpu.dma_semaphore, #tpu.memory_space<semaphore_mem>>) {add = true}
          %dma_wait3A_351 = arith.constant 0 : i32
          %dma_wait3A_352 = tpu.memref_slice %arg8[%run_scoped3A, %dma_wait3A_351] : memref<2x128xi32, #tpu.memory_space<vmem>> -> memref<1x128xi32, #tpu.memory_space<vmem>>
          %dma_wait3A_353 = tpu.memref_squeeze %dma_wait3A_352 : memref<1x128xi32, #tpu.memory_space<vmem>> -> memref<128xi32, #tpu.memory_space<vmem>>
          %dma_wait3A_354 = arith.constant 0 : i32
          %dma_wait3A_355 = arith.constant 0 : i32
          %dma_wait3A_356 = tpu.memref_slice %arg6[%dma_wait3A_354, %dma_wait3A_355] : memref<10240x128xf32, #tpu.memory_space<vmem_shared>> -> memref<10240x128xf32, #tpu.memory_space<vmem_shared>>
          tpu.wait_indirect_dma semaphore(%run_scoped3A_344 : memref<!tpu.dma_semaphore, #tpu.memory_space<semaphore_mem>>) src(%arg12 : memref<128x128xf32, #tpu.memory_space<vmem>>) dst(%dma_wait3A_356 : memref<10240x128xf32, #tpu.memory_space<vmem_shared>>)
          tpu.yield
        }) : () -> ()
      } else {
      }
      %barrier3A_292 = arith.constant 0 : index
      tpu.barrier barrier_id(%barrier3A_292)
      %jit3A_293 = arith.constant 4 : i32
      %eq3A_294 = arith.constant 0 : i32
      %eq3A_295 = arith.cmpi eq, %jit3A_293, %eq3A_294 : i32
      %jit3A_296 = arith.constant 1 : i32
      %select_n3A_297 = arith.select %eq3A_295, %jit3A_296, %jit3A_293 : i32
      %rem3A_298 = arith.remsi %arg1, %select_n3A_297 : i32
      %ne3A_299 = arith.constant 0 : i32
      %ne3A_300 = arith.cmpi ne, %rem3A_298, %ne3A_299 : i32
      %lt3A_301 = arith.constant 0 : i32
      %lt3A_302 = arith.cmpi slt, %rem3A_298, %lt3A_301 : i32
      %lt3A_303 = arith.constant 0 : i32
      %lt3A_304 = arith.cmpi slt, %select_n3A_297, %lt3A_303 : i32
      %ne3A_305 = arith.xori %lt3A_302, %lt3A_304 : i1
      %and3A_306 = arith.andi %ne3A_305, %ne3A_300 : i1
      %add3A_307 = arith.addi %rem3A_298, %select_n3A_297 : i32
      %select_n3A_308 = arith.select %and3A_306, %add3A_307, %rem3A_298 : i32
      %eq3A_309 = arith.constant 2 : i32
      %eq3A_310 = arith.cmpi eq, %select_n3A_308, %eq3A_309 : i32
      %convert_element_type3A_311 = arith.extui %eq3A_310 : i1 to i32
      %cond3A_312 = arith.constant 0 : i32
      %cond3A_313 = arith.cmpi ne, %convert_element_type3A_311, %cond3A_312 : i32
      scf.if %cond3A_313 {
        %run_scoped3A = arith.constant 1 : i32
        "tpu.region"() ({
          %run_scoped3A_344 = tpu.sem_alloc : memref<!tpu.dma_semaphore, #tpu.memory_space<semaphore_mem>>
          %dma_start3A_345 = arith.constant 0 : i32
          %dma_start3A_346 = tpu.memref_slice %arg8[%run_scoped3A, %dma_start3A_345] : memref<2x128xi32, #tpu.memory_space<vmem>> -> memref<1x128xi32, #tpu.memory_space<vmem>>
          %dma_start3A_347 = tpu.memref_squeeze %dma_start3A_346 : memref<1x128xi32, #tpu.memory_space<vmem>> -> memref<128xi32, #tpu.memory_space<vmem>>
          %dma_start3A_348 = arith.constant 0 : i32
          %dma_start3A_349 = arith.constant 0 : i32
          %dma_start3A_350 = tpu.memref_slice %arg6[%dma_start3A_348, %dma_start3A_349] : memref<10240x128xf32, #tpu.memory_space<vmem_shared>> -> memref<10240x128xf32, #tpu.memory_space<vmem_shared>>
          tpu.enqueue_indirect_dma source(%arg12 : memref<128x128xf32, #tpu.memory_space<vmem>>) target(%dma_start3A_350 : memref<10240x128xf32, #tpu.memory_space<vmem_shared>>) offsets(%dma_start3A_347 : memref<128xi32, #tpu.memory_space<vmem>>) semaphore(%run_scoped3A_344 : memref<!tpu.dma_semaphore, #tpu.memory_space<semaphore_mem>>) {add = true}
          %dma_wait3A_351 = arith.constant 0 : i32
          %dma_wait3A_352 = tpu.memref_slice %arg8[%run_scoped3A, %dma_wait3A_351] : memref<2x128xi32, #tpu.memory_space<vmem>> -> memref<1x128xi32, #tpu.memory_space<vmem>>
          %dma_wait3A_353 = tpu.memref_squeeze %dma_wait3A_352 : memref<1x128xi32, #tpu.memory_space<vmem>> -> memref<128xi32, #tpu.memory_space<vmem>>
          %dma_wait3A_354 = arith.constant 0 : i32
          %dma_wait3A_355 = arith.constant 0 : i32
          %dma_wait3A_356 = tpu.memref_slice %arg6[%dma_wait3A_354, %dma_wait3A_355] : memref<10240x128xf32, #tpu.memory_space<vmem_shared>> -> memref<10240x128xf32, #tpu.memory_space<vmem_shared>>
          tpu.wait_indirect_dma semaphore(%run_scoped3A_344 : memref<!tpu.dma_semaphore, #tpu.memory_space<semaphore_mem>>) src(%arg12 : memref<128x128xf32, #tpu.memory_space<vmem>>) dst(%dma_wait3A_356 : memref<10240x128xf32, #tpu.memory_space<vmem_shared>>)
          tpu.yield
        }) : () -> ()
      } else {
      }
      %barrier3A_314 = arith.constant 0 : index
      tpu.barrier barrier_id(%barrier3A_314)
      %jit3A_315 = arith.constant 4 : i32
      %eq3A_316 = arith.constant 0 : i32
      %eq3A_317 = arith.cmpi eq, %jit3A_315, %eq3A_316 : i32
      %jit3A_318 = arith.constant 1 : i32
      %select_n3A_319 = arith.select %eq3A_317, %jit3A_318, %jit3A_315 : i32
      %rem3A_320 = arith.remsi %arg1, %select_n3A_319 : i32
      %ne3A_321 = arith.constant 0 : i32
      %ne3A_322 = arith.cmpi ne, %rem3A_320, %ne3A_321 : i32
      %lt3A_323 = arith.constant 0 : i32
      %lt3A_324 = arith.cmpi slt, %rem3A_320, %lt3A_323 : i32
      %lt3A_325 = arith.constant 0 : i32
      %lt3A_326 = arith.cmpi slt, %select_n3A_319, %lt3A_325 : i32
      %ne3A_327 = arith.xori %lt3A_324, %lt3A_326 : i1
      %and3A_328 = arith.andi %ne3A_327, %ne3A_322 : i1
      %add3A_329 = arith.addi %rem3A_320, %select_n3A_319 : i32
      %select_n3A_330 = arith.select %and3A_328, %add3A_329, %rem3A_320 : i32
      %eq3A_331 = arith.constant 3 : i32
      %eq3A_332 = arith.cmpi eq, %select_n3A_330, %eq3A_331 : i32
      %convert_element_type3A_333 = arith.extui %eq3A_332 : i1 to i32
      %cond3A_334 = arith.constant 0 : i32
      %cond3A_335 = arith.cmpi ne, %convert_element_type3A_333, %cond3A_334 : i32
      scf.if %cond3A_335 {
        %run_scoped3A = arith.constant 1 : i32
        "tpu.region"() ({
          %run_scoped3A_344 = tpu.sem_alloc : memref<!tpu.dma_semaphore, #tpu.memory_space<semaphore_mem>>
          %dma_start3A_345 = arith.constant 0 : i32
          %dma_start3A_346 = tpu.memref_slice %arg8[%run_scoped3A, %dma_start3A_345] : memref<2x128xi32, #tpu.memory_space<vmem>> -> memref<1x128xi32, #tpu.memory_space<vmem>>
          %dma_start3A_347 = tpu.memref_squeeze %dma_start3A_346 : memref<1x128xi32, #tpu.memory_space<vmem>> -> memref<128xi32, #tpu.memory_space<vmem>>
          %dma_start3A_348 = arith.constant 0 : i32
          %dma_start3A_349 = arith.constant 0 : i32
          %dma_start3A_350 = tpu.memref_slice %arg6[%dma_start3A_348, %dma_start3A_349] : memref<10240x128xf32, #tpu.memory_space<vmem_shared>> -> memref<10240x128xf32, #tpu.memory_space<vmem_shared>>
          tpu.enqueue_indirect_dma source(%arg12 : memref<128x128xf32, #tpu.memory_space<vmem>>) target(%dma_start3A_350 : memref<10240x128xf32, #tpu.memory_space<vmem_shared>>) offsets(%dma_start3A_347 : memref<128xi32, #tpu.memory_space<vmem>>) semaphore(%run_scoped3A_344 : memref<!tpu.dma_semaphore, #tpu.memory_space<semaphore_mem>>) {add = true}
          %dma_wait3A_351 = arith.constant 0 : i32
          %dma_wait3A_352 = tpu.memref_slice %arg8[%run_scoped3A, %dma_wait3A_351] : memref<2x128xi32, #tpu.memory_space<vmem>> -> memref<1x128xi32, #tpu.memory_space<vmem>>
          %dma_wait3A_353 = tpu.memref_squeeze %dma_wait3A_352 : memref<1x128xi32, #tpu.memory_space<vmem>> -> memref<128xi32, #tpu.memory_space<vmem>>
          %dma_wait3A_354 = arith.constant 0 : i32
          %dma_wait3A_355 = arith.constant 0 : i32
          %dma_wait3A_356 = tpu.memref_slice %arg6[%dma_wait3A_354, %dma_wait3A_355] : memref<10240x128xf32, #tpu.memory_space<vmem_shared>> -> memref<10240x128xf32, #tpu.memory_space<vmem_shared>>
          tpu.wait_indirect_dma semaphore(%run_scoped3A_344 : memref<!tpu.dma_semaphore, #tpu.memory_space<semaphore_mem>>) src(%arg12 : memref<128x128xf32, #tpu.memory_space<vmem>>) dst(%dma_wait3A_356 : memref<10240x128xf32, #tpu.memory_space<vmem_shared>>)
          tpu.yield
        }) : () -> ()
      } else {
      }
      %barrier3A_336 = arith.constant 0 : index
      tpu.barrier barrier_id(%barrier3A_336)
      %add3A_337 = arith.constant 2 : i32
      %add3A_338 = arith.addi %add3A_221, %add3A_337 : i32
      %lt3A_339 = arith.constant 80 : i32
      %lt3A_340 = arith.cmpi slt, %add3A_338, %lt3A_339 : i32
      %convert_element_type3A_341 = arith.extui %lt3A_340 : i1 to i32
      %cond3A_342 = arith.constant 0 : i32
      %cond3A_343 = arith.cmpi ne, %convert_element_type3A_341, %cond3A_342 : i32
      scf.if %cond3A_343 {
        %add3A_344 = arith.addi %mul3A_2, %add3A_221 : i32
        %add3A_345 = arith.constant 2 : i32
        %add3A_346 = arith.addi %add3A_344, %add3A_345 : i32
        %dma_start3A_347 = arith.constant 1 : i32
        %dma_start3A_348 = arith.constant 0 : i32
        %dma_start3A_349 = arith.constant 0 : i32
        %dma_start3A_350 = tpu.memref_slice %arg3[%add3A_346, %dma_start3A_348, %dma_start3A_349] : memref<2560x2x128xi32, #tpu.memory_space<hbm>> -> memref<1x2x128xi32, #tpu.memory_space<hbm>>
        %dma_start3A_351 = tpu.memref_squeeze %dma_start3A_350 : memref<1x2x128xi32, #tpu.memory_space<hbm>> -> memref<2x128xi32, #tpu.memory_space<hbm>>
        %dma_start3A_352 = tpu.memref_slice %arg14[%dma_start3A_347] : memref<2x!tpu.dma_semaphore, #tpu.memory_space<semaphore_mem>> -> memref<1x!tpu.dma_semaphore, #tpu.memory_space<semaphore_mem>>
        %dma_start3A_353 = tpu.memref_squeeze %dma_start3A_352 : memref<1x!tpu.dma_semaphore, #tpu.memory_space<semaphore_mem>> -> memref<!tpu.dma_semaphore, #tpu.memory_space<semaphore_mem>>
        %dma_start3A_354 = arith.constant 0 : i32
        %dma_start3A_355 = arith.constant 0 : i32
        %dma_start3A_356 = tpu.memref_slice %arg3[%add3A_346, %dma_start3A_354, %dma_start3A_355] : memref<2560x2x128xi32, #tpu.memory_space<hbm>> -> memref<1x2x128xi32, #tpu.memory_space<hbm>>
        %dma_start3A_357 = tpu.memref_squeeze %dma_start3A_356 : memref<1x2x128xi32, #tpu.memory_space<hbm>> -> memref<2x128xi32, #tpu.memory_space<hbm>>
        tpu.enqueue_dma source(%dma_start3A_357 : memref<2x128xi32, #tpu.memory_space<hbm>>) target(%arg8 : memref<2x128xi32, #tpu.memory_space<vmem>>) target_semaphore(%dma_start3A_353 : memref<!tpu.dma_semaphore, #tpu.memory_space<semaphore_mem>>)
        %add3A_358 = arith.addi %mul3A_2, %add3A_221 : i32
        %add3A_359 = arith.constant 2 : i32
        %add3A_360 = arith.addi %add3A_358, %add3A_359 : i32
        %dma_start3A_361 = arith.constant 1 : i32
        %dma_start3A_362 = arith.constant 0 : i32
        %dma_start3A_363 = tpu.memref_slice %arg4[%add3A_360, %dma_start3A_362] : memref<2560x128xf32, #tpu.memory_space<hbm>> -> memref<1x128xf32, #tpu.memory_space<hbm>>
        %dma_start3A_364 = tpu.memref_squeeze %dma_start3A_363 : memref<1x128xf32, #tpu.memory_space<hbm>> -> memref<128xf32, #tpu.memory_space<hbm>>
        %dma_start3A_365 = tpu.memref_slice %arg15[%dma_start3A_361] : memref<2x!tpu.dma_semaphore, #tpu.memory_space<semaphore_mem>> -> memref<1x!tpu.dma_semaphore, #tpu.memory_space<semaphore_mem>>
        %dma_start3A_366 = tpu.memref_squeeze %dma_start3A_365 : memref<1x!tpu.dma_semaphore, #tpu.memory_space<semaphore_mem>> -> memref<!tpu.dma_semaphore, #tpu.memory_space<semaphore_mem>>
        %dma_start3A_367 = arith.constant 0 : i32
        %dma_start3A_368 = tpu.memref_slice %arg4[%add3A_360, %dma_start3A_367] : memref<2560x128xf32, #tpu.memory_space<hbm>> -> memref<1x128xf32, #tpu.memory_space<hbm>>
        %dma_start3A_369 = tpu.memref_squeeze %dma_start3A_368 : memref<1x128xf32, #tpu.memory_space<hbm>> -> memref<128xf32, #tpu.memory_space<hbm>>
        tpu.enqueue_dma source(%dma_start3A_369 : memref<128xf32, #tpu.memory_space<hbm>>) target(%arg10 : memref<128xf32, #tpu.memory_space<vmem>>) target_semaphore(%dma_start3A_366 : memref<!tpu.dma_semaphore, #tpu.memory_space<semaphore_mem>>)
      } else {
      }
    }
    %scan3A_65 = arith.constant 40 : i32
    %barrier3A_66 = arith.constant 0 : index
    tpu.barrier barrier_id(%barrier3A_66)
    %mul3A_67 = arith.constant 10240 : i32
    %mul3A_68 = arith.muli %arg0, %mul3A_67 : i32
    %mul3A_69 = arith.constant 640 : i32
    %mul3A_70 = arith.muli %arg1, %mul3A_69 : i32
    %add3A_71 = arith.addi %mul3A_68, %mul3A_70 : i32
    %mul3A_72 = arith.constant 640 : i32
    %mul3A_73 = arith.muli %arg1, %mul3A_72 : i32
    %add3A_74 = arith.constant 0 : i32
    %add3A_75 = arith.addi %mul3A_73, %add3A_74 : i32
    %add3A_76 = arith.constant 0 : i32
    %add3A_77 = arith.addi %add3A_71, %add3A_76 : i32
    "tpu.region"() ({
      %run_scoped3A = tpu.sem_alloc : memref<!tpu.dma_semaphore, #tpu.memory_space<semaphore_mem>>
      %dma_start3A_102 = arith.constant 0 : i32
      %dma_start3A_103 = tpu.memref_slice %arg5[%add3A_77, %dma_start3A_102] : memref<20480x128xf32, #tpu.memory_space<hbm>> -> memref<128x128xf32, #tpu.memory_space<hbm>>
      %dma_start3A_104 = arith.constant 0 : i32
      %dma_start3A_105 = tpu.memref_slice %arg6[%add3A_75, %dma_start3A_104] : memref<10240x128xf32, #tpu.memory_space<vmem_shared>> -> memref<128x128xf32, #tpu.memory_space<vmem_shared>>
      tpu.enqueue_dma source(%dma_start3A_105 : memref<128x128xf32, #tpu.memory_space<vmem_shared>>) target(%dma_start3A_103 : memref<128x128xf32, #tpu.memory_space<hbm>>) target_semaphore(%run_scoped3A : memref<!tpu.dma_semaphore, #tpu.memory_space<semaphore_mem>>)
      %dma_wait3A = arith.constant 0 : i32
      %dma_wait3A_106 = tpu.memref_slice %arg5[%add3A_77, %dma_wait3A] : memref<20480x128xf32, #tpu.memory_space<hbm>> -> memref<128x128xf32, #tpu.memory_space<hbm>>
      %dma_wait3A_107 = arith.constant 0 : i32
      %dma_wait3A_108 = tpu.memref_slice %arg6[%add3A_75, %dma_wait3A_107] : memref<10240x128xf32, #tpu.memory_space<vmem_shared>> -> memref<128x128xf32, #tpu.memory_space<vmem_shared>>
      tpu.wait_dma2 semaphore(%run_scoped3A : memref<!tpu.dma_semaphore, #tpu.memory_space<semaphore_mem>>) src(%dma_wait3A_108 : memref<128x128xf32, #tpu.memory_space<vmem_shared>>) dst(%dma_wait3A_106 : memref<128x128xf32, #tpu.memory_space<hbm>>)
      tpu.yield
    }) : () -> ()
    %mul3A_78 = arith.constant 640 : i32
    %mul3A_79 = arith.muli %arg1, %mul3A_78 : i32
    %add3A_80 = arith.constant 128 : i32
    %add3A_81 = arith.addi %mul3A_79, %add3A_80 : i32
    %add3A_82 = arith.constant 128 : i32
    %add3A_83 = arith.addi %add3A_71, %add3A_82 : i32
    "tpu.region"() ({
      %run_scoped3A = tpu.sem_alloc : memref<!tpu.dma_semaphore, #tpu.memory_space<semaphore_mem>>
      %dma_start3A_102 = arith.constant 0 : i32
      %dma_start3A_103 = tpu.memref_slice %arg5[%add3A_83, %dma_start3A_102] : memref<20480x128xf32, #tpu.memory_space<hbm>> -> memref<128x128xf32, #tpu.memory_space<hbm>>
      %dma_start3A_104 = arith.constant 0 : i32
      %dma_start3A_105 = tpu.memref_slice %arg6[%add3A_81, %dma_start3A_104] : memref<10240x128xf32, #tpu.memory_space<vmem_shared>> -> memref<128x128xf32, #tpu.memory_space<vmem_shared>>
      tpu.enqueue_dma source(%dma_start3A_105 : memref<128x128xf32, #tpu.memory_space<vmem_shared>>) target(%dma_start3A_103 : memref<128x128xf32, #tpu.memory_space<hbm>>) target_semaphore(%run_scoped3A : memref<!tpu.dma_semaphore, #tpu.memory_space<semaphore_mem>>)
      %dma_wait3A = arith.constant 0 : i32
      %dma_wait3A_106 = tpu.memref_slice %arg5[%add3A_83, %dma_wait3A] : memref<20480x128xf32, #tpu.memory_space<hbm>> -> memref<128x128xf32, #tpu.memory_space<hbm>>
      %dma_wait3A_107 = arith.constant 0 : i32
      %dma_wait3A_108 = tpu.memref_slice %arg6[%add3A_81, %dma_wait3A_107] : memref<10240x128xf32, #tpu.memory_space<vmem_shared>> -> memref<128x128xf32, #tpu.memory_space<vmem_shared>>
      tpu.wait_dma2 semaphore(%run_scoped3A : memref<!tpu.dma_semaphore, #tpu.memory_space<semaphore_mem>>) src(%dma_wait3A_108 : memref<128x128xf32, #tpu.memory_space<vmem_shared>>) dst(%dma_wait3A_106 : memref<128x128xf32, #tpu.memory_space<hbm>>)
      tpu.yield
    }) : () -> ()
    %mul3A_84 = arith.constant 640 : i32
    %mul3A_85 = arith.muli %arg1, %mul3A_84 : i32
    %add3A_86 = arith.constant 256 : i32
    %add3A_87 = arith.addi %mul3A_85, %add3A_86 : i32
    %add3A_88 = arith.constant 256 : i32
    %add3A_89 = arith.addi %add3A_71, %add3A_88 : i32
    "tpu.region"() ({
      %run_scoped3A = tpu.sem_alloc : memref<!tpu.dma_semaphore, #tpu.memory_space<semaphore_mem>>
      %dma_start3A_102 = arith.constant 0 : i32
      %dma_start3A_103 = tpu.memref_slice %arg5[%add3A_89, %dma_start3A_102] : memref<20480x128xf32, #tpu.memory_space<hbm>> -> memref<128x128xf32, #tpu.memory_space<hbm>>
      %dma_start3A_104 = arith.constant 0 : i32
      %dma_start3A_105 = tpu.memref_slice %arg6[%add3A_87, %dma_start3A_104] : memref<10240x128xf32, #tpu.memory_space<vmem_shared>> -> memref<128x128xf32, #tpu.memory_space<vmem_shared>>
      tpu.enqueue_dma source(%dma_start3A_105 : memref<128x128xf32, #tpu.memory_space<vmem_shared>>) target(%dma_start3A_103 : memref<128x128xf32, #tpu.memory_space<hbm>>) target_semaphore(%run_scoped3A : memref<!tpu.dma_semaphore, #tpu.memory_space<semaphore_mem>>)
      %dma_wait3A = arith.constant 0 : i32
      %dma_wait3A_106 = tpu.memref_slice %arg5[%add3A_89, %dma_wait3A] : memref<20480x128xf32, #tpu.memory_space<hbm>> -> memref<128x128xf32, #tpu.memory_space<hbm>>
      %dma_wait3A_107 = arith.constant 0 : i32
      %dma_wait3A_108 = tpu.memref_slice %arg6[%add3A_87, %dma_wait3A_107] : memref<10240x128xf32, #tpu.memory_space<vmem_shared>> -> memref<128x128xf32, #tpu.memory_space<vmem_shared>>
      tpu.wait_dma2 semaphore(%run_scoped3A : memref<!tpu.dma_semaphore, #tpu.memory_space<semaphore_mem>>) src(%dma_wait3A_108 : memref<128x128xf32, #tpu.memory_space<vmem_shared>>) dst(%dma_wait3A_106 : memref<128x128xf32, #tpu.memory_space<hbm>>)
      tpu.yield
    }) : () -> ()
    %mul3A_90 = arith.constant 640 : i32
    %mul3A_91 = arith.muli %arg1, %mul3A_90 : i32
    %add3A_92 = arith.constant 384 : i32
    %add3A_93 = arith.addi %mul3A_91, %add3A_92 : i32
    %add3A_94 = arith.constant 384 : i32
    %add3A_95 = arith.addi %add3A_71, %add3A_94 : i32
    "tpu.region"() ({
      %run_scoped3A = tpu.sem_alloc : memref<!tpu.dma_semaphore, #tpu.memory_space<semaphore_mem>>
      %dma_start3A_102 = arith.constant 0 : i32
      %dma_start3A_103 = tpu.memref_slice %arg5[%add3A_95, %dma_start3A_102] : memref<20480x128xf32, #tpu.memory_space<hbm>> -> memref<128x128xf32, #tpu.memory_space<hbm>>
      %dma_start3A_104 = arith.constant 0 : i32
      %dma_start3A_105 = tpu.memref_slice %arg6[%add3A_93, %dma_start3A_104] : memref<10240x128xf32, #tpu.memory_space<vmem_shared>> -> memref<128x128xf32, #tpu.memory_space<vmem_shared>>
      tpu.enqueue_dma source(%dma_start3A_105 : memref<128x128xf32, #tpu.memory_space<vmem_shared>>) target(%dma_start3A_103 : memref<128x128xf32, #tpu.memory_space<hbm>>) target_semaphore(%run_scoped3A : memref<!tpu.dma_semaphore, #tpu.memory_space<semaphore_mem>>)
      %dma_wait3A = arith.constant 0 : i32
      %dma_wait3A_106 = tpu.memref_slice %arg5[%add3A_95, %dma_wait3A] : memref<20480x128xf32, #tpu.memory_space<hbm>> -> memref<128x128xf32, #tpu.memory_space<hbm>>
      %dma_wait3A_107 = arith.constant 0 : i32
      %dma_wait3A_108 = tpu.memref_slice %arg6[%add3A_93, %dma_wait3A_107] : memref<10240x128xf32, #tpu.memory_space<vmem_shared>> -> memref<128x128xf32, #tpu.memory_space<vmem_shared>>
      tpu.wait_dma2 semaphore(%run_scoped3A : memref<!tpu.dma_semaphore, #tpu.memory_space<semaphore_mem>>) src(%dma_wait3A_108 : memref<128x128xf32, #tpu.memory_space<vmem_shared>>) dst(%dma_wait3A_106 : memref<128x128xf32, #tpu.memory_space<hbm>>)
      tpu.yield
    }) : () -> ()
    %mul3A_96 = arith.constant 640 : i32
    %mul3A_97 = arith.muli %arg1, %mul3A_96 : i32
    %add3A_98 = arith.constant 512 : i32
    %add3A_99 = arith.addi %mul3A_97, %add3A_98 : i32
    %add3A_100 = arith.constant 512 : i32
    %add3A_101 = arith.addi %add3A_71, %add3A_100 : i32
    "tpu.region"() ({
      %run_scoped3A = tpu.sem_alloc : memref<!tpu.dma_semaphore, #tpu.memory_space<semaphore_mem>>
      %dma_start3A_102 = arith.constant 0 : i32
      %dma_start3A_103 = tpu.memref_slice %arg5[%add3A_101, %dma_start3A_102] : memref<20480x128xf32, #tpu.memory_space<hbm>> -> memref<128x128xf32, #tpu.memory_space<hbm>>
      %dma_start3A_104 = arith.constant 0 : i32
      %dma_start3A_105 = tpu.memref_slice %arg6[%add3A_99, %dma_start3A_104] : memref<10240x128xf32, #tpu.memory_space<vmem_shared>> -> memref<128x128xf32, #tpu.memory_space<vmem_shared>>
      tpu.enqueue_dma source(%dma_start3A_105 : memref<128x128xf32, #tpu.memory_space<vmem_shared>>) target(%dma_start3A_103 : memref<128x128xf32, #tpu.memory_space<hbm>>) target_semaphore(%run_scoped3A : memref<!tpu.dma_semaphore, #tpu.memory_space<semaphore_mem>>)
      %dma_wait3A = arith.constant 0 : i32
      %dma_wait3A_106 = tpu.memref_slice %arg5[%add3A_101, %dma_wait3A] : memref<20480x128xf32, #tpu.memory_space<hbm>> -> memref<128x128xf32, #tpu.memory_space<hbm>>
      %dma_wait3A_107 = arith.constant 0 : i32
      %dma_wait3A_108 = tpu.memref_slice %arg6[%add3A_99, %dma_wait3A_107] : memref<10240x128xf32, #tpu.memory_space<vmem_shared>> -> memref<128x128xf32, #tpu.memory_space<vmem_shared>>
      tpu.wait_dma2 semaphore(%run_scoped3A : memref<!tpu.dma_semaphore, #tpu.memory_space<semaphore_mem>>) src(%dma_wait3A_108 : memref<128x128xf32, #tpu.memory_space<vmem_shared>>) dst(%dma_wait3A_106 : memref<128x128xf32, #tpu.memory_space<hbm>>)
      tpu.yield
    }) : () -> ()
    return
  }
}

module attributes {stable_mosaic.version = 14 : i64} {
  func.func @_combine_body(%arg0: i32, %arg1: memref<2x1024x128xf32, #tpu.memory_space<vmem>>, %arg2: memref<1024x128xf32, #tpu.memory_space<vmem>>) attributes {dimension_semantics = [#tpu.dimension_semantics<arbitrary>], iteration_bounds = array<i64: 10>, scalar_prefetch = 0 : i64, scratch_operands = 0 : i64, tpu.core_type = #tpu.core_type<tc>, window_params = [{transform_indices = @transform_0, window_bounds = array<i64: 2, 1024, 128>}, {transform_indices = @transform_1, window_bounds = array<i64: 1024, 128>}]} {
    %get3A = arith.constant 0 : index
    %get3A_0 = arith.constant 0 : index
    %get3A_1 = arith.constant 0 : index
    %get3A_2 = vector.load %arg1[%get3A, %get3A_0, %get3A_1] : memref<2x1024x128xf32, #tpu.memory_space<vmem>>, vector<1x1024x128xf32>
    %get3A_3 = vector.shape_cast %get3A_2 : vector<1x1024x128xf32> to vector<1024x128xf32>
    %get3A_4 = arith.constant 1 : index
    %get3A_5 = arith.constant 0 : index
    %get3A_6 = arith.constant 0 : index
    %get3A_7 = vector.load %arg1[%get3A_4, %get3A_5, %get3A_6] : memref<2x1024x128xf32, #tpu.memory_space<vmem>>, vector<1x1024x128xf32>
    %get3A_8 = vector.shape_cast %get3A_7 : vector<1x1024x128xf32> to vector<1024x128xf32>
    %add3A = arith.addf %get3A_3, %get3A_8 : vector<1024x128xf32>
    %jit3A = arith.constant -1.000000e+06 : f32
    %jit3A_9 = arith.constant 1.000000e+06 : f32
    %max3A = vector.broadcast %jit3A : f32 to vector<1024x128xf32>
    %max3A_10 = arith.maximumf %max3A, %add3A : vector<1024x128xf32>
    %min3A = vector.broadcast %jit3A_9 : f32 to vector<1024x128xf32>
    %min3A_11 = arith.minimumf %min3A, %max3A_10 : vector<1024x128xf32>
    %swap3A = arith.constant 0 : index
    %swap3A_12 = arith.constant 0 : index
    %swap3A_13 = vector.load %arg2[%swap3A, %swap3A_12] : memref<1024x128xf32, #tpu.memory_space<vmem>>, vector<1024x128xf32>
    tpu.vector_store %arg2[%swap3A, %swap3A_12], %min3A_11 {strides = array<i32>} : memref<1024x128xf32, #tpu.memory_space<vmem>>, vector<1024x128xf32>,
    return
  }
  func.func @transform_0(%arg0: i32) -> (i32, i32, i32) {
    %c0_i32 = arith.constant 0 : i32
    %c0_i32_0 = arith.constant 0 : i32
    %c0_i32_1 = arith.constant 0 : i32
    return %c0_i32, %arg0, %c0_i32_0 : i32, i32, i32
  }
  func.func @transform_1(%arg0: i32) -> (i32, i32) {
    %c0_i32 = arith.constant 0 : i32
    %c0_i32_0 = arith.constant 0 : i32
    return %arg0, %c0_i32 : i32, i32
  }
}

</mosaic_0001>

<sc_bundles>
// kernel: kernel.4.cloned.1.call-start
scs
__scs_entry_jumppad:
0x0: {  	(pc) =	sbr.rel $0x88, $3  }
0x1: {  	(tag) =	ssettag $0x0;
	lr =	simm.s32 $0x1  }
0x2: {  	[smem:$0x3F9E] =	sst lr;
	_ =	strace $0xD0000000  }
0x3: {  	_ = 	snop  }
0x4: {  	_ = 	snop  }
0x5: {  	_ = 	snop  }
0x6: {  	_ = 	snop  }
0x7: {  	_ = 	snop  }
__scs_overlays_trampoline_lowered:
0x8: {  	[smem:$0x3FAD] =	sst s0  }
0x9: {  	[smem:$0x3FAE] =	sst s1  }
0xa: {  	[smem:$0x3FAF] =	sst s2  }
0xb: {  	[smem:$0x3FB0] =	sst s3  }
0xc: {  	[smem:$0x3FB1] =	sst s4  }
0xd: {  	[smem:$0x3FB2] =	sst s5  }
0xe: {  	[smem:$0x3FB3] =	sst s6  }
0xf: {  	[smem:$0x3FB4] =	sst s7  }
0x10: {  	[smem:$0x3FB5] =	sst s8  }
0x11: {  	[smem:$0x3FB6] =	sst s9;
	s0 =	simm.s32 @!p0 $0x0  }
0x12: {  	s1 =	sld [smem:$0x3F9C];
	s0 =	simm.s32 @p0 $0x1  }
0x13: {  	[smem:$0x3FB7] =	sst s0;
	s0 =	simm.s32 @!p1 $0x0  }
0x14: {  	s2 =	sld [smem:$0x3F9B];
	s0 =	simm.s32 @p1 $0x1  }
0x15: {  	[smem:$0x3FB8] =	sst s0;
	s0 =	simm.s32 @!p2 $0x0  }
0x16: {  	s3 =	sld [smem:$0x3FDB];
	s0 =	simm.s32 @p2 $0x1  }
0x17: {  	s4 =	simm.s32 $0x1BF5;
	[smem:$0x3FBA] =	sst s0  }
0x18: {  	s0 =	sld [smem:$0x3F9D];
	_ =	swait.ge [sflag:s4], $0x0  }
0x19: {  	s7 =	sld [smem:$0x3F9E]  }
0x1a: {  	s8 =	sadd.s32 $0xFFFFE003, lr  }
0x1b: {  	s9 =	sadd.s32 $0xFFFFFEF7, lr;
	s5 =	simm.s32 $0xFFFFFFFF;
	p2 =	slt.u32 s8, $0xFFFFF086  }
0x1c: {  	p1 =	slt.u32 s9, $0xF7A;
	s5 =	simm.s32 @!p2 $0x0  }
0x1d: {  	s5 =	simm.s32 @p1 $0x1;
	p0 =	seq.s32 s7, s2  }
0x1e: {  	s7 =	smul.u32 @!p0 $0xF7A, s2;
	p2 =	seq.s32 @!p0 s5, $0x0  }
0x1f: {  	s9 =	smul.u32 $0xF7A, s1;
	s8 =	simm.s32 @!p0 $0x1BF5;
	p2 =	por !p2, p0  }
0x20: {  	[sflag:s8] =	ssyncset.s32 @!p0 $0xFFFFF086;
	s6 =	sadd.s32 @!p0 s3, s7;
	s7 =	simm.s32 @!p0 $0x108  }
0x21: {  	s3 =	sadd.s32 s3, s9;
	s6 =	sadd.s32 @!p0 $0x88, s6;
	s7 =	simm.s32 @p2 $0x1082  }
0x22: {  	[simem:s7], [sflag:s8] =	dma.local @!p0 [hbm:s6], $0xF7A  }
0x23: {  	s9 =	sor.u32 $0xD0000000, s2;
	s6 =	simm.s32 $0x108;
	_ =	swait.ge @!p0 [sflag:s8], $0x0  }
0x24: {  	s3 =	sadd.s32 $0x88, s3;
	s6 =	simm.s32 @!p1 $0x1082;
	[sflag:s4] =	ssyncset.s32 $0xFFFFF086  }
0x25: {  	[simem:s6], [sflag:s4] =	dma.local [hbm:s3], $0xF7A  }
0x26: {  	[smem:$0x3F9E] =	sst s1;
	(tag) =	ssettag s2;
	_ =	strace s9  }
0x27: {  	s1 =	sld [smem:$0x3FAE]  }
0x28: {  	s2 =	sld [smem:$0x3FAF]  }
0x29: {  	s4 =	sld [smem:$0x3FB1]  }
0x2a: {  	p0 =	seq.s32 s5, $0x0;
	s5 =	sld [smem:$0x3FB2]  }
0x2b: {  	s6 =	sld [smem:$0x3FB3]  }
0x2c: {  	s7 =	sld [smem:$0x3FB4]  }
0x2d: {  	s3 =	simm.s32 $0x108;
	s8 =	sld [smem:$0x3FB5]  }
0x2e: {  	s3 =	simm.s32 @!p0 $0x1082;
	s9 =	sld [smem:$0x3FB6]  }
0x2f: {  	lr =	sadd.s32 s0, s3;
	s0 =	sld [smem:$0x3FAD]  }
0x30: {  	s3 =	sld [smem:$0x3FB0]  }
0x31: {  	[smem:$0x3FB9] =	sst s10  }
0x32: {  	s10 =	sld [smem:$0x3FB7];
	_ =	sdelay $0x3  }
0x33: {  	p0 =	seq.s32 s10, $0x1;
	s10 =	sld [smem:$0x3FB9];
	_ =	sdelay $0x3  }
0x34: {  	[smem:$0x3FB9] =	sst s10  }
0x35: {  	s10 =	sld [smem:$0x3FB8];
	_ =	sdelay $0x3  }
0x36: {  	p1 =	seq.s32 s10, $0x1;
	s10 =	sld [smem:$0x3FB9];
	_ =	sdelay $0x3  }
0x37: {  	[smem:$0x3FB9] =	sst s10  }
0x38: {  	s10 =	sld [smem:$0x3FBA]  }
0x39: {  	_ = 	snop;
	(pc) =	sbr.ind lr, $3  }
0x3a: {  	_ = 	snop  }
0x3b: {  	_ = 	snop  }
0x3c: {  	p2 =	seq.s32 s10, $0x1;
	s10 =	sld [smem:$0x3FB9]  }
0x3d: {  	_ =	shalt  }
0x3e: {  	_ =	shalt  }
0x3f: {  	_ =	shalt  }
0x40: {  	_ =	shalt  }
0x41: {  	_ =	shalt  }
0x42: {  	_ =	shalt  }
0x43: {  	_ =	shalt  }
0x44: {  	_ =	shalt  }
0x45: {  	_ =	shalt  }
0x46: {  	_ =	shalt  }
0x47: {  	_ =	shalt  }
0x48: {  	_ =	shalt  }
0x49: {  	_ =	shalt  }
0x4a: {  	_ =	shalt  }
0x4b: {  	_ =	shalt  }
0x4c: {  	_ =	shalt  }
0x4d: {  	_ =	shalt  }
0x4e: {  	_ =	shalt  }
0x4f: {  	_ =	shalt  }
0x50: {  	_ =	shalt  }
0x51: {  	_ =	shalt  }
0x52: {  	_ =	shalt  }
0x53: {  	_ =	shalt  }
0x54: {  	_ =	shalt  }
0x55: {  	_ =	shalt  }
0x56: {  	_ =	shalt  }
0x57: {  	_ =	shalt  }
0x58: {  	_ =	shalt  }
0x59: {  	_ =	shalt  }
0x5a: {  	_ =	shalt  }
0x5b: {  	_ =	shalt  }
0x5c: {  	_ =	shalt  }
0x5d: {  	_ =	shalt  }
0x5e: {  	_ =	shalt  }
0x5f: {  	_ =	shalt  }
0x60: {  	_ =	shalt  }
0x61: {  	_ =	shalt  }
0x62: {  	_ =	shalt  }
0x63: {  	_ =	shalt  }
0x64: {  	_ =	shalt  }
0x65: {  	_ =	shalt  }
0x66: {  	_ =	shalt  }
0x67: {  	_ =	shalt  }
0x68: {  	_ =	shalt  }
0x69: {  	_ =	shalt  }
0x6a: {  	_ =	shalt  }
0x6b: {  	_ =	shalt  }
0x6c: {  	_ =	shalt  }
0x6d: {  	_ =	shalt  }
0x6e: {  	_ =	shalt  }
0x6f: {  	_ =	shalt  }
0x70: {  	_ =	shalt  }
0x71: {  	_ =	shalt  }
0x72: {  	_ =	shalt  }
0x73: {  	_ =	shalt  }
0x74: {  	_ =	shalt  }
0x75: {  	_ =	shalt  }
0x76: {  	_ =	shalt  }
0x77: {  	_ =	shalt  }
0x78: {  	_ =	shalt  }
0x79: {  	_ =	shalt  }
0x7a: {  	_ =	shalt  }
0x7b: {  	_ =	shalt  }
0x7c: {  	_ =	shalt  }
0x7d: {  	_ =	shalt  }
0x7e: {  	_ =	shalt  }
0x7f: {  	_ =	shalt  }
0x80: {  	_ =	shalt  }
0x81: {  	_ =	shalt  }
0x82: {  	_ =	shalt  }
0x83: {  	_ =	shalt  }
0x84: {  	_ =	shalt  }
0x85: {  	_ =	shalt  }
0x86: {  	_ =	shalt  }
0x87: {  	_ =	shalt  }
.Lfunc_end0:
.L_simem_size_0:
called_computation_lowered:
.L_overlay_start_0:
0x88: {  	s2 =	sld [smem:$0x3FD9]  }
0x89: {  	s3 =	sld [smem:$0x3FFE];
	_ =	sdelay $0x1  }
0x8a: {  	s1 =	srdreg.scid  }
0x8b: {  	s0 =	sand.u32 $0x1, s1  }
0x8c: {  	s17 =	sshll.u32 s0, $0xA;
	s2 =	sadd.s32 s3, s2  }
0x8d: {  	s2 =	sadd.s32 s2, s17  }
0x8e: {  	[smem:$0x3FC5] =	sst s2  }
0x8f: {  	_ = 	snop  }
0x90: {  	s2 =	sld [smem:$0x3FC9]  }
0x91: {  	s18 =	sld [smem:$0x3FD0];
	(tm) =	ssettm $0x1  }
0x92: {  	s4 =	sld [smem:$0x3FFB];
	_ =	sdelay $0x3  }
0x93: {  	_ =	strace s4  }
0x94: {  	s4 =	sld [smem:$0x3FFC];
	_ =	sdelay $0x3  }
0x95: {  	_ =	strace s4  }
0x96: {  	s4 =	sld [smem:$0x3FFD];
	_ =	sdelay $0x3  }
0x97: {  	_ =	strace s4  }
0x98: {  	_ =	strace $0x8FFFFFFF  }
0x99: {  	s19 =	sld [smem:$0x3FDB];
	_ =	sdelay $0x1  }
0x9a: {  	s5 =	simm.s32 $_scs_section_size  }
0x9b: {  	s6 =	simm.s32 $_size__tile_overlayer_lowered;
	s7 =	simm.s32 $_tile_overlayer_lowered  }
0x9c: {  	s22 =	simm.s32 $0x1BFF;
	s21 =	sshll.u32 s7, $0x1;
	s4 =	sadd.s32 s5, s19  }
0x9d: {  	s8 =	simm.s32 $0x0;
	s20 =	sshll.u32 s6, $0x1;
	s6 =	sadd.s32 s21, s4  }
0x9e: {  	[timem:s8], [sflag:s22] =	dma.local [hbm:s6], s20  }
0x9f: {  	_ =	swait.ge [sflag:s22], s20  }
0xa0: {  	s5 =	ssub.s32 $0x0, s20;
	[sflag:s22] =	ssyncset.done $0x0  }
0xa1: {  	[sflag:s22] =	ssyncadd.s32 s5;
	_ =	sdelay $0x1  }
0xa2: {  	s23 =	simm.s32 $0x1B8B  }
0xa3: {  	_ =	swait.ge [sflag:s23], $0x1  }
0xa4: {  	[sflag:s23] =	ssyncset.done $0x0  }
0xa5: {  	s25 =	simm.s32 $0x1B8E;
	s24 =	sld [smem:$0x3FFE];
	[sflag:s23] =	ssyncadd.s32 $0xFFFFFFFF  }
0xa6: {  	s26 =	simm.s32 $execute0_lowered;
	[smem:$0x3FD2] =	sst s25  }
0xa7: {  	s6 =	sshll.u32 s26, $0x1;
	_ =	strace $0x80000046;
	[dreg:$0x1] =	wrdreg $0xFFFFFFFF  }
0xa8: {  	s28 =	simm.s32 $_size_execute0_lowered;
	s4 =	sadd.s32 s4, s6;
	[dreg:$0x0] =	wrdreg $0x0  }
0xa9: {  	s6 =	sshll.u32 s28, $0x1;
	[dreg:$0x2] =	wrdreg s4  }
0xaa: {  	[dreg:$0x3] =	wrdreg s6  }
0xab: {  	[dreg:$0x4] =	wrdreg $0xC0  }
0xac: {  	_ =	task [dreg:s8], $0x5FFFF  }
0xad: {  	[dreg:$0x1] =	wrdreg $0xFFFFFFFF  }
0xae: {  	[dreg:$0x0] =	wrdreg $0x60  }
0xaf: {  	[dreg:$0x2] =	wrdreg s2  }
0xb0: {  	[dreg:$0x3] =	wrdreg s18  }
0xb1: {  	[dreg:$0x4] =	wrdreg s24  }
0xb2: {  	[dreg:$0x5] =	wrdreg $0x0  }
0xb3: {  	[dreg:$0x6] =	wrdreg $0x9  }
0xb4: {  	_ =	task.clear_ibuf [dreg:s8], $0x7FFFF;
	_ =	strace $0x90000046  }
0xb5: {  	s29 =	simm.s32 $0x9;
	_ =	strace $0x80000048  }
0xb6: {  	_ =	swait.ge [sflag:s29], $0x1  }
0xb7: {  	[sflag:s29] =	ssyncadd.s32 $0xFFFFFFFF  }
0xb8: {  	_ =	strace $0x90000048  }
0xb9: {  	_ =	sfence  }
0xba: {  	s30 =	sld [smem:$0x0];
	_ =	sdelay $0x2  }
0xbb: {  	s31 =	sshll.u32 s1, $0xD;
	s1 =	sshrl.u32 s1, $0x2  }
0xbc: {  	s3 =	sand.u32 $0x4000, s31;
	s1 =	sadd.s32 s1, s30  }
0xbd: {  	s0 =	sor.u32 s3, s0;
	s1 =	sshll.u32 s1, $0x11  }
0xbe: {  	s0 =	sor.u32 s1, s0  }
0xbf: {  	s0 =	sadd.s32 $0x8F2B, s0  }
0xc0: {  	[sflag:s0] =	ssyncadd.remote.s32 $0x1  }
0xc1: {  	_ =	sfence.sel $0xFFFF  }
0xc2: {  	[dreg:$0x0] =	wrdreg $0xFFFFFFFF;
	(pc) =	sbr.abs _section_cstart, $3  }
0xc3: {  	[dreg:$0x1] =	wrdreg $0xFFFFFFFF  }
0xc4: {  	_ =	task.clear_ibuf [dreg:s8], $0x2FFFF;
	_ =	strace $0x9FFFFFFF  }
0xc5: {  	(tm) =	ssettm $0x7FFFFFFF  }
tec
execute0_lowered:
.L_overlay_start_1:
0x0: {  	(tag) =	ssettag $0x1  }
0x1: {  	s1 =	rddreg [dreg:$0x0]  }
0x2: {  	s2 =	rddreg [dreg:$0x1]  }
0x3: {  	s4 =	rddreg [dreg:$0x2];
	s0 =	srdreg.scid  }
0x4: {  	s15 =	stileid.u32;
	s5 =	rddreg [dreg:$0x3]  }
0x5: {  	s6 =	simm.s32 $0x0;
	s29 =	simm.s32 $0x80;
	s30 =	simm.s32 $0x14100  }
0x6: {  	s31 =	simm.s32 $0x14280;
	s28 =	simm.s32 $0x4;
	s3 =	smul.u32 $0x280, s15  }
0x7: {  	s0 =	sand.u32 $0x1, s0;
	[smem:$0x7FF] =	sst s6;
	s21 =	smul.u32 $0x50000, s15  }
0x8: {  	s20 =	sshll.u32 s15, $0x1;
	s15 =	sand.u32 $0x3, s15;
	s7 =	smul.u32 $0x2800, s0  }
0x9: {  	_ =	strace $0x80000047;
	s8 =	sor.u32 s0, s20;
	s0 =	ssub.s32 $0x2, s0  }
0xa: {  	p0 =	sne.s32 s15, $0x0;
	p1 =	sne.s32 s15, $0x1;
	s14 =	smul.u32 $0x50, s8  }
0xb: {  	p2 =	sne.s32 s15, $0x2;
	s15 =	simm.s32 $0x0;
	s12 =	smul.u32 $0xA00, s8  }
0xc: {  	s9 =	sshrl.u32 s0, $0x1;
	s13 =	smul.u32 $0x500, s8;
	s3 =	sadd.s32 s3, s7  }
0xd: {  	s7 =	sshrl.u32 s21, $0x2;
	s0 =	ssub.s32 s0, s9;
	s3 =	sshll.u32 s3, $0x4  }
0xe: {  	s7 =	sadd.s32 s7, s5;
	s12 =	sadd.s32 s2, s12;
	s13 =	sadd.s32 s4, s13  }
0xf: {  	s17 =	sor.u32 $0x3, s14;
	s0 =	smax.u32 s0, $0x1;
	s3 =	sadd.s32 s3, s4  }
0x10: {  	s8 =	sadd.s32 $0x4000, s7;
	s16 =	sadd.s32 $0x20, s12;
	[dreg:$0xc] =	wrdreg s0  }
0x11: {  	s9 =	sadd.s32 $0x8000, s7;
	s22 =	sadd.s32 $0x10, s13;
	[dreg:$0x5] =	wrdreg s16  }
0x12: {  	s10 =	sadd.s32 $0xC000, s7;
	[dreg:$0x6] =	wrdreg s22;
	s23 =	sadd.s32 $0xA000, s3  }
0x13: {  	s11 =	sadd.s32 $0x10000, s7;
	s24 =	sadd.s32 $0xA800, s3;
	[dreg:$0x7] =	wrdreg s23  }
0x14: {  	s0 =	simm.s32 @!p2 $0x0;
	s25 =	sadd.s32 $0xB000, s3;
	[dreg:$0x8] =	wrdreg s24  }
.Ltmp0:
0x15: {  	s26 =	sadd.s32 $0xB800, s3;
	[dreg:$0x9] =	wrdreg s25;
	(pc) =	sbr.rel .LBB2_1-.Ltmp0, $4  }
0x16: {  	s16 =	sor.u32 $0x2, s14;
	s3 =	sadd.s32 $0xC000, s3;
	[dreg:$0xa] =	wrdreg s26  }
0x17: {  	s0 =	simm.s32 @p2 $0x1;
	s14 =	simm.s32 $0x6;
	[dreg:$0xb] =	wrdreg s3  }
0x18: {  	s24 =	simm.s32 $0x14300;
	[smem:$0x7FD] =	sst s0;
	s25 =	simm.s32 $0x7  }
0x19: {  	v0 =	vimm.f32 $0.0e+00;
	s3 =	simm.s32 $0x1;
	s0 =	simm.s32 $0x18300;
	s26 =	simm.s32 $0x14080  }
.LBB2_19:
0x1a: {  	s18 =	stileid.u32  }
0x1b: {  	[bflag:$0x0] =	sbarrier.arrive $0xFFFF;
	s18 =	sshll.u32 s18, $0x6  }
0x1c: {  	s19 =	sshrl.u32 s7, $0x3;
	s20 =	rddreg [dreg:$0x7];
	s18 =	sor.u32 $0x1C07, s18  }
0x1d: {  	[hbm:s20], [sflag:s18] =	dma.local [spmem:s19], $0x800  }
0x1e: {  	_ =	swait.ge [sflag:s25], $0x800  }
0x1f: {  	[sflag:s25] =	ssyncset.done $0x0  }
0x20: {  	s22 =	sshrl.u32 s8, $0x3;
	s23 =	rddreg [dreg:$0x8];
	[sflag:s25] =	ssyncadd.s32 $0xFFFFF800  }
0x21: {  	[hbm:s23], [sflag:s18] =	dma.local [spmem:s22], $0x800  }
0x22: {  	_ =	swait.ge [sflag:s25], $0x800  }
0x23: {  	[sflag:s25] =	ssyncset.done $0x0  }
0x24: {  	s20 =	sshrl.u32 s9, $0x3;
	s21 =	rddreg [dreg:$0x9];
	[sflag:s25] =	ssyncadd.s32 $0xFFFFF800  }
0x25: {  	[hbm:s21], [sflag:s18] =	dma.local [spmem:s20], $0x800  }
0x26: {  	_ =	swait.ge [sflag:s25], $0x800  }
0x27: {  	[sflag:s25] =	ssyncset.done $0x0  }
0x28: {  	s22 =	sshrl.u32 s10, $0x3;
	s23 =	rddreg [dreg:$0xa];
	[sflag:s25] =	ssyncadd.s32 $0xFFFFF800  }
0x29: {  	[hbm:s23], [sflag:s18] =	dma.local [spmem:s22], $0x800  }
0x2a: {  	_ =	swait.ge [sflag:s25], $0x800  }
0x2b: {  	[sflag:s25] =	ssyncset.done $0x0  }
0x2c: {  	s21 =	sshrl.u32 s11, $0x3;
	s22 =	rddreg [dreg:$0xb];
	[sflag:s25] =	ssyncadd.s32 $0xFFFFF800  }
0x2d: {  	[hbm:s22], [sflag:s18] =	dma.local [spmem:s21], $0x800  }
0x2e: {  	_ =	swait.ge [sflag:s25], $0x800  }
0x2f: {  	s15 =	sadd.s32 $0x1, s15;
	s23 =	rddreg [dreg:$0xc]  }
0x30: {  	p2 =	sne.s32 s15, s23  }
.Ltmp1:
0x31: {  	_ = 	snop;
	(pc) =	sbr.rel @!p2 .LBB2_20-.Ltmp1, $3  }
0x32: {  	_ =	sdelay $0x1  }
0x33: {  	[sflag:s25] =	ssyncset.done $0x0  }
0x34: {  	[sflag:s25] =	ssyncadd.s32 $0xFFFFF800  }
.LBB2_1:
0x35: {  	s18 =	simm.s32 $0x0;
	s19 =	simm.s32 $0x200  }
.LBB2_2:
0x36: {  	p2 =	sne.s32 s19, $0xFE00;
	[tilespmem:s18+$0x14370] =	vst v0  }
0x37: {  	[tilespmem:s18+$0x14300] =	vst v0  }
0x38: {  	[tilespmem:s18+$0x14310] =	vst v0  }
.Ltmp2:
0x39: {  	[tilespmem:s18+$0x14320] =	vst v0;
	(pc) =	sbr.rel @p2 .LBB2_2-.Ltmp2, $4  }
0x3a: {  	[tilespmem:s18+$0x14330] =	vst v0  }
0x3b: {  	[tilespmem:s18+$0x14340] =	vst v0  }
0x3c: {  	[tilespmem:s18+$0x14350] =	vst v0  }
0x3d: {  	[tilespmem:s18+$0x14360] =	vst v0;
	s18 =	sshra.s32 s19, $0x2;
	s19 =	sadd.s32 $0x200, s19  }
0x3e: {  	[tilespmem:s18+$0x14370] =	vst v0  }
0x3f: {  	[tilespmem:s18+$0x14300] =	vst v0  }
0x40: {  	[tilespmem:s18+$0x14310] =	vst v0  }
0x41: {  	[tilespmem:s18+$0x14320] =	vst v0  }
0x42: {  	[tilespmem:s18+$0x14330] =	vst v0  }
0x43: {  	[tilespmem:s18+$0x14340] =	vst v0  }
0x44: {  	[tilespmem:s18+$0x14350] =	vst v0  }
0x45: {  	[tilespmem:s18+$0x14360] =	vst v0  }
0x46: {  	[spmem:s7] =	stream.linear.scatter [tilespmem:s24], [sflag:$0x7], $0x4000, $0x38;
	[tilespmem:$0x1C300] =	vst v63  }
0x47: {  	_ =	swait.ge [sflag:s25], $0x4000  }
0x48: {  	[sflag:s25] =	ssyncset.done $0x0  }
0x49: {  	[sflag:s25] =	ssyncadd.s32 $0xFFFFC000  }
0x4a: {  	[spmem:s8] =	stream.linear.scatter [tilespmem:s24], [sflag:$0x7], $0x4000, $0x38;
	[tilespmem:$0x1C300] =	vst v63  }
0x4b: {  	_ =	swait.ge [sflag:s25], $0x4000  }
0x4c: {  	[sflag:s25] =	ssyncset.done $0x0  }
0x4d: {  	[sflag:s25] =	ssyncadd.s32 $0xFFFFC000  }
0x4e: {  	[spmem:s9] =	stream.linear.scatter [tilespmem:s24], [sflag:$0x7], $0x4000, $0x38;
	[tilespmem:$0x1C300] =	vst v63  }
0x4f: {  	_ =	swait.ge [sflag:s25], $0x4000  }
0x50: {  	[sflag:s25] =	ssyncset.done $0x0  }
0x51: {  	[sflag:s25] =	ssyncadd.s32 $0xFFFFC000  }
0x52: {  	[spmem:s10] =	stream.linear.scatter [tilespmem:s24], [sflag:$0x7], $0x4000, $0x38;
	[tilespmem:$0x1C300] =	vst v63  }
0x53: {  	_ =	swait.ge [sflag:s25], $0x4000  }
0x54: {  	[sflag:s25] =	ssyncset.done $0x0  }
0x55: {  	[sflag:s25] =	ssyncadd.s32 $0xFFFFC000  }
0x56: {  	[spmem:s11] =	stream.linear.scatter [tilespmem:s24], [sflag:$0x7], $0x4000, $0x38;
	[tilespmem:$0x1C300] =	vst v63  }
0x57: {  	_ =	swait.ge [sflag:s25], $0x4000  }
0x58: {  	[sflag:s25] =	ssyncset.done $0x0  }
0x59: {  	[sflag:s25] =	ssyncadd.s32 $0xFFFFC000  }
0x5a: {  	s18 =	simm.s32 $0x0;
	s19 =	simm.s32 $0x14000;
	[bflag:$0x0] =	sbarrier.arrive $0xFFFF  }
0x5b: {  	[tilespmem:s19], [sflag:$0x7] =	stream.linear.gather [hbm4b:s12+s18], $0x100, $0x38;
	[tilespmem:$0x1C300] =	vst v63  }
0x5c: {  	_ =	swait.ge [sflag:s25], $0x100  }
0x5d: {  	[sflag:s25] =	ssyncset.done $0x0  }
0x5e: {  	s20 =	simm.s32 $0x14200;
	[sflag:s25] =	ssyncadd.s32 $0xFFFFFF00  }
0x5f: {  	[tilespmem:s20], [sflag:$0x7] =	stream.linear.gather [hbm4b:s13+s18], $0x80, $0x38;
	[tilespmem:$0x1C300] =	vst v63  }
0x60: {  	_ =	swait.ge [sflag:s25], $0x80  }
0x61: {  	[sflag:s25] =	ssyncset.done $0x0  }
0x62: {  	[sflag:s25] =	ssyncadd.s32 $0xFFFFFF80  }
0x63: {  	[tilespmem:s24], [sflag:$0x1] =	stream.indirect.gather [hbm4b:s1+s29], $0x80, s19, s29, $0xb8;
	[tilespmem:$0x1C300] =	vst v63  }
0x64: {  	s22 =	rddreg [dreg:$0x5]  }
0x65: {  	[tilespmem:s30], [sflag:$0x4] =	stream.linear.gather [hbm4b:s22+s18], $0x100, $0x38;
	[tilespmem:$0x1C300] =	vst v63  }
0x66: {  	s23 =	rddreg [dreg:$0x6]  }
0x67: {  	[tilespmem:s31], [sflag:$0x6] =	stream.linear.gather [hbm4b:s23+s18], $0x80, $0x38;
	[tilespmem:$0x1C300] =	vst v63  }
.LBB2_4:
0x68: {  	_ =	swait.ge [sflag:s3], $0x4000  }
0x69: {  	[sflag:s3] =	ssyncset.done $0x0  }
0x6a: {  	[sflag:s3] =	ssyncadd.s32 $0xFFFFC000  }
0x6b: {  	_ =	swait.ge [sflag:s28], $0x100  }
0x6c: {  	p2 =	seq.s32 s18, $0x0;
	[sflag:s28] =	ssyncset.done $0x0  }
0x6d: {  	s19 =	simm.s32 @!p2 $0x5;
	[sflag:s28] =	ssyncadd.s32 $0xFFFFFF00  }
0x6e: {  	[tilespmem:s0], [sflag:$0x2] =	stream.indirect.gather [hbm4b:s1+s29], $0x80, s30, s29, $0xb8;
	[tilespmem:$0x1C300] =	vst v63  }
0x6f: {  	_ =	swait.ge @!p2 [sflag:s19], $0x80  }
0x70: {  	s20 =	simm.s32 $0x0;
	[sflag:s19] =	ssyncset.done @!p2 $0x0  }
0x71: {  	s22 =	sand.u32 $0x3FFFFFF0, s20;
	[sflag:s19] =	ssyncadd.s32 @!p2 $0xFFFFFF80  }
0x72: {  	s23 =	simm.s32 $0x0;
	v1 =	vld [tilespmem:s22+$0x14200]  }
0x73: {  	s20 =	sand.u32 $0x3FFFF800, s23  }
0x74: {  	v3 =	vld [tilespmem:s20+$0x14320]  }
0x75: {  	v4 =	vld [tilespmem:s20+$0x14330]  }
0x76: {  	v10 =	vld [tilespmem:s20+$0x14360]  }
0x77: {  	v11 =	vld [tilespmem:s20+$0x14370];
	v2 =	vbroadcast v1, $0x0  }
0x78: {  	v12 =	vld [tilespmem:s20+$0x14380]  }
0x79: {  	v13 =	vld [tilespmem:s20+$0x14390];
	v3 =	vmul.f32 v3, v2  }
0x7a: {  	v14 =	vld [tilespmem:s20+$0x143A0];
	v4 =	vmul.f32 v4, v2  }
0x7b: {  	v9 =	vld [tilespmem:s20+$0x143B0];
	v23 =	vbroadcast v1, $0x1;
	v22 =	vmul.f32 v10, v2;
	[tilespmem:s20+$0x14320] =	vst v3  }
0x7c: {  	v7 =	vld [tilespmem:s20+$0x143C0];
	v11 =	vmul.f32 v11, v2;
	[tilespmem:s20+$0x14330] =	vst v4  }
0x7d: {  	v8 =	vld [tilespmem:s20+$0x143D0];
	v12 =	vmul.f32 v12, v23;
	[tilespmem:s20+$0x14360] =	vst v22  }
0x7e: {  	v25 =	vld [tilespmem:s20+$0x143F0];
	v13 =	vmul.f32 v13, v23;
	[tilespmem:s20+$0x14370] =	vst v11  }
0x7f: {  	v26 =	vld [tilespmem:s20+$0x14400];
	v14 =	vmul.f32 v14, v23;
	[tilespmem:s20+$0x14380] =	vst v12  }
0x80: {  	v27 =	vld [tilespmem:s20+$0x14410];
	v9 =	vmul.f32 v9, v23;
	[tilespmem:s20+$0x14390] =	vst v13  }
0x81: {  	v6 =	vld [tilespmem:s20+$0x14870];
	v7 =	vmul.f32 v7, v23;
	[tilespmem:s20+$0x143A0] =	vst v14  }
0x82: {  	v24 =	vld [tilespmem:s20+$0x143E0];
	v15 =	vbroadcast v1, $0x2;
	v8 =	vmul.f32 v8, v23;
	[tilespmem:s20+$0x143B0] =	vst v9  }
0x83: {  	v28 =	vld [tilespmem:s20+$0x14420];
	v10 =	vmul.f32 v25, v23;
	[tilespmem:s20+$0x143C0] =	vst v7  }
0x84: {  	v29 =	vld [tilespmem:s20+$0x14430];
	v5 =	vbroadcast v1, $0xA;
	v32 =	vmul.f32 v26, v15;
	[tilespmem:s20+$0x143D0] =	vst v8  }
0x85: {  	v30 =	vld [tilespmem:s20+$0x14440];
	v34 =	vmul.f32 v27, v15;
	[tilespmem:s20+$0x143F0] =	vst v10  }
0x86: {  	v33 =	vld [tilespmem:s20+$0x14460];
	v3 =	vmul.f32 v6, v5;
	[tilespmem:s20+$0x14400] =	vst v32  }
0x87: {  	v35 =	vld [tilespmem:s20+$0x14470];
	v11 =	vmul.f32 v24, v23;
	[tilespmem:s20+$0x14410] =	vst v34  }
0x88: {  	v36 =	vld [tilespmem:s20+$0x14480];
	v9 =	vmul.f32 v28, v15;
	[tilespmem:s20+$0x14870] =	vst v3  }
0x89: {  	v31 =	vld [tilespmem:s20+$0x14450];
	v7 =	vmul.f32 v29, v15;
	[tilespmem:s20+$0x143E0] =	vst v11  }
0x8a: {  	v37 =	vld [tilespmem:s20+$0x14490];
	v8 =	vmul.f32 v30, v15;
	[tilespmem:s20+$0x14420] =	vst v9  }
0x8b: {  	v38 =	vld [tilespmem:s20+$0x144A0];
	v41 =	vbroadcast v1, $0x3;
	v10 =	vmul.f32 v33, v15;
	[tilespmem:s20+$0x14430] =	vst v7  }
0x8c: {  	v39 =	vld [tilespmem:s20+$0x144B0];
	v12 =	vmul.f32 v35, v15;
	[tilespmem:s20+$0x14440] =	vst v8  }
0x8d: {  	v42 =	vld [tilespmem:s20+$0x144D0];
	v13 =	vmul.f32 v36, v41;
	[tilespmem:s20+$0x14460] =	vst v10  }
0x8e: {  	v43 =	vld [tilespmem:s20+$0x144E0];
	v11 =	vmul.f32 v31, v15;
	[tilespmem:s20+$0x14470] =	vst v12  }
0x8f: {  	v44 =	vld [tilespmem:s20+$0x144F0];
	v9 =	vmul.f32 v37, v41;
	[tilespmem:s20+$0x14480] =	vst v13  }
0x90: {  	v40 =	vld [tilespmem:s20+$0x144C0];
	v7 =	vmul.f32 v38, v41;
	[tilespmem:s20+$0x14450] =	vst v11  }
0x91: {  	v45 =	vld [tilespmem:s20+$0x14500];
	v8 =	vmul.f32 v39, v41;
	[tilespmem:s20+$0x14490] =	vst v9  }
0x92: {  	v46 =	vld [tilespmem:s20+$0x14510];
	v10 =	vmul.f32 v42, v41;
	[tilespmem:s20+$0x144A0] =	vst v7  }
0x93: {  	v47 =	vld [tilespmem:s20+$0x14520];
	v12 =	vmul.f32 v43, v41;
	[tilespmem:s20+$0x144B0] =	vst v8  }
0x94: {  	v49 =	vld [tilespmem:s20+$0x14540];
	v50 =	vbroadcast v1, $0x4;
	v13 =	vmul.f32 v44, v41;
	[tilespmem:s20+$0x144D0] =	vst v10  }
0x95: {  	v51 =	vld [tilespmem:s20+$0x14550];
	v11 =	vmul.f32 v40, v41;
	[tilespmem:s20+$0x144E0] =	vst v12  }
0x96: {  	v52 =	vld [tilespmem:s20+$0x14560];
	v9 =	vmul.f32 v45, v50;
	[tilespmem:s20+$0x144F0] =	vst v13  }
0x97: {  	v48 =	vld [tilespmem:s20+$0x14530];
	v7 =	vmul.f32 v46, v50;
	[tilespmem:s20+$0x144C0] =	vst v11  }
0x98: {  	v53 =	vld [tilespmem:s20+$0x14570];
	v8 =	vmul.f32 v47, v50;
	[tilespmem:s20+$0x14500] =	vst v9  }
0x99: {  	v54 =	vld [tilespmem:s20+$0x14580];
	v10 =	vmul.f32 v49, v50;
	[tilespmem:s20+$0x14510] =	vst v7  }
0x9a: {  	v55 =	vld [tilespmem:s20+$0x14590];
	v12 =	vmul.f32 v51, v50;
	[tilespmem:s20+$0x14520] =	vst v8  }
0x9b: {  	v57 =	vld [tilespmem:s20+$0x145B0];
	v13 =	vmul.f32 v52, v50;
	[tilespmem:s20+$0x14540] =	vst v10  }
0x9c: {  	v58 =	vld [tilespmem:s20+$0x145C0];
	v59 =	vbroadcast v1, $0x5;
	v11 =	vmul.f32 v48, v50;
	[tilespmem:s20+$0x14550] =	vst v12  }
0x9d: {  	v60 =	vld [tilespmem:s20+$0x145D0];
	v9 =	vmul.f32 v53, v50;
	[tilespmem:s20+$0x14560] =	vst v13  }
0x9e: {  	v56 =	vld [tilespmem:s20+$0x145A0];
	v7 =	vmul.f32 v54, v59;
	[tilespmem:s20+$0x14530] =	vst v11  }
0x9f: {  	v61 =	vld [tilespmem:s20+$0x145E0];
	v8 =	vmul.f32 v55, v59;
	[tilespmem:s20+$0x14570] =	vst v9  }
0xa0: {  	v62 =	vld [tilespmem:s20+$0x145F0];
	v10 =	vmul.f32 v57, v59;
	[tilespmem:s20+$0x14580] =	vst v7  }
0xa1: {  	v63 =	vld [tilespmem:s20+$0x14600];
	v12 =	vmul.f32 v58, v59;
	[tilespmem:s20+$0x14590] =	vst v8  }
0xa2: {  	v19 =	vld [tilespmem:s20+$0x14620];
	v13 =	vmul.f32 v60, v59;
	[tilespmem:s20+$0x145B0] =	vst v10  }
0xa3: {  	v20 =	vld [tilespmem:s20+$0x14630];
	v11 =	vmul.f32 v56, v59;
	[tilespmem:s20+$0x145C0] =	vst v12  }
0xa4: {  	v21 =	vld [tilespmem:s20+$0x14640];
	v22 =	vbroadcast v1, $0x6;
	v9 =	vmul.f32 v61, v59;
	[tilespmem:s20+$0x145D0] =	vst v13  }
0xa5: {  	v18 =	vld [tilespmem:s20+$0x14610];
	v7 =	vmul.f32 v62, v59;
	[tilespmem:s20+$0x145A0] =	vst v11  }
0xa6: {  	v23 =	vld [tilespmem:s20+$0x14650];
	v8 =	vmul.f32 v63, v22;
	[tilespmem:s20+$0x145E0] =	vst v9  }
0xa7: {  	v24 =	vld [tilespmem:s20+$0x14660];
	v10 =	vmul.f32 v19, v22;
	[tilespmem:s20+$0x145F0] =	vst v7  }
0xa8: {  	v25 =	vld [tilespmem:s20+$0x14670];
	v12 =	vmul.f32 v20, v22;
	[tilespmem:s20+$0x14600] =	vst v8  }
0xa9: {  	v27 =	vld [tilespmem:s20+$0x14690];
	v13 =	vmul.f32 v21, v22;
	[tilespmem:s20+$0x14620] =	vst v10  }
0xaa: {  	v28 =	vld [tilespmem:s20+$0x146A0];
	v11 =	vmul.f32 v18, v22;
	[tilespmem:s20+$0x14630] =	vst v12  }
0xab: {  	v29 =	vld [tilespmem:s20+$0x146B0];
	v9 =	vmul.f32 v23, v22;
	[tilespmem:s20+$0x14640] =	vst v13  }
0xac: {  	v31 =	vbroadcast v1, $0x7;
	v53 =	vld [tilespmem:s20+$0x14800];
	v7 =	vmul.f32 v24, v22;
	[tilespmem:s20+$0x14610] =	vst v11  }
0xad: {  	v57 =	vld [tilespmem:s20+$0x14840];
	v8 =	vmul.f32 v25, v22;
	[tilespmem:s20+$0x14650] =	vst v9  }
0xae: {  	v58 =	vld [tilespmem:s20+$0x14850];
	v10 =	vmul.f32 v27, v31;
	[tilespmem:s20+$0x14660] =	vst v7  }
0xaf: {  	v26 =	vld [tilespmem:s20+$0x14680];
	v12 =	vmul.f32 v28, v31;
	[tilespmem:s20+$0x14670] =	vst v8  }
0xb0: {  	v30 =	vld [tilespmem:s20+$0x146C0];
	v13 =	vmul.f32 v29, v31;
	[tilespmem:s20+$0x14690] =	vst v10  }
0xb1: {  	v32 =	vld [tilespmem:s20+$0x146D0];
	v59 =	vmul.f32 v53, v5;
	[tilespmem:s20+$0x146A0] =	vst v12  }
0xb2: {  	v33 =	vld [tilespmem:s20+$0x146E0];
	v18 =	vmul.f32 v57, v5;
	[tilespmem:s20+$0x146B0] =	vst v13  }
0xb3: {  	v35 =	vld [tilespmem:s20+$0x14700];
	v20 =	vmul.f32 v58, v5;
	[tilespmem:s20+$0x14800] =	vst v59  }
0xb4: {  	v36 =	vld [tilespmem:s20+$0x14710];
	v11 =	vmul.f32 v26, v31;
	[tilespmem:s20+$0x14840] =	vst v18  }
0xb5: {  	v37 =	vld [tilespmem:s20+$0x14720];
	v9 =	vmul.f32 v30, v31;
	[tilespmem:s20+$0x14850] =	vst v20  }
0xb6: {  	v4 =	vld [tilespmem:s20+$0x14880];
	v40 =	vbroadcast v1, $0x8;
	v7 =	vmul.f32 v32, v31;
	[tilespmem:s20+$0x14680] =	vst v11  }
0xb7: {  	v6 =	vld [tilespmem:s20+$0x14890];
	v8 =	vmul.f32 v33, v31;
	[tilespmem:s20+$0x146C0] =	vst v9  }
0xb8: {  	v3 =	vld [tilespmem:s20+$0x14AD0];
	v10 =	vmul.f32 v35, v40;
	[tilespmem:s20+$0x146D0] =	vst v7  }
0xb9: {  	v61 =	vld [tilespmem:s20+$0x14300];
	v23 =	vbroadcast v1, $0xB;
	v12 =	vmul.f32 v36, v40;
	[tilespmem:s20+$0x146E0] =	vst v8  }
0xba: {  	v34 =	vld [tilespmem:s20+$0x146F0];
	v13 =	vmul.f32 v37, v40;
	[tilespmem:s20+$0x14700] =	vst v10  }
0xbb: {  	v38 =	vld [tilespmem:s20+$0x14730];
	v27 =	vbroadcast v1, $0xF;
	v4 =	vmul.f32 v4, v23;
	[tilespmem:s20+$0x14710] =	vst v12  }
0xbc: {  	v39 =	vld [tilespmem:s20+$0x14740];
	v6 =	vmul.f32 v6, v23;
	[tilespmem:s20+$0x14720] =	vst v13  }
0xbd: {  	v41 =	vld [tilespmem:s20+$0x14750];
	v3 =	vmul.f32 v3, v27;
	[tilespmem:s20+$0x14880] =	vst v4  }
0xbe: {  	v43 =	vld [tilespmem:s20+$0x14770];
	v24 =	vmul.f32 v2, v61;
	[tilespmem:s20+$0x14890] =	vst v6  }
0xbf: {  	v44 =	vld [tilespmem:s20+$0x14780];
	v11 =	vmul.f32 v34, v31;
	[tilespmem:s20+$0x14AD0] =	vst v3  }
0xc0: {  	v45 =	vld [tilespmem:s20+$0x14790];
	v9 =	vmul.f32 v38, v40;
	[tilespmem:s20+$0x14300] =	vst v24  }
0xc1: {  	v63 =	vld [tilespmem:s20+$0x14340];
	v7 =	vmul.f32 v39, v40;
	[tilespmem:s20+$0x146F0] =	vst v11  }
0xc2: {  	v49 =	vbroadcast v1, $0x9;
	v29 =	vld [tilespmem:s20+$0x148F0];
	v8 =	vmul.f32 v41, v40;
	[tilespmem:s20+$0x14730] =	vst v9  }
0xc3: {  	v42 =	vld [tilespmem:s20+$0x14760];
	v10 =	vmul.f32 v43, v40;
	[tilespmem:s20+$0x14740] =	vst v7  }
0xc4: {  	v46 =	vld [tilespmem:s20+$0x147A0];
	v12 =	vmul.f32 v44, v49;
	[tilespmem:s20+$0x14750] =	vst v8  }
0xc5: {  	v47 =	vld [tilespmem:s20+$0x147B0];
	v13 =	vmul.f32 v45, v49;
	[tilespmem:s20+$0x14770] =	vst v10  }
0xc6: {  	v48 =	vld [tilespmem:s20+$0x147C0];
	v3 =	vmul.f32 v63, v2;
	[tilespmem:s20+$0x14780] =	vst v12  }
0xc7: {  	v51 =	vld [tilespmem:s20+$0x147E0];
	v6 =	vmul.f32 v29, v23;
	[tilespmem:s20+$0x14790] =	vst v13  }
0xc8: {  	v52 =	vld [tilespmem:s20+$0x147F0];
	v11 =	vmul.f32 v42, v40;
	[tilespmem:s20+$0x14340] =	vst v3  }
0xc9: {  	v28 =	vld [tilespmem:s20+$0x148E0];
	v9 =	vmul.f32 v46, v49;
	[tilespmem:s20+$0x148F0] =	vst v6  }
0xca: {  	v26 =	vld [tilespmem:s20+$0x148D0];
	v7 =	vmul.f32 v47, v49;
	[tilespmem:s20+$0x14760] =	vst v11  }
0xcb: {  	v30 =	vld [tilespmem:s20+$0x14900];
	v8 =	vmul.f32 v48, v49;
	[tilespmem:s20+$0x147A0] =	vst v9  }
0xcc: {  	v50 =	vld [tilespmem:s20+$0x147D0];
	v10 =	vmul.f32 v51, v49;
	[tilespmem:s20+$0x147B0] =	vst v7  }
0xcd: {  	v54 =	vld [tilespmem:s20+$0x14810];
	v12 =	vmul.f32 v52, v49;
	[tilespmem:s20+$0x147C0] =	vst v8  }
0xce: {  	v55 =	vld [tilespmem:s20+$0x14820];
	v35 =	vbroadcast v1, $0xC;
	v40 =	vmul.f32 v28, v23;
	[tilespmem:s20+$0x147E0] =	vst v10  }
0xcf: {  	v56 =	vld [tilespmem:s20+$0x14830];
	v32 =	vmul.f32 v26, v23;
	[tilespmem:s20+$0x147F0] =	vst v12  }
0xd0: {  	v60 =	vld [tilespmem:s20+$0x14860];
	v15 =	vmul.f32 v30, v35;
	[tilespmem:s20+$0x148E0] =	vst v40  }
0xd1: {  	v62 =	vld [tilespmem:s20+$0x14310];
	v11 =	vmul.f32 v50, v49;
	[tilespmem:s20+$0x148D0] =	vst v32  }
0xd2: {  	v19 =	vld [tilespmem:s20+$0x14350];
	v9 =	vmul.f32 v54, v5;
	[tilespmem:s20+$0x14900] =	vst v15  }
0xd3: {  	v33 =	vld [tilespmem:s20+$0x14930];
	v7 =	vmul.f32 v55, v5;
	[tilespmem:s20+$0x147D0] =	vst v11  }
0xd4: {  	v61 =	vld [tilespmem:s20+$0x14AF0];
	v8 =	vmul.f32 v56, v5;
	[tilespmem:s20+$0x14810] =	vst v9  }
0xd5: {  	v38 =	vld [tilespmem:s20+$0x14970];
	v5 =	vmul.f32 v60, v5;
	[tilespmem:s20+$0x14820] =	vst v7  }
0xd6: {  	v21 =	vld [tilespmem:s20+$0x148A0];
	v12 =	vmul.f32 v62, v2;
	[tilespmem:s20+$0x14830] =	vst v8  }
0xd7: {  	v22 =	vld [tilespmem:s20+$0x148B0];
	v2 =	vmul.f32 v19, v2;
	[tilespmem:s20+$0x14860] =	vst v5  }
0xd8: {  	v25 =	vld [tilespmem:s20+$0x148C0];
	v62 =	vmul.f32 v33, v35;
	[tilespmem:s20+$0x14310] =	vst v12  }
0xd9: {  	v31 =	vld [tilespmem:s20+$0x14910];
	v63 =	vmul.f32 v61, v27;
	[tilespmem:s20+$0x14350] =	vst v2  }
0xda: {  	v34 =	vld [tilespmem:s20+$0x14940];
	v15 =	vmul.f32 v38, v35;
	[tilespmem:s20+$0x14930] =	vst v62  }
0xdb: {  	v41 =	vld [tilespmem:s20+$0x149A0];
	v7 =	vmul.f32 v21, v23;
	[tilespmem:s20+$0x14AF0] =	vst v63  }
0xdc: {  	v46 =	vld [tilespmem:s20+$0x149E0];
	v8 =	vmul.f32 v22, v23;
	[tilespmem:s20+$0x14970] =	vst v15  }
0xdd: {  	v36 =	vld [tilespmem:s20+$0x14950];
	v5 =	vmul.f32 v25, v23;
	[tilespmem:s20+$0x148A0] =	vst v7  }
0xde: {  	v44 =	vbroadcast v1, $0xD;
	v9 =	vmul.f32 v31, v35;
	v2 =	vld [tilespmem:s20+$0x14990];
	[tilespmem:s20+$0x148B0] =	vst v8  }
0xdf: {  	v37 =	vld [tilespmem:s20+$0x14960];
	v12 =	vmul.f32 v34, v35;
	[tilespmem:s20+$0x148C0] =	vst v5  }
0xe0: {  	v39 =	vld [tilespmem:s20+$0x14980];
	v11 =	vmul.f32 v41, v44;
	[tilespmem:s20+$0x14910] =	vst v9  }
0xe1: {  	v42 =	vld [tilespmem:s20+$0x149B0];
	v51 =	vmul.f32 v46, v44;
	[tilespmem:s20+$0x14940] =	vst v12  }
0xe2: {  	v48 =	vld [tilespmem:s20+$0x14A10];
	v8 =	vmul.f32 v36, v35;
	[tilespmem:s20+$0x149A0] =	vst v11  }
0xe3: {  	v49 =	vld [tilespmem:s20+$0x14A20];
	[tilespmem:s20+$0x149E0] =	vst v51;
	v2 =	vmul.f32 v2, v44  }
0xe4: {  	v50 =	vld [tilespmem:s20+$0x14A30];
	v5 =	vmul.f32 v37, v35;
	[tilespmem:s20+$0x14950] =	vst v8  }
0xe5: {  	v1 =	vbroadcast v1, $0xE;
	v9 =	vmul.f32 v39, v44;
	[tilespmem:s20+$0x14990] =	vst v2;
	v2 =	vld [tilespmem:s20+$0x14A00]  }
0xe6: {  	v60 =	vld [tilespmem:s20+$0x14AE0];
	v12 =	vmul.f32 v42, v44;
	[tilespmem:s20+$0x14960] =	vst v5  }
0xe7: {  	v45 =	vld [tilespmem:s20+$0x149D0];
	v11 =	vmul.f32 v48, v1;
	[tilespmem:s20+$0x14980] =	vst v9  }
0xe8: {  	v47 =	vld [tilespmem:s20+$0x149F0];
	v10 =	vmul.f32 v49, v1;
	[tilespmem:s20+$0x149B0] =	vst v12  }
0xe9: {  	v43 =	vld [tilespmem:s20+$0x149C0];
	v6 =	vmul.f32 v50, v1;
	[tilespmem:s20+$0x14A10] =	vst v11  }
0xea: {  	v55 =	vld [tilespmem:s20+$0x14A80];
	[tilespmem:s20+$0x14A20] =	vst v10;
	v2 =	vmul.f32 v2, v1  }
0xeb: {  	v57 =	vld [tilespmem:s20+$0x14AA0];
	v4 =	vmul.f32 v60, v27;
	[tilespmem:s20+$0x14A30] =	vst v6  }
0xec: {  	v5 =	vmul.f32 v45, v44;
	[tilespmem:s20+$0x14A00] =	vst v2;
	v2 =	vld [tilespmem:s20+$0x14A70]  }
0xed: {  	v52 =	vld [tilespmem:s20+$0x14A40];
	v9 =	vmul.f32 v47, v44;
	[tilespmem:s20+$0x14AE0] =	vst v4  }
0xee: {  	v56 =	vld [tilespmem:s20+$0x14A90];
	v8 =	vmul.f32 v43, v44;
	[tilespmem:s20+$0x149D0] =	vst v5  }
0xef: {  	v54 =	vld [tilespmem:s20+$0x14A60];
	v11 =	vmul.f32 v55, v27;
	[tilespmem:s20+$0x149F0] =	vst v9  }
0xf0: {  	v58 =	vld [tilespmem:s20+$0x14AB0];
	v6 =	vmul.f32 v57, v27;
	[tilespmem:s20+$0x149C0] =	vst v8  }
0xf1: {  	v53 =	vld [tilespmem:s20+$0x14A50];
	[tilespmem:s20+$0x14A80] =	vst v11;
	v2 =	vmul.f32 v2, v1  }
0xf2: {  	v59 =	vld [tilespmem:s20+$0x14AC0];
	v5 =	vmul.f32 v52, v1;
	[tilespmem:s20+$0x14AA0] =	vst v6  }
0xf3: {  	[tilespmem:s20+$0x14A70] =	vst v2;
	v2 =	vmul.f32 v56, v27  }
0xf4: {  	v3 =	vld [tilespmem:s20+$0x14920];
	v9 =	vmul.f32 v54, v1;
	[tilespmem:s20+$0x14A40] =	vst v5  }
0xf5: {  	[tilespmem:s20+$0x14A90] =	vst v2;
	v2 =	vmul.f32 v58, v27  }
0xf6: {  	[tilespmem:s20+$0x14A60] =	vst v9;
	v1 =	vmul.f32 v53, v1  }
0xf7: {  	[tilespmem:s20+$0x14AB0] =	vst v2;
	v2 =	vmul.f32 v59, v27  }
0xf8: {  	[tilespmem:s20+$0x14A50] =	vst v1  }
0xf9: {  	s21 =	simm.s32 $0x1;
	s19 =	sshll.u32 s18, $0x1;
	[tilespmem:s20+$0x14AC0] =	vst v2;
	v2 =	vmul.f32 v3, v35  }
.LBB2_5:
0xfa: {  	s22 =	sshll.u32 s21, $0x4  }
0xfb: {  	p3 =	sne.s32 s21, $0x7;
	[tilespmem:s20+$0x14920] =	vst v2;
	s20 =	smov.u32 s21;
	s21 =	sadd.s32 $0x1, s21  }
0xfc: {  	s22 =	sand.u32 $0x3FFFFFF0, s22  }
0xfd: {  	s20 =	sshll.u32 s20, $0xB;
	v1 =	vld [tilespmem:s22+$0x14200]  }
0xfe: {  	s20 =	sand.u32 $0x3FFFF800, s20  }
0xff: {  	v8 =	vld [tilespmem:s20+$0x143C0]  }
0x100: {  	v9 =	vld [tilespmem:s20+$0x143D0]  }
0x101: {  	v10 =	vld [tilespmem:s20+$0x143B0]  }
0x102: {  	v2 =	vbroadcast v1, $0x0;
	v3 =	vld [tilespmem:s20+$0x14320];
	v7 =	vbroadcast v1, $0x4  }
0x103: {  	v5 =	vld [tilespmem:s20+$0x14330]  }
0x104: {  	v6 =	vld [tilespmem:s20+$0x14870]  }
0x105: {  	v11 =	vld [tilespmem:s20+$0x14360]  }
0x106: {  	v12 =	vld [tilespmem:s20+$0x14370]  }
0x107: {  	v4 =	vbroadcast v1, $0xA;
	v3 =	vmul.f32 v3, v2;
	v13 =	vld [tilespmem:s20+$0x14380]  }
0x108: {  	v5 =	vmul.f32 v5, v2;
	v14 =	vld [tilespmem:s20+$0x14390]  }
0x109: {  	[tilespmem:s20+$0x14320] =	vst v3;
	v15 =	vld [tilespmem:s20+$0x143A0];
	v3 =	vmul.f32 v6, v4  }
0x10a: {  	[tilespmem:s20+$0x14330] =	vst v5;
	v6 =	vmul.f32 v11, v2;
	v11 =	vbroadcast v1, $0x1;
	v5 =	vld [tilespmem:s20+$0x14880]  }
0x10b: {  	v12 =	vmul.f32 v12, v2;
	[tilespmem:s20+$0x14870] =	vst v3;
	v3 =	vld [tilespmem:s20+$0x14AD0]  }
0x10c: {  	[tilespmem:s20+$0x14360] =	vst v6;
	v13 =	vmul.f32 v13, v11;
	v6 =	vld [tilespmem:s20+$0x14890]  }
0x10d: {  	[tilespmem:s20+$0x14370] =	vst v12;
	v12 =	vmul.f32 v14, v11;
	v14 =	vld [tilespmem:s20+$0x143E0]  }
0x10e: {  	[tilespmem:s20+$0x14380] =	vst v13;
	v13 =	vmul.f32 v15, v11;
	v15 =	vld [tilespmem:s20+$0x143F0]  }
0x10f: {  	v10 =	vmul.f32 v10, v11;
	[tilespmem:s20+$0x14390] =	vst v12;
	v12 =	vld [tilespmem:s20+$0x14400]  }
0x110: {  	v8 =	vmul.f32 v8, v11;
	[tilespmem:s20+$0x143A0] =	vst v13;
	v13 =	vld [tilespmem:s20+$0x14410]  }
0x111: {  	v9 =	vmul.f32 v9, v11;
	[tilespmem:s20+$0x143B0] =	vst v10;
	v10 =	vld [tilespmem:s20+$0x14420]  }
0x112: {  	[tilespmem:s20+$0x143C0] =	vst v8;
	v8 =	vmul.f32 v14, v11;
	v14 =	vbroadcast v1, $0x2;
	v16 =	vld [tilespmem:s20+$0x14430]  }
0x113: {  	[tilespmem:s20+$0x143D0] =	vst v9;
	v9 =	vmul.f32 v15, v11;
	v11 =	vld [tilespmem:s20+$0x14440]  }
0x114: {  	[tilespmem:s20+$0x143E0] =	vst v8;
	v8 =	vmul.f32 v12, v14;
	v12 =	vld [tilespmem:s20+$0x14450]  }
0x115: {  	[tilespmem:s20+$0x143F0] =	vst v9;
	v9 =	vmul.f32 v13, v14;
	v13 =	vld [tilespmem:s20+$0x14460]  }
0x116: {  	[tilespmem:s20+$0x14400] =	vst v8;
	v8 =	vmul.f32 v10, v14;
	v10 =	vld [tilespmem:s20+$0x14470]  }
0x117: {  	[tilespmem:s20+$0x14410] =	vst v9;
	v9 =	vmul.f32 v16, v14;
	v15 =	vld [tilespmem:s20+$0x14480]  }
0x118: {  	[tilespmem:s20+$0x14420] =	vst v8;
	v8 =	vmul.f32 v11, v14;
	v11 =	vld [tilespmem:s20+$0x14490]  }
0x119: {  	[tilespmem:s20+$0x14430] =	vst v9;
	v9 =	vmul.f32 v12, v14;
	v12 =	vld [tilespmem:s20+$0x144A0]  }
0x11a: {  	[tilespmem:s20+$0x14440] =	vst v8;
	v8 =	vmul.f32 v13, v14;
	v13 =	vbroadcast v1, $0x3;
	v16 =	vld [tilespmem:s20+$0x144B0]  }
0x11b: {  	[tilespmem:s20+$0x14450] =	vst v9;
	v9 =	vmul.f32 v10, v14;
	v10 =	vld [tilespmem:s20+$0x144C0]  }
0x11c: {  	[tilespmem:s20+$0x14460] =	vst v8;
	v8 =	vmul.f32 v15, v13;
	v14 =	vld [tilespmem:s20+$0x144D0]  }
0x11d: {  	[tilespmem:s20+$0x14470] =	vst v9;
	v9 =	vmul.f32 v11, v13;
	v11 =	vld [tilespmem:s20+$0x144E0]  }
0x11e: {  	[tilespmem:s20+$0x14480] =	vst v8;
	v8 =	vmul.f32 v12, v13;
	v12 =	vld [tilespmem:s20+$0x144F0]  }
0x11f: {  	[tilespmem:s20+$0x14490] =	vst v9;
	v9 =	vmul.f32 v16, v13;
	v15 =	vld [tilespmem:s20+$0x14500]  }
0x120: {  	[tilespmem:s20+$0x144A0] =	vst v8;
	v8 =	vmul.f32 v10, v13;
	v10 =	vld [tilespmem:s20+$0x14510]  }
0x121: {  	[tilespmem:s20+$0x144B0] =	vst v9;
	v9 =	vmul.f32 v14, v13;
	v14 =	vld [tilespmem:s20+$0x14520]  }
0x122: {  	[tilespmem:s20+$0x144C0] =	vst v8;
	v8 =	vmul.f32 v11, v13;
	v11 =	vld [tilespmem:s20+$0x14530]  }
0x123: {  	[tilespmem:s20+$0x144D0] =	vst v9;
	v9 =	vmul.f32 v12, v13;
	v12 =	vld [tilespmem:s20+$0x14540]  }
0x124: {  	[tilespmem:s20+$0x144E0] =	vst v8;
	v8 =	vmul.f32 v15, v7;
	v13 =	vld [tilespmem:s20+$0x14550]  }
0x125: {  	[tilespmem:s20+$0x144F0] =	vst v9;
	v9 =	vmul.f32 v10, v7;
	v10 =	vld [tilespmem:s20+$0x14560]  }
0x126: {  	[tilespmem:s20+$0x14500] =	vst v8;
	v8 =	vmul.f32 v14, v7;
	v14 =	vld [tilespmem:s20+$0x14570]  }
0x127: {  	[tilespmem:s20+$0x14510] =	vst v9;
	v9 =	vmul.f32 v11, v7;
	v11 =	vld [tilespmem:s20+$0x14580]  }
0x128: {  	[tilespmem:s20+$0x14520] =	vst v8;
	v8 =	vmul.f32 v12, v7;
	v12 =	vld [tilespmem:s20+$0x14590]  }
0x129: {  	[tilespmem:s20+$0x14530] =	vst v9;
	v9 =	vmul.f32 v13, v7;
	v13 =	vld [tilespmem:s20+$0x145A0]  }
0x12a: {  	[tilespmem:s20+$0x14540] =	vst v8;
	v8 =	vmul.f32 v10, v7;
	v10 =	vbroadcast v1, $0x5;
	v15 =	vld [tilespmem:s20+$0x145B0]  }
0x12b: {  	[tilespmem:s20+$0x14550] =	vst v9;
	v7 =	vmul.f32 v14, v7;
	v9 =	vld [tilespmem:s20+$0x145C0]  }
0x12c: {  	[tilespmem:s20+$0x14560] =	vst v8;
	v8 =	vmul.f32 v11, v10;
	v11 =	vld [tilespmem:s20+$0x145D0]  }
0x12d: {  	[tilespmem:s20+$0x14570] =	vst v7;
	v7 =	vmul.f32 v12, v10;
	v12 =	vld [tilespmem:s20+$0x145E0]  }
0x12e: {  	[tilespmem:s20+$0x14580] =	vst v8;
	v8 =	vmul.f32 v13, v10;
	v13 =	vld [tilespmem:s20+$0x145F0]  }
0x12f: {  	[tilespmem:s20+$0x14590] =	vst v7;
	v7 =	vmul.f32 v15, v10;
	v14 =	vld [tilespmem:s20+$0x14600]  }
0x130: {  	[tilespmem:s20+$0x145A0] =	vst v8;
	v8 =	vmul.f32 v9, v10;
	v9 =	vld [tilespmem:s20+$0x14610]  }
0x131: {  	[tilespmem:s20+$0x145B0] =	vst v7;
	v7 =	vmul.f32 v11, v10;
	v11 =	vld [tilespmem:s20+$0x14620]  }
0x132: {  	[tilespmem:s20+$0x145C0] =	vst v8;
	v8 =	vmul.f32 v12, v10;
	v12 =	vbroadcast v1, $0x6;
	v15 =	vld [tilespmem:s20+$0x14630]  }
0x133: {  	[tilespmem:s20+$0x145D0] =	vst v7;
	v7 =	vmul.f32 v13, v10;
	v10 =	vld [tilespmem:s20+$0x14640]  }
0x134: {  	[tilespmem:s20+$0x145E0] =	vst v8;
	v8 =	vmul.f32 v14, v12;
	v13 =	vld [tilespmem:s20+$0x14650]  }
0x135: {  	[tilespmem:s20+$0x145F0] =	vst v7;
	v7 =	vmul.f32 v9, v12;
	v9 =	vld [tilespmem:s20+$0x14660]  }
0x136: {  	[tilespmem:s20+$0x14600] =	vst v8;
	v8 =	vmul.f32 v11, v12;
	v11 =	vld [tilespmem:s20+$0x14670]  }
0x137: {  	[tilespmem:s20+$0x14610] =	vst v7;
	v7 =	vmul.f32 v15, v12;
	v14 =	vld [tilespmem:s20+$0x14680]  }
0x138: {  	[tilespmem:s20+$0x14620] =	vst v8;
	v8 =	vmul.f32 v10, v12;
	v10 =	vld [tilespmem:s20+$0x14690]  }
0x139: {  	[tilespmem:s20+$0x14630] =	vst v7;
	v7 =	vmul.f32 v13, v12;
	v13 =	vld [tilespmem:s20+$0x146A0]  }
0x13a: {  	[tilespmem:s20+$0x14640] =	vst v8;
	v8 =	vmul.f32 v9, v12;
	v9 =	vbroadcast v1, $0x7;
	v15 =	vld [tilespmem:s20+$0x146B0]  }
0x13b: {  	[tilespmem:s20+$0x14650] =	vst v7;
	v7 =	vmul.f32 v11, v12;
	v11 =	vld [tilespmem:s20+$0x146C0]  }
0x13c: {  	[tilespmem:s20+$0x14660] =	vst v8;
	v8 =	vmul.f32 v14, v9;
	v12 =	vld [tilespmem:s20+$0x146D0]  }
0x13d: {  	[tilespmem:s20+$0x14670] =	vst v7;
	v7 =	vmul.f32 v10, v9;
	v10 =	vld [tilespmem:s20+$0x146E0]  }
0x13e: {  	[tilespmem:s20+$0x14680] =	vst v8;
	v8 =	vmul.f32 v13, v9;
	v13 =	vld [tilespmem:s20+$0x146F0]  }
0x13f: {  	[tilespmem:s20+$0x14690] =	vst v7;
	v7 =	vmul.f32 v15, v9;
	v14 =	vld [tilespmem:s20+$0x14700]  }
0x140: {  	[tilespmem:s20+$0x146A0] =	vst v8;
	v8 =	vmul.f32 v11, v9;
	v11 =	vld [tilespmem:s20+$0x14710]  }
0x141: {  	[tilespmem:s20+$0x146B0] =	vst v7;
	v7 =	vmul.f32 v12, v9;
	v12 =	vld [tilespmem:s20+$0x14720]  }
0x142: {  	[tilespmem:s20+$0x146C0] =	vst v8;
	v8 =	vmul.f32 v10, v9;
	v10 =	vbroadcast v1, $0x8;
	v15 =	vld [tilespmem:s20+$0x14730]  }
0x143: {  	[tilespmem:s20+$0x146D0] =	vst v7;
	v7 =	vmul.f32 v13, v9;
	v9 =	vld [tilespmem:s20+$0x14740]  }
0x144: {  	[tilespmem:s20+$0x146E0] =	vst v8;
	v8 =	vmul.f32 v14, v10;
	v13 =	vld [tilespmem:s20+$0x14750]  }
0x145: {  	[tilespmem:s20+$0x146F0] =	vst v7;
	v7 =	vmul.f32 v11, v10;
	v11 =	vld [tilespmem:s20+$0x14760]  }
0x146: {  	[tilespmem:s20+$0x14700] =	vst v8;
	v8 =	vmul.f32 v12, v10;
	v12 =	vld [tilespmem:s20+$0x14770]  }
0x147: {  	[tilespmem:s20+$0x14710] =	vst v7;
	v7 =	vmul.f32 v15, v10;
	v14 =	vld [tilespmem:s20+$0x14780]  }
0x148: {  	[tilespmem:s20+$0x14720] =	vst v8;
	v8 =	vmul.f32 v9, v10;
	v9 =	vld [tilespmem:s20+$0x14790]  }
0x149: {  	[tilespmem:s20+$0x14730] =	vst v7;
	v7 =	vmul.f32 v13, v10;
	v13 =	vld [tilespmem:s20+$0x147A0]  }
0x14a: {  	[tilespmem:s20+$0x14740] =	vst v8;
	v8 =	vmul.f32 v11, v10;
	v11 =	vbroadcast v1, $0x9;
	v15 =	vld [tilespmem:s20+$0x147B0]  }
0x14b: {  	[tilespmem:s20+$0x14750] =	vst v7;
	v7 =	vmul.f32 v12, v10;
	v10 =	vld [tilespmem:s20+$0x147C0]  }
0x14c: {  	[tilespmem:s20+$0x14760] =	vst v8;
	v8 =	vmul.f32 v14, v11;
	v12 =	vld [tilespmem:s20+$0x147D0]  }
0x14d: {  	[tilespmem:s20+$0x14770] =	vst v7;
	v7 =	vmul.f32 v9, v11;
	v9 =	vld [tilespmem:s20+$0x147E0]  }
0x14e: {  	[tilespmem:s20+$0x14780] =	vst v8;
	v8 =	vmul.f32 v13, v11;
	v13 =	vld [tilespmem:s20+$0x147F0]  }
0x14f: {  	[tilespmem:s20+$0x14790] =	vst v7;
	v7 =	vmul.f32 v15, v11;
	v14 =	vld [tilespmem:s20+$0x14800]  }
0x150: {  	[tilespmem:s20+$0x147A0] =	vst v8;
	v8 =	vmul.f32 v10, v11;
	v10 =	vld [tilespmem:s20+$0x14810]  }
0x151: {  	[tilespmem:s20+$0x147B0] =	vst v7;
	v7 =	vmul.f32 v12, v11;
	v12 =	vld [tilespmem:s20+$0x14820]  }
0x152: {  	[tilespmem:s20+$0x147C0] =	vst v8;
	v8 =	vmul.f32 v9, v11;
	v9 =	vld [tilespmem:s20+$0x14830]  }
0x153: {  	[tilespmem:s20+$0x147D0] =	vst v7;
	v7 =	vmul.f32 v13, v11;
	v11 =	vld [tilespmem:s20+$0x14840]  }
0x154: {  	[tilespmem:s20+$0x147E0] =	vst v8;
	v8 =	vmul.f32 v14, v4;
	v13 =	vld [tilespmem:s20+$0x14850]  }
0x155: {  	[tilespmem:s20+$0x147F0] =	vst v7;
	v7 =	vmul.f32 v10, v4;
	v10 =	vld [tilespmem:s20+$0x14860]  }
0x156: {  	v14 =	vld [tilespmem:s20+$0x14300];
	[tilespmem:s20+$0x14800] =	vst v8;
	v8 =	vmul.f32 v12, v4  }
0x157: {  	v12 =	vld [tilespmem:s20+$0x14310];
	[tilespmem:s20+$0x14810] =	vst v7;
	v7 =	vmul.f32 v9, v4  }
0x158: {  	v9 =	vld [tilespmem:s20+$0x14340];
	[tilespmem:s20+$0x14820] =	vst v8;
	v8 =	vmul.f32 v11, v4  }
0x159: {  	v11 =	vld [tilespmem:s20+$0x14350];
	[tilespmem:s20+$0x14830] =	vst v7;
	v7 =	vmul.f32 v13, v4  }
0x15a: {  	[tilespmem:s20+$0x14840] =	vst v8;
	v8 =	vmul.f32 v10, v4;
	v10 =	vbroadcast v1, $0xB;
	v13 =	vld [tilespmem:s20+$0x148A0]  }
0x15b: {  	v4 =	vbroadcast v1, $0xF;
	v14 =	vmul.f32 v2, v14;
	[tilespmem:s20+$0x14850] =	vst v7;
	v7 =	vld [tilespmem:s20+$0x148B0]  }
0x15c: {  	v12 =	vmul.f32 v12, v2;
	[tilespmem:s20+$0x14860] =	vst v8;
	v5 =	vmul.f32 v5, v10;
	v8 =	vld [tilespmem:s20+$0x148C0]  }
0x15d: {  	v6 =	vmul.f32 v6, v10;
	[tilespmem:s20+$0x14300] =	vst v14;
	v9 =	vmul.f32 v9, v2;
	v14 =	vld [tilespmem:s20+$0x148D0]  }
0x15e: {  	v3 =	vmul.f32 v3, v4;
	v11 =	vmul.f32 v11, v2;
	[tilespmem:s20+$0x14880] =	vst v5;
	v2 =	vld [tilespmem:s20+$0x148E0]  }
0x15f: {  	[tilespmem:s20+$0x14890] =	vst v6;
	v5 =	vmul.f32 v13, v10;
	v6 =	vld [tilespmem:s20+$0x148F0]  }
0x160: {  	v7 =	vmul.f32 v7, v10;
	v13 =	vld [tilespmem:s20+$0x14900];
	[tilespmem:s20+$0x14AD0] =	vst v3  }
0x161: {  	[tilespmem:s20+$0x14310] =	vst v12;
	v3 =	vmul.f32 v8, v10;
	v8 =	vld [tilespmem:s20+$0x14910]  }
0x162: {  	[tilespmem:s20+$0x14340] =	vst v9;
	v9 =	vmul.f32 v14, v10;
	v12 =	vld [tilespmem:s20+$0x14920]  }
0x163: {  	v14 =	vbroadcast v1, $0xC;
	[tilespmem:s20+$0x148A0] =	vst v5;
	v5 =	vmul.f32 v2, v10;
	v15 =	vld [tilespmem:s20+$0x14930]  }
0x164: {  	[tilespmem:s20+$0x148D0] =	vst v9;
	v6 =	vmul.f32 v6, v10;
	v9 =	vld [tilespmem:s20+$0x14940]  }
0x165: {  	[tilespmem:s20+$0x148B0] =	vst v7;
	v2 =	vmul.f32 v13, v14;
	v7 =	vld [tilespmem:s20+$0x14950]  }
0x166: {  	[tilespmem:s20+$0x148C0] =	vst v3;
	v3 =	vmul.f32 v8, v14;
	v8 =	vld [tilespmem:s20+$0x14960]  }
0x167: {  	[tilespmem:s20+$0x14900] =	vst v2;
	v2 =	vmul.f32 v12, v14;
	v10 =	vld [tilespmem:s20+$0x14970]  }
0x168: {  	[tilespmem:s20+$0x14910] =	vst v3;
	v3 =	vld [tilespmem:s20+$0x14980]  }
0x169: {  	[tilespmem:s20+$0x14350] =	vst v11;
	v9 =	vmul.f32 v9, v14;
	v11 =	vld [tilespmem:s20+$0x14990]  }
0x16a: {  	[tilespmem:s20+$0x148E0] =	vst v5;
	v5 =	vmul.f32 v7, v14;
	v7 =	vld [tilespmem:s20+$0x149A0]  }
0x16b: {  	[tilespmem:s20+$0x14940] =	vst v9;
	v8 =	vmul.f32 v8, v14;
	v9 =	vbroadcast v1, $0xD;
	v12 =	vld [tilespmem:s20+$0x149B0]  }
0x16c: {  	[tilespmem:s20+$0x14950] =	vst v5;
	v5 =	vmul.f32 v10, v14;
	v10 =	vld [tilespmem:s20+$0x149C0]  }
0x16d: {  	[tilespmem:s20+$0x14960] =	vst v8;
	v3 =	vmul.f32 v3, v9;
	v8 =	vld [tilespmem:s20+$0x149D0]  }
0x16e: {  	[tilespmem:s20+$0x14970] =	vst v5;
	v5 =	vmul.f32 v11, v9;
	v11 =	vld [tilespmem:s20+$0x149E0]  }
0x16f: {  	[tilespmem:s20+$0x14980] =	vst v3;
	v3 =	vmul.f32 v7, v9;
	v7 =	vld [tilespmem:s20+$0x149F0]  }
0x170: {  	[tilespmem:s20+$0x14990] =	vst v5;
	v5 =	vmul.f32 v12, v9;
	v12 =	vld [tilespmem:s20+$0x14A00]  }
0x171: {  	[tilespmem:s20+$0x149A0] =	vst v3;
	v3 =	vmul.f32 v10, v9;
	v10 =	vld [tilespmem:s20+$0x14A10]  }
0x172: {  	[tilespmem:s20+$0x149B0] =	vst v5;
	v5 =	vmul.f32 v8, v9;
	v8 =	vld [tilespmem:s20+$0x14A20]  }
0x173: {  	v1 =	vbroadcast v1, $0xE;
	[tilespmem:s20+$0x148F0] =	vst v6;
	v6 =	vmul.f32 v11, v9;
	v11 =	vld [tilespmem:s20+$0x14A30]  }
0x174: {  	[tilespmem:s20+$0x149D0] =	vst v5;
	v5 =	vmul.f32 v7, v9;
	v7 =	vld [tilespmem:s20+$0x14A40]  }
0x175: {  	[tilespmem:s20+$0x149E0] =	vst v6;
	v6 =	vmul.f32 v12, v1;
	v9 =	vld [tilespmem:s20+$0x14A50]  }
0x176: {  	[tilespmem:s20+$0x149F0] =	vst v5;
	v5 =	vmul.f32 v10, v1;
	v10 =	vld [tilespmem:s20+$0x14A60]  }
0x177: {  	[tilespmem:s20+$0x14A00] =	vst v6;
	v6 =	vmul.f32 v8, v1;
	v8 =	vld [tilespmem:s20+$0x14A70]  }
0x178: {  	[tilespmem:s20+$0x14A10] =	vst v5;
	v5 =	vmul.f32 v11, v1;
	v11 =	vld [tilespmem:s20+$0x14A80]  }
0x179: {  	[tilespmem:s20+$0x14A20] =	vst v6;
	v6 =	vmul.f32 v7, v1;
	v7 =	vld [tilespmem:s20+$0x14A90]  }
0x17a: {  	[tilespmem:s20+$0x14A30] =	vst v5;
	v5 =	vmul.f32 v9, v1;
	v9 =	vld [tilespmem:s20+$0x14AA0]  }
0x17b: {  	[tilespmem:s20+$0x14A40] =	vst v6;
	v6 =	vmul.f32 v10, v1;
	v10 =	vld [tilespmem:s20+$0x14AB0]  }
0x17c: {  	[tilespmem:s20+$0x149C0] =	vst v3;
	v1 =	vmul.f32 v8, v1;
	v3 =	vld [tilespmem:s20+$0x14AC0]  }
0x17d: {  	[tilespmem:s20+$0x14A60] =	vst v6;
	v6 =	vmul.f32 v11, v4;
	v8 =	vld [tilespmem:s20+$0x14AE0]  }
0x17e: {  	[tilespmem:s20+$0x14A70] =	vst v1;
	v1 =	vmul.f32 v7, v4;
	v7 =	vld [tilespmem:s20+$0x14AF0]  }
0x17f: {  	[tilespmem:s20+$0x14A80] =	vst v6;
	v6 =	vmul.f32 v9, v4  }
0x180: {  	[tilespmem:s20+$0x14A90] =	vst v1;
	v1 =	vmul.f32 v10, v4  }
0x181: {  	v9 =	vmul.f32 v15, v14;
	[tilespmem:s20+$0x14AA0] =	vst v6  }
0x182: {  	[tilespmem:s20+$0x14AB0] =	vst v1;
	v1 =	vmul.f32 v3, v4  }
.Ltmp3:
0x183: {  	[tilespmem:s20+$0x14930] =	vst v9;
	v3 =	vmul.f32 v7, v4;
	(pc) =	sbr.rel @p3 .LBB2_5-.Ltmp3, $4  }
0x184: {  	[tilespmem:s20+$0x14AC0] =	vst v1  }
0x185: {  	v1 =	vmul.f32 v8, v4;
	[tilespmem:s20+$0x14AF0] =	vst v3  }
0x186: {  	[tilespmem:s20+$0x14A50] =	vst v5  }
0x187: {  	[tilespmem:s20+$0x14AE0] =	vst v1  }
.Ltmp4:
0x188: {  	(pc) =	sbr.rel @!p0 .LBB2_7-.Ltmp4, $2  }
0x189: {  	_ =	sdelay $0x2  }
0x18a: {  	[tilespmem:s20+$0x14920] =	vst v2  }
.Ltmp5:
0x18b: {  	(pc) =	sbr.rel @p1 .LBB2_11-.Ltmp5, $2  }
0x18c: {  	_ =	sdelay $0x1  }
0x18d: {  	[bflag:$0x0] =	sbarrier.arrive $0xFFFF;
	_ =	sdelay $0x1  }
.Ltmp6:
0x18e: {  	(pc) =	sbr.rel .LBB2_10-.Ltmp6, $4  }
0x18f: {  	[spmem:s5] =	stream.indirect.scatter.add.f32 [tilespmem:s24], [sflag:$0x7], $0x80, s26, s29, $0xb8;
	[tilespmem:$0x1C300] =	vst v63  }
0x190: {  	_ =	swait.ge [sflag:s25], $0x4000  }
0x191: {  	[sflag:s25] =	ssyncset.done $0x0  }
0x192: {  	[sflag:s25] =	ssyncadd.s32 $0xFFFFC000  }
.LBB2_7:
0x193: {  	[spmem:s5] =	stream.indirect.scatter.add.f32 [tilespmem:s24], [sflag:$0x7], $0x80, s26, s29, $0xb8;
	[tilespmem:$0x1C300] =	vst v63  }
0x194: {  	_ =	swait.ge [sflag:s25], $0x4000  }
0x195: {  	[sflag:s25] =	ssyncset.done $0x0  }
0x196: {  	[sflag:s25] =	ssyncadd.s32 $0xFFFFC000  }
0x197: {  	[bflag:$0x0] =	sbarrier.arrive $0xFFFF  }
.LBB2_10:
0x198: {  	[bflag:$0x0] =	sbarrier.arrive $0xFFFF;
	p5 =	por $0x0, $0x0;
	p6 =	por p0, p0  }
.LBB2_13:
0x199: {  	[bflag:$0x0] =	sbarrier.arrive $0xFFFF;
	p3 =	por $0x0, $0x0  }
.LBB2_15:
0x19a: {  	p4 =	seq.s32 s18, $0x27  }
0x19b: {  	[bflag:$0x0] =	sbarrier.arrive $0xFFFF;
	s20 =	simm.s32 @p4 $0x2  }
0x19c: {  	s21 =	sadd.s32 @!p4 s19, s16;
	_ =	swait.ge @p4 [sflag:s20], $0x4000  }
0x19d: {  	s22 =	sshll.u32 @!p4 s21, $0x5;
	[sflag:s20] =	ssyncset.done @p4 $0x0  }
0x19e: {  	[sflag:s20] =	ssyncadd.s32 @p4 $0xFFFFC000;
	s20 =	sand.u32 @!p4 $0x1FFFFFC0, s22  }
0x19f: {  	s23 =	simm.s32 @!p4 $0x14000;
	s22 =	simm.s32 @!p4 $0x0;
	s20 =	sadd.s32 @!p4 s2, s20  }
0x1a0: {  	[tilespmem:s23], [sflag:$0x3] =	stream.linear.gather @!p4 [hbm4b:s20+s22], $0x100, $0x38;
	[tilespmem:$0x1C300] =	vst v63  }
0x1a1: {  	s20 =	sshll.u32 @!p4 s21, $0x4  }
0x1a2: {  	s20 =	sand.u32 @!p4 $0xFFFFFE0, s20  }
0x1a3: {  	s21 =	simm.s32 @!p4 $0x14200;
	s20 =	sadd.s32 @!p4 s4, s20  }
0x1a4: {  	[tilespmem:s21], [sflag:$0x5] =	stream.linear.gather @!p4 [hbm4b:s20+s22], $0x80, $0x38;
	[tilespmem:$0x1C300] =	vst v63  }
0x1a5: {  	s20 =	simm.s32 @!p4 $0x2  }
0x1a6: {  	_ =	swait.ge @!p4 [sflag:s20], $0x4000  }
0x1a7: {  	[sflag:s20] =	ssyncset.done @!p4 $0x0  }
0x1a8: {  	[sflag:s20] =	ssyncadd.s32 @!p4 $0xFFFFC000;
	s20 =	simm.s32 @!p4 $0x3  }
0x1a9: {  	_ =	swait.ge @!p4 [sflag:s20], $0x100  }
0x1aa: {  	[sflag:s20] =	ssyncset.done @!p4 $0x0  }
0x1ab: {  	s21 =	simm.s32 @!p4 $0x14300;
	[sflag:s20] =	ssyncadd.s32 @!p4 $0xFFFFFF00;
	s20 =	simm.s32 @!p4 $0x80  }
0x1ac: {  	[tilespmem:s21], [sflag:$0x1] =	stream.indirect.gather @!p4 [hbm4b:s1+s20], $0x80, s23, s20, $0xb8;
	[tilespmem:$0x1C300] =	vst v63  }
0x1ad: {  	_ =	swait.ge [sflag:s14], $0x80  }
0x1ae: {  	s22 =	simm.s32 $0x0;
	[sflag:s14] =	ssyncset.done $0x0  }
0x1af: {  	s20 =	sand.u32 $0x3FFFFFF0, s22;
	[sflag:s14] =	ssyncadd.s32 $0xFFFFFF80  }
0x1b0: {  	s23 =	simm.s32 $0x0;
	v1 =	vld [tilespmem:s20+$0x14280]  }
0x1b1: {  	s20 =	sand.u32 $0x3FFFF800, s23  }
0x1b2: {  	v3 =	vld [tilespmem:s20+$0x18320]  }
0x1b3: {  	v4 =	vld [tilespmem:s20+$0x18330]  }
0x1b4: {  	v10 =	vld [tilespmem:s20+$0x18360]  }
0x1b5: {  	v11 =	vld [tilespmem:s20+$0x18370];
	v2 =	vbroadcast v1, $0x0  }
0x1b6: {  	v12 =	vld [tilespmem:s20+$0x18380]  }
0x1b7: {  	v13 =	vld [tilespmem:s20+$0x18390];
	v3 =	vmul.f32 v3, v2  }
0x1b8: {  	v14 =	vld [tilespmem:s20+$0x183A0];
	v4 =	vmul.f32 v4, v2  }
0x1b9: {  	v9 =	vld [tilespmem:s20+$0x183B0];
	v23 =	vbroadcast v1, $0x1;
	v22 =	vmul.f32 v10, v2;
	[tilespmem:s20+$0x18320] =	vst v3  }
0x1ba: {  	v7 =	vld [tilespmem:s20+$0x183C0];
	v11 =	vmul.f32 v11, v2;
	[tilespmem:s20+$0x18330] =	vst v4  }
0x1bb: {  	v8 =	vld [tilespmem:s20+$0x183D0];
	v12 =	vmul.f32 v12, v23;
	[tilespmem:s20+$0x18360] =	vst v22  }
0x1bc: {  	v25 =	vld [tilespmem:s20+$0x183F0];
	v13 =	vmul.f32 v13, v23;
	[tilespmem:s20+$0x18370] =	vst v11  }
0x1bd: {  	v26 =	vld [tilespmem:s20+$0x18400];
	v14 =	vmul.f32 v14, v23;
	[tilespmem:s20+$0x18380] =	vst v12  }
0x1be: {  	v27 =	vld [tilespmem:s20+$0x18410];
	v9 =	vmul.f32 v9, v23;
	[tilespmem:s20+$0x18390] =	vst v13  }
0x1bf: {  	v6 =	vld [tilespmem:s20+$0x18870];
	v7 =	vmul.f32 v7, v23;
	[tilespmem:s20+$0x183A0] =	vst v14  }
0x1c0: {  	v24 =	vld [tilespmem:s20+$0x183E0];
	v15 =	vbroadcast v1, $0x2;
	v8 =	vmul.f32 v8, v23;
	[tilespmem:s20+$0x183B0] =	vst v9  }
0x1c1: {  	v28 =	vld [tilespmem:s20+$0x18420];
	v10 =	vmul.f32 v25, v23;
	[tilespmem:s20+$0x183C0] =	vst v7  }
0x1c2: {  	v29 =	vld [tilespmem:s20+$0x18430];
	v5 =	vbroadcast v1, $0xA;
	v32 =	vmul.f32 v26, v15;
	[tilespmem:s20+$0x183D0] =	vst v8  }
0x1c3: {  	v30 =	vld [tilespmem:s20+$0x18440];
	v34 =	vmul.f32 v27, v15;
	[tilespmem:s20+$0x183F0] =	vst v10  }
0x1c4: {  	v33 =	vld [tilespmem:s20+$0x18460];
	v3 =	vmul.f32 v6, v5;
	[tilespmem:s20+$0x18400] =	vst v32  }
0x1c5: {  	v35 =	vld [tilespmem:s20+$0x18470];
	v11 =	vmul.f32 v24, v23;
	[tilespmem:s20+$0x18410] =	vst v34  }
0x1c6: {  	v36 =	vld [tilespmem:s20+$0x18480];
	v9 =	vmul.f32 v28, v15;
	[tilespmem:s20+$0x18870] =	vst v3  }
0x1c7: {  	v31 =	vld [tilespmem:s20+$0x18450];
	v7 =	vmul.f32 v29, v15;
	[tilespmem:s20+$0x183E0] =	vst v11  }
0x1c8: {  	v37 =	vld [tilespmem:s20+$0x18490];
	v8 =	vmul.f32 v30, v15;
	[tilespmem:s20+$0x18420] =	vst v9  }
0x1c9: {  	v38 =	vld [tilespmem:s20+$0x184A0];
	v41 =	vbroadcast v1, $0x3;
	v10 =	vmul.f32 v33, v15;
	[tilespmem:s20+$0x18430] =	vst v7  }
0x1ca: {  	v39 =	vld [tilespmem:s20+$0x184B0];
	v12 =	vmul.f32 v35, v15;
	[tilespmem:s20+$0x18440] =	vst v8  }
0x1cb: {  	v42 =	vld [tilespmem:s20+$0x184D0];
	v13 =	vmul.f32 v36, v41;
	[tilespmem:s20+$0x18460] =	vst v10  }
0x1cc: {  	v43 =	vld [tilespmem:s20+$0x184E0];
	v11 =	vmul.f32 v31, v15;
	[tilespmem:s20+$0x18470] =	vst v12  }
0x1cd: {  	v44 =	vld [tilespmem:s20+$0x184F0];
	v9 =	vmul.f32 v37, v41;
	[tilespmem:s20+$0x18480] =	vst v13  }
0x1ce: {  	v40 =	vld [tilespmem:s20+$0x184C0];
	v7 =	vmul.f32 v38, v41;
	[tilespmem:s20+$0x18450] =	vst v11  }
0x1cf: {  	v45 =	vld [tilespmem:s20+$0x18500];
	v8 =	vmul.f32 v39, v41;
	[tilespmem:s20+$0x18490] =	vst v9  }
0x1d0: {  	v46 =	vld [tilespmem:s20+$0x18510];
	v10 =	vmul.f32 v42, v41;
	[tilespmem:s20+$0x184A0] =	vst v7  }
0x1d1: {  	v47 =	vld [tilespmem:s20+$0x18520];
	v12 =	vmul.f32 v43, v41;
	[tilespmem:s20+$0x184B0] =	vst v8  }
0x1d2: {  	v49 =	vld [tilespmem:s20+$0x18540];
	v50 =	vbroadcast v1, $0x4;
	v13 =	vmul.f32 v44, v41;
	[tilespmem:s20+$0x184D0] =	vst v10  }
0x1d3: {  	v51 =	vld [tilespmem:s20+$0x18550];
	v11 =	vmul.f32 v40, v41;
	[tilespmem:s20+$0x184E0] =	vst v12  }
0x1d4: {  	v52 =	vld [tilespmem:s20+$0x18560];
	v9 =	vmul.f32 v45, v50;
	[tilespmem:s20+$0x184F0] =	vst v13  }
0x1d5: {  	v48 =	vld [tilespmem:s20+$0x18530];
	v7 =	vmul.f32 v46, v50;
	[tilespmem:s20+$0x184C0] =	vst v11  }
0x1d6: {  	v53 =	vld [tilespmem:s20+$0x18570];
	v8 =	vmul.f32 v47, v50;
	[tilespmem:s20+$0x18500] =	vst v9  }
0x1d7: {  	v54 =	vld [tilespmem:s20+$0x18580];
	v10 =	vmul.f32 v49, v50;
	[tilespmem:s20+$0x18510] =	vst v7  }
0x1d8: {  	v55 =	vld [tilespmem:s20+$0x18590];
	v12 =	vmul.f32 v51, v50;
	[tilespmem:s20+$0x18520] =	vst v8  }
0x1d9: {  	v57 =	vld [tilespmem:s20+$0x185B0];
	v13 =	vmul.f32 v52, v50;
	[tilespmem:s20+$0x18540] =	vst v10  }
0x1da: {  	v58 =	vld [tilespmem:s20+$0x185C0];
	v59 =	vbroadcast v1, $0x5;
	v11 =	vmul.f32 v48, v50;
	[tilespmem:s20+$0x18550] =	vst v12  }
0x1db: {  	v60 =	vld [tilespmem:s20+$0x185D0];
	v9 =	vmul.f32 v53, v50;
	[tilespmem:s20+$0x18560] =	vst v13  }
0x1dc: {  	v56 =	vld [tilespmem:s20+$0x185A0];
	v7 =	vmul.f32 v54, v59;
	[tilespmem:s20+$0x18530] =	vst v11  }
0x1dd: {  	v61 =	vld [tilespmem:s20+$0x185E0];
	v8 =	vmul.f32 v55, v59;
	[tilespmem:s20+$0x18570] =	vst v9  }
0x1de: {  	v62 =	vld [tilespmem:s20+$0x185F0];
	v10 =	vmul.f32 v57, v59;
	[tilespmem:s20+$0x18580] =	vst v7  }
0x1df: {  	v63 =	vld [tilespmem:s20+$0x18600];
	v12 =	vmul.f32 v58, v59;
	[tilespmem:s20+$0x18590] =	vst v8  }
0x1e0: {  	v19 =	vld [tilespmem:s20+$0x18620];
	v13 =	vmul.f32 v60, v59;
	[tilespmem:s20+$0x185B0] =	vst v10  }
0x1e1: {  	v20 =	vld [tilespmem:s20+$0x18630];
	v11 =	vmul.f32 v56, v59;
	[tilespmem:s20+$0x185C0] =	vst v12  }
0x1e2: {  	v21 =	vld [tilespmem:s20+$0x18640];
	v22 =	vbroadcast v1, $0x6;
	v9 =	vmul.f32 v61, v59;
	[tilespmem:s20+$0x185D0] =	vst v13  }
0x1e3: {  	v18 =	vld [tilespmem:s20+$0x18610];
	v7 =	vmul.f32 v62, v59;
	[tilespmem:s20+$0x185A0] =	vst v11  }
0x1e4: {  	v23 =	vld [tilespmem:s20+$0x18650];
	v8 =	vmul.f32 v63, v22;
	[tilespmem:s20+$0x185E0] =	vst v9  }
0x1e5: {  	v24 =	vld [tilespmem:s20+$0x18660];
	v10 =	vmul.f32 v19, v22;
	[tilespmem:s20+$0x185F0] =	vst v7  }
0x1e6: {  	v25 =	vld [tilespmem:s20+$0x18670];
	v12 =	vmul.f32 v20, v22;
	[tilespmem:s20+$0x18600] =	vst v8  }
0x1e7: {  	v27 =	vld [tilespmem:s20+$0x18690];
	v13 =	vmul.f32 v21, v22;
	[tilespmem:s20+$0x18620] =	vst v10  }
0x1e8: {  	v28 =	vld [tilespmem:s20+$0x186A0];
	v11 =	vmul.f32 v18, v22;
	[tilespmem:s20+$0x18630] =	vst v12  }
0x1e9: {  	v29 =	vld [tilespmem:s20+$0x186B0];
	v9 =	vmul.f32 v23, v22;
	[tilespmem:s20+$0x18640] =	vst v13  }
0x1ea: {  	v31 =	vbroadcast v1, $0x7;
	v53 =	vld [tilespmem:s20+$0x18800];
	v7 =	vmul.f32 v24, v22;
	[tilespmem:s20+$0x18610] =	vst v11  }
0x1eb: {  	v57 =	vld [tilespmem:s20+$0x18840];
	v8 =	vmul.f32 v25, v22;
	[tilespmem:s20+$0x18650] =	vst v9  }
0x1ec: {  	v58 =	vld [tilespmem:s20+$0x18850];
	v10 =	vmul.f32 v27, v31;
	[tilespmem:s20+$0x18660] =	vst v7  }
0x1ed: {  	v26 =	vld [tilespmem:s20+$0x18680];
	v12 =	vmul.f32 v28, v31;
	[tilespmem:s20+$0x18670] =	vst v8  }
0x1ee: {  	v30 =	vld [tilespmem:s20+$0x186C0];
	v13 =	vmul.f32 v29, v31;
	[tilespmem:s20+$0x18690] =	vst v10  }
0x1ef: {  	v32 =	vld [tilespmem:s20+$0x186D0];
	v59 =	vmul.f32 v53, v5;
	[tilespmem:s20+$0x186A0] =	vst v12  }
0x1f0: {  	v33 =	vld [tilespmem:s20+$0x186E0];
	v18 =	vmul.f32 v57, v5;
	[tilespmem:s20+$0x186B0] =	vst v13  }
0x1f1: {  	v35 =	vld [tilespmem:s20+$0x18700];
	v20 =	vmul.f32 v58, v5;
	[tilespmem:s20+$0x18800] =	vst v59  }
0x1f2: {  	v36 =	vld [tilespmem:s20+$0x18710];
	v11 =	vmul.f32 v26, v31;
	[tilespmem:s20+$0x18840] =	vst v18  }
0x1f3: {  	v37 =	vld [tilespmem:s20+$0x18720];
	v9 =	vmul.f32 v30, v31;
	[tilespmem:s20+$0x18850] =	vst v20  }
0x1f4: {  	v4 =	vld [tilespmem:s20+$0x18880];
	v40 =	vbroadcast v1, $0x8;
	v7 =	vmul.f32 v32, v31;
	[tilespmem:s20+$0x18680] =	vst v11  }
0x1f5: {  	v6 =	vld [tilespmem:s20+$0x18890];
	v8 =	vmul.f32 v33, v31;
	[tilespmem:s20+$0x186C0] =	vst v9  }
0x1f6: {  	v3 =	vld [tilespmem:s20+$0x18AD0];
	v10 =	vmul.f32 v35, v40;
	[tilespmem:s20+$0x186D0] =	vst v7  }
0x1f7: {  	v61 =	vld [tilespmem:s20+$0x18300];
	v23 =	vbroadcast v1, $0xB;
	v12 =	vmul.f32 v36, v40;
	[tilespmem:s20+$0x186E0] =	vst v8  }
0x1f8: {  	v34 =	vld [tilespmem:s20+$0x186F0];
	v13 =	vmul.f32 v37, v40;
	[tilespmem:s20+$0x18700] =	vst v10  }
0x1f9: {  	v38 =	vld [tilespmem:s20+$0x18730];
	v27 =	vbroadcast v1, $0xF;
	v4 =	vmul.f32 v4, v23;
	[tilespmem:s20+$0x18710] =	vst v12  }
0x1fa: {  	v39 =	vld [tilespmem:s20+$0x18740];
	v6 =	vmul.f32 v6, v23;
	[tilespmem:s20+$0x18720] =	vst v13  }
0x1fb: {  	v41 =	vld [tilespmem:s20+$0x18750];
	v3 =	vmul.f32 v3, v27;
	[tilespmem:s20+$0x18880] =	vst v4  }
0x1fc: {  	v43 =	vld [tilespmem:s20+$0x18770];
	v24 =	vmul.f32 v2, v61;
	[tilespmem:s20+$0x18890] =	vst v6  }
0x1fd: {  	v44 =	vld [tilespmem:s20+$0x18780];
	v11 =	vmul.f32 v34, v31;
	[tilespmem:s20+$0x18AD0] =	vst v3  }
0x1fe: {  	v45 =	vld [tilespmem:s20+$0x18790];
	v9 =	vmul.f32 v38, v40;
	[tilespmem:s20+$0x18300] =	vst v24  }
0x1ff: {  	v63 =	vld [tilespmem:s20+$0x18340];
	v7 =	vmul.f32 v39, v40;
	[tilespmem:s20+$0x186F0] =	vst v11  }
0x200: {  	v49 =	vbroadcast v1, $0x9;
	v29 =	vld [tilespmem:s20+$0x188F0];
	v8 =	vmul.f32 v41, v40;
	[tilespmem:s20+$0x18730] =	vst v9  }
0x201: {  	v42 =	vld [tilespmem:s20+$0x18760];
	v10 =	vmul.f32 v43, v40;
	[tilespmem:s20+$0x18740] =	vst v7  }
0x202: {  	v46 =	vld [tilespmem:s20+$0x187A0];
	v12 =	vmul.f32 v44, v49;
	[tilespmem:s20+$0x18750] =	vst v8  }
0x203: {  	v47 =	vld [tilespmem:s20+$0x187B0];
	v13 =	vmul.f32 v45, v49;
	[tilespmem:s20+$0x18770] =	vst v10  }
0x204: {  	v48 =	vld [tilespmem:s20+$0x187C0];
	v3 =	vmul.f32 v63, v2;
	[tilespmem:s20+$0x18780] =	vst v12  }
0x205: {  	v51 =	vld [tilespmem:s20+$0x187E0];
	v6 =	vmul.f32 v29, v23;
	[tilespmem:s20+$0x18790] =	vst v13  }
0x206: {  	v52 =	vld [tilespmem:s20+$0x187F0];
	v11 =	vmul.f32 v42, v40;
	[tilespmem:s20+$0x18340] =	vst v3  }
0x207: {  	v28 =	vld [tilespmem:s20+$0x188E0];
	v9 =	vmul.f32 v46, v49;
	[tilespmem:s20+$0x188F0] =	vst v6  }
0x208: {  	v26 =	vld [tilespmem:s20+$0x188D0];
	v7 =	vmul.f32 v47, v49;
	[tilespmem:s20+$0x18760] =	vst v11  }
0x209: {  	v30 =	vld [tilespmem:s20+$0x18900];
	v8 =	vmul.f32 v48, v49;
	[tilespmem:s20+$0x187A0] =	vst v9  }
0x20a: {  	v50 =	vld [tilespmem:s20+$0x187D0];
	v10 =	vmul.f32 v51, v49;
	[tilespmem:s20+$0x187B0] =	vst v7  }
0x20b: {  	v54 =	vld [tilespmem:s20+$0x18810];
	v12 =	vmul.f32 v52, v49;
	[tilespmem:s20+$0x187C0] =	vst v8  }
0x20c: {  	v55 =	vld [tilespmem:s20+$0x18820];
	v35 =	vbroadcast v1, $0xC;
	v40 =	vmul.f32 v28, v23;
	[tilespmem:s20+$0x187E0] =	vst v10  }
0x20d: {  	v56 =	vld [tilespmem:s20+$0x18830];
	v32 =	vmul.f32 v26, v23;
	[tilespmem:s20+$0x187F0] =	vst v12  }
0x20e: {  	v60 =	vld [tilespmem:s20+$0x18860];
	v15 =	vmul.f32 v30, v35;
	[tilespmem:s20+$0x188E0] =	vst v40  }
0x20f: {  	v62 =	vld [tilespmem:s20+$0x18310];
	v11 =	vmul.f32 v50, v49;
	[tilespmem:s20+$0x188D0] =	vst v32  }
0x210: {  	v19 =	vld [tilespmem:s20+$0x18350];
	v9 =	vmul.f32 v54, v5;
	[tilespmem:s20+$0x18900] =	vst v15  }
0x211: {  	v33 =	vld [tilespmem:s20+$0x18930];
	v7 =	vmul.f32 v55, v5;
	[tilespmem:s20+$0x187D0] =	vst v11  }
0x212: {  	v61 =	vld [tilespmem:s20+$0x18AF0];
	v8 =	vmul.f32 v56, v5;
	[tilespmem:s20+$0x18810] =	vst v9  }
0x213: {  	v38 =	vld [tilespmem:s20+$0x18970];
	v5 =	vmul.f32 v60, v5;
	[tilespmem:s20+$0x18820] =	vst v7  }
0x214: {  	v21 =	vld [tilespmem:s20+$0x188A0];
	v12 =	vmul.f32 v62, v2;
	[tilespmem:s20+$0x18830] =	vst v8  }
0x215: {  	v22 =	vld [tilespmem:s20+$0x188B0];
	v2 =	vmul.f32 v19, v2;
	[tilespmem:s20+$0x18860] =	vst v5  }
0x216: {  	v25 =	vld [tilespmem:s20+$0x188C0];
	v62 =	vmul.f32 v33, v35;
	[tilespmem:s20+$0x18310] =	vst v12  }
0x217: {  	v31 =	vld [tilespmem:s20+$0x18910];
	v63 =	vmul.f32 v61, v27;
	[tilespmem:s20+$0x18350] =	vst v2  }
0x218: {  	v34 =	vld [tilespmem:s20+$0x18940];
	v15 =	vmul.f32 v38, v35;
	[tilespmem:s20+$0x18930] =	vst v62  }
0x219: {  	v41 =	vld [tilespmem:s20+$0x189A0];
	v7 =	vmul.f32 v21, v23;
	[tilespmem:s20+$0x18AF0] =	vst v63  }
0x21a: {  	v46 =	vld [tilespmem:s20+$0x189E0];
	v8 =	vmul.f32 v22, v23;
	[tilespmem:s20+$0x18970] =	vst v15  }
0x21b: {  	v36 =	vld [tilespmem:s20+$0x18950];
	v5 =	vmul.f32 v25, v23;
	[tilespmem:s20+$0x188A0] =	vst v7  }
0x21c: {  	v44 =	vbroadcast v1, $0xD;
	v9 =	vmul.f32 v31, v35;
	v2 =	vld [tilespmem:s20+$0x18990];
	[tilespmem:s20+$0x188B0] =	vst v8  }
0x21d: {  	v37 =	vld [tilespmem:s20+$0x18960];
	v12 =	vmul.f32 v34, v35;
	[tilespmem:s20+$0x188C0] =	vst v5  }
0x21e: {  	v39 =	vld [tilespmem:s20+$0x18980];
	v11 =	vmul.f32 v41, v44;
	[tilespmem:s20+$0x18910] =	vst v9  }
0x21f: {  	v42 =	vld [tilespmem:s20+$0x189B0];
	v51 =	vmul.f32 v46, v44;
	[tilespmem:s20+$0x18940] =	vst v12  }
0x220: {  	v48 =	vld [tilespmem:s20+$0x18A10];
	v8 =	vmul.f32 v36, v35;
	[tilespmem:s20+$0x189A0] =	vst v11  }
0x221: {  	v49 =	vld [tilespmem:s20+$0x18A20];
	[tilespmem:s20+$0x189E0] =	vst v51;
	v2 =	vmul.f32 v2, v44  }
0x222: {  	v50 =	vld [tilespmem:s20+$0x18A30];
	v5 =	vmul.f32 v37, v35;
	[tilespmem:s20+$0x18950] =	vst v8  }
0x223: {  	v1 =	vbroadcast v1, $0xE;
	v9 =	vmul.f32 v39, v44;
	[tilespmem:s20+$0x18990] =	vst v2;
	v2 =	vld [tilespmem:s20+$0x18A00]  }
0x224: {  	v60 =	vld [tilespmem:s20+$0x18AE0];
	v12 =	vmul.f32 v42, v44;
	[tilespmem:s20+$0x18960] =	vst v5  }
0x225: {  	v45 =	vld [tilespmem:s20+$0x189D0];
	v11 =	vmul.f32 v48, v1;
	[tilespmem:s20+$0x18980] =	vst v9  }
0x226: {  	v47 =	vld [tilespmem:s20+$0x189F0];
	v10 =	vmul.f32 v49, v1;
	[tilespmem:s20+$0x189B0] =	vst v12  }
0x227: {  	v43 =	vld [tilespmem:s20+$0x189C0];
	v6 =	vmul.f32 v50, v1;
	[tilespmem:s20+$0x18A10] =	vst v11  }
0x228: {  	v55 =	vld [tilespmem:s20+$0x18A80];
	[tilespmem:s20+$0x18A20] =	vst v10;
	v2 =	vmul.f32 v2, v1  }
0x229: {  	v57 =	vld [tilespmem:s20+$0x18AA0];
	v4 =	vmul.f32 v60, v27;
	[tilespmem:s20+$0x18A30] =	vst v6  }
0x22a: {  	v5 =	vmul.f32 v45, v44;
	[tilespmem:s20+$0x18A00] =	vst v2;
	v2 =	vld [tilespmem:s20+$0x18A70]  }
0x22b: {  	v52 =	vld [tilespmem:s20+$0x18A40];
	v9 =	vmul.f32 v47, v44;
	[tilespmem:s20+$0x18AE0] =	vst v4  }
0x22c: {  	v56 =	vld [tilespmem:s20+$0x18A90];
	v8 =	vmul.f32 v43, v44;
	[tilespmem:s20+$0x189D0] =	vst v5  }
0x22d: {  	v54 =	vld [tilespmem:s20+$0x18A60];
	v11 =	vmul.f32 v55, v27;
	[tilespmem:s20+$0x189F0] =	vst v9  }
0x22e: {  	v58 =	vld [tilespmem:s20+$0x18AB0];
	v6 =	vmul.f32 v57, v27;
	[tilespmem:s20+$0x189C0] =	vst v8  }
0x22f: {  	v53 =	vld [tilespmem:s20+$0x18A50];
	[tilespmem:s20+$0x18A80] =	vst v11;
	v2 =	vmul.f32 v2, v1  }
0x230: {  	v59 =	vld [tilespmem:s20+$0x18AC0];
	v5 =	vmul.f32 v52, v1;
	[tilespmem:s20+$0x18AA0] =	vst v6  }
0x231: {  	[tilespmem:s20+$0x18A70] =	vst v2;
	v2 =	vmul.f32 v56, v27  }
0x232: {  	v3 =	vld [tilespmem:s20+$0x18920];
	v9 =	vmul.f32 v54, v1;
	[tilespmem:s20+$0x18A40] =	vst v5  }
0x233: {  	[tilespmem:s20+$0x18A90] =	vst v2;
	v2 =	vmul.f32 v58, v27  }
0x234: {  	[tilespmem:s20+$0x18A60] =	vst v9;
	v1 =	vmul.f32 v53, v1  }
0x235: {  	[tilespmem:s20+$0x18AB0] =	vst v2;
	v2 =	vmul.f32 v59, v27  }
0x236: {  	[tilespmem:s20+$0x18A50] =	vst v1  }
0x237: {  	s21 =	simm.s32 $0x1;
	[tilespmem:s20+$0x18AC0] =	vst v2;
	v2 =	vmul.f32 v3, v35  }
.LBB2_16:
0x238: {  	s22 =	sshll.u32 s21, $0x4  }
0x239: {  	p2 =	sne.s32 s21, $0x7;
	[tilespmem:s20+$0x18920] =	vst v2;
	s20 =	smov.u32 s21;
	s21 =	sadd.s32 $0x1, s21  }
0x23a: {  	s22 =	sand.u32 $0x3FFFFFF0, s22  }
0x23b: {  	s20 =	sshll.u32 s20, $0xB;
	v1 =	vld [tilespmem:s22+$0x14280]  }
0x23c: {  	s20 =	sand.u32 $0x3FFFF800, s20  }
0x23d: {  	v8 =	vld [tilespmem:s20+$0x183C0]  }
0x23e: {  	v9 =	vld [tilespmem:s20+$0x183D0]  }
0x23f: {  	v10 =	vld [tilespmem:s20+$0x183B0]  }
0x240: {  	v2 =	vbroadcast v1, $0x0;
	v3 =	vld [tilespmem:s20+$0x18320];
	v7 =	vbroadcast v1, $0x4  }
0x241: {  	v5 =	vld [tilespmem:s20+$0x18330]  }
0x242: {  	v6 =	vld [tilespmem:s20+$0x18870]  }
0x243: {  	v11 =	vld [tilespmem:s20+$0x18360]  }
0x244: {  	v12 =	vld [tilespmem:s20+$0x18370]  }
0x245: {  	v4 =	vbroadcast v1, $0xA;
	v3 =	vmul.f32 v3, v2;
	v13 =	vld [tilespmem:s20+$0x18380]  }
0x246: {  	v5 =	vmul.f32 v5, v2;
	v14 =	vld [tilespmem:s20+$0x18390]  }
0x247: {  	[tilespmem:s20+$0x18320] =	vst v3;
	v15 =	vld [tilespmem:s20+$0x183A0];
	v3 =	vmul.f32 v6, v4  }
0x248: {  	[tilespmem:s20+$0x18330] =	vst v5;
	v6 =	vmul.f32 v11, v2;
	v11 =	vbroadcast v1, $0x1;
	v5 =	vld [tilespmem:s20+$0x18880]  }
0x249: {  	v12 =	vmul.f32 v12, v2;
	[tilespmem:s20+$0x18870] =	vst v3;
	v3 =	vld [tilespmem:s20+$0x18AD0]  }
0x24a: {  	[tilespmem:s20+$0x18360] =	vst v6;
	v13 =	vmul.f32 v13, v11;
	v6 =	vld [tilespmem:s20+$0x18890]  }
0x24b: {  	[tilespmem:s20+$0x18370] =	vst v12;
	v12 =	vmul.f32 v14, v11;
	v14 =	vld [tilespmem:s20+$0x183E0]  }
0x24c: {  	[tilespmem:s20+$0x18380] =	vst v13;
	v13 =	vmul.f32 v15, v11;
	v15 =	vld [tilespmem:s20+$0x183F0]  }
0x24d: {  	v10 =	vmul.f32 v10, v11;
	[tilespmem:s20+$0x18390] =	vst v12;
	v12 =	vld [tilespmem:s20+$0x18400]  }
0x24e: {  	v8 =	vmul.f32 v8, v11;
	[tilespmem:s20+$0x183A0] =	vst v13;
	v13 =	vld [tilespmem:s20+$0x18410]  }
0x24f: {  	v9 =	vmul.f32 v9, v11;
	[tilespmem:s20+$0x183B0] =	vst v10;
	v10 =	vld [tilespmem:s20+$0x18420]  }
0x250: {  	[tilespmem:s20+$0x183C0] =	vst v8;
	v8 =	vmul.f32 v14, v11;
	v14 =	vbroadcast v1, $0x2;
	v16 =	vld [tilespmem:s20+$0x18430]  }
0x251: {  	[tilespmem:s20+$0x183D0] =	vst v9;
	v9 =	vmul.f32 v15, v11;
	v11 =	vld [tilespmem:s20+$0x18440]  }
0x252: {  	[tilespmem:s20+$0x183E0] =	vst v8;
	v8 =	vmul.f32 v12, v14;
	v12 =	vld [tilespmem:s20+$0x18450]  }
0x253: {  	[tilespmem:s20+$0x183F0] =	vst v9;
	v9 =	vmul.f32 v13, v14;
	v13 =	vld [tilespmem:s20+$0x18460]  }
0x254: {  	[tilespmem:s20+$0x18400] =	vst v8;
	v8 =	vmul.f32 v10, v14;
	v10 =	vld [tilespmem:s20+$0x18470]  }
0x255: {  	[tilespmem:s20+$0x18410] =	vst v9;
	v9 =	vmul.f32 v16, v14;
	v15 =	vld [tilespmem:s20+$0x18480]  }
0x256: {  	[tilespmem:s20+$0x18420] =	vst v8;
	v8 =	vmul.f32 v11, v14;
	v11 =	vld [tilespmem:s20+$0x18490]  }
0x257: {  	[tilespmem:s20+$0x18430] =	vst v9;
	v9 =	vmul.f32 v12, v14;
	v12 =	vld [tilespmem:s20+$0x184A0]  }
0x258: {  	[tilespmem:s20+$0x18440] =	vst v8;
	v8 =	vmul.f32 v13, v14;
	v13 =	vbroadcast v1, $0x3;
	v16 =	vld [tilespmem:s20+$0x184B0]  }
0x259: {  	[tilespmem:s20+$0x18450] =	vst v9;
	v9 =	vmul.f32 v10, v14;
	v10 =	vld [tilespmem:s20+$0x184C0]  }
0x25a: {  	[tilespmem:s20+$0x18460] =	vst v8;
	v8 =	vmul.f32 v15, v13;
	v14 =	vld [tilespmem:s20+$0x184D0]  }
0x25b: {  	[tilespmem:s20+$0x18470] =	vst v9;
	v9 =	vmul.f32 v11, v13;
	v11 =	vld [tilespmem:s20+$0x184E0]  }
0x25c: {  	[tilespmem:s20+$0x18480] =	vst v8;
	v8 =	vmul.f32 v12, v13;
	v12 =	vld [tilespmem:s20+$0x184F0]  }
0x25d: {  	[tilespmem:s20+$0x18490] =	vst v9;
	v9 =	vmul.f32 v16, v13;
	v15 =	vld [tilespmem:s20+$0x18500]  }
0x25e: {  	[tilespmem:s20+$0x184A0] =	vst v8;
	v8 =	vmul.f32 v10, v13;
	v10 =	vld [tilespmem:s20+$0x18510]  }
0x25f: {  	[tilespmem:s20+$0x184B0] =	vst v9;
	v9 =	vmul.f32 v14, v13;
	v14 =	vld [tilespmem:s20+$0x18520]  }
0x260: {  	[tilespmem:s20+$0x184C0] =	vst v8;
	v8 =	vmul.f32 v11, v13;
	v11 =	vld [tilespmem:s20+$0x18530]  }
0x261: {  	[tilespmem:s20+$0x184D0] =	vst v9;
	v9 =	vmul.f32 v12, v13;
	v12 =	vld [tilespmem:s20+$0x18540]  }
0x262: {  	[tilespmem:s20+$0x184E0] =	vst v8;
	v8 =	vmul.f32 v15, v7;
	v13 =	vld [tilespmem:s20+$0x18550]  }
0x263: {  	[tilespmem:s20+$0x184F0] =	vst v9;
	v9 =	vmul.f32 v10, v7;
	v10 =	vld [tilespmem:s20+$0x18560]  }
0x264: {  	[tilespmem:s20+$0x18500] =	vst v8;
	v8 =	vmul.f32 v14, v7;
	v14 =	vld [tilespmem:s20+$0x18570]  }
0x265: {  	[tilespmem:s20+$0x18510] =	vst v9;
	v9 =	vmul.f32 v11, v7;
	v11 =	vld [tilespmem:s20+$0x18580]  }
0x266: {  	[tilespmem:s20+$0x18520] =	vst v8;
	v8 =	vmul.f32 v12, v7;
	v12 =	vld [tilespmem:s20+$0x18590]  }
0x267: {  	[tilespmem:s20+$0x18530] =	vst v9;
	v9 =	vmul.f32 v13, v7;
	v13 =	vld [tilespmem:s20+$0x185A0]  }
0x268: {  	[tilespmem:s20+$0x18540] =	vst v8;
	v8 =	vmul.f32 v10, v7;
	v10 =	vbroadcast v1, $0x5;
	v15 =	vld [tilespmem:s20+$0x185B0]  }
0x269: {  	[tilespmem:s20+$0x18550] =	vst v9;
	v7 =	vmul.f32 v14, v7;
	v9 =	vld [tilespmem:s20+$0x185C0]  }
0x26a: {  	[tilespmem:s20+$0x18560] =	vst v8;
	v8 =	vmul.f32 v11, v10;
	v11 =	vld [tilespmem:s20+$0x185D0]  }
0x26b: {  	[tilespmem:s20+$0x18570] =	vst v7;
	v7 =	vmul.f32 v12, v10;
	v12 =	vld [tilespmem:s20+$0x185E0]  }
0x26c: {  	[tilespmem:s20+$0x18580] =	vst v8;
	v8 =	vmul.f32 v13, v10;
	v13 =	vld [tilespmem:s20+$0x185F0]  }
0x26d: {  	[tilespmem:s20+$0x18590] =	vst v7;
	v7 =	vmul.f32 v15, v10;
	v14 =	vld [tilespmem:s20+$0x18600]  }
0x26e: {  	[tilespmem:s20+$0x185A0] =	vst v8;
	v8 =	vmul.f32 v9, v10;
	v9 =	vld [tilespmem:s20+$0x18610]  }
0x26f: {  	[tilespmem:s20+$0x185B0] =	vst v7;
	v7 =	vmul.f32 v11, v10;
	v11 =	vld [tilespmem:s20+$0x18620]  }
0x270: {  	[tilespmem:s20+$0x185C0] =	vst v8;
	v8 =	vmul.f32 v12, v10;
	v12 =	vbroadcast v1, $0x6;
	v15 =	vld [tilespmem:s20+$0x18630]  }
0x271: {  	[tilespmem:s20+$0x185D0] =	vst v7;
	v7 =	vmul.f32 v13, v10;
	v10 =	vld [tilespmem:s20+$0x18640]  }
0x272: {  	[tilespmem:s20+$0x185E0] =	vst v8;
	v8 =	vmul.f32 v14, v12;
	v13 =	vld [tilespmem:s20+$0x18650]  }
0x273: {  	[tilespmem:s20+$0x185F0] =	vst v7;
	v7 =	vmul.f32 v9, v12;
	v9 =	vld [tilespmem:s20+$0x18660]  }
0x274: {  	[tilespmem:s20+$0x18600] =	vst v8;
	v8 =	vmul.f32 v11, v12;
	v11 =	vld [tilespmem:s20+$0x18670]  }
0x275: {  	[tilespmem:s20+$0x18610] =	vst v7;
	v7 =	vmul.f32 v15, v12;
	v14 =	vld [tilespmem:s20+$0x18680]  }
0x276: {  	[tilespmem:s20+$0x18620] =	vst v8;
	v8 =	vmul.f32 v10, v12;
	v10 =	vld [tilespmem:s20+$0x18690]  }
0x277: {  	[tilespmem:s20+$0x18630] =	vst v7;
	v7 =	vmul.f32 v13, v12;
	v13 =	vld [tilespmem:s20+$0x186A0]  }
0x278: {  	[tilespmem:s20+$0x18640] =	vst v8;
	v8 =	vmul.f32 v9, v12;
	v9 =	vbroadcast v1, $0x7;
	v15 =	vld [tilespmem:s20+$0x186B0]  }
0x279: {  	[tilespmem:s20+$0x18650] =	vst v7;
	v7 =	vmul.f32 v11, v12;
	v11 =	vld [tilespmem:s20+$0x186C0]  }
0x27a: {  	[tilespmem:s20+$0x18660] =	vst v8;
	v8 =	vmul.f32 v14, v9;
	v12 =	vld [tilespmem:s20+$0x186D0]  }
0x27b: {  	[tilespmem:s20+$0x18670] =	vst v7;
	v7 =	vmul.f32 v10, v9;
	v10 =	vld [tilespmem:s20+$0x186E0]  }
0x27c: {  	[tilespmem:s20+$0x18680] =	vst v8;
	v8 =	vmul.f32 v13, v9;
	v13 =	vld [tilespmem:s20+$0x186F0]  }
0x27d: {  	[tilespmem:s20+$0x18690] =	vst v7;
	v7 =	vmul.f32 v15, v9;
	v14 =	vld [tilespmem:s20+$0x18700]  }
0x27e: {  	[tilespmem:s20+$0x186A0] =	vst v8;
	v8 =	vmul.f32 v11, v9;
	v11 =	vld [tilespmem:s20+$0x18710]  }
0x27f: {  	[tilespmem:s20+$0x186B0] =	vst v7;
	v7 =	vmul.f32 v12, v9;
	v12 =	vld [tilespmem:s20+$0x18720]  }
0x280: {  	[tilespmem:s20+$0x186C0] =	vst v8;
	v8 =	vmul.f32 v10, v9;
	v10 =	vbroadcast v1, $0x8;
	v15 =	vld [tilespmem:s20+$0x18730]  }
0x281: {  	[tilespmem:s20+$0x186D0] =	vst v7;
	v7 =	vmul.f32 v13, v9;
	v9 =	vld [tilespmem:s20+$0x18740]  }
0x282: {  	[tilespmem:s20+$0x186E0] =	vst v8;
	v8 =	vmul.f32 v14, v10;
	v13 =	vld [tilespmem:s20+$0x18750]  }
0x283: {  	[tilespmem:s20+$0x186F0] =	vst v7;
	v7 =	vmul.f32 v11, v10;
	v11 =	vld [tilespmem:s20+$0x18760]  }
0x284: {  	[tilespmem:s20+$0x18700] =	vst v8;
	v8 =	vmul.f32 v12, v10;
	v12 =	vld [tilespmem:s20+$0x18770]  }
0x285: {  	[tilespmem:s20+$0x18710] =	vst v7;
	v7 =	vmul.f32 v15, v10;
	v14 =	vld [tilespmem:s20+$0x18780]  }
0x286: {  	[tilespmem:s20+$0x18720] =	vst v8;
	v8 =	vmul.f32 v9, v10;
	v9 =	vld [tilespmem:s20+$0x18790]  }
0x287: {  	[tilespmem:s20+$0x18730] =	vst v7;
	v7 =	vmul.f32 v13, v10;
	v13 =	vld [tilespmem:s20+$0x187A0]  }
0x288: {  	[tilespmem:s20+$0x18740] =	vst v8;
	v8 =	vmul.f32 v11, v10;
	v11 =	vbroadcast v1, $0x9;
	v15 =	vld [tilespmem:s20+$0x187B0]  }
0x289: {  	[tilespmem:s20+$0x18750] =	vst v7;
	v7 =	vmul.f32 v12, v10;
	v10 =	vld [tilespmem:s20+$0x187C0]  }
0x28a: {  	[tilespmem:s20+$0x18760] =	vst v8;
	v8 =	vmul.f32 v14, v11;
	v12 =	vld [tilespmem:s20+$0x187D0]  }
0x28b: {  	[tilespmem:s20+$0x18770] =	vst v7;
	v7 =	vmul.f32 v9, v11;
	v9 =	vld [tilespmem:s20+$0x187E0]  }
0x28c: {  	[tilespmem:s20+$0x18780] =	vst v8;
	v8 =	vmul.f32 v13, v11;
	v13 =	vld [tilespmem:s20+$0x187F0]  }
0x28d: {  	[tilespmem:s20+$0x18790] =	vst v7;
	v7 =	vmul.f32 v15, v11;
	v14 =	vld [tilespmem:s20+$0x18800]  }
0x28e: {  	[tilespmem:s20+$0x187A0] =	vst v8;
	v8 =	vmul.f32 v10, v11;
	v10 =	vld [tilespmem:s20+$0x18810]  }
0x28f: {  	[tilespmem:s20+$0x187B0] =	vst v7;
	v7 =	vmul.f32 v12, v11;
	v12 =	vld [tilespmem:s20+$0x18820]  }
0x290: {  	[tilespmem:s20+$0x187C0] =	vst v8;
	v8 =	vmul.f32 v9, v11;
	v9 =	vld [tilespmem:s20+$0x18830]  }
0x291: {  	[tilespmem:s20+$0x187D0] =	vst v7;
	v7 =	vmul.f32 v13, v11;
	v11 =	vld [tilespmem:s20+$0x18840]  }
0x292: {  	[tilespmem:s20+$0x187E0] =	vst v8;
	v8 =	vmul.f32 v14, v4;
	v13 =	vld [tilespmem:s20+$0x18850]  }
0x293: {  	[tilespmem:s20+$0x187F0] =	vst v7;
	v7 =	vmul.f32 v10, v4;
	v10 =	vld [tilespmem:s20+$0x18860]  }
0x294: {  	v14 =	vld [tilespmem:s20+$0x18300];
	[tilespmem:s20+$0x18800] =	vst v8;
	v8 =	vmul.f32 v12, v4  }
0x295: {  	v12 =	vld [tilespmem:s20+$0x18310];
	[tilespmem:s20+$0x18810] =	vst v7;
	v7 =	vmul.f32 v9, v4  }
0x296: {  	v9 =	vld [tilespmem:s20+$0x18340];
	[tilespmem:s20+$0x18820] =	vst v8;
	v8 =	vmul.f32 v11, v4  }
0x297: {  	v11 =	vld [tilespmem:s20+$0x18350];
	[tilespmem:s20+$0x18830] =	vst v7;
	v7 =	vmul.f32 v13, v4  }
0x298: {  	[tilespmem:s20+$0x18840] =	vst v8;
	v8 =	vmul.f32 v10, v4;
	v10 =	vbroadcast v1, $0xB;
	v13 =	vld [tilespmem:s20+$0x188A0]  }
0x299: {  	v4 =	vbroadcast v1, $0xF;
	v14 =	vmul.f32 v2, v14;
	[tilespmem:s20+$0x18850] =	vst v7;
	v7 =	vld [tilespmem:s20+$0x188B0]  }
0x29a: {  	v12 =	vmul.f32 v12, v2;
	[tilespmem:s20+$0x18860] =	vst v8;
	v5 =	vmul.f32 v5, v10;
	v8 =	vld [tilespmem:s20+$0x188C0]  }
0x29b: {  	v6 =	vmul.f32 v6, v10;
	[tilespmem:s20+$0x18300] =	vst v14;
	v9 =	vmul.f32 v9, v2;
	v14 =	vld [tilespmem:s20+$0x188D0]  }
0x29c: {  	v3 =	vmul.f32 v3, v4;
	v11 =	vmul.f32 v11, v2;
	[tilespmem:s20+$0x18880] =	vst v5;
	v2 =	vld [tilespmem:s20+$0x188E0]  }
0x29d: {  	[tilespmem:s20+$0x18890] =	vst v6;
	v5 =	vmul.f32 v13, v10;
	v6 =	vld [tilespmem:s20+$0x188F0]  }
0x29e: {  	v7 =	vmul.f32 v7, v10;
	v13 =	vld [tilespmem:s20+$0x18900];
	[tilespmem:s20+$0x18AD0] =	vst v3  }
0x29f: {  	[tilespmem:s20+$0x18310] =	vst v12;
	v3 =	vmul.f32 v8, v10;
	v8 =	vld [tilespmem:s20+$0x18910]  }
0x2a0: {  	[tilespmem:s20+$0x18340] =	vst v9;
	v9 =	vmul.f32 v14, v10;
	v12 =	vld [tilespmem:s20+$0x18920]  }
0x2a1: {  	v14 =	vbroadcast v1, $0xC;
	[tilespmem:s20+$0x188A0] =	vst v5;
	v5 =	vmul.f32 v2, v10;
	v15 =	vld [tilespmem:s20+$0x18930]  }
0x2a2: {  	[tilespmem:s20+$0x188D0] =	vst v9;
	v6 =	vmul.f32 v6, v10;
	v9 =	vld [tilespmem:s20+$0x18940]  }
0x2a3: {  	[tilespmem:s20+$0x188B0] =	vst v7;
	v2 =	vmul.f32 v13, v14;
	v7 =	vld [tilespmem:s20+$0x18950]  }
0x2a4: {  	[tilespmem:s20+$0x188C0] =	vst v3;
	v3 =	vmul.f32 v8, v14;
	v8 =	vld [tilespmem:s20+$0x18960]  }
0x2a5: {  	[tilespmem:s20+$0x18900] =	vst v2;
	v2 =	vmul.f32 v12, v14;
	v10 =	vld [tilespmem:s20+$0x18970]  }
0x2a6: {  	[tilespmem:s20+$0x18910] =	vst v3;
	v3 =	vld [tilespmem:s20+$0x18980]  }
0x2a7: {  	[tilespmem:s20+$0x18350] =	vst v11;
	v9 =	vmul.f32 v9, v14;
	v11 =	vld [tilespmem:s20+$0x18990]  }
0x2a8: {  	[tilespmem:s20+$0x188E0] =	vst v5;
	v5 =	vmul.f32 v7, v14;
	v7 =	vld [tilespmem:s20+$0x189A0]  }
0x2a9: {  	[tilespmem:s20+$0x18940] =	vst v9;
	v8 =	vmul.f32 v8, v14;
	v9 =	vbroadcast v1, $0xD;
	v12 =	vld [tilespmem:s20+$0x189B0]  }
0x2aa: {  	[tilespmem:s20+$0x18950] =	vst v5;
	v5 =	vmul.f32 v10, v14;
	v10 =	vld [tilespmem:s20+$0x189C0]  }
0x2ab: {  	[tilespmem:s20+$0x18960] =	vst v8;
	v3 =	vmul.f32 v3, v9;
	v8 =	vld [tilespmem:s20+$0x189D0]  }
0x2ac: {  	[tilespmem:s20+$0x18970] =	vst v5;
	v5 =	vmul.f32 v11, v9;
	v11 =	vld [tilespmem:s20+$0x189E0]  }
0x2ad: {  	[tilespmem:s20+$0x18980] =	vst v3;
	v3 =	vmul.f32 v7, v9;
	v7 =	vld [tilespmem:s20+$0x189F0]  }
0x2ae: {  	[tilespmem:s20+$0x18990] =	vst v5;
	v5 =	vmul.f32 v12, v9;
	v12 =	vld [tilespmem:s20+$0x18A00]  }
0x2af: {  	[tilespmem:s20+$0x189A0] =	vst v3;
	v3 =	vmul.f32 v10, v9;
	v10 =	vld [tilespmem:s20+$0x18A10]  }
0x2b0: {  	[tilespmem:s20+$0x189B0] =	vst v5;
	v5 =	vmul.f32 v8, v9;
	v8 =	vld [tilespmem:s20+$0x18A20]  }
0x2b1: {  	v1 =	vbroadcast v1, $0xE;
	[tilespmem:s20+$0x188F0] =	vst v6;
	v6 =	vmul.f32 v11, v9;
	v11 =	vld [tilespmem:s20+$0x18A30]  }
0x2b2: {  	[tilespmem:s20+$0x189D0] =	vst v5;
	v5 =	vmul.f32 v7, v9;
	v7 =	vld [tilespmem:s20+$0x18A40]  }
0x2b3: {  	[tilespmem:s20+$0x189E0] =	vst v6;
	v6 =	vmul.f32 v12, v1;
	v9 =	vld [tilespmem:s20+$0x18A50]  }
0x2b4: {  	[tilespmem:s20+$0x189F0] =	vst v5;
	v5 =	vmul.f32 v10, v1;
	v10 =	vld [tilespmem:s20+$0x18A60]  }
0x2b5: {  	[tilespmem:s20+$0x18A00] =	vst v6;
	v6 =	vmul.f32 v8, v1;
	v8 =	vld [tilespmem:s20+$0x18A70]  }
0x2b6: {  	[tilespmem:s20+$0x18A10] =	vst v5;
	v5 =	vmul.f32 v11, v1;
	v11 =	vld [tilespmem:s20+$0x18A80]  }
0x2b7: {  	[tilespmem:s20+$0x18A20] =	vst v6;
	v6 =	vmul.f32 v7, v1;
	v7 =	vld [tilespmem:s20+$0x18A90]  }
0x2b8: {  	[tilespmem:s20+$0x18A30] =	vst v5;
	v5 =	vmul.f32 v9, v1;
	v9 =	vld [tilespmem:s20+$0x18AA0]  }
0x2b9: {  	[tilespmem:s20+$0x18A40] =	vst v6;
	v6 =	vmul.f32 v10, v1;
	v10 =	vld [tilespmem:s20+$0x18AB0]  }
0x2ba: {  	[tilespmem:s20+$0x189C0] =	vst v3;
	v1 =	vmul.f32 v8, v1;
	v3 =	vld [tilespmem:s20+$0x18AC0]  }
0x2bb: {  	[tilespmem:s20+$0x18A60] =	vst v6;
	v6 =	vmul.f32 v11, v4;
	v8 =	vld [tilespmem:s20+$0x18AE0]  }
0x2bc: {  	[tilespmem:s20+$0x18A70] =	vst v1;
	v1 =	vmul.f32 v7, v4;
	v7 =	vld [tilespmem:s20+$0x18AF0]  }
0x2bd: {  	[tilespmem:s20+$0x18A80] =	vst v6;
	v6 =	vmul.f32 v9, v4  }
0x2be: {  	[tilespmem:s20+$0x18A90] =	vst v1;
	v1 =	vmul.f32 v10, v4  }
0x2bf: {  	v9 =	vmul.f32 v15, v14;
	[tilespmem:s20+$0x18AA0] =	vst v6  }
0x2c0: {  	[tilespmem:s20+$0x18AB0] =	vst v1;
	v1 =	vmul.f32 v3, v4  }
.Ltmp7:
0x2c1: {  	[tilespmem:s20+$0x18930] =	vst v9;
	v3 =	vmul.f32 v7, v4;
	(pc) =	sbr.rel @p2 .LBB2_16-.Ltmp7, $4  }
0x2c2: {  	[tilespmem:s20+$0x18AC0] =	vst v1  }
0x2c3: {  	v1 =	vmul.f32 v8, v4;
	[tilespmem:s20+$0x18AF0] =	vst v3  }
0x2c4: {  	[tilespmem:s20+$0x18A50] =	vst v5  }
0x2c5: {  	[tilespmem:s20+$0x18AE0] =	vst v1  }
0x2c6: {  	[tilespmem:s20+$0x18920] =	vst v2;
	s20 =	simm.s32 @!p0 $0x80;
	s21 =	simm.s32 @!p0 $0x14180;
	s22 =	simm.s32 @!p0 $0x18300  }
0x2c7: {  	[spmem:s5] =	stream.indirect.scatter.add.f32 @!p0 [tilespmem:s22], [sflag:$0x7], $0x80, s21, s20, $0xb8;
	[tilespmem:$0x1C300] =	vst v63  }
0x2c8: {  	s20 =	simm.s32 @!p0 $0x7  }
0x2c9: {  	_ =	swait.ge @!p0 [sflag:s20], $0x4000  }
0x2ca: {  	[sflag:s20] =	ssyncset.done @!p0 $0x0  }
0x2cb: {  	s21 =	simm.s32 @p6 $0x14180;
	[sflag:s20] =	ssyncadd.s32 @!p0 $0xFFFFC000  }
0x2cc: {  	s22 =	simm.s32 @p6 $0x18300;
	s20 =	simm.s32 @p6 $0x80;
	[bflag:$0x0] =	sbarrier.arrive $0xFFFF  }
0x2cd: {  	[spmem:s5] =	stream.indirect.scatter.add.f32 @p6 [tilespmem:s22], [sflag:$0x7], $0x80, s21, s20, $0xb8;
	[tilespmem:$0x1C300] =	vst v63  }
0x2ce: {  	s20 =	simm.s32 @p6 $0x7  }
0x2cf: {  	_ =	swait.ge @p6 [sflag:s20], $0x4000  }
0x2d0: {  	[sflag:s20] =	ssyncset.done @p6 $0x0  }
0x2d1: {  	s21 =	simm.s32 @p5 $0x14180;
	[sflag:s20] =	ssyncadd.s32 @p6 $0xFFFFC000  }
0x2d2: {  	s22 =	simm.s32 @p5 $0x18300;
	s20 =	simm.s32 @p5 $0x80;
	[bflag:$0x0] =	sbarrier.arrive $0xFFFF  }
0x2d3: {  	[spmem:s5] =	stream.indirect.scatter.add.f32 @p5 [tilespmem:s22], [sflag:$0x7], $0x80, s21, s20, $0xb8;
	[tilespmem:$0x1C300] =	vst v63  }
0x2d4: {  	s20 =	simm.s32 @p5 $0x7  }
0x2d5: {  	_ =	swait.ge @p5 [sflag:s20], $0x4000  }
0x2d6: {  	[sflag:s20] =	ssyncset.done @p5 $0x0  }
0x2d7: {  	s21 =	simm.s32 @p3 $0x14180;
	[sflag:s20] =	ssyncadd.s32 @p5 $0xFFFFC000  }
0x2d8: {  	s22 =	simm.s32 @p3 $0x18300;
	s20 =	simm.s32 @p3 $0x80;
	[bflag:$0x0] =	sbarrier.arrive $0xFFFF  }
0x2d9: {  	[spmem:s5] =	stream.indirect.scatter.add.f32 @p3 [tilespmem:s22], [sflag:$0x7], $0x80, s21, s20, $0xb8;
	[tilespmem:$0x1C300] =	vst v63  }
0x2da: {  	s20 =	simm.s32 @p3 $0x7  }
.Ltmp8:
0x2db: {  	_ =	swait.ge @p3 [sflag:s20], $0x4000;
	(pc) =	sbr.rel @p4 .LBB2_19-.Ltmp8, $3  }
0x2dc: {  	[sflag:s20] =	ssyncset.done @p3 $0x0  }
0x2dd: {  	[sflag:s20] =	ssyncadd.s32 @p3 $0xFFFFC000  }
0x2de: {  	[bflag:$0x0] =	sbarrier.arrive $0xFFFF;
	_ =	sdelay $0x1  }
0x2df: {  	s19 =	sadd.s32 s19, s17  }
0x2e0: {  	s20 =	sshll.u32 s19, $0x5  }
.Ltmp9:
0x2e1: {  	s19 =	sshll.u32 s19, $0x4;
	s20 =	sand.u32 $0x1FFFFFE0, s20;
	(pc) =	sbr.rel .LBB2_4-.Ltmp9, $4  }
0x2e2: {  	s19 =	sand.u32 $0xFFFFFF0, s19;
	s20 =	sadd.s32 s2, s20  }
0x2e3: {  	[tilespmem:s30], [sflag:$0x4] =	stream.linear.gather [hbm4b:s20+s6], $0x100, $0x38;
	[tilespmem:$0x1C300] =	vst v63  }
0x2e4: {  	s18 =	sadd.s32 $0x1, s18;
	s19 =	sadd.s32 s4, s19  }
0x2e5: {  	[tilespmem:s31], [sflag:$0x6] =	stream.linear.gather [hbm4b:s19+s6], $0x80, $0x38;
	[tilespmem:$0x1C300] =	vst v63  }
.LBB2_11:
0x2e6: {  	[bflag:$0x0] =	sbarrier.arrive $0xFFFF  }
0x2e7: {  	s20 =	sld [smem:$0x7FD];
	_ =	sdelay $0x2  }
0x2e8: {  	p2 =	seq.s32 s20, $0x1  }
.Ltmp10:
0x2e9: {  	_ = 	snop;
	(pc) =	sbr.rel @p2 .LBB2_14-.Ltmp10, $1  }
0x2ea: {  	_ =	sdelay $0x3  }
.Ltmp11:
0x2eb: {  	(pc) =	sbr.rel .LBB2_13-.Ltmp11, $4  }
0x2ec: {  	[spmem:s5] =	stream.indirect.scatter.add.f32 [tilespmem:s24], [sflag:$0x7], $0x80, s26, s29, $0xb8;
	[tilespmem:$0x1C300] =	vst v63  }
0x2ed: {  	_ =	swait.ge [sflag:s25], $0x4000  }
0x2ee: {  	[sflag:s25] =	ssyncset.done $0x0  }
0x2ef: {  	p6 =	por $0x0, $0x0;
	p5 =	por $0x1, $0x1;
	[sflag:s25] =	ssyncadd.s32 $0xFFFFC000  }
.LBB2_14:
.Ltmp12:
0x2f0: {  	[bflag:$0x0] =	sbarrier.arrive $0xFFFF;
	(pc) =	sbr.rel .LBB2_15-.Ltmp12, $4  }
0x2f1: {  	[spmem:s5] =	stream.indirect.scatter.add.f32 [tilespmem:s24], [sflag:$0x7], $0x80, s26, s29, $0xb8;
	[tilespmem:$0x1C300] =	vst v63  }
0x2f2: {  	_ =	swait.ge [sflag:s25], $0x4000  }
0x2f3: {  	p6 =	por $0x0, $0x0;
	[sflag:s25] =	ssyncset.done $0x0  }
0x2f4: {  	p3 =	por $0x1, $0x1;
	p5 =	por $0x0, $0x0;
	[sflag:s25] =	ssyncadd.s32 $0xFFFFC000  }
.LBB2_20:
0x2f5: {  	_ =	sfence.sel $0x180000  }
0x2f6: {  	[bflag:$0x0] =	sbarrier.arrive $0xFFFF  }
0x2f7: {  	_ =	strace $0x90000047  }
0x2f8: {  	s0 =	stileid.u32;
	[bflag:$0x2] =	sbarrier.arrive $0xFFFF  }
0x2f9: {  	p0 =	sne.s32 s0, $0x0;
	s0 =	rddreg [dreg:$0x4]  }
0x2fa: {  	s0 =	sadd.s32 @!p0 $0x100000, s0  }
0x2fb: {  	[sflag:s0] =	ssyncadd.tile.s32 @!p0 $0x1;
	_ =	shalt  }
.Lfunc_end2:
_tile_overlayer_lowered:
.L_overlay_start_2:
0x2fc: {  	(tag) =	ssettag $0x2  }
0x2fd: {  	s0 =	rddreg [dreg:$0x0];
	s2 =	stileid.u32  }
0x2fe: {  	s1 =	rddreg [dreg:$0x1];
	p0 =	sne.s32 s2, $0x0  }
0x2ff: {  	s3 =	rddreg [dreg:$0x2];
	[bflag:$0x3] =	sbarrier.arrive $0xFFFF;
	s2 =	simm.s32 @!p0 $0x1C07  }
0x300: {  	[timem:s3], [sflag:s2] =	dma.local @!p0 [hbm:s0], s1  }
0x301: {  	s0 =	simm.s32 @!p0 $0x7  }
0x302: {  	_ =	swait.ge @!p0 [sflag:s0], s1  }
0x303: {  	s1 =	ssub.s32 @!p0 $0x0, s1;
	[sflag:s0] =	ssyncset.done @!p0 $0x0  }
0x304: {  	[sflag:s0] =	ssyncadd.s32 @!p0 s1  }
0x305: {  	[bflag:$0x3] =	sbarrier.arrive $0xFFFF  }
0x306: {  	_ =	shalt  }

</sc_bundles>
